<compile_context>
chip_gen: v7x
topology: tpu7x:2x2x1
jax: 0.10.2.dev20260603
libtpu: 0.0.44.dev20260713+nightly
codegen_flags: <defaults>
</compile_context>

<pallas_src>
import jax
import jax.numpy as jnp
from jax import lax
from jax.experimental import pallas as pl
from jax.experimental.pallas import tpu as pltpu
from jax.experimental.pallas import tpu_sc as plsc

H = 4096
W = 4096
L = 64
N = 100000

NC = 2
NS = 16
NW = NC * NS
ROWS_PER_TILE = H // NW
SB = 16
SB_ROWS = ROWS_PER_TILE // SB
SB_WORDS = SB_ROWS * W

SEGE = 7168
NSEG = 14
NPAD = NSEG * SEGE
CPS = SEGE // 16
NCHUNK = NPAD // 16

CAPL = 12288
NB = NSEG + 1
ZVW = 4096


def _sc_body(xy_hbm, out_hbm,
             xy0, xy1, lbuf, ebuf, rbuf0, rbuf1, zvm, zshared,
             ssem, gsem, zsem):
    c = lax.axis_index("c")
    s = lax.axis_index("s")
    wid = c * NS + s
    row0 = wid * ROWS_PER_TILE
    base_word = row0 * W
    ones16 = jnp.ones((16,), jnp.float32)
    zeros16 = jnp.zeros((16,), jnp.float32)
    neg16 = jnp.full((16,), -1, jnp.int32)
    iota16 = lax.broadcasted_iota(jnp.int32, (16,), 0)

    @pl.loop(0, ZVW // 16, unroll=8)
    def _(i):
        zvm[pl.ds(i * 16, 16)] = zeros16

    @pl.when(s == 0)
    def _():
        for z in range(SB_WORDS // ZVW):
            pltpu.sync_copy(zvm, zshared.at[pl.ds(z * ZVW, ZVW)])
    plsc.subcore_barrier()

    def store_desc(buf, sbd):
        return pltpu.make_async_copy(
            buf, out_hbm.at[pl.ds(base_word + sbd * SB_WORDS, SB_WORDS)],
            ssem)

    def stage_desc(seg, buf):
        return pltpu.make_async_copy(
            xy_hbm.at[pl.ds(seg * 2 * SEGE, 2 * SEGE)], buf, gsem)

    def scan_seg(segd, buf, pf, unroll):
        lol = 0 if unroll else jnp.clip(pf[2] - segd * CPS, 0, CPS)
        pb0 = (pf[0], (pf[0] < 0))

        @pl.loop(lol, CPS, init_carry=pb0, unroll=unroll)
        def out_pb(lk, pb):
            p, bad = pb
            yv = buf[pl.ds(SEGE + lk * 16, 16)]
            x0v = buf[pl.ds(lk * 16, 16)]
            mv = (yv - row0).astype(jnp.uint32) < ROWS_PER_TILE
            cnt = plsc.all_reduce_population_count(mv)[0]
            plsc.store_compressed(
                lbuf.at[pl.ds(p, 16)], yv * W + x0v, mask=mv)
            fits = (p + cnt) <= CAPL
            p = jnp.where(fits, p + cnt, p)
            return (p, bad | ~fits)

        p, bad = out_pb
        fs = jnp.where(bad & (pf[1] == NCHUNK), segd * CPS, pf[1])
        return (p, fs, pf[2])

    def build(nlc, sbd, buf, first, wait_prev):
        if wait_prev is not None:
            pl.when(wait_prev)(lambda: store_desc(buf, 0).wait())
        base = base_word + sbd * SB_WORDS
        if first:
            pltpu.make_async_copy(zshared, buf, zsem).start()
        else:
            pltpu.sync_copy(out_hbm.at[pl.ds(base, SB_WORDS)], buf)

        @pl.loop(0, nlc, init_carry=jnp.int32(0))
        def q(lc, q):
            localv = lbuf[pl.ds(lc * 16, 16)] - base
            m2 = localv.astype(jnp.uint32) < SB_WORDS
            cnt2 = plsc.all_reduce_population_count(m2)[0]

            @pl.when(cnt2 > 0)
            def _():
                plsc.store_compressed(ebuf.at[pl.ds(q, 16)], localv, mask=m2)
            return q + cnt2

        if first:
            pltpu.make_async_copy(zshared, buf, zsem).wait()

        @pl.loop(0, (q + 15) // 16)
        def _(g):
            localv = ebuf[pl.ds(g * 16, 16)]
            mt = iota16 < jnp.minimum(q - g * 16, 16)
            idxv = localv
            for j in range(L):
                if j:
                    idxv = idxv + 1
                plsc.store_scatter(buf, [idxv], ones16, mask=mt)

        d = store_desc(buf, sbd)
        d.start()
        if not first:
            d.wait()

    pf = (jnp.int32(0), jnp.int32(NCHUNK), jnp.int32(0))
    stage_desc(0, xy0).start()

    @pl.loop(0, NSEG // 2, init_carry=pf)
    def pf0(t, pf):
        s0 = 2 * t
        stage_desc(s0, xy0).wait()
        stage_desc(s0 + 1, xy1).start()
        pf = scan_seg(s0, xy0, pf, 16)
        stage_desc(s0 + 1, xy1).wait()
        pl.when(s0 + 2 < NSEG)(lambda: stage_desc(s0 + 2, xy0).start())
        return scan_seg(s0 + 1, xy1, pf, 16)

    p, first_skip, _ = pf0
    lbuf[pl.ds(p, 16)] = neg16
    nlc = (p + 15) // 16

    @pl.loop(0, SB // 2)
    def _(t):
        build(nlc, 2 * t, rbuf0, True, t > 0)
        build(nlc, 2 * t + 1, rbuf1, True, t > 0)

    store_desc(rbuf0, 0).wait()
    store_desc(rbuf1, 0).wait()

    @pl.loop(1, NB, init_carry=first_skip)
    def final_cur(b, cur):
        pf = (jnp.int32(0), jnp.int32(NCHUNK), cur)

        @pl.loop(0, NSEG, init_carry=pf)
        def pfb(seg, pf):
            def stage():
                d = stage_desc(seg, xy0)
                d.start()
                d.wait()
            pl.when((seg + 1) * CPS > pf[2])(stage)
            return scan_seg(seg, xy0, pf, None)

        p, first_skip, _ = pfb
        lbuf[pl.ds(p, 16)] = neg16
        nlc = (p + 15) // 16

        def rebuild():
            @pl.loop(0, SB)
            def _(sbd):
                build(nlc, sbd, rbuf0, False, None)
        pl.when(p > 0)(rebuild)
        return first_skip


@jax.jit
def kernel(edge_params, velocities):
    ep = edge_params.astype(jnp.int32)
    x0 = jnp.pad(ep[:, 0, 0], (0, NPAD - N)).reshape(NSEG, 1, SEGE)
    y = jnp.pad(ep[:, 0, 1], (0, NPAD - N),
                constant_values=-1).reshape(NSEG, 1, SEGE)
    xy = jnp.concatenate([x0, y], axis=1).reshape(-1)

    mesh = plsc.VectorSubcoreMesh(
        core_axis_name="c", subcore_axis_name="s",
        num_cores=NC, num_subcores=NS)
    out = pl.kernel(
        _sc_body,
        out_type=jax.ShapeDtypeStruct((H * W,), jnp.float32),
        mesh=mesh,
        compiler_params=pltpu.CompilerParams(needs_layout_passes=False),
        scratch_types=[
            pltpu.VMEM((2 * SEGE,), jnp.int32),
            pltpu.VMEM((2 * SEGE,), jnp.int32),
            pltpu.VMEM((CAPL + 16,), jnp.int32),
            pltpu.VMEM((CAPL + 16,), jnp.int32),
            pltpu.VMEM((SB_WORDS,), jnp.float32),
            pltpu.VMEM((SB_WORDS,), jnp.float32),
            pltpu.VMEM((ZVW,), jnp.float32),
            pltpu.VMEM_SHARED((SB_WORDS,), jnp.float32),
            pltpu.SemaphoreType.DMA,
            pltpu.SemaphoreType.DMA,
            pltpu.SemaphoreType.DMA,
        ],
    )(xy)
    return out.reshape(H, W)

# --- scband reference (transcript-rebuilt; emitter-appended) ---
"""Pipeline reference for scband-binarize-37288906064011 (READ-ONLY COPY).

The authoritative reference and input builder live on the scoring server;
editing this copy changes nothing except your own understanding.
"""

import jax, jax.numpy as jnp
import numpy as np

H = 4096
W = 4096
L = 64
N = 100000


def setup_inputs(seed: int = 0) -> dict:
    key = jax.random.key(seed)
    k1, k2, k3 = jax.random.split(key, 3)
    # Axis-aligned (horizontal) segments: start=(x0, y), end=(x0+L-1, y), stored as float
    x0 = jax.random.randint(k1, (N,), 0, W - L)
    y = jax.random.randint(k2, (N,), 0, H)
    start = jnp.stack([x0, y], axis=1)
    end = jnp.stack([x0 + L - 1, y], axis=1)
    edge_params = jnp.stack([start, end], axis=1).astype(jnp.float32)  # [N, 2, 2]
    velocities = jax.random.normal(k3, (N, 2, 2), dtype=jnp.float32)   # metadata['velocities']
    return {"edge_params": edge_params, "velocities": velocities}


def edge_params_merge2mask(edge_params):
    # Rasterize each axis-aligned edge onto a binary [H, W] mask (scatter-overwrite of ones).
    ep = edge_params.astype(jnp.int32)
    x0 = ep[:, 0, 0]
    y = ep[:, 0, 1]
    cols = x0[:, None] + jnp.arange(L, dtype=jnp.int32)[None, :]  # [N, L]
    rows = jnp.broadcast_to(y[:, None], cols.shape)               # [N, L]
    mask = jnp.zeros((H, W), dtype=jnp.float32).at[rows, cols].set(1.0)
    return mask


def reference(edge_params, velocities):
    # Binarize.forward -> _Binarize.apply -> edge_params_merge2mask(edge_params, metadata)
    # velocities is part of metadata; unused in the forward pass.
    return edge_params_merge2mask(edge_params)

if __name__ == "__main__":
    import jax
    _d = setup_inputs()
    print(jax.jit(kernel)(*tuple(_d.values())))

</pallas_src>

<mosaic_0001>
#map = affine_map<(d0, d1) -> (0)>
module attributes {stable_mosaic.version = 14 : i64} {
  func.func @_sc_body(%arg0: i32, %arg1: i32, %arg2: memref<200704xi32, #tpu.memory_space<hbm>>, %arg3: memref<16777216xf32, #tpu.memory_space<hbm>>, %arg4: memref<14336xi32, #tpu.memory_space<vmem>>, %arg5: memref<14336xi32, #tpu.memory_space<vmem>>, %arg6: memref<12304xi32, #tpu.memory_space<vmem>>, %arg7: memref<12304xi32, #tpu.memory_space<vmem>>, %arg8: memref<32768xf32, #tpu.memory_space<vmem>>, %arg9: memref<32768xf32, #tpu.memory_space<vmem>>, %arg10: memref<4096xf32, #tpu.memory_space<vmem>>, %arg11: memref<32768xf32, #tpu.memory_space<vmem_shared>>, %arg12: memref<!tpu.dma_semaphore, #tpu.memory_space<semaphore_mem>>, %arg13: memref<!tpu.dma_semaphore, #tpu.memory_space<semaphore_mem>>, %arg14: memref<!tpu.dma_semaphore, #tpu.memory_space<semaphore_mem>>) attributes {dimension_semantics = [#tpu.dimension_semantics<core_parallel>, #tpu.dimension_semantics<subcore_parallel>], iteration_bounds = array<i64: 2, 16>, scalar_prefetch = 0 : i64, scratch_operands = 11 : i64, tpu.core_type = #tpu.core_type<sc_vector_subcore>, window_params = [{transform_indices = #map}, {transform_indices = #map}]} {
    %mul3A = arith.constant 16 : i32
    %mul3A_0 = arith.muli %arg0, %mul3A : i32
    %add3A = arith.addi %mul3A_0, %arg1 : i32
    %mul3A_1 = arith.constant 128 : i32
    %mul3A_2 = arith.muli %add3A, %mul3A_1 : i32
    %mul3A_3 = arith.constant 4096 : i32
    %mul3A_4 = arith.muli %mul3A_2, %mul3A_3 : i32
    %broadcast_in_dim3A = arith.constant 1.000000e+00 : f32
    %broadcast_in_dim3A_5 = vector.broadcast %broadcast_in_dim3A : f32 to vector<16xf32>
    %broadcast_in_dim3A_6 = arith.constant 0.000000e+00 : f32
    %broadcast_in_dim3A_7 = vector.broadcast %broadcast_in_dim3A_6 : f32 to vector<16xf32>
    %broadcast_in_dim3A_8 = arith.constant -1 : i32
    %broadcast_in_dim3A_9 = vector.broadcast %broadcast_in_dim3A_8 : i32 to vector<16xi32>
    %iota3A = tpu.iota {dimensions = array<i32: 0>} : vector<16xi32>
    %scan3A = arith.constant 0 : i32
    %scan3A_10 = arith.constant 256 : i32
    %scan3A_11 = arith.addi %scan3A, %scan3A_10 : i32
    %scan3A_12 = arith.constant 8 : i32
    scf.for %scan3A_65 = %scan3A to %scan3A_11 step %scan3A_12  : i32 {
      %mul3A_66 = arith.constant 1 : i32
      %mul3A_67 = arith.muli %scan3A_65, %mul3A_66 : i32
      %add3A_68 = arith.constant 0 : i32
      %add3A_69 = arith.addi %add3A_68, %mul3A_67 : i32
      %mul3A_70 = arith.constant 16 : i32
      %mul3A_71 = arith.muli %add3A_69, %mul3A_70 : i32
      %swap3A_72 = arith.index_cast %mul3A_71 : i32 to index
      %swap3A_73 = tpu.vector_load %arg10[%swap3A_72] {strides = array<i32>} : memref<4096xf32, #tpu.memory_space<vmem>>, vector<16xf32>,
      tpu.vector_store %arg10[%swap3A_72], %broadcast_in_dim3A_7 {strides = array<i32>} : memref<4096xf32, #tpu.memory_space<vmem>>, vector<16xf32>,
      %scan3A_74 = arith.constant 1 : i32
      %scan3A_75 = arith.addi %scan3A_65, %scan3A_74 : i32
      %mul3A_76 = arith.constant 1 : i32
      %mul3A_77 = arith.muli %scan3A_75, %mul3A_76 : i32
      %add3A_78 = arith.constant 0 : i32
      %add3A_79 = arith.addi %add3A_78, %mul3A_77 : i32
      %mul3A_80 = arith.constant 16 : i32
      %mul3A_81 = arith.muli %add3A_79, %mul3A_80 : i32
      %swap3A_82 = arith.index_cast %mul3A_81 : i32 to index
      %swap3A_83 = tpu.vector_load %arg10[%swap3A_82] {strides = array<i32>} : memref<4096xf32, #tpu.memory_space<vmem>>, vector<16xf32>,
      tpu.vector_store %arg10[%swap3A_82], %broadcast_in_dim3A_7 {strides = array<i32>} : memref<4096xf32, #tpu.memory_space<vmem>>, vector<16xf32>,
      %scan3A_84 = arith.constant 2 : i32
      %scan3A_85 = arith.addi %scan3A_65, %scan3A_84 : i32
      %mul3A_86 = arith.constant 1 : i32
      %mul3A_87 = arith.muli %scan3A_85, %mul3A_86 : i32
      %add3A_88 = arith.constant 0 : i32
      %add3A_89 = arith.addi %add3A_88, %mul3A_87 : i32
      %mul3A_90 = arith.constant 16 : i32
      %mul3A_91 = arith.muli %add3A_89, %mul3A_90 : i32
      %swap3A_92 = arith.index_cast %mul3A_91 : i32 to index
      %swap3A_93 = tpu.vector_load %arg10[%swap3A_92] {strides = array<i32>} : memref<4096xf32, #tpu.memory_space<vmem>>, vector<16xf32>,
      tpu.vector_store %arg10[%swap3A_92], %broadcast_in_dim3A_7 {strides = array<i32>} : memref<4096xf32, #tpu.memory_space<vmem>>, vector<16xf32>,
      %scan3A_94 = arith.constant 3 : i32
      %scan3A_95 = arith.addi %scan3A_65, %scan3A_94 : i32
      %mul3A_96 = arith.constant 1 : i32
      %mul3A_97 = arith.muli %scan3A_95, %mul3A_96 : i32
      %add3A_98 = arith.constant 0 : i32
      %add3A_99 = arith.addi %add3A_98, %mul3A_97 : i32
      %mul3A_100 = arith.constant 16 : i32
      %mul3A_101 = arith.muli %add3A_99, %mul3A_100 : i32
      %swap3A_102 = arith.index_cast %mul3A_101 : i32 to index
      %swap3A_103 = tpu.vector_load %arg10[%swap3A_102] {strides = array<i32>} : memref<4096xf32, #tpu.memory_space<vmem>>, vector<16xf32>,
      tpu.vector_store %arg10[%swap3A_102], %broadcast_in_dim3A_7 {strides = array<i32>} : memref<4096xf32, #tpu.memory_space<vmem>>, vector<16xf32>,
      %scan3A_104 = arith.constant 4 : i32
      %scan3A_105 = arith.addi %scan3A_65, %scan3A_104 : i32
      %mul3A_106 = arith.constant 1 : i32
      %mul3A_107 = arith.muli %scan3A_105, %mul3A_106 : i32
      %add3A_108 = arith.constant 0 : i32
      %add3A_109 = arith.addi %add3A_108, %mul3A_107 : i32
      %mul3A_110 = arith.constant 16 : i32
      %mul3A_111 = arith.muli %add3A_109, %mul3A_110 : i32
      %swap3A_112 = arith.index_cast %mul3A_111 : i32 to index
      %swap3A_113 = tpu.vector_load %arg10[%swap3A_112] {strides = array<i32>} : memref<4096xf32, #tpu.memory_space<vmem>>, vector<16xf32>,
      tpu.vector_store %arg10[%swap3A_112], %broadcast_in_dim3A_7 {strides = array<i32>} : memref<4096xf32, #tpu.memory_space<vmem>>, vector<16xf32>,
      %scan3A_114 = arith.constant 5 : i32
      %scan3A_115 = arith.addi %scan3A_65, %scan3A_114 : i32
      %mul3A_116 = arith.constant 1 : i32
      %mul3A_117 = arith.muli %scan3A_115, %mul3A_116 : i32
      %add3A_118 = arith.constant 0 : i32
      %add3A_119 = arith.addi %add3A_118, %mul3A_117 : i32
      %mul3A_120 = arith.constant 16 : i32
      %mul3A_121 = arith.muli %add3A_119, %mul3A_120 : i32
      %swap3A_122 = arith.index_cast %mul3A_121 : i32 to index
      %swap3A_123 = tpu.vector_load %arg10[%swap3A_122] {strides = array<i32>} : memref<4096xf32, #tpu.memory_space<vmem>>, vector<16xf32>,
      tpu.vector_store %arg10[%swap3A_122], %broadcast_in_dim3A_7 {strides = array<i32>} : memref<4096xf32, #tpu.memory_space<vmem>>, vector<16xf32>,
      %scan3A_124 = arith.constant 6 : i32
      %scan3A_125 = arith.addi %scan3A_65, %scan3A_124 : i32
      %mul3A_126 = arith.constant 1 : i32
      %mul3A_127 = arith.muli %scan3A_125, %mul3A_126 : i32
      %add3A_128 = arith.constant 0 : i32
      %add3A_129 = arith.addi %add3A_128, %mul3A_127 : i32
      %mul3A_130 = arith.constant 16 : i32
      %mul3A_131 = arith.muli %add3A_129, %mul3A_130 : i32
      %swap3A_132 = arith.index_cast %mul3A_131 : i32 to index
      %swap3A_133 = tpu.vector_load %arg10[%swap3A_132] {strides = array<i32>} : memref<4096xf32, #tpu.memory_space<vmem>>, vector<16xf32>,
      tpu.vector_store %arg10[%swap3A_132], %broadcast_in_dim3A_7 {strides = array<i32>} : memref<4096xf32, #tpu.memory_space<vmem>>, vector<16xf32>,
      %scan3A_134 = arith.constant 7 : i32
      %scan3A_135 = arith.addi %scan3A_65, %scan3A_134 : i32
      %mul3A_136 = arith.constant 1 : i32
      %mul3A_137 = arith.muli %scan3A_135, %mul3A_136 : i32
      %add3A_138 = arith.constant 0 : i32
      %add3A_139 = arith.addi %add3A_138, %mul3A_137 : i32
      %mul3A_140 = arith.constant 16 : i32
      %mul3A_141 = arith.muli %add3A_139, %mul3A_140 : i32
      %swap3A_142 = arith.index_cast %mul3A_141 : i32 to index
      %swap3A_143 = tpu.vector_load %arg10[%swap3A_142] {strides = array<i32>} : memref<4096xf32, #tpu.memory_space<vmem>>, vector<16xf32>,
      tpu.vector_store %arg10[%swap3A_142], %broadcast_in_dim3A_7 {strides = array<i32>} : memref<4096xf32, #tpu.memory_space<vmem>>, vector<16xf32>,
    }
    %scan3A_13 = arith.constant 256 : i32
    %eq3A = arith.constant 0 : i32
    %eq3A_14 = arith.cmpi eq, %arg1, %eq3A : i32
    %convert_element_type3A = arith.extui %eq3A_14 : i1 to i32
    %cond3A = arith.constant 0 : i32
    %cond3A_15 = arith.cmpi ne, %convert_element_type3A, %cond3A : i32
    scf.if %cond3A_15 {
      "tpu.region"() ({
        %run_scoped3A = tpu.sem_alloc : memref<!tpu.dma_semaphore, #tpu.memory_space<semaphore_mem>>
        %dma_start3A_65 = arith.constant 0 : i32
        %dma_start3A_66 = tpu.memref_slice %arg11[%dma_start3A_65] : memref<32768xf32, #tpu.memory_space<vmem_shared>> -> memref<4096xf32, #tpu.memory_space<vmem_shared>>
        %dma_start3A_67 = arith.constant 0 : i32
        %dma_start3A_68 = tpu.memref_slice %arg11[%dma_start3A_67] : memref<32768xf32, #tpu.memory_space<vmem_shared>> -> memref<4096xf32, #tpu.memory_space<vmem_shared>>
        tpu.enqueue_dma source(%arg10 : memref<4096xf32, #tpu.memory_space<vmem>>) target(%dma_start3A_68 : memref<4096xf32, #tpu.memory_space<vmem_shared>>) target_semaphore(%run_scoped3A : memref<!tpu.dma_semaphore, #tpu.memory_space<semaphore_mem>>)
        %dma_wait3A_69 = arith.constant 0 : i32
        %dma_wait3A_70 = tpu.memref_slice %arg11[%dma_wait3A_69] : memref<32768xf32, #tpu.memory_space<vmem_shared>> -> memref<4096xf32, #tpu.memory_space<vmem_shared>>
        %dma_wait3A_71 = arith.constant 0 : i32
        %dma_wait3A_72 = tpu.memref_slice %arg11[%dma_wait3A_71] : memref<32768xf32, #tpu.memory_space<vmem_shared>> -> memref<4096xf32, #tpu.memory_space<vmem_shared>>
        tpu.wait_dma2 semaphore(%run_scoped3A : memref<!tpu.dma_semaphore, #tpu.memory_space<semaphore_mem>>) src(%arg10 : memref<4096xf32, #tpu.memory_space<vmem>>) dst(%dma_wait3A_72 : memref<4096xf32, #tpu.memory_space<vmem_shared>>)
        tpu.yield
      }) : () -> ()
      "tpu.region"() ({
        %run_scoped3A = tpu.sem_alloc : memref<!tpu.dma_semaphore, #tpu.memory_space<semaphore_mem>>
        %dma_start3A_65 = arith.constant 4096 : i32
        %dma_start3A_66 = tpu.memref_slice %arg11[%dma_start3A_65] : memref<32768xf32, #tpu.memory_space<vmem_shared>> -> memref<4096xf32, #tpu.memory_space<vmem_shared>>
        %dma_start3A_67 = arith.constant 4096 : i32
        %dma_start3A_68 = tpu.memref_slice %arg11[%dma_start3A_67] : memref<32768xf32, #tpu.memory_space<vmem_shared>> -> memref<4096xf32, #tpu.memory_space<vmem_shared>>
        tpu.enqueue_dma source(%arg10 : memref<4096xf32, #tpu.memory_space<vmem>>) target(%dma_start3A_68 : memref<4096xf32, #tpu.memory_space<vmem_shared>>) target_semaphore(%run_scoped3A : memref<!tpu.dma_semaphore, #tpu.memory_space<semaphore_mem>>)
        %dma_wait3A_69 = arith.constant 4096 : i32
        %dma_wait3A_70 = tpu.memref_slice %arg11[%dma_wait3A_69] : memref<32768xf32, #tpu.memory_space<vmem_shared>> -> memref<4096xf32, #tpu.memory_space<vmem_shared>>
        %dma_wait3A_71 = arith.constant 4096 : i32
        %dma_wait3A_72 = tpu.memref_slice %arg11[%dma_wait3A_71] : memref<32768xf32, #tpu.memory_space<vmem_shared>> -> memref<4096xf32, #tpu.memory_space<vmem_shared>>
        tpu.wait_dma2 semaphore(%run_scoped3A : memref<!tpu.dma_semaphore, #tpu.memory_space<semaphore_mem>>) src(%arg10 : memref<4096xf32, #tpu.memory_space<vmem>>) dst(%dma_wait3A_72 : memref<4096xf32, #tpu.memory_space<vmem_shared>>)
        tpu.yield
      }) : () -> ()
      "tpu.region"() ({
        %run_scoped3A = tpu.sem_alloc : memref<!tpu.dma_semaphore, #tpu.memory_space<semaphore_mem>>
        %dma_start3A_65 = arith.constant 8192 : i32
        %dma_start3A_66 = tpu.memref_slice %arg11[%dma_start3A_65] : memref<32768xf32, #tpu.memory_space<vmem_shared>> -> memref<4096xf32, #tpu.memory_space<vmem_shared>>
        %dma_start3A_67 = arith.constant 8192 : i32
        %dma_start3A_68 = tpu.memref_slice %arg11[%dma_start3A_67] : memref<32768xf32, #tpu.memory_space<vmem_shared>> -> memref<4096xf32, #tpu.memory_space<vmem_shared>>
        tpu.enqueue_dma source(%arg10 : memref<4096xf32, #tpu.memory_space<vmem>>) target(%dma_start3A_68 : memref<4096xf32, #tpu.memory_space<vmem_shared>>) target_semaphore(%run_scoped3A : memref<!tpu.dma_semaphore, #tpu.memory_space<semaphore_mem>>)
        %dma_wait3A_69 = arith.constant 8192 : i32
        %dma_wait3A_70 = tpu.memref_slice %arg11[%dma_wait3A_69] : memref<32768xf32, #tpu.memory_space<vmem_shared>> -> memref<4096xf32, #tpu.memory_space<vmem_shared>>
        %dma_wait3A_71 = arith.constant 8192 : i32
        %dma_wait3A_72 = tpu.memref_slice %arg11[%dma_wait3A_71] : memref<32768xf32, #tpu.memory_space<vmem_shared>> -> memref<4096xf32, #tpu.memory_space<vmem_shared>>
        tpu.wait_dma2 semaphore(%run_scoped3A : memref<!tpu.dma_semaphore, #tpu.memory_space<semaphore_mem>>) src(%arg10 : memref<4096xf32, #tpu.memory_space<vmem>>) dst(%dma_wait3A_72 : memref<4096xf32, #tpu.memory_space<vmem_shared>>)
        tpu.yield
      }) : () -> ()
      "tpu.region"() ({
        %run_scoped3A = tpu.sem_alloc : memref<!tpu.dma_semaphore, #tpu.memory_space<semaphore_mem>>
        %dma_start3A_65 = arith.constant 12288 : i32
        %dma_start3A_66 = tpu.memref_slice %arg11[%dma_start3A_65] : memref<32768xf32, #tpu.memory_space<vmem_shared>> -> memref<4096xf32, #tpu.memory_space<vmem_shared>>
        %dma_start3A_67 = arith.constant 12288 : i32
        %dma_start3A_68 = tpu.memref_slice %arg11[%dma_start3A_67] : memref<32768xf32, #tpu.memory_space<vmem_shared>> -> memref<4096xf32, #tpu.memory_space<vmem_shared>>
        tpu.enqueue_dma source(%arg10 : memref<4096xf32, #tpu.memory_space<vmem>>) target(%dma_start3A_68 : memref<4096xf32, #tpu.memory_space<vmem_shared>>) target_semaphore(%run_scoped3A : memref<!tpu.dma_semaphore, #tpu.memory_space<semaphore_mem>>)
        %dma_wait3A_69 = arith.constant 12288 : i32
        %dma_wait3A_70 = tpu.memref_slice %arg11[%dma_wait3A_69] : memref<32768xf32, #tpu.memory_space<vmem_shared>> -> memref<4096xf32, #tpu.memory_space<vmem_shared>>
        %dma_wait3A_71 = arith.constant 12288 : i32
        %dma_wait3A_72 = tpu.memref_slice %arg11[%dma_wait3A_71] : memref<32768xf32, #tpu.memory_space<vmem_shared>> -> memref<4096xf32, #tpu.memory_space<vmem_shared>>
        tpu.wait_dma2 semaphore(%run_scoped3A : memref<!tpu.dma_semaphore, #tpu.memory_space<semaphore_mem>>) src(%arg10 : memref<4096xf32, #tpu.memory_space<vmem>>) dst(%dma_wait3A_72 : memref<4096xf32, #tpu.memory_space<vmem_shared>>)
        tpu.yield
      }) : () -> ()
      "tpu.region"() ({
        %run_scoped3A = tpu.sem_alloc : memref<!tpu.dma_semaphore, #tpu.memory_space<semaphore_mem>>
        %dma_start3A_65 = arith.constant 16384 : i32
        %dma_start3A_66 = tpu.memref_slice %arg11[%dma_start3A_65] : memref<32768xf32, #tpu.memory_space<vmem_shared>> -> memref<4096xf32, #tpu.memory_space<vmem_shared>>
        %dma_start3A_67 = arith.constant 16384 : i32
        %dma_start3A_68 = tpu.memref_slice %arg11[%dma_start3A_67] : memref<32768xf32, #tpu.memory_space<vmem_shared>> -> memref<4096xf32, #tpu.memory_space<vmem_shared>>
        tpu.enqueue_dma source(%arg10 : memref<4096xf32, #tpu.memory_space<vmem>>) target(%dma_start3A_68 : memref<4096xf32, #tpu.memory_space<vmem_shared>>) target_semaphore(%run_scoped3A : memref<!tpu.dma_semaphore, #tpu.memory_space<semaphore_mem>>)
        %dma_wait3A_69 = arith.constant 16384 : i32
        %dma_wait3A_70 = tpu.memref_slice %arg11[%dma_wait3A_69] : memref<32768xf32, #tpu.memory_space<vmem_shared>> -> memref<4096xf32, #tpu.memory_space<vmem_shared>>
        %dma_wait3A_71 = arith.constant 16384 : i32
        %dma_wait3A_72 = tpu.memref_slice %arg11[%dma_wait3A_71] : memref<32768xf32, #tpu.memory_space<vmem_shared>> -> memref<4096xf32, #tpu.memory_space<vmem_shared>>
        tpu.wait_dma2 semaphore(%run_scoped3A : memref<!tpu.dma_semaphore, #tpu.memory_space<semaphore_mem>>) src(%arg10 : memref<4096xf32, #tpu.memory_space<vmem>>) dst(%dma_wait3A_72 : memref<4096xf32, #tpu.memory_space<vmem_shared>>)
        tpu.yield
      }) : () -> ()
      "tpu.region"() ({
        %run_scoped3A = tpu.sem_alloc : memref<!tpu.dma_semaphore, #tpu.memory_space<semaphore_mem>>
        %dma_start3A_65 = arith.constant 20480 : i32
        %dma_start3A_66 = tpu.memref_slice %arg11[%dma_start3A_65] : memref<32768xf32, #tpu.memory_space<vmem_shared>> -> memref<4096xf32, #tpu.memory_space<vmem_shared>>
        %dma_start3A_67 = arith.constant 20480 : i32
        %dma_start3A_68 = tpu.memref_slice %arg11[%dma_start3A_67] : memref<32768xf32, #tpu.memory_space<vmem_shared>> -> memref<4096xf32, #tpu.memory_space<vmem_shared>>
        tpu.enqueue_dma source(%arg10 : memref<4096xf32, #tpu.memory_space<vmem>>) target(%dma_start3A_68 : memref<4096xf32, #tpu.memory_space<vmem_shared>>) target_semaphore(%run_scoped3A : memref<!tpu.dma_semaphore, #tpu.memory_space<semaphore_mem>>)
        %dma_wait3A_69 = arith.constant 20480 : i32
        %dma_wait3A_70 = tpu.memref_slice %arg11[%dma_wait3A_69] : memref<32768xf32, #tpu.memory_space<vmem_shared>> -> memref<4096xf32, #tpu.memory_space<vmem_shared>>
        %dma_wait3A_71 = arith.constant 20480 : i32
        %dma_wait3A_72 = tpu.memref_slice %arg11[%dma_wait3A_71] : memref<32768xf32, #tpu.memory_space<vmem_shared>> -> memref<4096xf32, #tpu.memory_space<vmem_shared>>
        tpu.wait_dma2 semaphore(%run_scoped3A : memref<!tpu.dma_semaphore, #tpu.memory_space<semaphore_mem>>) src(%arg10 : memref<4096xf32, #tpu.memory_space<vmem>>) dst(%dma_wait3A_72 : memref<4096xf32, #tpu.memory_space<vmem_shared>>)
        tpu.yield
      }) : () -> ()
      "tpu.region"() ({
        %run_scoped3A = tpu.sem_alloc : memref<!tpu.dma_semaphore, #tpu.memory_space<semaphore_mem>>
        %dma_start3A_65 = arith.constant 24576 : i32
        %dma_start3A_66 = tpu.memref_slice %arg11[%dma_start3A_65] : memref<32768xf32, #tpu.memory_space<vmem_shared>> -> memref<4096xf32, #tpu.memory_space<vmem_shared>>
        %dma_start3A_67 = arith.constant 24576 : i32
        %dma_start3A_68 = tpu.memref_slice %arg11[%dma_start3A_67] : memref<32768xf32, #tpu.memory_space<vmem_shared>> -> memref<4096xf32, #tpu.memory_space<vmem_shared>>
        tpu.enqueue_dma source(%arg10 : memref<4096xf32, #tpu.memory_space<vmem>>) target(%dma_start3A_68 : memref<4096xf32, #tpu.memory_space<vmem_shared>>) target_semaphore(%run_scoped3A : memref<!tpu.dma_semaphore, #tpu.memory_space<semaphore_mem>>)
        %dma_wait3A_69 = arith.constant 24576 : i32
        %dma_wait3A_70 = tpu.memref_slice %arg11[%dma_wait3A_69] : memref<32768xf32, #tpu.memory_space<vmem_shared>> -> memref<4096xf32, #tpu.memory_space<vmem_shared>>
        %dma_wait3A_71 = arith.constant 24576 : i32
        %dma_wait3A_72 = tpu.memref_slice %arg11[%dma_wait3A_71] : memref<32768xf32, #tpu.memory_space<vmem_shared>> -> memref<4096xf32, #tpu.memory_space<vmem_shared>>
        tpu.wait_dma2 semaphore(%run_scoped3A : memref<!tpu.dma_semaphore, #tpu.memory_space<semaphore_mem>>) src(%arg10 : memref<4096xf32, #tpu.memory_space<vmem>>) dst(%dma_wait3A_72 : memref<4096xf32, #tpu.memory_space<vmem_shared>>)
        tpu.yield
      }) : () -> ()
      "tpu.region"() ({
        %run_scoped3A = tpu.sem_alloc : memref<!tpu.dma_semaphore, #tpu.memory_space<semaphore_mem>>
        %dma_start3A_65 = arith.constant 28672 : i32
        %dma_start3A_66 = tpu.memref_slice %arg11[%dma_start3A_65] : memref<32768xf32, #tpu.memory_space<vmem_shared>> -> memref<4096xf32, #tpu.memory_space<vmem_shared>>
        %dma_start3A_67 = arith.constant 28672 : i32
        %dma_start3A_68 = tpu.memref_slice %arg11[%dma_start3A_67] : memref<32768xf32, #tpu.memory_space<vmem_shared>> -> memref<4096xf32, #tpu.memory_space<vmem_shared>>
        tpu.enqueue_dma source(%arg10 : memref<4096xf32, #tpu.memory_space<vmem>>) target(%dma_start3A_68 : memref<4096xf32, #tpu.memory_space<vmem_shared>>) target_semaphore(%run_scoped3A : memref<!tpu.dma_semaphore, #tpu.memory_space<semaphore_mem>>)
        %dma_wait3A_69 = arith.constant 28672 : i32
        %dma_wait3A_70 = tpu.memref_slice %arg11[%dma_wait3A_69] : memref<32768xf32, #tpu.memory_space<vmem_shared>> -> memref<4096xf32, #tpu.memory_space<vmem_shared>>
        %dma_wait3A_71 = arith.constant 28672 : i32
        %dma_wait3A_72 = tpu.memref_slice %arg11[%dma_wait3A_71] : memref<32768xf32, #tpu.memory_space<vmem_shared>> -> memref<4096xf32, #tpu.memory_space<vmem_shared>>
        tpu.wait_dma2 semaphore(%run_scoped3A : memref<!tpu.dma_semaphore, #tpu.memory_space<semaphore_mem>>) src(%arg10 : memref<4096xf32, #tpu.memory_space<vmem>>) dst(%dma_wait3A_72 : memref<4096xf32, #tpu.memory_space<vmem_shared>>)
        tpu.yield
      }) : () -> ()
    } else {
    }
    %barrier3A = arith.constant 0 : index
    tpu.barrier barrier_id(%barrier3A)
    %dma_start3A = arith.constant 0 : i32
    %dma_start3A_16 = tpu.memref_slice %arg2[%dma_start3A] : memref<200704xi32, #tpu.memory_space<hbm>> -> memref<14336xi32, #tpu.memory_space<hbm>>
    %dma_start3A_17 = arith.constant 0 : i32
    %dma_start3A_18 = tpu.memref_slice %arg2[%dma_start3A_17] : memref<200704xi32, #tpu.memory_space<hbm>> -> memref<14336xi32, #tpu.memory_space<hbm>>
    tpu.enqueue_dma source(%dma_start3A_18 : memref<14336xi32, #tpu.memory_space<hbm>>) target(%arg4 : memref<14336xi32, #tpu.memory_space<vmem>>) target_semaphore(%arg13 : memref<!tpu.dma_semaphore, #tpu.memory_space<semaphore_mem>>)
    %scan3A_19 = arith.constant 0 : i32
    %scan3A_20 = arith.constant 0 : i32
    %scan3A_21 = arith.constant 6272 : i32
    %scan3A_22 = arith.constant 0 : i32
    %scan3A_23 = arith.constant 7 : i32
    %scan3A_24 = arith.addi %scan3A_22, %scan3A_23 : i32
    %scan3A_25 = arith.constant 1 : i32
    %scan3A_26:2 = scf.for %scan3A_65 = %scan3A_22 to %scan3A_24 step %scan3A_25 iter_args(%scan3A_66 = %scan3A_20, %scan3A_67 = %scan3A_21) -> (i32, i32)  : i32 {
      %mul3A_68 = arith.constant 1 : i32
      %mul3A_69 = arith.muli %scan3A_65, %mul3A_68 : i32
      %add3A_70 = arith.constant 0 : i32
      %add3A_71 = arith.addi %add3A_70, %mul3A_69 : i32
      %mul3A_72 = arith.constant 2 : i32
      %mul3A_73 = arith.muli %mul3A_72, %add3A_71 : i32
      %mul3A_74 = arith.constant 2 : i32
      %mul3A_75 = arith.muli %mul3A_73, %mul3A_74 : i32
      %mul3A_76 = arith.constant 7168 : i32
      %mul3A_77 = arith.muli %mul3A_75, %mul3A_76 : i32
      %dma_wait3A_78 = tpu.memref_slice %arg2[%mul3A_77] : memref<200704xi32, #tpu.memory_space<hbm>> -> memref<14336xi32, #tpu.memory_space<hbm>>
      %dma_wait3A_79 = tpu.memref_slice %arg2[%mul3A_77] : memref<200704xi32, #tpu.memory_space<hbm>> -> memref<14336xi32, #tpu.memory_space<hbm>>
      tpu.wait_dma2 semaphore(%arg13 : memref<!tpu.dma_semaphore, #tpu.memory_space<semaphore_mem>>) src(%dma_wait3A_79 : memref<14336xi32, #tpu.memory_space<hbm>>) dst(%arg4 : memref<14336xi32, #tpu.memory_space<vmem>>)
      %add3A_80 = arith.constant 1 : i32
      %add3A_81 = arith.addi %mul3A_73, %add3A_80 : i32
      %mul3A_82 = arith.constant 2 : i32
      %mul3A_83 = arith.muli %add3A_81, %mul3A_82 : i32
      %mul3A_84 = arith.constant 7168 : i32
      %mul3A_85 = arith.muli %mul3A_83, %mul3A_84 : i32
      %dma_start3A_86 = tpu.memref_slice %arg2[%mul3A_85] : memref<200704xi32, #tpu.memory_space<hbm>> -> memref<14336xi32, #tpu.memory_space<hbm>>
      %dma_start3A_87 = tpu.memref_slice %arg2[%mul3A_85] : memref<200704xi32, #tpu.memory_space<hbm>> -> memref<14336xi32, #tpu.memory_space<hbm>>
      tpu.enqueue_dma source(%dma_start3A_87 : memref<14336xi32, #tpu.memory_space<hbm>>) target(%arg5 : memref<14336xi32, #tpu.memory_space<vmem>>) target_semaphore(%arg13 : memref<!tpu.dma_semaphore, #tpu.memory_space<semaphore_mem>>)
      %lt3A = arith.constant 0 : i32
      %lt3A_88 = arith.cmpi slt, %scan3A_66, %lt3A : i32
      %scan3A_89 = arith.constant 0 : i32
      %scan3A_90 = arith.constant 448 : i32
      %scan3A_91 = arith.addi %scan3A_89, %scan3A_90 : i32
      %scan3A_92 = arith.constant 16 : i32
      %scan3A_93:2 = scf.for %scan3A_132 = %scan3A_89 to %scan3A_91 step %scan3A_92 iter_args(%scan3A_133 = %scan3A_66, %scan3A_134 = %lt3A_88) -> (i32, i1)  : i32 {
        %mul3A_135 = arith.constant 1 : i32
        %mul3A_136 = arith.muli %scan3A_132, %mul3A_135 : i32
        %add3A_137 = arith.constant 0 : i32
        %add3A_138 = arith.addi %add3A_137, %mul3A_136 : i32
        %mul3A_139 = arith.constant 16 : i32
        %mul3A_140 = arith.muli %add3A_138, %mul3A_139 : i32
        %add3A_141 = arith.constant 7168 : i32
        %add3A_142 = arith.addi %add3A_141, %mul3A_140 : i32
        %get3A = arith.index_cast %add3A_142 : i32 to index
        %get3A_143 = tpu.vector_load %arg4[%get3A] {strides = array<i32>} : memref<14336xi32, #tpu.memory_space<vmem>>, vector<16xi32>,
        %mul3A_144 = arith.constant 16 : i32
        %mul3A_145 = arith.muli %add3A_138, %mul3A_144 : i32
        %get3A_146 = arith.index_cast %mul3A_145 : i32 to index
        %get3A_147 = tpu.vector_load %arg4[%get3A_146] {strides = array<i32>} : memref<14336xi32, #tpu.memory_space<vmem>>, vector<16xi32>,
        %sub3A_148 = vector.broadcast %mul3A_2 : i32 to vector<16xi32>
        %sub3A_149 = arith.subi %get3A_143, %sub3A_148 : vector<16xi32>
        %lt3A_150 = arith.constant 128 : i32
        %lt3A_151 = vector.broadcast %lt3A_150 : i32 to vector<16xi32>
        %lt3A_152 = arith.cmpi ult, %sub3A_149, %lt3A_151 : vector<16xi32>
        %all_reduce_population_count3A = tpu.all_reduce %lt3A_152 {dim = 0 : i64, kind = #tpu.reduction_kind<sum>} : vector<16xi1> -> vector<16xi32>
        %slice3A = vector.extract_strided_slice %all_reduce_population_count3A {offsets = [0], sizes = [1], strides = [1]} : vector<16xi32> to vector<1xi32>
        %squeeze3A = vector.extract %slice3A[0] : i32 from vector<1xi32>
        %mul3A_153 = arith.constant 4096 : i32
        %mul3A_154 = vector.broadcast %mul3A_153 : i32 to vector<16xi32>
        %mul3A_155 = arith.muli %get3A_143, %mul3A_154 : vector<16xi32>
        %add3A_156 = arith.addi %mul3A_155, %get3A_147 : vector<16xi32>
        %swap3A_157 = arith.index_cast %scan3A_133 : i32 to index
        %swap3A_158 = tpu.vector_load %arg6[%swap3A_157] masked %lt3A_152 {strides = array<i32>} : memref<12304xi32, #tpu.memory_space<vmem>>, vector<16xi32>, vector<16xi1>
        tpu.vector_store %arg6[%swap3A_157], %add3A_156 masked %lt3A_152 {strides = array<i32>} : memref<12304xi32, #tpu.memory_space<vmem>>, vector<16xi32>, vector<16xi1>
        %add3A_159 = arith.addi %scan3A_133, %squeeze3A : i32
        %le3A = arith.constant 12288 : i32
        %le3A_160 = arith.cmpi sle, %add3A_159, %le3A : i32
        %add3A_161 = arith.addi %scan3A_133, %squeeze3A : i32
        %select_n3A_162 = arith.select %le3A_160, %add3A_161, %scan3A_133 : i32
        %not3A = arith.constant true
        %not3A_163 = arith.xori %le3A_160, %not3A : i1
        %or3A = arith.ori %scan3A_134, %not3A_163 : i1
        %scan3A_164 = arith.constant 1 : i32
        %scan3A_165 = arith.addi %scan3A_132, %scan3A_164 : i32
        %mul3A_166 = arith.constant 1 : i32
        %mul3A_167 = arith.muli %scan3A_165, %mul3A_166 : i32
        %add3A_168 = arith.constant 0 : i32
        %add3A_169 = arith.addi %add3A_168, %mul3A_167 : i32
        %mul3A_170 = arith.constant 16 : i32
        %mul3A_171 = arith.muli %add3A_169, %mul3A_170 : i32
        %add3A_172 = arith.constant 7168 : i32
        %add3A_173 = arith.addi %add3A_172, %mul3A_171 : i32
        %get3A_174 = arith.index_cast %add3A_173 : i32 to index
        %get3A_175 = tpu.vector_load %arg4[%get3A_174] {strides = array<i32>} : memref<14336xi32, #tpu.memory_space<vmem>>, vector<16xi32>,
        %mul3A_176 = arith.constant 16 : i32
        %mul3A_177 = arith.muli %add3A_169, %mul3A_176 : i32
        %get3A_178 = arith.index_cast %mul3A_177 : i32 to index
        %get3A_179 = tpu.vector_load %arg4[%get3A_178] {strides = array<i32>} : memref<14336xi32, #tpu.memory_space<vmem>>, vector<16xi32>,
        %sub3A_180 = vector.broadcast %mul3A_2 : i32 to vector<16xi32>
        %sub3A_181 = arith.subi %get3A_175, %sub3A_180 : vector<16xi32>
        %lt3A_182 = arith.constant 128 : i32
        %lt3A_183 = vector.broadcast %lt3A_182 : i32 to vector<16xi32>
        %lt3A_184 = arith.cmpi ult, %sub3A_181, %lt3A_183 : vector<16xi32>
        %all_reduce_population_count3A_185 = tpu.all_reduce %lt3A_184 {dim = 0 : i64, kind = #tpu.reduction_kind<sum>} : vector<16xi1> -> vector<16xi32>
        %slice3A_186 = vector.extract_strided_slice %all_reduce_population_count3A_185 {offsets = [0], sizes = [1], strides = [1]} : vector<16xi32> to vector<1xi32>
        %squeeze3A_187 = vector.extract %slice3A_186[0] : i32 from vector<1xi32>
        %mul3A_188 = arith.constant 4096 : i32
        %mul3A_189 = vector.broadcast %mul3A_188 : i32 to vector<16xi32>
        %mul3A_190 = arith.muli %get3A_175, %mul3A_189 : vector<16xi32>
        %add3A_191 = arith.addi %mul3A_190, %get3A_179 : vector<16xi32>
        %swap3A_192 = arith.index_cast %select_n3A_162 : i32 to index
        %swap3A_193 = tpu.vector_load %arg6[%swap3A_192] masked %lt3A_184 {strides = array<i32>} : memref<12304xi32, #tpu.memory_space<vmem>>, vector<16xi32>, vector<16xi1>
        tpu.vector_store %arg6[%swap3A_192], %add3A_191 masked %lt3A_184 {strides = array<i32>} : memref<12304xi32, #tpu.memory_space<vmem>>, vector<16xi32>, vector<16xi1>
        %add3A_194 = arith.addi %select_n3A_162, %squeeze3A_187 : i32
        %le3A_195 = arith.constant 12288 : i32
        %le3A_196 = arith.cmpi sle, %add3A_194, %le3A_195 : i32
        %add3A_197 = arith.addi %select_n3A_162, %squeeze3A_187 : i32
        %select_n3A_198 = arith.select %le3A_196, %add3A_197, %select_n3A_162 : i32
        %not3A_199 = arith.constant true
        %not3A_200 = arith.xori %le3A_196, %not3A_199 : i1
        %or3A_201 = arith.ori %or3A, %not3A_200 : i1
        %scan3A_202 = arith.constant 2 : i32
        %scan3A_203 = arith.addi %scan3A_132, %scan3A_202 : i32
        %mul3A_204 = arith.constant 1 : i32
        %mul3A_205 = arith.muli %scan3A_203, %mul3A_204 : i32
        %add3A_206 = arith.constant 0 : i32
        %add3A_207 = arith.addi %add3A_206, %mul3A_205 : i32
        %mul3A_208 = arith.constant 16 : i32
        %mul3A_209 = arith.muli %add3A_207, %mul3A_208 : i32
        %add3A_210 = arith.constant 7168 : i32
        %add3A_211 = arith.addi %add3A_210, %mul3A_209 : i32
        %get3A_212 = arith.index_cast %add3A_211 : i32 to index
        %get3A_213 = tpu.vector_load %arg4[%get3A_212] {strides = array<i32>} : memref<14336xi32, #tpu.memory_space<vmem>>, vector<16xi32>,
        %mul3A_214 = arith.constant 16 : i32
        %mul3A_215 = arith.muli %add3A_207, %mul3A_214 : i32
        %get3A_216 = arith.index_cast %mul3A_215 : i32 to index
        %get3A_217 = tpu.vector_load %arg4[%get3A_216] {strides = array<i32>} : memref<14336xi32, #tpu.memory_space<vmem>>, vector<16xi32>,
        %sub3A_218 = vector.broadcast %mul3A_2 : i32 to vector<16xi32>
        %sub3A_219 = arith.subi %get3A_213, %sub3A_218 : vector<16xi32>
        %lt3A_220 = arith.constant 128 : i32
        %lt3A_221 = vector.broadcast %lt3A_220 : i32 to vector<16xi32>
        %lt3A_222 = arith.cmpi ult, %sub3A_219, %lt3A_221 : vector<16xi32>
        %all_reduce_population_count3A_223 = tpu.all_reduce %lt3A_222 {dim = 0 : i64, kind = #tpu.reduction_kind<sum>} : vector<16xi1> -> vector<16xi32>
        %slice3A_224 = vector.extract_strided_slice %all_reduce_population_count3A_223 {offsets = [0], sizes = [1], strides = [1]} : vector<16xi32> to vector<1xi32>
        %squeeze3A_225 = vector.extract %slice3A_224[0] : i32 from vector<1xi32>
        %mul3A_226 = arith.constant 4096 : i32
        %mul3A_227 = vector.broadcast %mul3A_226 : i32 to vector<16xi32>
        %mul3A_228 = arith.muli %get3A_213, %mul3A_227 : vector<16xi32>
        %add3A_229 = arith.addi %mul3A_228, %get3A_217 : vector<16xi32>
        %swap3A_230 = arith.index_cast %select_n3A_198 : i32 to index
        %swap3A_231 = tpu.vector_load %arg6[%swap3A_230] masked %lt3A_222 {strides = array<i32>} : memref<12304xi32, #tpu.memory_space<vmem>>, vector<16xi32>, vector<16xi1>
        tpu.vector_store %arg6[%swap3A_230], %add3A_229 masked %lt3A_222 {strides = array<i32>} : memref<12304xi32, #tpu.memory_space<vmem>>, vector<16xi32>, vector<16xi1>
        %add3A_232 = arith.addi %select_n3A_198, %squeeze3A_225 : i32
        %le3A_233 = arith.constant 12288 : i32
        %le3A_234 = arith.cmpi sle, %add3A_232, %le3A_233 : i32
        %add3A_235 = arith.addi %select_n3A_198, %squeeze3A_225 : i32
        %select_n3A_236 = arith.select %le3A_234, %add3A_235, %select_n3A_198 : i32
        %not3A_237 = arith.constant true
        %not3A_238 = arith.xori %le3A_234, %not3A_237 : i1
        %or3A_239 = arith.ori %or3A_201, %not3A_238 : i1
        %scan3A_240 = arith.constant 3 : i32
        %scan3A_241 = arith.addi %scan3A_132, %scan3A_240 : i32
        %mul3A_242 = arith.constant 1 : i32
        %mul3A_243 = arith.muli %scan3A_241, %mul3A_242 : i32
        %add3A_244 = arith.constant 0 : i32
        %add3A_245 = arith.addi %add3A_244, %mul3A_243 : i32
        %mul3A_246 = arith.constant 16 : i32
        %mul3A_247 = arith.muli %add3A_245, %mul3A_246 : i32
        %add3A_248 = arith.constant 7168 : i32
        %add3A_249 = arith.addi %add3A_248, %mul3A_247 : i32
        %get3A_250 = arith.index_cast %add3A_249 : i32 to index
        %get3A_251 = tpu.vector_load %arg4[%get3A_250] {strides = array<i32>} : memref<14336xi32, #tpu.memory_space<vmem>>, vector<16xi32>,
        %mul3A_252 = arith.constant 16 : i32
        %mul3A_253 = arith.muli %add3A_245, %mul3A_252 : i32
        %get3A_254 = arith.index_cast %mul3A_253 : i32 to index
        %get3A_255 = tpu.vector_load %arg4[%get3A_254] {strides = array<i32>} : memref<14336xi32, #tpu.memory_space<vmem>>, vector<16xi32>,
        %sub3A_256 = vector.broadcast %mul3A_2 : i32 to vector<16xi32>
        %sub3A_257 = arith.subi %get3A_251, %sub3A_256 : vector<16xi32>
        %lt3A_258 = arith.constant 128 : i32
        %lt3A_259 = vector.broadcast %lt3A_258 : i32 to vector<16xi32>
        %lt3A_260 = arith.cmpi ult, %sub3A_257, %lt3A_259 : vector<16xi32>
        %all_reduce_population_count3A_261 = tpu.all_reduce %lt3A_260 {dim = 0 : i64, kind = #tpu.reduction_kind<sum>} : vector<16xi1> -> vector<16xi32>
        %slice3A_262 = vector.extract_strided_slice %all_reduce_population_count3A_261 {offsets = [0], sizes = [1], strides = [1]} : vector<16xi32> to vector<1xi32>
        %squeeze3A_263 = vector.extract %slice3A_262[0] : i32 from vector<1xi32>
        %mul3A_264 = arith.constant 4096 : i32
        %mul3A_265 = vector.broadcast %mul3A_264 : i32 to vector<16xi32>
        %mul3A_266 = arith.muli %get3A_251, %mul3A_265 : vector<16xi32>
        %add3A_267 = arith.addi %mul3A_266, %get3A_255 : vector<16xi32>
        %swap3A_268 = arith.index_cast %select_n3A_236 : i32 to index
        %swap3A_269 = tpu.vector_load %arg6[%swap3A_268] masked %lt3A_260 {strides = array<i32>} : memref<12304xi32, #tpu.memory_space<vmem>>, vector<16xi32>, vector<16xi1>
        tpu.vector_store %arg6[%swap3A_268], %add3A_267 masked %lt3A_260 {strides = array<i32>} : memref<12304xi32, #tpu.memory_space<vmem>>, vector<16xi32>, vector<16xi1>
        %add3A_270 = arith.addi %select_n3A_236, %squeeze3A_263 : i32
        %le3A_271 = arith.constant 12288 : i32
        %le3A_272 = arith.cmpi sle, %add3A_270, %le3A_271 : i32
        %add3A_273 = arith.addi %select_n3A_236, %squeeze3A_263 : i32
        %select_n3A_274 = arith.select %le3A_272, %add3A_273, %select_n3A_236 : i32
        %not3A_275 = arith.constant true
        %not3A_276 = arith.xori %le3A_272, %not3A_275 : i1
        %or3A_277 = arith.ori %or3A_239, %not3A_276 : i1
        %scan3A_278 = arith.constant 4 : i32
        %scan3A_279 = arith.addi %scan3A_132, %scan3A_278 : i32
        %mul3A_280 = arith.constant 1 : i32
        %mul3A_281 = arith.muli %scan3A_279, %mul3A_280 : i32
        %add3A_282 = arith.constant 0 : i32
        %add3A_283 = arith.addi %add3A_282, %mul3A_281 : i32
        %mul3A_284 = arith.constant 16 : i32
        %mul3A_285 = arith.muli %add3A_283, %mul3A_284 : i32
        %add3A_286 = arith.constant 7168 : i32
        %add3A_287 = arith.addi %add3A_286, %mul3A_285 : i32
        %get3A_288 = arith.index_cast %add3A_287 : i32 to index
        %get3A_289 = tpu.vector_load %arg4[%get3A_288] {strides = array<i32>} : memref<14336xi32, #tpu.memory_space<vmem>>, vector<16xi32>,
        %mul3A_290 = arith.constant 16 : i32
        %mul3A_291 = arith.muli %add3A_283, %mul3A_290 : i32
        %get3A_292 = arith.index_cast %mul3A_291 : i32 to index
        %get3A_293 = tpu.vector_load %arg4[%get3A_292] {strides = array<i32>} : memref<14336xi32, #tpu.memory_space<vmem>>, vector<16xi32>,
        %sub3A_294 = vector.broadcast %mul3A_2 : i32 to vector<16xi32>
        %sub3A_295 = arith.subi %get3A_289, %sub3A_294 : vector<16xi32>
        %lt3A_296 = arith.constant 128 : i32
        %lt3A_297 = vector.broadcast %lt3A_296 : i32 to vector<16xi32>
        %lt3A_298 = arith.cmpi ult, %sub3A_295, %lt3A_297 : vector<16xi32>
        %all_reduce_population_count3A_299 = tpu.all_reduce %lt3A_298 {dim = 0 : i64, kind = #tpu.reduction_kind<sum>} : vector<16xi1> -> vector<16xi32>
        %slice3A_300 = vector.extract_strided_slice %all_reduce_population_count3A_299 {offsets = [0], sizes = [1], strides = [1]} : vector<16xi32> to vector<1xi32>
        %squeeze3A_301 = vector.extract %slice3A_300[0] : i32 from vector<1xi32>
        %mul3A_302 = arith.constant 4096 : i32
        %mul3A_303 = vector.broadcast %mul3A_302 : i32 to vector<16xi32>
        %mul3A_304 = arith.muli %get3A_289, %mul3A_303 : vector<16xi32>
        %add3A_305 = arith.addi %mul3A_304, %get3A_293 : vector<16xi32>
        %swap3A_306 = arith.index_cast %select_n3A_274 : i32 to index
        %swap3A_307 = tpu.vector_load %arg6[%swap3A_306] masked %lt3A_298 {strides = array<i32>} : memref<12304xi32, #tpu.memory_space<vmem>>, vector<16xi32>, vector<16xi1>
        tpu.vector_store %arg6[%swap3A_306], %add3A_305 masked %lt3A_298 {strides = array<i32>} : memref<12304xi32, #tpu.memory_space<vmem>>, vector<16xi32>, vector<16xi1>
        %add3A_308 = arith.addi %select_n3A_274, %squeeze3A_301 : i32
        %le3A_309 = arith.constant 12288 : i32
        %le3A_310 = arith.cmpi sle, %add3A_308, %le3A_309 : i32
        %add3A_311 = arith.addi %select_n3A_274, %squeeze3A_301 : i32
        %select_n3A_312 = arith.select %le3A_310, %add3A_311, %select_n3A_274 : i32
        %not3A_313 = arith.constant true
        %not3A_314 = arith.xori %le3A_310, %not3A_313 : i1
        %or3A_315 = arith.ori %or3A_277, %not3A_314 : i1
        %scan3A_316 = arith.constant 5 : i32
        %scan3A_317 = arith.addi %scan3A_132, %scan3A_316 : i32
        %mul3A_318 = arith.constant 1 : i32
        %mul3A_319 = arith.muli %scan3A_317, %mul3A_318 : i32
        %add3A_320 = arith.constant 0 : i32
        %add3A_321 = arith.addi %add3A_320, %mul3A_319 : i32
        %mul3A_322 = arith.constant 16 : i32
        %mul3A_323 = arith.muli %add3A_321, %mul3A_322 : i32
        %add3A_324 = arith.constant 7168 : i32
        %add3A_325 = arith.addi %add3A_324, %mul3A_323 : i32
        %get3A_326 = arith.index_cast %add3A_325 : i32 to index
        %get3A_327 = tpu.vector_load %arg4[%get3A_326] {strides = array<i32>} : memref<14336xi32, #tpu.memory_space<vmem>>, vector<16xi32>,
        %mul3A_328 = arith.constant 16 : i32
        %mul3A_329 = arith.muli %add3A_321, %mul3A_328 : i32
        %get3A_330 = arith.index_cast %mul3A_329 : i32 to index
        %get3A_331 = tpu.vector_load %arg4[%get3A_330] {strides = array<i32>} : memref<14336xi32, #tpu.memory_space<vmem>>, vector<16xi32>,
        %sub3A_332 = vector.broadcast %mul3A_2 : i32 to vector<16xi32>
        %sub3A_333 = arith.subi %get3A_327, %sub3A_332 : vector<16xi32>
        %lt3A_334 = arith.constant 128 : i32
        %lt3A_335 = vector.broadcast %lt3A_334 : i32 to vector<16xi32>
        %lt3A_336 = arith.cmpi ult, %sub3A_333, %lt3A_335 : vector<16xi32>
        %all_reduce_population_count3A_337 = tpu.all_reduce %lt3A_336 {dim = 0 : i64, kind = #tpu.reduction_kind<sum>} : vector<16xi1> -> vector<16xi32>
        %slice3A_338 = vector.extract_strided_slice %all_reduce_population_count3A_337 {offsets = [0], sizes = [1], strides = [1]} : vector<16xi32> to vector<1xi32>
        %squeeze3A_339 = vector.extract %slice3A_338[0] : i32 from vector<1xi32>
        %mul3A_340 = arith.constant 4096 : i32
        %mul3A_341 = vector.broadcast %mul3A_340 : i32 to vector<16xi32>
        %mul3A_342 = arith.muli %get3A_327, %mul3A_341 : vector<16xi32>
        %add3A_343 = arith.addi %mul3A_342, %get3A_331 : vector<16xi32>
        %swap3A_344 = arith.index_cast %select_n3A_312 : i32 to index
        %swap3A_345 = tpu.vector_load %arg6[%swap3A_344] masked %lt3A_336 {strides = array<i32>} : memref<12304xi32, #tpu.memory_space<vmem>>, vector<16xi32>, vector<16xi1>
        tpu.vector_store %arg6[%swap3A_344], %add3A_343 masked %lt3A_336 {strides = array<i32>} : memref<12304xi32, #tpu.memory_space<vmem>>, vector<16xi32>, vector<16xi1>
        %add3A_346 = arith.addi %select_n3A_312, %squeeze3A_339 : i32
        %le3A_347 = arith.constant 12288 : i32
        %le3A_348 = arith.cmpi sle, %add3A_346, %le3A_347 : i32
        %add3A_349 = arith.addi %select_n3A_312, %squeeze3A_339 : i32
        %select_n3A_350 = arith.select %le3A_348, %add3A_349, %select_n3A_312 : i32
        %not3A_351 = arith.constant true
        %not3A_352 = arith.xori %le3A_348, %not3A_351 : i1
        %or3A_353 = arith.ori %or3A_315, %not3A_352 : i1
        %scan3A_354 = arith.constant 6 : i32
        %scan3A_355 = arith.addi %scan3A_132, %scan3A_354 : i32
        %mul3A_356 = arith.constant 1 : i32
        %mul3A_357 = arith.muli %scan3A_355, %mul3A_356 : i32
        %add3A_358 = arith.constant 0 : i32
        %add3A_359 = arith.addi %add3A_358, %mul3A_357 : i32
        %mul3A_360 = arith.constant 16 : i32
        %mul3A_361 = arith.muli %add3A_359, %mul3A_360 : i32
        %add3A_362 = arith.constant 7168 : i32
        %add3A_363 = arith.addi %add3A_362, %mul3A_361 : i32
        %get3A_364 = arith.index_cast %add3A_363 : i32 to index
        %get3A_365 = tpu.vector_load %arg4[%get3A_364] {strides = array<i32>} : memref<14336xi32, #tpu.memory_space<vmem>>, vector<16xi32>,
        %mul3A_366 = arith.constant 16 : i32
        %mul3A_367 = arith.muli %add3A_359, %mul3A_366 : i32
        %get3A_368 = arith.index_cast %mul3A_367 : i32 to index
        %get3A_369 = tpu.vector_load %arg4[%get3A_368] {strides = array<i32>} : memref<14336xi32, #tpu.memory_space<vmem>>, vector<16xi32>,
        %sub3A_370 = vector.broadcast %mul3A_2 : i32 to vector<16xi32>
        %sub3A_371 = arith.subi %get3A_365, %sub3A_370 : vector<16xi32>
        %lt3A_372 = arith.constant 128 : i32
        %lt3A_373 = vector.broadcast %lt3A_372 : i32 to vector<16xi32>
        %lt3A_374 = arith.cmpi ult, %sub3A_371, %lt3A_373 : vector<16xi32>
        %all_reduce_population_count3A_375 = tpu.all_reduce %lt3A_374 {dim = 0 : i64, kind = #tpu.reduction_kind<sum>} : vector<16xi1> -> vector<16xi32>
        %slice3A_376 = vector.extract_strided_slice %all_reduce_population_count3A_375 {offsets = [0], sizes = [1], strides = [1]} : vector<16xi32> to vector<1xi32>
        %squeeze3A_377 = vector.extract %slice3A_376[0] : i32 from vector<1xi32>
        %mul3A_378 = arith.constant 4096 : i32
        %mul3A_379 = vector.broadcast %mul3A_378 : i32 to vector<16xi32>
        %mul3A_380 = arith.muli %get3A_365, %mul3A_379 : vector<16xi32>
        %add3A_381 = arith.addi %mul3A_380, %get3A_369 : vector<16xi32>
        %swap3A_382 = arith.index_cast %select_n3A_350 : i32 to index
        %swap3A_383 = tpu.vector_load %arg6[%swap3A_382] masked %lt3A_374 {strides = array<i32>} : memref<12304xi32, #tpu.memory_space<vmem>>, vector<16xi32>, vector<16xi1>
        tpu.vector_store %arg6[%swap3A_382], %add3A_381 masked %lt3A_374 {strides = array<i32>} : memref<12304xi32, #tpu.memory_space<vmem>>, vector<16xi32>, vector<16xi1>
        %add3A_384 = arith.addi %select_n3A_350, %squeeze3A_377 : i32
        %le3A_385 = arith.constant 12288 : i32
        %le3A_386 = arith.cmpi sle, %add3A_384, %le3A_385 : i32
        %add3A_387 = arith.addi %select_n3A_350, %squeeze3A_377 : i32
        %select_n3A_388 = arith.select %le3A_386, %add3A_387, %select_n3A_350 : i32
        %not3A_389 = arith.constant true
        %not3A_390 = arith.xori %le3A_386, %not3A_389 : i1
        %or3A_391 = arith.ori %or3A_353, %not3A_390 : i1
        %scan3A_392 = arith.constant 7 : i32
        %scan3A_393 = arith.addi %scan3A_132, %scan3A_392 : i32
        %mul3A_394 = arith.constant 1 : i32
        %mul3A_395 = arith.muli %scan3A_393, %mul3A_394 : i32
        %add3A_396 = arith.constant 0 : i32
        %add3A_397 = arith.addi %add3A_396, %mul3A_395 : i32
        %mul3A_398 = arith.constant 16 : i32
        %mul3A_399 = arith.muli %add3A_397, %mul3A_398 : i32
        %add3A_400 = arith.constant 7168 : i32
        %add3A_401 = arith.addi %add3A_400, %mul3A_399 : i32
        %get3A_402 = arith.index_cast %add3A_401 : i32 to index
        %get3A_403 = tpu.vector_load %arg4[%get3A_402] {strides = array<i32>} : memref<14336xi32, #tpu.memory_space<vmem>>, vector<16xi32>,
        %mul3A_404 = arith.constant 16 : i32
        %mul3A_405 = arith.muli %add3A_397, %mul3A_404 : i32
        %get3A_406 = arith.index_cast %mul3A_405 : i32 to index
        %get3A_407 = tpu.vector_load %arg4[%get3A_406] {strides = array<i32>} : memref<14336xi32, #tpu.memory_space<vmem>>, vector<16xi32>,
        %sub3A_408 = vector.broadcast %mul3A_2 : i32 to vector<16xi32>
        %sub3A_409 = arith.subi %get3A_403, %sub3A_408 : vector<16xi32>
        %lt3A_410 = arith.constant 128 : i32
        %lt3A_411 = vector.broadcast %lt3A_410 : i32 to vector<16xi32>
        %lt3A_412 = arith.cmpi ult, %sub3A_409, %lt3A_411 : vector<16xi32>
        %all_reduce_population_count3A_413 = tpu.all_reduce %lt3A_412 {dim = 0 : i64, kind = #tpu.reduction_kind<sum>} : vector<16xi1> -> vector<16xi32>
        %slice3A_414 = vector.extract_strided_slice %all_reduce_population_count3A_413 {offsets = [0], sizes = [1], strides = [1]} : vector<16xi32> to vector<1xi32>
        %squeeze3A_415 = vector.extract %slice3A_414[0] : i32 from vector<1xi32>
        %mul3A_416 = arith.constant 4096 : i32
        %mul3A_417 = vector.broadcast %mul3A_416 : i32 to vector<16xi32>
        %mul3A_418 = arith.muli %get3A_403, %mul3A_417 : vector<16xi32>
        %add3A_419 = arith.addi %mul3A_418, %get3A_407 : vector<16xi32>
        %swap3A_420 = arith.index_cast %select_n3A_388 : i32 to index
        %swap3A_421 = tpu.vector_load %arg6[%swap3A_420] masked %lt3A_412 {strides = array<i32>} : memref<12304xi32, #tpu.memory_space<vmem>>, vector<16xi32>, vector<16xi1>
        tpu.vector_store %arg6[%swap3A_420], %add3A_419 masked %lt3A_412 {strides = array<i32>} : memref<12304xi32, #tpu.memory_space<vmem>>, vector<16xi32>, vector<16xi1>
        %add3A_422 = arith.addi %select_n3A_388, %squeeze3A_415 : i32
        %le3A_423 = arith.constant 12288 : i32
        %le3A_424 = arith.cmpi sle, %add3A_422, %le3A_423 : i32
        %add3A_425 = arith.addi %select_n3A_388, %squeeze3A_415 : i32
        %select_n3A_426 = arith.select %le3A_424, %add3A_425, %select_n3A_388 : i32
        %not3A_427 = arith.constant true
        %not3A_428 = arith.xori %le3A_424, %not3A_427 : i1
        %or3A_429 = arith.ori %or3A_391, %not3A_428 : i1
        %scan3A_430 = arith.constant 8 : i32
        %scan3A_431 = arith.addi %scan3A_132, %scan3A_430 : i32
        %mul3A_432 = arith.constant 1 : i32
        %mul3A_433 = arith.muli %scan3A_431, %mul3A_432 : i32
        %add3A_434 = arith.constant 0 : i32
        %add3A_435 = arith.addi %add3A_434, %mul3A_433 : i32
        %mul3A_436 = arith.constant 16 : i32
        %mul3A_437 = arith.muli %add3A_435, %mul3A_436 : i32
        %add3A_438 = arith.constant 7168 : i32
        %add3A_439 = arith.addi %add3A_438, %mul3A_437 : i32
        %get3A_440 = arith.index_cast %add3A_439 : i32 to index
        %get3A_441 = tpu.vector_load %arg4[%get3A_440] {strides = array<i32>} : memref<14336xi32, #tpu.memory_space<vmem>>, vector<16xi32>,
        %mul3A_442 = arith.constant 16 : i32
        %mul3A_443 = arith.muli %add3A_435, %mul3A_442 : i32
        %get3A_444 = arith.index_cast %mul3A_443 : i32 to index
        %get3A_445 = tpu.vector_load %arg4[%get3A_444] {strides = array<i32>} : memref<14336xi32, #tpu.memory_space<vmem>>, vector<16xi32>,
        %sub3A_446 = vector.broadcast %mul3A_2 : i32 to vector<16xi32>
        %sub3A_447 = arith.subi %get3A_441, %sub3A_446 : vector<16xi32>
        %lt3A_448 = arith.constant 128 : i32
        %lt3A_449 = vector.broadcast %lt3A_448 : i32 to vector<16xi32>
        %lt3A_450 = arith.cmpi ult, %sub3A_447, %lt3A_449 : vector<16xi32>
        %all_reduce_population_count3A_451 = tpu.all_reduce %lt3A_450 {dim = 0 : i64, kind = #tpu.reduction_kind<sum>} : vector<16xi1> -> vector<16xi32>
        %slice3A_452 = vector.extract_strided_slice %all_reduce_population_count3A_451 {offsets = [0], sizes = [1], strides = [1]} : vector<16xi32> to vector<1xi32>
        %squeeze3A_453 = vector.extract %slice3A_452[0] : i32 from vector<1xi32>
        %mul3A_454 = arith.constant 4096 : i32
        %mul3A_455 = vector.broadcast %mul3A_454 : i32 to vector<16xi32>
        %mul3A_456 = arith.muli %get3A_441, %mul3A_455 : vector<16xi32>
        %add3A_457 = arith.addi %mul3A_456, %get3A_445 : vector<16xi32>
        %swap3A_458 = arith.index_cast %select_n3A_426 : i32 to index
        %swap3A_459 = tpu.vector_load %arg6[%swap3A_458] masked %lt3A_450 {strides = array<i32>} : memref<12304xi32, #tpu.memory_space<vmem>>, vector<16xi32>, vector<16xi1>
        tpu.vector_store %arg6[%swap3A_458], %add3A_457 masked %lt3A_450 {strides = array<i32>} : memref<12304xi32, #tpu.memory_space<vmem>>, vector<16xi32>, vector<16xi1>
        %add3A_460 = arith.addi %select_n3A_426, %squeeze3A_453 : i32
        %le3A_461 = arith.constant 12288 : i32
        %le3A_462 = arith.cmpi sle, %add3A_460, %le3A_461 : i32
        %add3A_463 = arith.addi %select_n3A_426, %squeeze3A_453 : i32
        %select_n3A_464 = arith.select %le3A_462, %add3A_463, %select_n3A_426 : i32
        %not3A_465 = arith.constant true
        %not3A_466 = arith.xori %le3A_462, %not3A_465 : i1
        %or3A_467 = arith.ori %or3A_429, %not3A_466 : i1
        %scan3A_468 = arith.constant 9 : i32
        %scan3A_469 = arith.addi %scan3A_132, %scan3A_468 : i32
        %mul3A_470 = arith.constant 1 : i32
        %mul3A_471 = arith.muli %scan3A_469, %mul3A_470 : i32
        %add3A_472 = arith.constant 0 : i32
        %add3A_473 = arith.addi %add3A_472, %mul3A_471 : i32
        %mul3A_474 = arith.constant 16 : i32
        %mul3A_475 = arith.muli %add3A_473, %mul3A_474 : i32
        %add3A_476 = arith.constant 7168 : i32
        %add3A_477 = arith.addi %add3A_476, %mul3A_475 : i32
        %get3A_478 = arith.index_cast %add3A_477 : i32 to index
        %get3A_479 = tpu.vector_load %arg4[%get3A_478] {strides = array<i32>} : memref<14336xi32, #tpu.memory_space<vmem>>, vector<16xi32>,
        %mul3A_480 = arith.constant 16 : i32
        %mul3A_481 = arith.muli %add3A_473, %mul3A_480 : i32
        %get3A_482 = arith.index_cast %mul3A_481 : i32 to index
        %get3A_483 = tpu.vector_load %arg4[%get3A_482] {strides = array<i32>} : memref<14336xi32, #tpu.memory_space<vmem>>, vector<16xi32>,
        %sub3A_484 = vector.broadcast %mul3A_2 : i32 to vector<16xi32>
        %sub3A_485 = arith.subi %get3A_479, %sub3A_484 : vector<16xi32>
        %lt3A_486 = arith.constant 128 : i32
        %lt3A_487 = vector.broadcast %lt3A_486 : i32 to vector<16xi32>
        %lt3A_488 = arith.cmpi ult, %sub3A_485, %lt3A_487 : vector<16xi32>
        %all_reduce_population_count3A_489 = tpu.all_reduce %lt3A_488 {dim = 0 : i64, kind = #tpu.reduction_kind<sum>} : vector<16xi1> -> vector<16xi32>
        %slice3A_490 = vector.extract_strided_slice %all_reduce_population_count3A_489 {offsets = [0], sizes = [1], strides = [1]} : vector<16xi32> to vector<1xi32>
        %squeeze3A_491 = vector.extract %slice3A_490[0] : i32 from vector<1xi32>
        %mul3A_492 = arith.constant 4096 : i32
        %mul3A_493 = vector.broadcast %mul3A_492 : i32 to vector<16xi32>
        %mul3A_494 = arith.muli %get3A_479, %mul3A_493 : vector<16xi32>
        %add3A_495 = arith.addi %mul3A_494, %get3A_483 : vector<16xi32>
        %swap3A_496 = arith.index_cast %select_n3A_464 : i32 to index
        %swap3A_497 = tpu.vector_load %arg6[%swap3A_496] masked %lt3A_488 {strides = array<i32>} : memref<12304xi32, #tpu.memory_space<vmem>>, vector<16xi32>, vector<16xi1>
        tpu.vector_store %arg6[%swap3A_496], %add3A_495 masked %lt3A_488 {strides = array<i32>} : memref<12304xi32, #tpu.memory_space<vmem>>, vector<16xi32>, vector<16xi1>
        %add3A_498 = arith.addi %select_n3A_464, %squeeze3A_491 : i32
        %le3A_499 = arith.constant 12288 : i32
        %le3A_500 = arith.cmpi sle, %add3A_498, %le3A_499 : i32
        %add3A_501 = arith.addi %select_n3A_464, %squeeze3A_491 : i32
        %select_n3A_502 = arith.select %le3A_500, %add3A_501, %select_n3A_464 : i32
        %not3A_503 = arith.constant true
        %not3A_504 = arith.xori %le3A_500, %not3A_503 : i1
        %or3A_505 = arith.ori %or3A_467, %not3A_504 : i1
        %scan3A_506 = arith.constant 10 : i32
        %scan3A_507 = arith.addi %scan3A_132, %scan3A_506 : i32
        %mul3A_508 = arith.constant 1 : i32
        %mul3A_509 = arith.muli %scan3A_507, %mul3A_508 : i32
        %add3A_510 = arith.constant 0 : i32
        %add3A_511 = arith.addi %add3A_510, %mul3A_509 : i32
        %mul3A_512 = arith.constant 16 : i32
        %mul3A_513 = arith.muli %add3A_511, %mul3A_512 : i32
        %add3A_514 = arith.constant 7168 : i32
        %add3A_515 = arith.addi %add3A_514, %mul3A_513 : i32
        %get3A_516 = arith.index_cast %add3A_515 : i32 to index
        %get3A_517 = tpu.vector_load %arg4[%get3A_516] {strides = array<i32>} : memref<14336xi32, #tpu.memory_space<vmem>>, vector<16xi32>,
        %mul3A_518 = arith.constant 16 : i32
        %mul3A_519 = arith.muli %add3A_511, %mul3A_518 : i32
        %get3A_520 = arith.index_cast %mul3A_519 : i32 to index
        %get3A_521 = tpu.vector_load %arg4[%get3A_520] {strides = array<i32>} : memref<14336xi32, #tpu.memory_space<vmem>>, vector<16xi32>,
        %sub3A_522 = vector.broadcast %mul3A_2 : i32 to vector<16xi32>
        %sub3A_523 = arith.subi %get3A_517, %sub3A_522 : vector<16xi32>
        %lt3A_524 = arith.constant 128 : i32
        %lt3A_525 = vector.broadcast %lt3A_524 : i32 to vector<16xi32>
        %lt3A_526 = arith.cmpi ult, %sub3A_523, %lt3A_525 : vector<16xi32>
        %all_reduce_population_count3A_527 = tpu.all_reduce %lt3A_526 {dim = 0 : i64, kind = #tpu.reduction_kind<sum>} : vector<16xi1> -> vector<16xi32>
        %slice3A_528 = vector.extract_strided_slice %all_reduce_population_count3A_527 {offsets = [0], sizes = [1], strides = [1]} : vector<16xi32> to vector<1xi32>
        %squeeze3A_529 = vector.extract %slice3A_528[0] : i32 from vector<1xi32>
        %mul3A_530 = arith.constant 4096 : i32
        %mul3A_531 = vector.broadcast %mul3A_530 : i32 to vector<16xi32>
        %mul3A_532 = arith.muli %get3A_517, %mul3A_531 : vector<16xi32>
        %add3A_533 = arith.addi %mul3A_532, %get3A_521 : vector<16xi32>
        %swap3A_534 = arith.index_cast %select_n3A_502 : i32 to index
        %swap3A_535 = tpu.vector_load %arg6[%swap3A_534] masked %lt3A_526 {strides = array<i32>} : memref<12304xi32, #tpu.memory_space<vmem>>, vector<16xi32>, vector<16xi1>
        tpu.vector_store %arg6[%swap3A_534], %add3A_533 masked %lt3A_526 {strides = array<i32>} : memref<12304xi32, #tpu.memory_space<vmem>>, vector<16xi32>, vector<16xi1>
        %add3A_536 = arith.addi %select_n3A_502, %squeeze3A_529 : i32
        %le3A_537 = arith.constant 12288 : i32
        %le3A_538 = arith.cmpi sle, %add3A_536, %le3A_537 : i32
        %add3A_539 = arith.addi %select_n3A_502, %squeeze3A_529 : i32
        %select_n3A_540 = arith.select %le3A_538, %add3A_539, %select_n3A_502 : i32
        %not3A_541 = arith.constant true
        %not3A_542 = arith.xori %le3A_538, %not3A_541 : i1
        %or3A_543 = arith.ori %or3A_505, %not3A_542 : i1
        %scan3A_544 = arith.constant 11 : i32
        %scan3A_545 = arith.addi %scan3A_132, %scan3A_544 : i32
        %mul3A_546 = arith.constant 1 : i32
        %mul3A_547 = arith.muli %scan3A_545, %mul3A_546 : i32
        %add3A_548 = arith.constant 0 : i32
        %add3A_549 = arith.addi %add3A_548, %mul3A_547 : i32
        %mul3A_550 = arith.constant 16 : i32
        %mul3A_551 = arith.muli %add3A_549, %mul3A_550 : i32
        %add3A_552 = arith.constant 7168 : i32
        %add3A_553 = arith.addi %add3A_552, %mul3A_551 : i32
        %get3A_554 = arith.index_cast %add3A_553 : i32 to index
        %get3A_555 = tpu.vector_load %arg4[%get3A_554] {strides = array<i32>} : memref<14336xi32, #tpu.memory_space<vmem>>, vector<16xi32>,
        %mul3A_556 = arith.constant 16 : i32
        %mul3A_557 = arith.muli %add3A_549, %mul3A_556 : i32
        %get3A_558 = arith.index_cast %mul3A_557 : i32 to index
        %get3A_559 = tpu.vector_load %arg4[%get3A_558] {strides = array<i32>} : memref<14336xi32, #tpu.memory_space<vmem>>, vector<16xi32>,
        %sub3A_560 = vector.broadcast %mul3A_2 : i32 to vector<16xi32>
        %sub3A_561 = arith.subi %get3A_555, %sub3A_560 : vector<16xi32>
        %lt3A_562 = arith.constant 128 : i32
        %lt3A_563 = vector.broadcast %lt3A_562 : i32 to vector<16xi32>
        %lt3A_564 = arith.cmpi ult, %sub3A_561, %lt3A_563 : vector<16xi32>
        %all_reduce_population_count3A_565 = tpu.all_reduce %lt3A_564 {dim = 0 : i64, kind = #tpu.reduction_kind<sum>} : vector<16xi1> -> vector<16xi32>
        %slice3A_566 = vector.extract_strided_slice %all_reduce_population_count3A_565 {offsets = [0], sizes = [1], strides = [1]} : vector<16xi32> to vector<1xi32>
        %squeeze3A_567 = vector.extract %slice3A_566[0] : i32 from vector<1xi32>
        %mul3A_568 = arith.constant 4096 : i32
        %mul3A_569 = vector.broadcast %mul3A_568 : i32 to vector<16xi32>
        %mul3A_570 = arith.muli %get3A_555, %mul3A_569 : vector<16xi32>
        %add3A_571 = arith.addi %mul3A_570, %get3A_559 : vector<16xi32>
        %swap3A_572 = arith.index_cast %select_n3A_540 : i32 to index
        %swap3A_573 = tpu.vector_load %arg6[%swap3A_572] masked %lt3A_564 {strides = array<i32>} : memref<12304xi32, #tpu.memory_space<vmem>>, vector<16xi32>, vector<16xi1>
        tpu.vector_store %arg6[%swap3A_572], %add3A_571 masked %lt3A_564 {strides = array<i32>} : memref<12304xi32, #tpu.memory_space<vmem>>, vector<16xi32>, vector<16xi1>
        %add3A_574 = arith.addi %select_n3A_540, %squeeze3A_567 : i32
        %le3A_575 = arith.constant 12288 : i32
        %le3A_576 = arith.cmpi sle, %add3A_574, %le3A_575 : i32
        %add3A_577 = arith.addi %select_n3A_540, %squeeze3A_567 : i32
        %select_n3A_578 = arith.select %le3A_576, %add3A_577, %select_n3A_540 : i32
        %not3A_579 = arith.constant true
        %not3A_580 = arith.xori %le3A_576, %not3A_579 : i1
        %or3A_581 = arith.ori %or3A_543, %not3A_580 : i1
        %scan3A_582 = arith.constant 12 : i32
        %scan3A_583 = arith.addi %scan3A_132, %scan3A_582 : i32
        %mul3A_584 = arith.constant 1 : i32
        %mul3A_585 = arith.muli %scan3A_583, %mul3A_584 : i32
        %add3A_586 = arith.constant 0 : i32
        %add3A_587 = arith.addi %add3A_586, %mul3A_585 : i32
        %mul3A_588 = arith.constant 16 : i32
        %mul3A_589 = arith.muli %add3A_587, %mul3A_588 : i32
        %add3A_590 = arith.constant 7168 : i32
        %add3A_591 = arith.addi %add3A_590, %mul3A_589 : i32
        %get3A_592 = arith.index_cast %add3A_591 : i32 to index
        %get3A_593 = tpu.vector_load %arg4[%get3A_592] {strides = array<i32>} : memref<14336xi32, #tpu.memory_space<vmem>>, vector<16xi32>,
        %mul3A_594 = arith.constant 16 : i32
        %mul3A_595 = arith.muli %add3A_587, %mul3A_594 : i32
        %get3A_596 = arith.index_cast %mul3A_595 : i32 to index
        %get3A_597 = tpu.vector_load %arg4[%get3A_596] {strides = array<i32>} : memref<14336xi32, #tpu.memory_space<vmem>>, vector<16xi32>,
        %sub3A_598 = vector.broadcast %mul3A_2 : i32 to vector<16xi32>
        %sub3A_599 = arith.subi %get3A_593, %sub3A_598 : vector<16xi32>
        %lt3A_600 = arith.constant 128 : i32
        %lt3A_601 = vector.broadcast %lt3A_600 : i32 to vector<16xi32>
        %lt3A_602 = arith.cmpi ult, %sub3A_599, %lt3A_601 : vector<16xi32>
        %all_reduce_population_count3A_603 = tpu.all_reduce %lt3A_602 {dim = 0 : i64, kind = #tpu.reduction_kind<sum>} : vector<16xi1> -> vector<16xi32>
        %slice3A_604 = vector.extract_strided_slice %all_reduce_population_count3A_603 {offsets = [0], sizes = [1], strides = [1]} : vector<16xi32> to vector<1xi32>
        %squeeze3A_605 = vector.extract %slice3A_604[0] : i32 from vector<1xi32>
        %mul3A_606 = arith.constant 4096 : i32
        %mul3A_607 = vector.broadcast %mul3A_606 : i32 to vector<16xi32>
        %mul3A_608 = arith.muli %get3A_593, %mul3A_607 : vector<16xi32>
        %add3A_609 = arith.addi %mul3A_608, %get3A_597 : vector<16xi32>
        %swap3A_610 = arith.index_cast %select_n3A_578 : i32 to index
        %swap3A_611 = tpu.vector_load %arg6[%swap3A_610] masked %lt3A_602 {strides = array<i32>} : memref<12304xi32, #tpu.memory_space<vmem>>, vector<16xi32>, vector<16xi1>
        tpu.vector_store %arg6[%swap3A_610], %add3A_609 masked %lt3A_602 {strides = array<i32>} : memref<12304xi32, #tpu.memory_space<vmem>>, vector<16xi32>, vector<16xi1>
        %add3A_612 = arith.addi %select_n3A_578, %squeeze3A_605 : i32
        %le3A_613 = arith.constant 12288 : i32
        %le3A_614 = arith.cmpi sle, %add3A_612, %le3A_613 : i32
        %add3A_615 = arith.addi %select_n3A_578, %squeeze3A_605 : i32
        %select_n3A_616 = arith.select %le3A_614, %add3A_615, %select_n3A_578 : i32
        %not3A_617 = arith.constant true
        %not3A_618 = arith.xori %le3A_614, %not3A_617 : i1
        %or3A_619 = arith.ori %or3A_581, %not3A_618 : i1
        %scan3A_620 = arith.constant 13 : i32
        %scan3A_621 = arith.addi %scan3A_132, %scan3A_620 : i32
        %mul3A_622 = arith.constant 1 : i32
        %mul3A_623 = arith.muli %scan3A_621, %mul3A_622 : i32
        %add3A_624 = arith.constant 0 : i32
        %add3A_625 = arith.addi %add3A_624, %mul3A_623 : i32
        %mul3A_626 = arith.constant 16 : i32
        %mul3A_627 = arith.muli %add3A_625, %mul3A_626 : i32
        %add3A_628 = arith.constant 7168 : i32
        %add3A_629 = arith.addi %add3A_628, %mul3A_627 : i32
        %get3A_630 = arith.index_cast %add3A_629 : i32 to index
        %get3A_631 = tpu.vector_load %arg4[%get3A_630] {strides = array<i32>} : memref<14336xi32, #tpu.memory_space<vmem>>, vector<16xi32>,
        %mul3A_632 = arith.constant 16 : i32
        %mul3A_633 = arith.muli %add3A_625, %mul3A_632 : i32
        %get3A_634 = arith.index_cast %mul3A_633 : i32 to index
        %get3A_635 = tpu.vector_load %arg4[%get3A_634] {strides = array<i32>} : memref<14336xi32, #tpu.memory_space<vmem>>, vector<16xi32>,
        %sub3A_636 = vector.broadcast %mul3A_2 : i32 to vector<16xi32>
        %sub3A_637 = arith.subi %get3A_631, %sub3A_636 : vector<16xi32>
        %lt3A_638 = arith.constant 128 : i32
        %lt3A_639 = vector.broadcast %lt3A_638 : i32 to vector<16xi32>
        %lt3A_640 = arith.cmpi ult, %sub3A_637, %lt3A_639 : vector<16xi32>
        %all_reduce_population_count3A_641 = tpu.all_reduce %lt3A_640 {dim = 0 : i64, kind = #tpu.reduction_kind<sum>} : vector<16xi1> -> vector<16xi32>
        %slice3A_642 = vector.extract_strided_slice %all_reduce_population_count3A_641 {offsets = [0], sizes = [1], strides = [1]} : vector<16xi32> to vector<1xi32>
        %squeeze3A_643 = vector.extract %slice3A_642[0] : i32 from vector<1xi32>
        %mul3A_644 = arith.constant 4096 : i32
        %mul3A_645 = vector.broadcast %mul3A_644 : i32 to vector<16xi32>
        %mul3A_646 = arith.muli %get3A_631, %mul3A_645 : vector<16xi32>
        %add3A_647 = arith.addi %mul3A_646, %get3A_635 : vector<16xi32>
        %swap3A_648 = arith.index_cast %select_n3A_616 : i32 to index
        %swap3A_649 = tpu.vector_load %arg6[%swap3A_648] masked %lt3A_640 {strides = array<i32>} : memref<12304xi32, #tpu.memory_space<vmem>>, vector<16xi32>, vector<16xi1>
        tpu.vector_store %arg6[%swap3A_648], %add3A_647 masked %lt3A_640 {strides = array<i32>} : memref<12304xi32, #tpu.memory_space<vmem>>, vector<16xi32>, vector<16xi1>
        %add3A_650 = arith.addi %select_n3A_616, %squeeze3A_643 : i32
        %le3A_651 = arith.constant 12288 : i32
        %le3A_652 = arith.cmpi sle, %add3A_650, %le3A_651 : i32
        %add3A_653 = arith.addi %select_n3A_616, %squeeze3A_643 : i32
        %select_n3A_654 = arith.select %le3A_652, %add3A_653, %select_n3A_616 : i32
        %not3A_655 = arith.constant true
        %not3A_656 = arith.xori %le3A_652, %not3A_655 : i1
        %or3A_657 = arith.ori %or3A_619, %not3A_656 : i1
        %scan3A_658 = arith.constant 14 : i32
        %scan3A_659 = arith.addi %scan3A_132, %scan3A_658 : i32
        %mul3A_660 = arith.constant 1 : i32
        %mul3A_661 = arith.muli %scan3A_659, %mul3A_660 : i32
        %add3A_662 = arith.constant 0 : i32
        %add3A_663 = arith.addi %add3A_662, %mul3A_661 : i32
        %mul3A_664 = arith.constant 16 : i32
        %mul3A_665 = arith.muli %add3A_663, %mul3A_664 : i32
        %add3A_666 = arith.constant 7168 : i32
        %add3A_667 = arith.addi %add3A_666, %mul3A_665 : i32
        %get3A_668 = arith.index_cast %add3A_667 : i32 to index
        %get3A_669 = tpu.vector_load %arg4[%get3A_668] {strides = array<i32>} : memref<14336xi32, #tpu.memory_space<vmem>>, vector<16xi32>,
        %mul3A_670 = arith.constant 16 : i32
        %mul3A_671 = arith.muli %add3A_663, %mul3A_670 : i32
        %get3A_672 = arith.index_cast %mul3A_671 : i32 to index
        %get3A_673 = tpu.vector_load %arg4[%get3A_672] {strides = array<i32>} : memref<14336xi32, #tpu.memory_space<vmem>>, vector<16xi32>,
        %sub3A_674 = vector.broadcast %mul3A_2 : i32 to vector<16xi32>
        %sub3A_675 = arith.subi %get3A_669, %sub3A_674 : vector<16xi32>
        %lt3A_676 = arith.constant 128 : i32
        %lt3A_677 = vector.broadcast %lt3A_676 : i32 to vector<16xi32>
        %lt3A_678 = arith.cmpi ult, %sub3A_675, %lt3A_677 : vector<16xi32>
        %all_reduce_population_count3A_679 = tpu.all_reduce %lt3A_678 {dim = 0 : i64, kind = #tpu.reduction_kind<sum>} : vector<16xi1> -> vector<16xi32>
        %slice3A_680 = vector.extract_strided_slice %all_reduce_population_count3A_679 {offsets = [0], sizes = [1], strides = [1]} : vector<16xi32> to vector<1xi32>
        %squeeze3A_681 = vector.extract %slice3A_680[0] : i32 from vector<1xi32>
        %mul3A_682 = arith.constant 4096 : i32
        %mul3A_683 = vector.broadcast %mul3A_682 : i32 to vector<16xi32>
        %mul3A_684 = arith.muli %get3A_669, %mul3A_683 : vector<16xi32>
        %add3A_685 = arith.addi %mul3A_684, %get3A_673 : vector<16xi32>
        %swap3A_686 = arith.index_cast %select_n3A_654 : i32 to index
        %swap3A_687 = tpu.vector_load %arg6[%swap3A_686] masked %lt3A_678 {strides = array<i32>} : memref<12304xi32, #tpu.memory_space<vmem>>, vector<16xi32>, vector<16xi1>
        tpu.vector_store %arg6[%swap3A_686], %add3A_685 masked %lt3A_678 {strides = array<i32>} : memref<12304xi32, #tpu.memory_space<vmem>>, vector<16xi32>, vector<16xi1>
        %add3A_688 = arith.addi %select_n3A_654, %squeeze3A_681 : i32
        %le3A_689 = arith.constant 12288 : i32
        %le3A_690 = arith.cmpi sle, %add3A_688, %le3A_689 : i32
        %add3A_691 = arith.addi %select_n3A_654, %squeeze3A_681 : i32
        %select_n3A_692 = arith.select %le3A_690, %add3A_691, %select_n3A_654 : i32
        %not3A_693 = arith.constant true
        %not3A_694 = arith.xori %le3A_690, %not3A_693 : i1
        %or3A_695 = arith.ori %or3A_657, %not3A_694 : i1
        %scan3A_696 = arith.constant 15 : i32
        %scan3A_697 = arith.addi %scan3A_132, %scan3A_696 : i32
        %mul3A_698 = arith.constant 1 : i32
        %mul3A_699 = arith.muli %scan3A_697, %mul3A_698 : i32
        %add3A_700 = arith.constant 0 : i32
        %add3A_701 = arith.addi %add3A_700, %mul3A_699 : i32
        %mul3A_702 = arith.constant 16 : i32
        %mul3A_703 = arith.muli %add3A_701, %mul3A_702 : i32
        %add3A_704 = arith.constant 7168 : i32
        %add3A_705 = arith.addi %add3A_704, %mul3A_703 : i32
        %get3A_706 = arith.index_cast %add3A_705 : i32 to index
        %get3A_707 = tpu.vector_load %arg4[%get3A_706] {strides = array<i32>} : memref<14336xi32, #tpu.memory_space<vmem>>, vector<16xi32>,
        %mul3A_708 = arith.constant 16 : i32
        %mul3A_709 = arith.muli %add3A_701, %mul3A_708 : i32
        %get3A_710 = arith.index_cast %mul3A_709 : i32 to index
        %get3A_711 = tpu.vector_load %arg4[%get3A_710] {strides = array<i32>} : memref<14336xi32, #tpu.memory_space<vmem>>, vector<16xi32>,
        %sub3A_712 = vector.broadcast %mul3A_2 : i32 to vector<16xi32>
        %sub3A_713 = arith.subi %get3A_707, %sub3A_712 : vector<16xi32>
        %lt3A_714 = arith.constant 128 : i32
        %lt3A_715 = vector.broadcast %lt3A_714 : i32 to vector<16xi32>
        %lt3A_716 = arith.cmpi ult, %sub3A_713, %lt3A_715 : vector<16xi32>
        %all_reduce_population_count3A_717 = tpu.all_reduce %lt3A_716 {dim = 0 : i64, kind = #tpu.reduction_kind<sum>} : vector<16xi1> -> vector<16xi32>
        %slice3A_718 = vector.extract_strided_slice %all_reduce_population_count3A_717 {offsets = [0], sizes = [1], strides = [1]} : vector<16xi32> to vector<1xi32>
        %squeeze3A_719 = vector.extract %slice3A_718[0] : i32 from vector<1xi32>
        %mul3A_720 = arith.constant 4096 : i32
        %mul3A_721 = vector.broadcast %mul3A_720 : i32 to vector<16xi32>
        %mul3A_722 = arith.muli %get3A_707, %mul3A_721 : vector<16xi32>
        %add3A_723 = arith.addi %mul3A_722, %get3A_711 : vector<16xi32>
        %swap3A_724 = arith.index_cast %select_n3A_692 : i32 to index
        %swap3A_725 = tpu.vector_load %arg6[%swap3A_724] masked %lt3A_716 {strides = array<i32>} : memref<12304xi32, #tpu.memory_space<vmem>>, vector<16xi32>, vector<16xi1>
        tpu.vector_store %arg6[%swap3A_724], %add3A_723 masked %lt3A_716 {strides = array<i32>} : memref<12304xi32, #tpu.memory_space<vmem>>, vector<16xi32>, vector<16xi1>
        %add3A_726 = arith.addi %select_n3A_692, %squeeze3A_719 : i32
        %le3A_727 = arith.constant 12288 : i32
        %le3A_728 = arith.cmpi sle, %add3A_726, %le3A_727 : i32
        %add3A_729 = arith.addi %select_n3A_692, %squeeze3A_719 : i32
        %select_n3A_730 = arith.select %le3A_728, %add3A_729, %select_n3A_692 : i32
        %not3A_731 = arith.constant true
        %not3A_732 = arith.xori %le3A_728, %not3A_731 : i1
        %or3A_733 = arith.ori %or3A_695, %not3A_732 : i1
        scf.yield %select_n3A_730, %or3A_733 : i32, i1
      }
      %scan3A_94 = arith.constant 448 : i32
      %eq3A_95 = arith.constant 6272 : i32
      %eq3A_96 = arith.cmpi eq, %scan3A_67, %eq3A_95 : i32
      %and3A_97 = arith.andi %scan3A_93#1, %eq3A_96 : i1
      %mul3A_98 = arith.constant 448 : i32
      %mul3A_99 = arith.muli %mul3A_73, %mul3A_98 : i32
      %select_n3A_100 = arith.select %and3A_97, %mul3A_99, %scan3A_67 : i32
      %add3A_101 = arith.constant 1 : i32
      %add3A_102 = arith.addi %mul3A_73, %add3A_101 : i32
      %mul3A_103 = arith.constant 2 : i32
      %mul3A_104 = arith.muli %add3A_102, %mul3A_103 : i32
      %mul3A_105 = arith.constant 7168 : i32
      %mul3A_106 = arith.muli %mul3A_104, %mul3A_105 : i32
      %dma_wait3A_107 = tpu.memref_slice %arg2[%mul3A_106] : memref<200704xi32, #tpu.memory_space<hbm>> -> memref<14336xi32, #tpu.memory_space<hbm>>
      %dma_wait3A_108 = tpu.memref_slice %arg2[%mul3A_106] : memref<200704xi32, #tpu.memory_space<hbm>> -> memref<14336xi32, #tpu.memory_space<hbm>>
      tpu.wait_dma2 semaphore(%arg13 : memref<!tpu.dma_semaphore, #tpu.memory_space<semaphore_mem>>) src(%dma_wait3A_108 : memref<14336xi32, #tpu.memory_space<hbm>>) dst(%arg5 : memref<14336xi32, #tpu.memory_space<vmem>>)
      %add3A_109 = arith.constant 2 : i32
      %add3A_110 = arith.addi %mul3A_73, %add3A_109 : i32
      %lt3A_111 = arith.constant 14 : i32
      %lt3A_112 = arith.cmpi slt, %add3A_110, %lt3A_111 : i32
      %convert_element_type3A_113 = arith.extui %lt3A_112 : i1 to i32
      %cond3A_114 = arith.constant 0 : i32
      %cond3A_115 = arith.cmpi ne, %convert_element_type3A_113, %cond3A_114 : i32
      scf.if %cond3A_115 {
        %add3A_132 = arith.constant 2 : i32
        %add3A_133 = arith.addi %mul3A_73, %add3A_132 : i32
        %mul3A_134 = arith.constant 2 : i32
        %mul3A_135 = arith.muli %add3A_133, %mul3A_134 : i32
        %mul3A_136 = arith.constant 7168 : i32
        %mul3A_137 = arith.muli %mul3A_135, %mul3A_136 : i32
        %dma_start3A_138 = tpu.memref_slice %arg2[%mul3A_137] : memref<200704xi32, #tpu.memory_space<hbm>> -> memref<14336xi32, #tpu.memory_space<hbm>>
        %dma_start3A_139 = tpu.memref_slice %arg2[%mul3A_137] : memref<200704xi32, #tpu.memory_space<hbm>> -> memref<14336xi32, #tpu.memory_space<hbm>>
        tpu.enqueue_dma source(%dma_start3A_139 : memref<14336xi32, #tpu.memory_space<hbm>>) target(%arg4 : memref<14336xi32, #tpu.memory_space<vmem>>) target_semaphore(%arg13 : memref<!tpu.dma_semaphore, #tpu.memory_space<semaphore_mem>>)
      } else {
      }
      %add3A_116 = arith.constant 1 : i32
      %add3A_117 = arith.addi %mul3A_73, %add3A_116 : i32
      %lt3A_118 = arith.constant 0 : i32
      %lt3A_119 = arith.cmpi slt, %scan3A_93#0, %lt3A_118 : i32
      %scan3A_120 = arith.constant 0 : i32
      %scan3A_121 = arith.constant 448 : i32
      %scan3A_122 = arith.addi %scan3A_120, %scan3A_121 : i32
      %scan3A_123 = arith.constant 16 : i32
      %scan3A_124:2 = scf.for %scan3A_132 = %scan3A_120 to %scan3A_122 step %scan3A_123 iter_args(%scan3A_133 = %scan3A_93#0, %scan3A_134 = %lt3A_119) -> (i32, i1)  : i32 {
        %mul3A_135 = arith.constant 1 : i32
        %mul3A_136 = arith.muli %scan3A_132, %mul3A_135 : i32
        %add3A_137 = arith.constant 0 : i32
        %add3A_138 = arith.addi %add3A_137, %mul3A_136 : i32
        %mul3A_139 = arith.constant 16 : i32
        %mul3A_140 = arith.muli %add3A_138, %mul3A_139 : i32
        %add3A_141 = arith.constant 7168 : i32
        %add3A_142 = arith.addi %add3A_141, %mul3A_140 : i32
        %get3A = arith.index_cast %add3A_142 : i32 to index
        %get3A_143 = tpu.vector_load %arg5[%get3A] {strides = array<i32>} : memref<14336xi32, #tpu.memory_space<vmem>>, vector<16xi32>,
        %mul3A_144 = arith.constant 16 : i32
        %mul3A_145 = arith.muli %add3A_138, %mul3A_144 : i32
        %get3A_146 = arith.index_cast %mul3A_145 : i32 to index
        %get3A_147 = tpu.vector_load %arg5[%get3A_146] {strides = array<i32>} : memref<14336xi32, #tpu.memory_space<vmem>>, vector<16xi32>,
        %sub3A_148 = vector.broadcast %mul3A_2 : i32 to vector<16xi32>
        %sub3A_149 = arith.subi %get3A_143, %sub3A_148 : vector<16xi32>
        %lt3A_150 = arith.constant 128 : i32
        %lt3A_151 = vector.broadcast %lt3A_150 : i32 to vector<16xi32>
        %lt3A_152 = arith.cmpi ult, %sub3A_149, %lt3A_151 : vector<16xi32>
        %all_reduce_population_count3A = tpu.all_reduce %lt3A_152 {dim = 0 : i64, kind = #tpu.reduction_kind<sum>} : vector<16xi1> -> vector<16xi32>
        %slice3A = vector.extract_strided_slice %all_reduce_population_count3A {offsets = [0], sizes = [1], strides = [1]} : vector<16xi32> to vector<1xi32>
        %squeeze3A = vector.extract %slice3A[0] : i32 from vector<1xi32>
        %mul3A_153 = arith.constant 4096 : i32
        %mul3A_154 = vector.broadcast %mul3A_153 : i32 to vector<16xi32>
        %mul3A_155 = arith.muli %get3A_143, %mul3A_154 : vector<16xi32>
        %add3A_156 = arith.addi %mul3A_155, %get3A_147 : vector<16xi32>
        %swap3A_157 = arith.index_cast %scan3A_133 : i32 to index
        %swap3A_158 = tpu.vector_load %arg6[%swap3A_157] masked %lt3A_152 {strides = array<i32>} : memref<12304xi32, #tpu.memory_space<vmem>>, vector<16xi32>, vector<16xi1>
        tpu.vector_store %arg6[%swap3A_157], %add3A_156 masked %lt3A_152 {strides = array<i32>} : memref<12304xi32, #tpu.memory_space<vmem>>, vector<16xi32>, vector<16xi1>
        %add3A_159 = arith.addi %scan3A_133, %squeeze3A : i32
        %le3A = arith.constant 12288 : i32
        %le3A_160 = arith.cmpi sle, %add3A_159, %le3A : i32
        %add3A_161 = arith.addi %scan3A_133, %squeeze3A : i32
        %select_n3A_162 = arith.select %le3A_160, %add3A_161, %scan3A_133 : i32
        %not3A = arith.constant true
        %not3A_163 = arith.xori %le3A_160, %not3A : i1
        %or3A = arith.ori %scan3A_134, %not3A_163 : i1
        %scan3A_164 = arith.constant 1 : i32
        %scan3A_165 = arith.addi %scan3A_132, %scan3A_164 : i32
        %mul3A_166 = arith.constant 1 : i32
        %mul3A_167 = arith.muli %scan3A_165, %mul3A_166 : i32
        %add3A_168 = arith.constant 0 : i32
        %add3A_169 = arith.addi %add3A_168, %mul3A_167 : i32
        %mul3A_170 = arith.constant 16 : i32
        %mul3A_171 = arith.muli %add3A_169, %mul3A_170 : i32
        %add3A_172 = arith.constant 7168 : i32
        %add3A_173 = arith.addi %add3A_172, %mul3A_171 : i32
        %get3A_174 = arith.index_cast %add3A_173 : i32 to index
        %get3A_175 = tpu.vector_load %arg5[%get3A_174] {strides = array<i32>} : memref<14336xi32, #tpu.memory_space<vmem>>, vector<16xi32>,
        %mul3A_176 = arith.constant 16 : i32
        %mul3A_177 = arith.muli %add3A_169, %mul3A_176 : i32
        %get3A_178 = arith.index_cast %mul3A_177 : i32 to index
        %get3A_179 = tpu.vector_load %arg5[%get3A_178] {strides = array<i32>} : memref<14336xi32, #tpu.memory_space<vmem>>, vector<16xi32>,
        %sub3A_180 = vector.broadcast %mul3A_2 : i32 to vector<16xi32>
        %sub3A_181 = arith.subi %get3A_175, %sub3A_180 : vector<16xi32>
        %lt3A_182 = arith.constant 128 : i32
        %lt3A_183 = vector.broadcast %lt3A_182 : i32 to vector<16xi32>
        %lt3A_184 = arith.cmpi ult, %sub3A_181, %lt3A_183 : vector<16xi32>
        %all_reduce_population_count3A_185 = tpu.all_reduce %lt3A_184 {dim = 0 : i64, kind = #tpu.reduction_kind<sum>} : vector<16xi1> -> vector<16xi32>
        %slice3A_186 = vector.extract_strided_slice %all_reduce_population_count3A_185 {offsets = [0], sizes = [1], strides = [1]} : vector<16xi32> to vector<1xi32>
        %squeeze3A_187 = vector.extract %slice3A_186[0] : i32 from vector<1xi32>
        %mul3A_188 = arith.constant 4096 : i32
        %mul3A_189 = vector.broadcast %mul3A_188 : i32 to vector<16xi32>
        %mul3A_190 = arith.muli %get3A_175, %mul3A_189 : vector<16xi32>
        %add3A_191 = arith.addi %mul3A_190, %get3A_179 : vector<16xi32>
        %swap3A_192 = arith.index_cast %select_n3A_162 : i32 to index
        %swap3A_193 = tpu.vector_load %arg6[%swap3A_192] masked %lt3A_184 {strides = array<i32>} : memref<12304xi32, #tpu.memory_space<vmem>>, vector<16xi32>, vector<16xi1>
        tpu.vector_store %arg6[%swap3A_192], %add3A_191 masked %lt3A_184 {strides = array<i32>} : memref<12304xi32, #tpu.memory_space<vmem>>, vector<16xi32>, vector<16xi1>
        %add3A_194 = arith.addi %select_n3A_162, %squeeze3A_187 : i32
        %le3A_195 = arith.constant 12288 : i32
        %le3A_196 = arith.cmpi sle, %add3A_194, %le3A_195 : i32
        %add3A_197 = arith.addi %select_n3A_162, %squeeze3A_187 : i32
        %select_n3A_198 = arith.select %le3A_196, %add3A_197, %select_n3A_162 : i32
        %not3A_199 = arith.constant true
        %not3A_200 = arith.xori %le3A_196, %not3A_199 : i1
        %or3A_201 = arith.ori %or3A, %not3A_200 : i1
        %scan3A_202 = arith.constant 2 : i32
        %scan3A_203 = arith.addi %scan3A_132, %scan3A_202 : i32
        %mul3A_204 = arith.constant 1 : i32
        %mul3A_205 = arith.muli %scan3A_203, %mul3A_204 : i32
        %add3A_206 = arith.constant 0 : i32
        %add3A_207 = arith.addi %add3A_206, %mul3A_205 : i32
        %mul3A_208 = arith.constant 16 : i32
        %mul3A_209 = arith.muli %add3A_207, %mul3A_208 : i32
        %add3A_210 = arith.constant 7168 : i32
        %add3A_211 = arith.addi %add3A_210, %mul3A_209 : i32
        %get3A_212 = arith.index_cast %add3A_211 : i32 to index
        %get3A_213 = tpu.vector_load %arg5[%get3A_212] {strides = array<i32>} : memref<14336xi32, #tpu.memory_space<vmem>>, vector<16xi32>,
        %mul3A_214 = arith.constant 16 : i32
        %mul3A_215 = arith.muli %add3A_207, %mul3A_214 : i32
        %get3A_216 = arith.index_cast %mul3A_215 : i32 to index
        %get3A_217 = tpu.vector_load %arg5[%get3A_216] {strides = array<i32>} : memref<14336xi32, #tpu.memory_space<vmem>>, vector<16xi32>,
        %sub3A_218 = vector.broadcast %mul3A_2 : i32 to vector<16xi32>
        %sub3A_219 = arith.subi %get3A_213, %sub3A_218 : vector<16xi32>
        %lt3A_220 = arith.constant 128 : i32
        %lt3A_221 = vector.broadcast %lt3A_220 : i32 to vector<16xi32>
        %lt3A_222 = arith.cmpi ult, %sub3A_219, %lt3A_221 : vector<16xi32>
        %all_reduce_population_count3A_223 = tpu.all_reduce %lt3A_222 {dim = 0 : i64, kind = #tpu.reduction_kind<sum>} : vector<16xi1> -> vector<16xi32>
        %slice3A_224 = vector.extract_strided_slice %all_reduce_population_count3A_223 {offsets = [0], sizes = [1], strides = [1]} : vector<16xi32> to vector<1xi32>
        %squeeze3A_225 = vector.extract %slice3A_224[0] : i32 from vector<1xi32>
        %mul3A_226 = arith.constant 4096 : i32
        %mul3A_227 = vector.broadcast %mul3A_226 : i32 to vector<16xi32>
        %mul3A_228 = arith.muli %get3A_213, %mul3A_227 : vector<16xi32>
        %add3A_229 = arith.addi %mul3A_228, %get3A_217 : vector<16xi32>
        %swap3A_230 = arith.index_cast %select_n3A_198 : i32 to index
        %swap3A_231 = tpu.vector_load %arg6[%swap3A_230] masked %lt3A_222 {strides = array<i32>} : memref<12304xi32, #tpu.memory_space<vmem>>, vector<16xi32>, vector<16xi1>
        tpu.vector_store %arg6[%swap3A_230], %add3A_229 masked %lt3A_222 {strides = array<i32>} : memref<12304xi32, #tpu.memory_space<vmem>>, vector<16xi32>, vector<16xi1>
        %add3A_232 = arith.addi %select_n3A_198, %squeeze3A_225 : i32
        %le3A_233 = arith.constant 12288 : i32
        %le3A_234 = arith.cmpi sle, %add3A_232, %le3A_233 : i32
        %add3A_235 = arith.addi %select_n3A_198, %squeeze3A_225 : i32
        %select_n3A_236 = arith.select %le3A_234, %add3A_235, %select_n3A_198 : i32
        %not3A_237 = arith.constant true
        %not3A_238 = arith.xori %le3A_234, %not3A_237 : i1
        %or3A_239 = arith.ori %or3A_201, %not3A_238 : i1
        %scan3A_240 = arith.constant 3 : i32
        %scan3A_241 = arith.addi %scan3A_132, %scan3A_240 : i32
        %mul3A_242 = arith.constant 1 : i32
        %mul3A_243 = arith.muli %scan3A_241, %mul3A_242 : i32
        %add3A_244 = arith.constant 0 : i32
        %add3A_245 = arith.addi %add3A_244, %mul3A_243 : i32
        %mul3A_246 = arith.constant 16 : i32
        %mul3A_247 = arith.muli %add3A_245, %mul3A_246 : i32
        %add3A_248 = arith.constant 7168 : i32
        %add3A_249 = arith.addi %add3A_248, %mul3A_247 : i32
        %get3A_250 = arith.index_cast %add3A_249 : i32 to index
        %get3A_251 = tpu.vector_load %arg5[%get3A_250] {strides = array<i32>} : memref<14336xi32, #tpu.memory_space<vmem>>, vector<16xi32>,
        %mul3A_252 = arith.constant 16 : i32
        %mul3A_253 = arith.muli %add3A_245, %mul3A_252 : i32
        %get3A_254 = arith.index_cast %mul3A_253 : i32 to index
        %get3A_255 = tpu.vector_load %arg5[%get3A_254] {strides = array<i32>} : memref<14336xi32, #tpu.memory_space<vmem>>, vector<16xi32>,
        %sub3A_256 = vector.broadcast %mul3A_2 : i32 to vector<16xi32>
        %sub3A_257 = arith.subi %get3A_251, %sub3A_256 : vector<16xi32>
        %lt3A_258 = arith.constant 128 : i32
        %lt3A_259 = vector.broadcast %lt3A_258 : i32 to vector<16xi32>
        %lt3A_260 = arith.cmpi ult, %sub3A_257, %lt3A_259 : vector<16xi32>
        %all_reduce_population_count3A_261 = tpu.all_reduce %lt3A_260 {dim = 0 : i64, kind = #tpu.reduction_kind<sum>} : vector<16xi1> -> vector<16xi32>
        %slice3A_262 = vector.extract_strided_slice %all_reduce_population_count3A_261 {offsets = [0], sizes = [1], strides = [1]} : vector<16xi32> to vector<1xi32>
        %squeeze3A_263 = vector.extract %slice3A_262[0] : i32 from vector<1xi32>
        %mul3A_264 = arith.constant 4096 : i32
        %mul3A_265 = vector.broadcast %mul3A_264 : i32 to vector<16xi32>
        %mul3A_266 = arith.muli %get3A_251, %mul3A_265 : vector<16xi32>
        %add3A_267 = arith.addi %mul3A_266, %get3A_255 : vector<16xi32>
        %swap3A_268 = arith.index_cast %select_n3A_236 : i32 to index
        %swap3A_269 = tpu.vector_load %arg6[%swap3A_268] masked %lt3A_260 {strides = array<i32>} : memref<12304xi32, #tpu.memory_space<vmem>>, vector<16xi32>, vector<16xi1>
        tpu.vector_store %arg6[%swap3A_268], %add3A_267 masked %lt3A_260 {strides = array<i32>} : memref<12304xi32, #tpu.memory_space<vmem>>, vector<16xi32>, vector<16xi1>
        %add3A_270 = arith.addi %select_n3A_236, %squeeze3A_263 : i32
        %le3A_271 = arith.constant 12288 : i32
        %le3A_272 = arith.cmpi sle, %add3A_270, %le3A_271 : i32
        %add3A_273 = arith.addi %select_n3A_236, %squeeze3A_263 : i32
        %select_n3A_274 = arith.select %le3A_272, %add3A_273, %select_n3A_236 : i32
        %not3A_275 = arith.constant true
        %not3A_276 = arith.xori %le3A_272, %not3A_275 : i1
        %or3A_277 = arith.ori %or3A_239, %not3A_276 : i1
        %scan3A_278 = arith.constant 4 : i32
        %scan3A_279 = arith.addi %scan3A_132, %scan3A_278 : i32
        %mul3A_280 = arith.constant 1 : i32
        %mul3A_281 = arith.muli %scan3A_279, %mul3A_280 : i32
        %add3A_282 = arith.constant 0 : i32
        %add3A_283 = arith.addi %add3A_282, %mul3A_281 : i32
        %mul3A_284 = arith.constant 16 : i32
        %mul3A_285 = arith.muli %add3A_283, %mul3A_284 : i32
        %add3A_286 = arith.constant 7168 : i32
        %add3A_287 = arith.addi %add3A_286, %mul3A_285 : i32
        %get3A_288 = arith.index_cast %add3A_287 : i32 to index
        %get3A_289 = tpu.vector_load %arg5[%get3A_288] {strides = array<i32>} : memref<14336xi32, #tpu.memory_space<vmem>>, vector<16xi32>,
        %mul3A_290 = arith.constant 16 : i32
        %mul3A_291 = arith.muli %add3A_283, %mul3A_290 : i32
        %get3A_292 = arith.index_cast %mul3A_291 : i32 to index
        %get3A_293 = tpu.vector_load %arg5[%get3A_292] {strides = array<i32>} : memref<14336xi32, #tpu.memory_space<vmem>>, vector<16xi32>,
        %sub3A_294 = vector.broadcast %mul3A_2 : i32 to vector<16xi32>
        %sub3A_295 = arith.subi %get3A_289, %sub3A_294 : vector<16xi32>
        %lt3A_296 = arith.constant 128 : i32
        %lt3A_297 = vector.broadcast %lt3A_296 : i32 to vector<16xi32>
        %lt3A_298 = arith.cmpi ult, %sub3A_295, %lt3A_297 : vector<16xi32>
        %all_reduce_population_count3A_299 = tpu.all_reduce %lt3A_298 {dim = 0 : i64, kind = #tpu.reduction_kind<sum>} : vector<16xi1> -> vector<16xi32>
        %slice3A_300 = vector.extract_strided_slice %all_reduce_population_count3A_299 {offsets = [0], sizes = [1], strides = [1]} : vector<16xi32> to vector<1xi32>
        %squeeze3A_301 = vector.extract %slice3A_300[0] : i32 from vector<1xi32>
        %mul3A_302 = arith.constant 4096 : i32
        %mul3A_303 = vector.broadcast %mul3A_302 : i32 to vector<16xi32>
        %mul3A_304 = arith.muli %get3A_289, %mul3A_303 : vector<16xi32>
        %add3A_305 = arith.addi %mul3A_304, %get3A_293 : vector<16xi32>
        %swap3A_306 = arith.index_cast %select_n3A_274 : i32 to index
        %swap3A_307 = tpu.vector_load %arg6[%swap3A_306] masked %lt3A_298 {strides = array<i32>} : memref<12304xi32, #tpu.memory_space<vmem>>, vector<16xi32>, vector<16xi1>
        tpu.vector_store %arg6[%swap3A_306], %add3A_305 masked %lt3A_298 {strides = array<i32>} : memref<12304xi32, #tpu.memory_space<vmem>>, vector<16xi32>, vector<16xi1>
        %add3A_308 = arith.addi %select_n3A_274, %squeeze3A_301 : i32
        %le3A_309 = arith.constant 12288 : i32
        %le3A_310 = arith.cmpi sle, %add3A_308, %le3A_309 : i32
        %add3A_311 = arith.addi %select_n3A_274, %squeeze3A_301 : i32
        %select_n3A_312 = arith.select %le3A_310, %add3A_311, %select_n3A_274 : i32
        %not3A_313 = arith.constant true
        %not3A_314 = arith.xori %le3A_310, %not3A_313 : i1
        %or3A_315 = arith.ori %or3A_277, %not3A_314 : i1
        %scan3A_316 = arith.constant 5 : i32
        %scan3A_317 = arith.addi %scan3A_132, %scan3A_316 : i32
        %mul3A_318 = arith.constant 1 : i32
        %mul3A_319 = arith.muli %scan3A_317, %mul3A_318 : i32
        %add3A_320 = arith.constant 0 : i32
        %add3A_321 = arith.addi %add3A_320, %mul3A_319 : i32
        %mul3A_322 = arith.constant 16 : i32
        %mul3A_323 = arith.muli %add3A_321, %mul3A_322 : i32
        %add3A_324 = arith.constant 7168 : i32
        %add3A_325 = arith.addi %add3A_324, %mul3A_323 : i32
        %get3A_326 = arith.index_cast %add3A_325 : i32 to index
        %get3A_327 = tpu.vector_load %arg5[%get3A_326] {strides = array<i32>} : memref<14336xi32, #tpu.memory_space<vmem>>, vector<16xi32>,
        %mul3A_328 = arith.constant 16 : i32
        %mul3A_329 = arith.muli %add3A_321, %mul3A_328 : i32
        %get3A_330 = arith.index_cast %mul3A_329 : i32 to index
        %get3A_331 = tpu.vector_load %arg5[%get3A_330] {strides = array<i32>} : memref<14336xi32, #tpu.memory_space<vmem>>, vector<16xi32>,
        %sub3A_332 = vector.broadcast %mul3A_2 : i32 to vector<16xi32>
        %sub3A_333 = arith.subi %get3A_327, %sub3A_332 : vector<16xi32>
        %lt3A_334 = arith.constant 128 : i32
        %lt3A_335 = vector.broadcast %lt3A_334 : i32 to vector<16xi32>
        %lt3A_336 = arith.cmpi ult, %sub3A_333, %lt3A_335 : vector<16xi32>
        %all_reduce_population_count3A_337 = tpu.all_reduce %lt3A_336 {dim = 0 : i64, kind = #tpu.reduction_kind<sum>} : vector<16xi1> -> vector<16xi32>
        %slice3A_338 = vector.extract_strided_slice %all_reduce_population_count3A_337 {offsets = [0], sizes = [1], strides = [1]} : vector<16xi32> to vector<1xi32>
        %squeeze3A_339 = vector.extract %slice3A_338[0] : i32 from vector<1xi32>
        %mul3A_340 = arith.constant 4096 : i32
        %mul3A_341 = vector.broadcast %mul3A_340 : i32 to vector<16xi32>
        %mul3A_342 = arith.muli %get3A_327, %mul3A_341 : vector<16xi32>
        %add3A_343 = arith.addi %mul3A_342, %get3A_331 : vector<16xi32>
        %swap3A_344 = arith.index_cast %select_n3A_312 : i32 to index
        %swap3A_345 = tpu.vector_load %arg6[%swap3A_344] masked %lt3A_336 {strides = array<i32>} : memref<12304xi32, #tpu.memory_space<vmem>>, vector<16xi32>, vector<16xi1>
        tpu.vector_store %arg6[%swap3A_344], %add3A_343 masked %lt3A_336 {strides = array<i32>} : memref<12304xi32, #tpu.memory_space<vmem>>, vector<16xi32>, vector<16xi1>
        %add3A_346 = arith.addi %select_n3A_312, %squeeze3A_339 : i32
        %le3A_347 = arith.constant 12288 : i32
        %le3A_348 = arith.cmpi sle, %add3A_346, %le3A_347 : i32
        %add3A_349 = arith.addi %select_n3A_312, %squeeze3A_339 : i32
        %select_n3A_350 = arith.select %le3A_348, %add3A_349, %select_n3A_312 : i32
        %not3A_351 = arith.constant true
        %not3A_352 = arith.xori %le3A_348, %not3A_351 : i1
        %or3A_353 = arith.ori %or3A_315, %not3A_352 : i1
        %scan3A_354 = arith.constant 6 : i32
        %scan3A_355 = arith.addi %scan3A_132, %scan3A_354 : i32
        %mul3A_356 = arith.constant 1 : i32
        %mul3A_357 = arith.muli %scan3A_355, %mul3A_356 : i32
        %add3A_358 = arith.constant 0 : i32
        %add3A_359 = arith.addi %add3A_358, %mul3A_357 : i32
        %mul3A_360 = arith.constant 16 : i32
        %mul3A_361 = arith.muli %add3A_359, %mul3A_360 : i32
        %add3A_362 = arith.constant 7168 : i32
        %add3A_363 = arith.addi %add3A_362, %mul3A_361 : i32
        %get3A_364 = arith.index_cast %add3A_363 : i32 to index
        %get3A_365 = tpu.vector_load %arg5[%get3A_364] {strides = array<i32>} : memref<14336xi32, #tpu.memory_space<vmem>>, vector<16xi32>,
        %mul3A_366 = arith.constant 16 : i32
        %mul3A_367 = arith.muli %add3A_359, %mul3A_366 : i32
        %get3A_368 = arith.index_cast %mul3A_367 : i32 to index
        %get3A_369 = tpu.vector_load %arg5[%get3A_368] {strides = array<i32>} : memref<14336xi32, #tpu.memory_space<vmem>>, vector<16xi32>,
        %sub3A_370 = vector.broadcast %mul3A_2 : i32 to vector<16xi32>
        %sub3A_371 = arith.subi %get3A_365, %sub3A_370 : vector<16xi32>
        %lt3A_372 = arith.constant 128 : i32
        %lt3A_373 = vector.broadcast %lt3A_372 : i32 to vector<16xi32>
        %lt3A_374 = arith.cmpi ult, %sub3A_371, %lt3A_373 : vector<16xi32>
        %all_reduce_population_count3A_375 = tpu.all_reduce %lt3A_374 {dim = 0 : i64, kind = #tpu.reduction_kind<sum>} : vector<16xi1> -> vector<16xi32>
        %slice3A_376 = vector.extract_strided_slice %all_reduce_population_count3A_375 {offsets = [0], sizes = [1], strides = [1]} : vector<16xi32> to vector<1xi32>
        %squeeze3A_377 = vector.extract %slice3A_376[0] : i32 from vector<1xi32>
        %mul3A_378 = arith.constant 4096 : i32
        %mul3A_379 = vector.broadcast %mul3A_378 : i32 to vector<16xi32>
        %mul3A_380 = arith.muli %get3A_365, %mul3A_379 : vector<16xi32>
        %add3A_381 = arith.addi %mul3A_380, %get3A_369 : vector<16xi32>
        %swap3A_382 = arith.index_cast %select_n3A_350 : i32 to index
        %swap3A_383 = tpu.vector_load %arg6[%swap3A_382] masked %lt3A_374 {strides = array<i32>} : memref<12304xi32, #tpu.memory_space<vmem>>, vector<16xi32>, vector<16xi1>
        tpu.vector_store %arg6[%swap3A_382], %add3A_381 masked %lt3A_374 {strides = array<i32>} : memref<12304xi32, #tpu.memory_space<vmem>>, vector<16xi32>, vector<16xi1>
        %add3A_384 = arith.addi %select_n3A_350, %squeeze3A_377 : i32
        %le3A_385 = arith.constant 12288 : i32
        %le3A_386 = arith.cmpi sle, %add3A_384, %le3A_385 : i32
        %add3A_387 = arith.addi %select_n3A_350, %squeeze3A_377 : i32
        %select_n3A_388 = arith.select %le3A_386, %add3A_387, %select_n3A_350 : i32
        %not3A_389 = arith.constant true
        %not3A_390 = arith.xori %le3A_386, %not3A_389 : i1
        %or3A_391 = arith.ori %or3A_353, %not3A_390 : i1
        %scan3A_392 = arith.constant 7 : i32
        %scan3A_393 = arith.addi %scan3A_132, %scan3A_392 : i32
        %mul3A_394 = arith.constant 1 : i32
        %mul3A_395 = arith.muli %scan3A_393, %mul3A_394 : i32
        %add3A_396 = arith.constant 0 : i32
        %add3A_397 = arith.addi %add3A_396, %mul3A_395 : i32
        %mul3A_398 = arith.constant 16 : i32
        %mul3A_399 = arith.muli %add3A_397, %mul3A_398 : i32
        %add3A_400 = arith.constant 7168 : i32
        %add3A_401 = arith.addi %add3A_400, %mul3A_399 : i32
        %get3A_402 = arith.index_cast %add3A_401 : i32 to index
        %get3A_403 = tpu.vector_load %arg5[%get3A_402] {strides = array<i32>} : memref<14336xi32, #tpu.memory_space<vmem>>, vector<16xi32>,
        %mul3A_404 = arith.constant 16 : i32
        %mul3A_405 = arith.muli %add3A_397, %mul3A_404 : i32
        %get3A_406 = arith.index_cast %mul3A_405 : i32 to index
        %get3A_407 = tpu.vector_load %arg5[%get3A_406] {strides = array<i32>} : memref<14336xi32, #tpu.memory_space<vmem>>, vector<16xi32>,
        %sub3A_408 = vector.broadcast %mul3A_2 : i32 to vector<16xi32>
        %sub3A_409 = arith.subi %get3A_403, %sub3A_408 : vector<16xi32>
        %lt3A_410 = arith.constant 128 : i32
        %lt3A_411 = vector.broadcast %lt3A_410 : i32 to vector<16xi32>
        %lt3A_412 = arith.cmpi ult, %sub3A_409, %lt3A_411 : vector<16xi32>
        %all_reduce_population_count3A_413 = tpu.all_reduce %lt3A_412 {dim = 0 : i64, kind = #tpu.reduction_kind<sum>} : vector<16xi1> -> vector<16xi32>
        %slice3A_414 = vector.extract_strided_slice %all_reduce_population_count3A_413 {offsets = [0], sizes = [1], strides = [1]} : vector<16xi32> to vector<1xi32>
        %squeeze3A_415 = vector.extract %slice3A_414[0] : i32 from vector<1xi32>
        %mul3A_416 = arith.constant 4096 : i32
        %mul3A_417 = vector.broadcast %mul3A_416 : i32 to vector<16xi32>
        %mul3A_418 = arith.muli %get3A_403, %mul3A_417 : vector<16xi32>
        %add3A_419 = arith.addi %mul3A_418, %get3A_407 : vector<16xi32>
        %swap3A_420 = arith.index_cast %select_n3A_388 : i32 to index
        %swap3A_421 = tpu.vector_load %arg6[%swap3A_420] masked %lt3A_412 {strides = array<i32>} : memref<12304xi32, #tpu.memory_space<vmem>>, vector<16xi32>, vector<16xi1>
        tpu.vector_store %arg6[%swap3A_420], %add3A_419 masked %lt3A_412 {strides = array<i32>} : memref<12304xi32, #tpu.memory_space<vmem>>, vector<16xi32>, vector<16xi1>
        %add3A_422 = arith.addi %select_n3A_388, %squeeze3A_415 : i32
        %le3A_423 = arith.constant 12288 : i32
        %le3A_424 = arith.cmpi sle, %add3A_422, %le3A_423 : i32
        %add3A_425 = arith.addi %select_n3A_388, %squeeze3A_415 : i32
        %select_n3A_426 = arith.select %le3A_424, %add3A_425, %select_n3A_388 : i32
        %not3A_427 = arith.constant true
        %not3A_428 = arith.xori %le3A_424, %not3A_427 : i1
        %or3A_429 = arith.ori %or3A_391, %not3A_428 : i1
        %scan3A_430 = arith.constant 8 : i32
        %scan3A_431 = arith.addi %scan3A_132, %scan3A_430 : i32
        %mul3A_432 = arith.constant 1 : i32
        %mul3A_433 = arith.muli %scan3A_431, %mul3A_432 : i32
        %add3A_434 = arith.constant 0 : i32
        %add3A_435 = arith.addi %add3A_434, %mul3A_433 : i32
        %mul3A_436 = arith.constant 16 : i32
        %mul3A_437 = arith.muli %add3A_435, %mul3A_436 : i32
        %add3A_438 = arith.constant 7168 : i32
        %add3A_439 = arith.addi %add3A_438, %mul3A_437 : i32
        %get3A_440 = arith.index_cast %add3A_439 : i32 to index
        %get3A_441 = tpu.vector_load %arg5[%get3A_440] {strides = array<i32>} : memref<14336xi32, #tpu.memory_space<vmem>>, vector<16xi32>,
        %mul3A_442 = arith.constant 16 : i32
        %mul3A_443 = arith.muli %add3A_435, %mul3A_442 : i32
        %get3A_444 = arith.index_cast %mul3A_443 : i32 to index
        %get3A_445 = tpu.vector_load %arg5[%get3A_444] {strides = array<i32>} : memref<14336xi32, #tpu.memory_space<vmem>>, vector<16xi32>,
        %sub3A_446 = vector.broadcast %mul3A_2 : i32 to vector<16xi32>
        %sub3A_447 = arith.subi %get3A_441, %sub3A_446 : vector<16xi32>
        %lt3A_448 = arith.constant 128 : i32
        %lt3A_449 = vector.broadcast %lt3A_448 : i32 to vector<16xi32>
        %lt3A_450 = arith.cmpi ult, %sub3A_447, %lt3A_449 : vector<16xi32>
        %all_reduce_population_count3A_451 = tpu.all_reduce %lt3A_450 {dim = 0 : i64, kind = #tpu.reduction_kind<sum>} : vector<16xi1> -> vector<16xi32>
        %slice3A_452 = vector.extract_strided_slice %all_reduce_population_count3A_451 {offsets = [0], sizes = [1], strides = [1]} : vector<16xi32> to vector<1xi32>
        %squeeze3A_453 = vector.extract %slice3A_452[0] : i32 from vector<1xi32>
        %mul3A_454 = arith.constant 4096 : i32
        %mul3A_455 = vector.broadcast %mul3A_454 : i32 to vector<16xi32>
        %mul3A_456 = arith.muli %get3A_441, %mul3A_455 : vector<16xi32>
        %add3A_457 = arith.addi %mul3A_456, %get3A_445 : vector<16xi32>
        %swap3A_458 = arith.index_cast %select_n3A_426 : i32 to index
        %swap3A_459 = tpu.vector_load %arg6[%swap3A_458] masked %lt3A_450 {strides = array<i32>} : memref<12304xi32, #tpu.memory_space<vmem>>, vector<16xi32>, vector<16xi1>
        tpu.vector_store %arg6[%swap3A_458], %add3A_457 masked %lt3A_450 {strides = array<i32>} : memref<12304xi32, #tpu.memory_space<vmem>>, vector<16xi32>, vector<16xi1>
        %add3A_460 = arith.addi %select_n3A_426, %squeeze3A_453 : i32
        %le3A_461 = arith.constant 12288 : i32
        %le3A_462 = arith.cmpi sle, %add3A_460, %le3A_461 : i32
        %add3A_463 = arith.addi %select_n3A_426, %squeeze3A_453 : i32
        %select_n3A_464 = arith.select %le3A_462, %add3A_463, %select_n3A_426 : i32
        %not3A_465 = arith.constant true
        %not3A_466 = arith.xori %le3A_462, %not3A_465 : i1
        %or3A_467 = arith.ori %or3A_429, %not3A_466 : i1
        %scan3A_468 = arith.constant 9 : i32
        %scan3A_469 = arith.addi %scan3A_132, %scan3A_468 : i32
        %mul3A_470 = arith.constant 1 : i32
        %mul3A_471 = arith.muli %scan3A_469, %mul3A_470 : i32
        %add3A_472 = arith.constant 0 : i32
        %add3A_473 = arith.addi %add3A_472, %mul3A_471 : i32
        %mul3A_474 = arith.constant 16 : i32
        %mul3A_475 = arith.muli %add3A_473, %mul3A_474 : i32
        %add3A_476 = arith.constant 7168 : i32
        %add3A_477 = arith.addi %add3A_476, %mul3A_475 : i32
        %get3A_478 = arith.index_cast %add3A_477 : i32 to index
        %get3A_479 = tpu.vector_load %arg5[%get3A_478] {strides = array<i32>} : memref<14336xi32, #tpu.memory_space<vmem>>, vector<16xi32>,
        %mul3A_480 = arith.constant 16 : i32
        %mul3A_481 = arith.muli %add3A_473, %mul3A_480 : i32
        %get3A_482 = arith.index_cast %mul3A_481 : i32 to index
        %get3A_483 = tpu.vector_load %arg5[%get3A_482] {strides = array<i32>} : memref<14336xi32, #tpu.memory_space<vmem>>, vector<16xi32>,
        %sub3A_484 = vector.broadcast %mul3A_2 : i32 to vector<16xi32>
        %sub3A_485 = arith.subi %get3A_479, %sub3A_484 : vector<16xi32>
        %lt3A_486 = arith.constant 128 : i32
        %lt3A_487 = vector.broadcast %lt3A_486 : i32 to vector<16xi32>
        %lt3A_488 = arith.cmpi ult, %sub3A_485, %lt3A_487 : vector<16xi32>
        %all_reduce_population_count3A_489 = tpu.all_reduce %lt3A_488 {dim = 0 : i64, kind = #tpu.reduction_kind<sum>} : vector<16xi1> -> vector<16xi32>
        %slice3A_490 = vector.extract_strided_slice %all_reduce_population_count3A_489 {offsets = [0], sizes = [1], strides = [1]} : vector<16xi32> to vector<1xi32>
        %squeeze3A_491 = vector.extract %slice3A_490[0] : i32 from vector<1xi32>
        %mul3A_492 = arith.constant 4096 : i32
        %mul3A_493 = vector.broadcast %mul3A_492 : i32 to vector<16xi32>
        %mul3A_494 = arith.muli %get3A_479, %mul3A_493 : vector<16xi32>
        %add3A_495 = arith.addi %mul3A_494, %get3A_483 : vector<16xi32>
        %swap3A_496 = arith.index_cast %select_n3A_464 : i32 to index
        %swap3A_497 = tpu.vector_load %arg6[%swap3A_496] masked %lt3A_488 {strides = array<i32>} : memref<12304xi32, #tpu.memory_space<vmem>>, vector<16xi32>, vector<16xi1>
        tpu.vector_store %arg6[%swap3A_496], %add3A_495 masked %lt3A_488 {strides = array<i32>} : memref<12304xi32, #tpu.memory_space<vmem>>, vector<16xi32>, vector<16xi1>
        %add3A_498 = arith.addi %select_n3A_464, %squeeze3A_491 : i32
        %le3A_499 = arith.constant 12288 : i32
        %le3A_500 = arith.cmpi sle, %add3A_498, %le3A_499 : i32
        %add3A_501 = arith.addi %select_n3A_464, %squeeze3A_491 : i32
        %select_n3A_502 = arith.select %le3A_500, %add3A_501, %select_n3A_464 : i32
        %not3A_503 = arith.constant true
        %not3A_504 = arith.xori %le3A_500, %not3A_503 : i1
        %or3A_505 = arith.ori %or3A_467, %not3A_504 : i1
        %scan3A_506 = arith.constant 10 : i32
        %scan3A_507 = arith.addi %scan3A_132, %scan3A_506 : i32
        %mul3A_508 = arith.constant 1 : i32
        %mul3A_509 = arith.muli %scan3A_507, %mul3A_508 : i32
        %add3A_510 = arith.constant 0 : i32
        %add3A_511 = arith.addi %add3A_510, %mul3A_509 : i32
        %mul3A_512 = arith.constant 16 : i32
        %mul3A_513 = arith.muli %add3A_511, %mul3A_512 : i32
        %add3A_514 = arith.constant 7168 : i32
        %add3A_515 = arith.addi %add3A_514, %mul3A_513 : i32
        %get3A_516 = arith.index_cast %add3A_515 : i32 to index
        %get3A_517 = tpu.vector_load %arg5[%get3A_516] {strides = array<i32>} : memref<14336xi32, #tpu.memory_space<vmem>>, vector<16xi32>,
        %mul3A_518 = arith.constant 16 : i32
        %mul3A_519 = arith.muli %add3A_511, %mul3A_518 : i32
        %get3A_520 = arith.index_cast %mul3A_519 : i32 to index
        %get3A_521 = tpu.vector_load %arg5[%get3A_520] {strides = array<i32>} : memref<14336xi32, #tpu.memory_space<vmem>>, vector<16xi32>,
        %sub3A_522 = vector.broadcast %mul3A_2 : i32 to vector<16xi32>
        %sub3A_523 = arith.subi %get3A_517, %sub3A_522 : vector<16xi32>
        %lt3A_524 = arith.constant 128 : i32
        %lt3A_525 = vector.broadcast %lt3A_524 : i32 to vector<16xi32>
        %lt3A_526 = arith.cmpi ult, %sub3A_523, %lt3A_525 : vector<16xi32>
        %all_reduce_population_count3A_527 = tpu.all_reduce %lt3A_526 {dim = 0 : i64, kind = #tpu.reduction_kind<sum>} : vector<16xi1> -> vector<16xi32>
        %slice3A_528 = vector.extract_strided_slice %all_reduce_population_count3A_527 {offsets = [0], sizes = [1], strides = [1]} : vector<16xi32> to vector<1xi32>
        %squeeze3A_529 = vector.extract %slice3A_528[0] : i32 from vector<1xi32>
        %mul3A_530 = arith.constant 4096 : i32
        %mul3A_531 = vector.broadcast %mul3A_530 : i32 to vector<16xi32>
        %mul3A_532 = arith.muli %get3A_517, %mul3A_531 : vector<16xi32>
        %add3A_533 = arith.addi %mul3A_532, %get3A_521 : vector<16xi32>
        %swap3A_534 = arith.index_cast %select_n3A_502 : i32 to index
        %swap3A_535 = tpu.vector_load %arg6[%swap3A_534] masked %lt3A_526 {strides = array<i32>} : memref<12304xi32, #tpu.memory_space<vmem>>, vector<16xi32>, vector<16xi1>
        tpu.vector_store %arg6[%swap3A_534], %add3A_533 masked %lt3A_526 {strides = array<i32>} : memref<12304xi32, #tpu.memory_space<vmem>>, vector<16xi32>, vector<16xi1>
        %add3A_536 = arith.addi %select_n3A_502, %squeeze3A_529 : i32
        %le3A_537 = arith.constant 12288 : i32
        %le3A_538 = arith.cmpi sle, %add3A_536, %le3A_537 : i32
        %add3A_539 = arith.addi %select_n3A_502, %squeeze3A_529 : i32
        %select_n3A_540 = arith.select %le3A_538, %add3A_539, %select_n3A_502 : i32
        %not3A_541 = arith.constant true
        %not3A_542 = arith.xori %le3A_538, %not3A_541 : i1
        %or3A_543 = arith.ori %or3A_505, %not3A_542 : i1
        %scan3A_544 = arith.constant 11 : i32
        %scan3A_545 = arith.addi %scan3A_132, %scan3A_544 : i32
        %mul3A_546 = arith.constant 1 : i32
        %mul3A_547 = arith.muli %scan3A_545, %mul3A_546 : i32
        %add3A_548 = arith.constant 0 : i32
        %add3A_549 = arith.addi %add3A_548, %mul3A_547 : i32
        %mul3A_550 = arith.constant 16 : i32
        %mul3A_551 = arith.muli %add3A_549, %mul3A_550 : i32
        %add3A_552 = arith.constant 7168 : i32
        %add3A_553 = arith.addi %add3A_552, %mul3A_551 : i32
        %get3A_554 = arith.index_cast %add3A_553 : i32 to index
        %get3A_555 = tpu.vector_load %arg5[%get3A_554] {strides = array<i32>} : memref<14336xi32, #tpu.memory_space<vmem>>, vector<16xi32>,
        %mul3A_556 = arith.constant 16 : i32
        %mul3A_557 = arith.muli %add3A_549, %mul3A_556 : i32
        %get3A_558 = arith.index_cast %mul3A_557 : i32 to index
        %get3A_559 = tpu.vector_load %arg5[%get3A_558] {strides = array<i32>} : memref<14336xi32, #tpu.memory_space<vmem>>, vector<16xi32>,
        %sub3A_560 = vector.broadcast %mul3A_2 : i32 to vector<16xi32>
        %sub3A_561 = arith.subi %get3A_555, %sub3A_560 : vector<16xi32>
        %lt3A_562 = arith.constant 128 : i32
        %lt3A_563 = vector.broadcast %lt3A_562 : i32 to vector<16xi32>
        %lt3A_564 = arith.cmpi ult, %sub3A_561, %lt3A_563 : vector<16xi32>
        %all_reduce_population_count3A_565 = tpu.all_reduce %lt3A_564 {dim = 0 : i64, kind = #tpu.reduction_kind<sum>} : vector<16xi1> -> vector<16xi32>
        %slice3A_566 = vector.extract_strided_slice %all_reduce_population_count3A_565 {offsets = [0], sizes = [1], strides = [1]} : vector<16xi32> to vector<1xi32>
        %squeeze3A_567 = vector.extract %slice3A_566[0] : i32 from vector<1xi32>
        %mul3A_568 = arith.constant 4096 : i32
        %mul3A_569 = vector.broadcast %mul3A_568 : i32 to vector<16xi32>
        %mul3A_570 = arith.muli %get3A_555, %mul3A_569 : vector<16xi32>
        %add3A_571 = arith.addi %mul3A_570, %get3A_559 : vector<16xi32>
        %swap3A_572 = arith.index_cast %select_n3A_540 : i32 to index
        %swap3A_573 = tpu.vector_load %arg6[%swap3A_572] masked %lt3A_564 {strides = array<i32>} : memref<12304xi32, #tpu.memory_space<vmem>>, vector<16xi32>, vector<16xi1>
        tpu.vector_store %arg6[%swap3A_572], %add3A_571 masked %lt3A_564 {strides = array<i32>} : memref<12304xi32, #tpu.memory_space<vmem>>, vector<16xi32>, vector<16xi1>
        %add3A_574 = arith.addi %select_n3A_540, %squeeze3A_567 : i32
        %le3A_575 = arith.constant 12288 : i32
        %le3A_576 = arith.cmpi sle, %add3A_574, %le3A_575 : i32
        %add3A_577 = arith.addi %select_n3A_540, %squeeze3A_567 : i32
        %select_n3A_578 = arith.select %le3A_576, %add3A_577, %select_n3A_540 : i32
        %not3A_579 = arith.constant true
        %not3A_580 = arith.xori %le3A_576, %not3A_579 : i1
        %or3A_581 = arith.ori %or3A_543, %not3A_580 : i1
        %scan3A_582 = arith.constant 12 : i32
        %scan3A_583 = arith.addi %scan3A_132, %scan3A_582 : i32
        %mul3A_584 = arith.constant 1 : i32
        %mul3A_585 = arith.muli %scan3A_583, %mul3A_584 : i32
        %add3A_586 = arith.constant 0 : i32
        %add3A_587 = arith.addi %add3A_586, %mul3A_585 : i32
        %mul3A_588 = arith.constant 16 : i32
        %mul3A_589 = arith.muli %add3A_587, %mul3A_588 : i32
        %add3A_590 = arith.constant 7168 : i32
        %add3A_591 = arith.addi %add3A_590, %mul3A_589 : i32
        %get3A_592 = arith.index_cast %add3A_591 : i32 to index
        %get3A_593 = tpu.vector_load %arg5[%get3A_592] {strides = array<i32>} : memref<14336xi32, #tpu.memory_space<vmem>>, vector<16xi32>,
        %mul3A_594 = arith.constant 16 : i32
        %mul3A_595 = arith.muli %add3A_587, %mul3A_594 : i32
        %get3A_596 = arith.index_cast %mul3A_595 : i32 to index
        %get3A_597 = tpu.vector_load %arg5[%get3A_596] {strides = array<i32>} : memref<14336xi32, #tpu.memory_space<vmem>>, vector<16xi32>,
        %sub3A_598 = vector.broadcast %mul3A_2 : i32 to vector<16xi32>
        %sub3A_599 = arith.subi %get3A_593, %sub3A_598 : vector<16xi32>
        %lt3A_600 = arith.constant 128 : i32
        %lt3A_601 = vector.broadcast %lt3A_600 : i32 to vector<16xi32>
        %lt3A_602 = arith.cmpi ult, %sub3A_599, %lt3A_601 : vector<16xi32>
        %all_reduce_population_count3A_603 = tpu.all_reduce %lt3A_602 {dim = 0 : i64, kind = #tpu.reduction_kind<sum>} : vector<16xi1> -> vector<16xi32>
        %slice3A_604 = vector.extract_strided_slice %all_reduce_population_count3A_603 {offsets = [0], sizes = [1], strides = [1]} : vector<16xi32> to vector<1xi32>
        %squeeze3A_605 = vector.extract %slice3A_604[0] : i32 from vector<1xi32>
        %mul3A_606 = arith.constant 4096 : i32
        %mul3A_607 = vector.broadcast %mul3A_606 : i32 to vector<16xi32>
        %mul3A_608 = arith.muli %get3A_593, %mul3A_607 : vector<16xi32>
        %add3A_609 = arith.addi %mul3A_608, %get3A_597 : vector<16xi32>
        %swap3A_610 = arith.index_cast %select_n3A_578 : i32 to index
        %swap3A_611 = tpu.vector_load %arg6[%swap3A_610] masked %lt3A_602 {strides = array<i32>} : memref<12304xi32, #tpu.memory_space<vmem>>, vector<16xi32>, vector<16xi1>
        tpu.vector_store %arg6[%swap3A_610], %add3A_609 masked %lt3A_602 {strides = array<i32>} : memref<12304xi32, #tpu.memory_space<vmem>>, vector<16xi32>, vector<16xi1>
        %add3A_612 = arith.addi %select_n3A_578, %squeeze3A_605 : i32
        %le3A_613 = arith.constant 12288 : i32
        %le3A_614 = arith.cmpi sle, %add3A_612, %le3A_613 : i32
        %add3A_615 = arith.addi %select_n3A_578, %squeeze3A_605 : i32
        %select_n3A_616 = arith.select %le3A_614, %add3A_615, %select_n3A_578 : i32
        %not3A_617 = arith.constant true
        %not3A_618 = arith.xori %le3A_614, %not3A_617 : i1
        %or3A_619 = arith.ori %or3A_581, %not3A_618 : i1
        %scan3A_620 = arith.constant 13 : i32
        %scan3A_621 = arith.addi %scan3A_132, %scan3A_620 : i32
        %mul3A_622 = arith.constant 1 : i32
        %mul3A_623 = arith.muli %scan3A_621, %mul3A_622 : i32
        %add3A_624 = arith.constant 0 : i32
        %add3A_625 = arith.addi %add3A_624, %mul3A_623 : i32
        %mul3A_626 = arith.constant 16 : i32
        %mul3A_627 = arith.muli %add3A_625, %mul3A_626 : i32
        %add3A_628 = arith.constant 7168 : i32
        %add3A_629 = arith.addi %add3A_628, %mul3A_627 : i32
        %get3A_630 = arith.index_cast %add3A_629 : i32 to index
        %get3A_631 = tpu.vector_load %arg5[%get3A_630] {strides = array<i32>} : memref<14336xi32, #tpu.memory_space<vmem>>, vector<16xi32>,
        %mul3A_632 = arith.constant 16 : i32
        %mul3A_633 = arith.muli %add3A_625, %mul3A_632 : i32
        %get3A_634 = arith.index_cast %mul3A_633 : i32 to index
        %get3A_635 = tpu.vector_load %arg5[%get3A_634] {strides = array<i32>} : memref<14336xi32, #tpu.memory_space<vmem>>, vector<16xi32>,
        %sub3A_636 = vector.broadcast %mul3A_2 : i32 to vector<16xi32>
        %sub3A_637 = arith.subi %get3A_631, %sub3A_636 : vector<16xi32>
        %lt3A_638 = arith.constant 128 : i32
        %lt3A_639 = vector.broadcast %lt3A_638 : i32 to vector<16xi32>
        %lt3A_640 = arith.cmpi ult, %sub3A_637, %lt3A_639 : vector<16xi32>
        %all_reduce_population_count3A_641 = tpu.all_reduce %lt3A_640 {dim = 0 : i64, kind = #tpu.reduction_kind<sum>} : vector<16xi1> -> vector<16xi32>
        %slice3A_642 = vector.extract_strided_slice %all_reduce_population_count3A_641 {offsets = [0], sizes = [1], strides = [1]} : vector<16xi32> to vector<1xi32>
        %squeeze3A_643 = vector.extract %slice3A_642[0] : i32 from vector<1xi32>
        %mul3A_644 = arith.constant 4096 : i32
        %mul3A_645 = vector.broadcast %mul3A_644 : i32 to vector<16xi32>
        %mul3A_646 = arith.muli %get3A_631, %mul3A_645 : vector<16xi32>
        %add3A_647 = arith.addi %mul3A_646, %get3A_635 : vector<16xi32>
        %swap3A_648 = arith.index_cast %select_n3A_616 : i32 to index
        %swap3A_649 = tpu.vector_load %arg6[%swap3A_648] masked %lt3A_640 {strides = array<i32>} : memref<12304xi32, #tpu.memory_space<vmem>>, vector<16xi32>, vector<16xi1>
        tpu.vector_store %arg6[%swap3A_648], %add3A_647 masked %lt3A_640 {strides = array<i32>} : memref<12304xi32, #tpu.memory_space<vmem>>, vector<16xi32>, vector<16xi1>
        %add3A_650 = arith.addi %select_n3A_616, %squeeze3A_643 : i32
        %le3A_651 = arith.constant 12288 : i32
        %le3A_652 = arith.cmpi sle, %add3A_650, %le3A_651 : i32
        %add3A_653 = arith.addi %select_n3A_616, %squeeze3A_643 : i32
        %select_n3A_654 = arith.select %le3A_652, %add3A_653, %select_n3A_616 : i32
        %not3A_655 = arith.constant true
        %not3A_656 = arith.xori %le3A_652, %not3A_655 : i1
        %or3A_657 = arith.ori %or3A_619, %not3A_656 : i1
        %scan3A_658 = arith.constant 14 : i32
        %scan3A_659 = arith.addi %scan3A_132, %scan3A_658 : i32
        %mul3A_660 = arith.constant 1 : i32
        %mul3A_661 = arith.muli %scan3A_659, %mul3A_660 : i32
        %add3A_662 = arith.constant 0 : i32
        %add3A_663 = arith.addi %add3A_662, %mul3A_661 : i32
        %mul3A_664 = arith.constant 16 : i32
        %mul3A_665 = arith.muli %add3A_663, %mul3A_664 : i32
        %add3A_666 = arith.constant 7168 : i32
        %add3A_667 = arith.addi %add3A_666, %mul3A_665 : i32
        %get3A_668 = arith.index_cast %add3A_667 : i32 to index
        %get3A_669 = tpu.vector_load %arg5[%get3A_668] {strides = array<i32>} : memref<14336xi32, #tpu.memory_space<vmem>>, vector<16xi32>,
        %mul3A_670 = arith.constant 16 : i32
        %mul3A_671 = arith.muli %add3A_663, %mul3A_670 : i32
        %get3A_672 = arith.index_cast %mul3A_671 : i32 to index
        %get3A_673 = tpu.vector_load %arg5[%get3A_672] {strides = array<i32>} : memref<14336xi32, #tpu.memory_space<vmem>>, vector<16xi32>,
        %sub3A_674 = vector.broadcast %mul3A_2 : i32 to vector<16xi32>
        %sub3A_675 = arith.subi %get3A_669, %sub3A_674 : vector<16xi32>
        %lt3A_676 = arith.constant 128 : i32
        %lt3A_677 = vector.broadcast %lt3A_676 : i32 to vector<16xi32>
        %lt3A_678 = arith.cmpi ult, %sub3A_675, %lt3A_677 : vector<16xi32>
        %all_reduce_population_count3A_679 = tpu.all_reduce %lt3A_678 {dim = 0 : i64, kind = #tpu.reduction_kind<sum>} : vector<16xi1> -> vector<16xi32>
        %slice3A_680 = vector.extract_strided_slice %all_reduce_population_count3A_679 {offsets = [0], sizes = [1], strides = [1]} : vector<16xi32> to vector<1xi32>
        %squeeze3A_681 = vector.extract %slice3A_680[0] : i32 from vector<1xi32>
        %mul3A_682 = arith.constant 4096 : i32
        %mul3A_683 = vector.broadcast %mul3A_682 : i32 to vector<16xi32>
        %mul3A_684 = arith.muli %get3A_669, %mul3A_683 : vector<16xi32>
        %add3A_685 = arith.addi %mul3A_684, %get3A_673 : vector<16xi32>
        %swap3A_686 = arith.index_cast %select_n3A_654 : i32 to index
        %swap3A_687 = tpu.vector_load %arg6[%swap3A_686] masked %lt3A_678 {strides = array<i32>} : memref<12304xi32, #tpu.memory_space<vmem>>, vector<16xi32>, vector<16xi1>
        tpu.vector_store %arg6[%swap3A_686], %add3A_685 masked %lt3A_678 {strides = array<i32>} : memref<12304xi32, #tpu.memory_space<vmem>>, vector<16xi32>, vector<16xi1>
        %add3A_688 = arith.addi %select_n3A_654, %squeeze3A_681 : i32
        %le3A_689 = arith.constant 12288 : i32
        %le3A_690 = arith.cmpi sle, %add3A_688, %le3A_689 : i32
        %add3A_691 = arith.addi %select_n3A_654, %squeeze3A_681 : i32
        %select_n3A_692 = arith.select %le3A_690, %add3A_691, %select_n3A_654 : i32
        %not3A_693 = arith.constant true
        %not3A_694 = arith.xori %le3A_690, %not3A_693 : i1
        %or3A_695 = arith.ori %or3A_657, %not3A_694 : i1
        %scan3A_696 = arith.constant 15 : i32
        %scan3A_697 = arith.addi %scan3A_132, %scan3A_696 : i32
        %mul3A_698 = arith.constant 1 : i32
        %mul3A_699 = arith.muli %scan3A_697, %mul3A_698 : i32
        %add3A_700 = arith.constant 0 : i32
        %add3A_701 = arith.addi %add3A_700, %mul3A_699 : i32
        %mul3A_702 = arith.constant 16 : i32
        %mul3A_703 = arith.muli %add3A_701, %mul3A_702 : i32
        %add3A_704 = arith.constant 7168 : i32
        %add3A_705 = arith.addi %add3A_704, %mul3A_703 : i32
        %get3A_706 = arith.index_cast %add3A_705 : i32 to index
        %get3A_707 = tpu.vector_load %arg5[%get3A_706] {strides = array<i32>} : memref<14336xi32, #tpu.memory_space<vmem>>, vector<16xi32>,
        %mul3A_708 = arith.constant 16 : i32
        %mul3A_709 = arith.muli %add3A_701, %mul3A_708 : i32
        %get3A_710 = arith.index_cast %mul3A_709 : i32 to index
        %get3A_711 = tpu.vector_load %arg5[%get3A_710] {strides = array<i32>} : memref<14336xi32, #tpu.memory_space<vmem>>, vector<16xi32>,
        %sub3A_712 = vector.broadcast %mul3A_2 : i32 to vector<16xi32>
        %sub3A_713 = arith.subi %get3A_707, %sub3A_712 : vector<16xi32>
        %lt3A_714 = arith.constant 128 : i32
        %lt3A_715 = vector.broadcast %lt3A_714 : i32 to vector<16xi32>
        %lt3A_716 = arith.cmpi ult, %sub3A_713, %lt3A_715 : vector<16xi32>
        %all_reduce_population_count3A_717 = tpu.all_reduce %lt3A_716 {dim = 0 : i64, kind = #tpu.reduction_kind<sum>} : vector<16xi1> -> vector<16xi32>
        %slice3A_718 = vector.extract_strided_slice %all_reduce_population_count3A_717 {offsets = [0], sizes = [1], strides = [1]} : vector<16xi32> to vector<1xi32>
        %squeeze3A_719 = vector.extract %slice3A_718[0] : i32 from vector<1xi32>
        %mul3A_720 = arith.constant 4096 : i32
        %mul3A_721 = vector.broadcast %mul3A_720 : i32 to vector<16xi32>
        %mul3A_722 = arith.muli %get3A_707, %mul3A_721 : vector<16xi32>
        %add3A_723 = arith.addi %mul3A_722, %get3A_711 : vector<16xi32>
        %swap3A_724 = arith.index_cast %select_n3A_692 : i32 to index
        %swap3A_725 = tpu.vector_load %arg6[%swap3A_724] masked %lt3A_716 {strides = array<i32>} : memref<12304xi32, #tpu.memory_space<vmem>>, vector<16xi32>, vector<16xi1>
        tpu.vector_store %arg6[%swap3A_724], %add3A_723 masked %lt3A_716 {strides = array<i32>} : memref<12304xi32, #tpu.memory_space<vmem>>, vector<16xi32>, vector<16xi1>
        %add3A_726 = arith.addi %select_n3A_692, %squeeze3A_719 : i32
        %le3A_727 = arith.constant 12288 : i32
        %le3A_728 = arith.cmpi sle, %add3A_726, %le3A_727 : i32
        %add3A_729 = arith.addi %select_n3A_692, %squeeze3A_719 : i32
        %select_n3A_730 = arith.select %le3A_728, %add3A_729, %select_n3A_692 : i32
        %not3A_731 = arith.constant true
        %not3A_732 = arith.xori %le3A_728, %not3A_731 : i1
        %or3A_733 = arith.ori %or3A_695, %not3A_732 : i1
        scf.yield %select_n3A_730, %or3A_733 : i32, i1
      }
      %scan3A_125 = arith.constant 448 : i32
      %eq3A_126 = arith.constant 6272 : i32
      %eq3A_127 = arith.cmpi eq, %select_n3A_100, %eq3A_126 : i32
      %and3A_128 = arith.andi %scan3A_124#1, %eq3A_127 : i1
      %mul3A_129 = arith.constant 448 : i32
      %mul3A_130 = arith.muli %add3A_117, %mul3A_129 : i32
      %select_n3A_131 = arith.select %and3A_128, %mul3A_130, %select_n3A_100 : i32
      scf.yield %scan3A_124#0, %select_n3A_131 : i32, i32
    }
    %scan3A_27 = arith.constant 7 : i32
    %swap3A = arith.index_cast %scan3A_26#0 : i32 to index
    %swap3A_28 = tpu.vector_load %arg6[%swap3A] {strides = array<i32>} : memref<12304xi32, #tpu.memory_space<vmem>>, vector<16xi32>,
    tpu.vector_store %arg6[%swap3A], %broadcast_in_dim3A_9 {strides = array<i32>} : memref<12304xi32, #tpu.memory_space<vmem>>, vector<16xi32>,
    %add3A_29 = arith.constant 15 : i32
    %add3A_30 = arith.addi %scan3A_26#0, %add3A_29 : i32
    %jit3A = arith.constant 16 : i32
    %div3A = arith.divsi %add3A_30, %jit3A : i32
    %sign3A = arith.constant 0 : i32
    %sign3A_31 = arith.cmpi sgt, %add3A_30, %sign3A : i32
    %sign3A_32 = arith.extui %sign3A_31 : i1 to i32
    %sign3A_33 = arith.constant 0 : i32
    %sign3A_34 = arith.cmpi slt, %add3A_30, %sign3A_33 : i32
    %sign3A_35 = arith.extui %sign3A_34 : i1 to i32
    %sign3A_36 = arith.subi %sign3A_32, %sign3A_35 : i32
    %sign3A_37 = arith.constant 0 : i32
    %sign3A_38 = arith.cmpi sgt, %jit3A, %sign3A_37 : i32
    %sign3A_39 = arith.extui %sign3A_38 : i1 to i32
    %sign3A_40 = arith.constant 0 : i32
    %sign3A_41 = arith.cmpi slt, %jit3A, %sign3A_40 : i32
    %sign3A_42 = arith.extui %sign3A_41 : i1 to i32
    %sign3A_43 = arith.subi %sign3A_39, %sign3A_42 : i32
    %ne3A = arith.cmpi ne, %sign3A_36, %sign3A_43 : i32
    %rem3A = arith.remsi %add3A_30, %jit3A : i32
    %ne3A_44 = arith.constant 0 : i32
    %ne3A_45 = arith.cmpi ne, %rem3A, %ne3A_44 : i32
    %and3A = arith.andi %ne3A, %ne3A_45 : i1
    %sub3A = arith.constant 1 : i32
    %sub3A_46 = arith.subi %div3A, %sub3A : i32
    %select_n3A = arith.select %and3A, %sub3A_46, %div3A : i32
    %scan3A_47 = arith.constant 0 : i32
    %scan3A_48 = arith.constant 8 : i32
    %scan3A_49 = arith.addi %scan3A_47, %scan3A_48 : i32
    %scan3A_50 = arith.constant 1 : i32
    scf.for %scan3A_65 = %scan3A_47 to %scan3A_49 step %scan3A_50  : i32 {
      %mul3A_66 = arith.constant 1 : i32
      %mul3A_67 = arith.muli %scan3A_65, %mul3A_66 : i32
      %add3A_68 = arith.constant 0 : i32
      %add3A_69 = arith.addi %add3A_68, %mul3A_67 : i32
      %mul3A_70 = arith.constant 2 : i32
      %mul3A_71 = arith.muli %mul3A_70, %add3A_69 : i32
      %gt3A = arith.constant 0 : i32
      %gt3A_72 = arith.cmpi sgt, %add3A_69, %gt3A : i32
      %convert_element_type3A_73 = arith.extui %gt3A_72 : i1 to i32
      %cond3A_74 = arith.constant 0 : i32
      %cond3A_75 = arith.cmpi ne, %convert_element_type3A_73, %cond3A_74 : i32
      scf.if %cond3A_75 {
        %add3A_234 = arith.constant 0 : i32
        %add3A_235 = arith.addi %mul3A_4, %add3A_234 : i32
        %dma_wait3A_236 = tpu.memref_slice %arg3[%add3A_235] : memref<16777216xf32, #tpu.memory_space<hbm>> -> memref<32768xf32, #tpu.memory_space<hbm>>
        %dma_wait3A_237 = tpu.memref_slice %arg3[%add3A_235] : memref<16777216xf32, #tpu.memory_space<hbm>> -> memref<32768xf32, #tpu.memory_space<hbm>>
        tpu.wait_dma2 semaphore(%arg12 : memref<!tpu.dma_semaphore, #tpu.memory_space<semaphore_mem>>) src(%arg8 : memref<32768xf32, #tpu.memory_space<vmem>>) dst(%dma_wait3A_237 : memref<32768xf32, #tpu.memory_space<hbm>>)
      } else {
      }
      %mul3A_76 = arith.constant 32768 : i32
      %mul3A_77 = arith.muli %mul3A_71, %mul3A_76 : i32
      %add3A_78 = arith.addi %mul3A_4, %mul3A_77 : i32
      tpu.enqueue_dma source(%arg11 : memref<32768xf32, #tpu.memory_space<vmem_shared>>) target(%arg8 : memref<32768xf32, #tpu.memory_space<vmem>>) target_semaphore(%arg14 : memref<!tpu.dma_semaphore, #tpu.memory_space<semaphore_mem>>)
      %sub3A_79 = arith.constant 0 : i32
      %sub3A_80 = arith.subi %select_n3A, %sub3A_79 : i32
      %sub3A_81 = arith.constant 1 : i32
      %sub3A_82 = arith.constant 1 : i32
      %sub3A_83 = arith.subi %sub3A_81, %sub3A_82 : i32
      %add3A_84 = arith.addi %sub3A_80, %sub3A_83 : i32
      %div3A_85 = arith.constant 1 : i32
      %div3A_86 = arith.divsi %add3A_84, %div3A_85 : i32
      %while3A = arith.constant 1 : i32
      %while3A_87 = arith.constant 0 : i32
      %while3A_88 = arith.constant 0 : i32
      %while3A_89 = arith.constant 0 : i32
      %while3A_90 = arith.subi %div3A_86, %while3A_88 : i32
      %while3A_91 = arith.addi %while3A_88, %while3A_90 : i32
      %while3A_92 = arith.constant 1 : i32
      %while3A_93 = arith.divsi %while3A_90, %while3A_92 : i32
      %while3A_94 = arith.muli %while3A_93, %while3A_92 : i32
      %while3A_95 = arith.addi %while3A_88, %while3A_94 : i32
      %while3A_96 = arith.constant 1 : i32
      %while3A_97 = scf.for %while3A_234 = %while3A_88 to %while3A_95 step %while3A_96 iter_args(%while3A_235 = %while3A_89) -> (i32)  : i32 {
        %mul3A_236 = arith.muli %while3A_234, %while3A : i32
        %add3A_237 = arith.addi %while3A_87, %mul3A_236 : i32
        %mul3A_238 = arith.constant 16 : i32
        %mul3A_239 = arith.muli %add3A_237, %mul3A_238 : i32
        %get3A = arith.index_cast %mul3A_239 : i32 to index
        %get3A_240 = tpu.vector_load %arg6[%get3A] {strides = array<i32>} : memref<12304xi32, #tpu.memory_space<vmem>>, vector<16xi32>,
        %sub3A_241 = vector.broadcast %add3A_78 : i32 to vector<16xi32>
        %sub3A_242 = arith.subi %get3A_240, %sub3A_241 : vector<16xi32>
        %lt3A = arith.constant 32768 : i32
        %lt3A_243 = vector.broadcast %lt3A : i32 to vector<16xi32>
        %lt3A_244 = arith.cmpi ult, %sub3A_242, %lt3A_243 : vector<16xi32>
        %all_reduce_population_count3A = tpu.all_reduce %lt3A_244 {dim = 0 : i64, kind = #tpu.reduction_kind<sum>} : vector<16xi1> -> vector<16xi32>
        %slice3A = vector.extract_strided_slice %all_reduce_population_count3A {offsets = [0], sizes = [1], strides = [1]} : vector<16xi32> to vector<1xi32>
        %squeeze3A = vector.extract %slice3A[0] : i32 from vector<1xi32>
        %gt3A_245 = arith.constant 0 : i32
        %gt3A_246 = arith.cmpi sgt, %squeeze3A, %gt3A_245 : i32
        %convert_element_type3A_247 = arith.extui %gt3A_246 : i1 to i32
        %cond3A_248 = arith.constant 0 : i32
        %cond3A_249 = arith.cmpi ne, %convert_element_type3A_247, %cond3A_248 : i32
        scf.if %cond3A_249 {
          %swap3A_251 = arith.index_cast %while3A_235 : i32 to index
          %swap3A_252 = tpu.vector_load %arg7[%swap3A_251] masked %lt3A_244 {strides = array<i32>} : memref<12304xi32, #tpu.memory_space<vmem>>, vector<16xi32>, vector<16xi1>
          tpu.vector_store %arg7[%swap3A_251], %sub3A_242 masked %lt3A_244 {strides = array<i32>} : memref<12304xi32, #tpu.memory_space<vmem>>, vector<16xi32>, vector<16xi1>
        } else {
        }
        %add3A_250 = arith.addi %while3A_235, %squeeze3A : i32
        scf.yield %add3A_250 : i32
      }
      %while3A_98 = arith.constant 1 : i32
      %while3A_99 = scf.for %while3A_234 = %while3A_95 to %while3A_91 step %while3A_98 iter_args(%while3A_235 = %while3A_97) -> (i32)  : i32 {
        %mul3A_236 = arith.muli %while3A_234, %while3A : i32
        %add3A_237 = arith.addi %while3A_87, %mul3A_236 : i32
        %mul3A_238 = arith.constant 16 : i32
        %mul3A_239 = arith.muli %add3A_237, %mul3A_238 : i32
        %get3A = arith.index_cast %mul3A_239 : i32 to index
        %get3A_240 = tpu.vector_load %arg6[%get3A] {strides = array<i32>} : memref<12304xi32, #tpu.memory_space<vmem>>, vector<16xi32>,
        %sub3A_241 = vector.broadcast %add3A_78 : i32 to vector<16xi32>
        %sub3A_242 = arith.subi %get3A_240, %sub3A_241 : vector<16xi32>
        %lt3A = arith.constant 32768 : i32
        %lt3A_243 = vector.broadcast %lt3A : i32 to vector<16xi32>
        %lt3A_244 = arith.cmpi ult, %sub3A_242, %lt3A_243 : vector<16xi32>
        %all_reduce_population_count3A = tpu.all_reduce %lt3A_244 {dim = 0 : i64, kind = #tpu.reduction_kind<sum>} : vector<16xi1> -> vector<16xi32>
        %slice3A = vector.extract_strided_slice %all_reduce_population_count3A {offsets = [0], sizes = [1], strides = [1]} : vector<16xi32> to vector<1xi32>
        %squeeze3A = vector.extract %slice3A[0] : i32 from vector<1xi32>
        %gt3A_245 = arith.constant 0 : i32
        %gt3A_246 = arith.cmpi sgt, %squeeze3A, %gt3A_245 : i32
        %convert_element_type3A_247 = arith.extui %gt3A_246 : i1 to i32
        %cond3A_248 = arith.constant 0 : i32
        %cond3A_249 = arith.cmpi ne, %convert_element_type3A_247, %cond3A_248 : i32
        scf.if %cond3A_249 {
          %swap3A_251 = arith.index_cast %while3A_235 : i32 to index
          %swap3A_252 = tpu.vector_load %arg7[%swap3A_251] masked %lt3A_244 {strides = array<i32>} : memref<12304xi32, #tpu.memory_space<vmem>>, vector<16xi32>, vector<16xi1>
          tpu.vector_store %arg7[%swap3A_251], %sub3A_242 masked %lt3A_244 {strides = array<i32>} : memref<12304xi32, #tpu.memory_space<vmem>>, vector<16xi32>, vector<16xi1>
        } else {
        }
        %add3A_250 = arith.addi %while3A_235, %squeeze3A : i32
        scf.yield %add3A_250 : i32
      }
      tpu.wait_dma2 semaphore(%arg14 : memref<!tpu.dma_semaphore, #tpu.memory_space<semaphore_mem>>) src(%arg11 : memref<32768xf32, #tpu.memory_space<vmem_shared>>) dst(%arg8 : memref<32768xf32, #tpu.memory_space<vmem>>)
      %add3A_100 = arith.constant 15 : i32
      %add3A_101 = arith.addi %while3A_99, %add3A_100 : i32
      %jit3A_102 = arith.constant 16 : i32
      %div3A_103 = arith.divsi %add3A_101, %jit3A_102 : i32
      %sign3A_104 = arith.constant 0 : i32
      %sign3A_105 = arith.cmpi sgt, %add3A_101, %sign3A_104 : i32
      %sign3A_106 = arith.extui %sign3A_105 : i1 to i32
      %sign3A_107 = arith.constant 0 : i32
      %sign3A_108 = arith.cmpi slt, %add3A_101, %sign3A_107 : i32
      %sign3A_109 = arith.extui %sign3A_108 : i1 to i32
      %sign3A_110 = arith.subi %sign3A_106, %sign3A_109 : i32
      %sign3A_111 = arith.constant 0 : i32
      %sign3A_112 = arith.cmpi sgt, %jit3A_102, %sign3A_111 : i32
      %sign3A_113 = arith.extui %sign3A_112 : i1 to i32
      %sign3A_114 = arith.constant 0 : i32
      %sign3A_115 = arith.cmpi slt, %jit3A_102, %sign3A_114 : i32
      %sign3A_116 = arith.extui %sign3A_115 : i1 to i32
      %sign3A_117 = arith.subi %sign3A_113, %sign3A_116 : i32
      %ne3A_118 = arith.cmpi ne, %sign3A_110, %sign3A_117 : i32
      %rem3A_119 = arith.remsi %add3A_101, %jit3A_102 : i32
      %ne3A_120 = arith.constant 0 : i32
      %ne3A_121 = arith.cmpi ne, %rem3A_119, %ne3A_120 : i32
      %and3A_122 = arith.andi %ne3A_118, %ne3A_121 : i1
      %sub3A_123 = arith.constant 1 : i32
      %sub3A_124 = arith.subi %div3A_103, %sub3A_123 : i32
      %select_n3A_125 = arith.select %and3A_122, %sub3A_124, %div3A_103 : i32
      %sub3A_126 = arith.constant 0 : i32
      %sub3A_127 = arith.subi %select_n3A_125, %sub3A_126 : i32
      %sub3A_128 = arith.constant 1 : i32
      %sub3A_129 = arith.constant 1 : i32
      %sub3A_130 = arith.subi %sub3A_128, %sub3A_129 : i32
      %add3A_131 = arith.addi %sub3A_127, %sub3A_130 : i32
      %div3A_132 = arith.constant 1 : i32
      %div3A_133 = arith.divsi %add3A_131, %div3A_132 : i32
      %while3A_134 = arith.constant 1 : i32
      %while3A_135 = arith.constant 0 : i32
      %while3A_136 = arith.constant 0 : i32
      %while3A_137 = arith.subi %div3A_133, %while3A_136 : i32
      %while3A_138 = arith.addi %while3A_136, %while3A_137 : i32
      %while3A_139 = arith.constant 1 : i32
      %while3A_140 = arith.divsi %while3A_137, %while3A_139 : i32
      %while3A_141 = arith.muli %while3A_140, %while3A_139 : i32
      %while3A_142 = arith.addi %while3A_136, %while3A_141 : i32
      %while3A_143 = arith.constant 1 : i32
      scf.for %while3A_234 = %while3A_136 to %while3A_142 step %while3A_143  : i32 {
        %mul3A_235 = arith.muli %while3A_234, %while3A_134 : i32
        %add3A_236 = arith.addi %while3A_135, %mul3A_235 : i32
        %mul3A_237 = arith.constant 16 : i32
        %mul3A_238 = arith.muli %add3A_236, %mul3A_237 : i32
        %get3A = arith.index_cast %mul3A_238 : i32 to index
        %get3A_239 = tpu.vector_load %arg7[%get3A] {strides = array<i32>} : memref<12304xi32, #tpu.memory_space<vmem>>, vector<16xi32>,
        %mul3A_240 = arith.constant 16 : i32
        %mul3A_241 = arith.muli %add3A_236, %mul3A_240 : i32
        %sub3A_242 = arith.subi %while3A_99, %mul3A_241 : i32
        %min3A = arith.constant 16 : i32
        %min3A_243 = arith.minsi %sub3A_242, %min3A : i32
        %lt3A = vector.broadcast %min3A_243 : i32 to vector<16xi32>
        %lt3A_244 = arith.cmpi slt, %iota3A, %lt3A : vector<16xi32>
        tpu.vector_store_idx %arg8[%get3A_239], %broadcast_in_dim3A_5 masked %lt3A_244 : memref<32768xf32, #tpu.memory_space<vmem>>[vector<16xi32>], vector<16xf32>, vector<16xi1>
        %add3A_245 = arith.constant 1 : i32
        %add3A_246 = vector.broadcast %add3A_245 : i32 to vector<16xi32>
        %add3A_247 = arith.addi %get3A_239, %add3A_246 : vector<16xi32>
        tpu.vector_store_idx %arg8[%add3A_247], %broadcast_in_dim3A_5 masked %lt3A_244 : memref<32768xf32, #tpu.memory_space<vmem>>[vector<16xi32>], vector<16xf32>, vector<16xi1>
        %add3A_248 = arith.constant 1 : i32
        %add3A_249 = vector.broadcast %add3A_248 : i32 to vector<16xi32>
        %add3A_250 = arith.addi %add3A_247, %add3A_249 : vector<16xi32>
        tpu.vector_store_idx %arg8[%add3A_250], %broadcast_in_dim3A_5 masked %lt3A_244 : memref<32768xf32, #tpu.memory_space<vmem>>[vector<16xi32>], vector<16xf32>, vector<16xi1>
        %add3A_251 = arith.constant 1 : i32
        %add3A_252 = vector.broadcast %add3A_251 : i32 to vector<16xi32>
        %add3A_253 = arith.addi %add3A_250, %add3A_252 : vector<16xi32>
        tpu.vector_store_idx %arg8[%add3A_253], %broadcast_in_dim3A_5 masked %lt3A_244 : memref<32768xf32, #tpu.memory_space<vmem>>[vector<16xi32>], vector<16xf32>, vector<16xi1>
        %add3A_254 = arith.constant 1 : i32
        %add3A_255 = vector.broadcast %add3A_254 : i32 to vector<16xi32>
        %add3A_256 = arith.addi %add3A_253, %add3A_255 : vector<16xi32>
        tpu.vector_store_idx %arg8[%add3A_256], %broadcast_in_dim3A_5 masked %lt3A_244 : memref<32768xf32, #tpu.memory_space<vmem>>[vector<16xi32>], vector<16xf32>, vector<16xi1>
        %add3A_257 = arith.constant 1 : i32
        %add3A_258 = vector.broadcast %add3A_257 : i32 to vector<16xi32>
        %add3A_259 = arith.addi %add3A_256, %add3A_258 : vector<16xi32>
        tpu.vector_store_idx %arg8[%add3A_259], %broadcast_in_dim3A_5 masked %lt3A_244 : memref<32768xf32, #tpu.memory_space<vmem>>[vector<16xi32>], vector<16xf32>, vector<16xi1>
        %add3A_260 = arith.constant 1 : i32
        %add3A_261 = vector.broadcast %add3A_260 : i32 to vector<16xi32>
        %add3A_262 = arith.addi %add3A_259, %add3A_261 : vector<16xi32>
        tpu.vector_store_idx %arg8[%add3A_262], %broadcast_in_dim3A_5 masked %lt3A_244 : memref<32768xf32, #tpu.memory_space<vmem>>[vector<16xi32>], vector<16xf32>, vector<16xi1>
        %add3A_263 = arith.constant 1 : i32
        %add3A_264 = vector.broadcast %add3A_263 : i32 to vector<16xi32>
        %add3A_265 = arith.addi %add3A_262, %add3A_264 : vector<16xi32>
        tpu.vector_store_idx %arg8[%add3A_265], %broadcast_in_dim3A_5 masked %lt3A_244 : memref<32768xf32, #tpu.memory_space<vmem>>[vector<16xi32>], vector<16xf32>, vector<16xi1>
        %add3A_266 = arith.constant 1 : i32
        %add3A_267 = vector.broadcast %add3A_266 : i32 to vector<16xi32>
        %add3A_268 = arith.addi %add3A_265, %add3A_267 : vector<16xi32>
        tpu.vector_store_idx %arg8[%add3A_268], %broadcast_in_dim3A_5 masked %lt3A_244 : memref<32768xf32, #tpu.memory_space<vmem>>[vector<16xi32>], vector<16xf32>, vector<16xi1>
        %add3A_269 = arith.constant 1 : i32
        %add3A_270 = vector.broadcast %add3A_269 : i32 to vector<16xi32>
        %add3A_271 = arith.addi %add3A_268, %add3A_270 : vector<16xi32>
        tpu.vector_store_idx %arg8[%add3A_271], %broadcast_in_dim3A_5 masked %lt3A_244 : memref<32768xf32, #tpu.memory_space<vmem>>[vector<16xi32>], vector<16xf32>, vector<16xi1>
        %add3A_272 = arith.constant 1 : i32
        %add3A_273 = vector.broadcast %add3A_272 : i32 to vector<16xi32>
        %add3A_274 = arith.addi %add3A_271, %add3A_273 : vector<16xi32>
        tpu.vector_store_idx %arg8[%add3A_274], %broadcast_in_dim3A_5 masked %lt3A_244 : memref<32768xf32, #tpu.memory_space<vmem>>[vector<16xi32>], vector<16xf32>, vector<16xi1>
        %add3A_275 = arith.constant 1 : i32
        %add3A_276 = vector.broadcast %add3A_275 : i32 to vector<16xi32>
        %add3A_277 = arith.addi %add3A_274, %add3A_276 : vector<16xi32>
        tpu.vector_store_idx %arg8[%add3A_277], %broadcast_in_dim3A_5 masked %lt3A_244 : memref<32768xf32, #tpu.memory_space<vmem>>[vector<16xi32>], vector<16xf32>, vector<16xi1>
        %add3A_278 = arith.constant 1 : i32
        %add3A_279 = vector.broadcast %add3A_278 : i32 to vector<16xi32>
        %add3A_280 = arith.addi %add3A_277, %add3A_279 : vector<16xi32>
        tpu.vector_store_idx %arg8[%add3A_280], %broadcast_in_dim3A_5 masked %lt3A_244 : memref<32768xf32, #tpu.memory_space<vmem>>[vector<16xi32>], vector<16xf32>, vector<16xi1>
        %add3A_281 = arith.constant 1 : i32
        %add3A_282 = vector.broadcast %add3A_281 : i32 to vector<16xi32>
        %add3A_283 = arith.addi %add3A_280, %add3A_282 : vector<16xi32>
        tpu.vector_store_idx %arg8[%add3A_283], %broadcast_in_dim3A_5 masked %lt3A_244 : memref<32768xf32, #tpu.memory_space<vmem>>[vector<16xi32>], vector<16xf32>, vector<16xi1>
        %add3A_284 = arith.constant 1 : i32
        %add3A_285 = vector.broadcast %add3A_284 : i32 to vector<16xi32>
        %add3A_286 = arith.addi %add3A_283, %add3A_285 : vector<16xi32>
        tpu.vector_store_idx %arg8[%add3A_286], %broadcast_in_dim3A_5 masked %lt3A_244 : memref<32768xf32, #tpu.memory_space<vmem>>[vector<16xi32>], vector<16xf32>, vector<16xi1>
        %add3A_287 = arith.constant 1 : i32
        %add3A_288 = vector.broadcast %add3A_287 : i32 to vector<16xi32>
        %add3A_289 = arith.addi %add3A_286, %add3A_288 : vector<16xi32>
        tpu.vector_store_idx %arg8[%add3A_289], %broadcast_in_dim3A_5 masked %lt3A_244 : memref<32768xf32, #tpu.memory_space<vmem>>[vector<16xi32>], vector<16xf32>, vector<16xi1>
        %add3A_290 = arith.constant 1 : i32
        %add3A_291 = vector.broadcast %add3A_290 : i32 to vector<16xi32>
        %add3A_292 = arith.addi %add3A_289, %add3A_291 : vector<16xi32>
        tpu.vector_store_idx %arg8[%add3A_292], %broadcast_in_dim3A_5 masked %lt3A_244 : memref<32768xf32, #tpu.memory_space<vmem>>[vector<16xi32>], vector<16xf32>, vector<16xi1>
        %add3A_293 = arith.constant 1 : i32
        %add3A_294 = vector.broadcast %add3A_293 : i32 to vector<16xi32>
        %add3A_295 = arith.addi %add3A_292, %add3A_294 : vector<16xi32>
        tpu.vector_store_idx %arg8[%add3A_295], %broadcast_in_dim3A_5 masked %lt3A_244 : memref<32768xf32, #tpu.memory_space<vmem>>[vector<16xi32>], vector<16xf32>, vector<16xi1>
        %add3A_296 = arith.constant 1 : i32
        %add3A_297 = vector.broadcast %add3A_296 : i32 to vector<16xi32>
        %add3A_298 = arith.addi %add3A_295, %add3A_297 : vector<16xi32>
        tpu.vector_store_idx %arg8[%add3A_298], %broadcast_in_dim3A_5 masked %lt3A_244 : memref<32768xf32, #tpu.memory_space<vmem>>[vector<16xi32>], vector<16xf32>, vector<16xi1>
        %add3A_299 = arith.constant 1 : i32
        %add3A_300 = vector.broadcast %add3A_299 : i32 to vector<16xi32>
        %add3A_301 = arith.addi %add3A_298, %add3A_300 : vector<16xi32>
        tpu.vector_store_idx %arg8[%add3A_301], %broadcast_in_dim3A_5 masked %lt3A_244 : memref<32768xf32, #tpu.memory_space<vmem>>[vector<16xi32>], vector<16xf32>, vector<16xi1>
        %add3A_302 = arith.constant 1 : i32
        %add3A_303 = vector.broadcast %add3A_302 : i32 to vector<16xi32>
        %add3A_304 = arith.addi %add3A_301, %add3A_303 : vector<16xi32>
        tpu.vector_store_idx %arg8[%add3A_304], %broadcast_in_dim3A_5 masked %lt3A_244 : memref<32768xf32, #tpu.memory_space<vmem>>[vector<16xi32>], vector<16xf32>, vector<16xi1>
        %add3A_305 = arith.constant 1 : i32
        %add3A_306 = vector.broadcast %add3A_305 : i32 to vector<16xi32>
        %add3A_307 = arith.addi %add3A_304, %add3A_306 : vector<16xi32>
        tpu.vector_store_idx %arg8[%add3A_307], %broadcast_in_dim3A_5 masked %lt3A_244 : memref<32768xf32, #tpu.memory_space<vmem>>[vector<16xi32>], vector<16xf32>, vector<16xi1>
        %add3A_308 = arith.constant 1 : i32
        %add3A_309 = vector.broadcast %add3A_308 : i32 to vector<16xi32>
        %add3A_310 = arith.addi %add3A_307, %add3A_309 : vector<16xi32>
        tpu.vector_store_idx %arg8[%add3A_310], %broadcast_in_dim3A_5 masked %lt3A_244 : memref<32768xf32, #tpu.memory_space<vmem>>[vector<16xi32>], vector<16xf32>, vector<16xi1>
        %add3A_311 = arith.constant 1 : i32
        %add3A_312 = vector.broadcast %add3A_311 : i32 to vector<16xi32>
        %add3A_313 = arith.addi %add3A_310, %add3A_312 : vector<16xi32>
        tpu.vector_store_idx %arg8[%add3A_313], %broadcast_in_dim3A_5 masked %lt3A_244 : memref<32768xf32, #tpu.memory_space<vmem>>[vector<16xi32>], vector<16xf32>, vector<16xi1>
        %add3A_314 = arith.constant 1 : i32
        %add3A_315 = vector.broadcast %add3A_314 : i32 to vector<16xi32>
        %add3A_316 = arith.addi %add3A_313, %add3A_315 : vector<16xi32>
        tpu.vector_store_idx %arg8[%add3A_316], %broadcast_in_dim3A_5 masked %lt3A_244 : memref<32768xf32, #tpu.memory_space<vmem>>[vector<16xi32>], vector<16xf32>, vector<16xi1>
        %add3A_317 = arith.constant 1 : i32
        %add3A_318 = vector.broadcast %add3A_317 : i32 to vector<16xi32>
        %add3A_319 = arith.addi %add3A_316, %add3A_318 : vector<16xi32>
        tpu.vector_store_idx %arg8[%add3A_319], %broadcast_in_dim3A_5 masked %lt3A_244 : memref<32768xf32, #tpu.memory_space<vmem>>[vector<16xi32>], vector<16xf32>, vector<16xi1>
        %add3A_320 = arith.constant 1 : i32
        %add3A_321 = vector.broadcast %add3A_320 : i32 to vector<16xi32>
        %add3A_322 = arith.addi %add3A_319, %add3A_321 : vector<16xi32>
        tpu.vector_store_idx %arg8[%add3A_322], %broadcast_in_dim3A_5 masked %lt3A_244 : memref<32768xf32, #tpu.memory_space<vmem>>[vector<16xi32>], vector<16xf32>, vector<16xi1>
        %add3A_323 = arith.constant 1 : i32
        %add3A_324 = vector.broadcast %add3A_323 : i32 to vector<16xi32>
        %add3A_325 = arith.addi %add3A_322, %add3A_324 : vector<16xi32>
        tpu.vector_store_idx %arg8[%add3A_325], %broadcast_in_dim3A_5 masked %lt3A_244 : memref<32768xf32, #tpu.memory_space<vmem>>[vector<16xi32>], vector<16xf32>, vector<16xi1>
        %add3A_326 = arith.constant 1 : i32
        %add3A_327 = vector.broadcast %add3A_326 : i32 to vector<16xi32>
        %add3A_328 = arith.addi %add3A_325, %add3A_327 : vector<16xi32>
        tpu.vector_store_idx %arg8[%add3A_328], %broadcast_in_dim3A_5 masked %lt3A_244 : memref<32768xf32, #tpu.memory_space<vmem>>[vector<16xi32>], vector<16xf32>, vector<16xi1>
        %add3A_329 = arith.constant 1 : i32
        %add3A_330 = vector.broadcast %add3A_329 : i32 to vector<16xi32>
        %add3A_331 = arith.addi %add3A_328, %add3A_330 : vector<16xi32>
        tpu.vector_store_idx %arg8[%add3A_331], %broadcast_in_dim3A_5 masked %lt3A_244 : memref<32768xf32, #tpu.memory_space<vmem>>[vector<16xi32>], vector<16xf32>, vector<16xi1>
        %add3A_332 = arith.constant 1 : i32
        %add3A_333 = vector.broadcast %add3A_332 : i32 to vector<16xi32>
        %add3A_334 = arith.addi %add3A_331, %add3A_333 : vector<16xi32>
        tpu.vector_store_idx %arg8[%add3A_334], %broadcast_in_dim3A_5 masked %lt3A_244 : memref<32768xf32, #tpu.memory_space<vmem>>[vector<16xi32>], vector<16xf32>, vector<16xi1>
        %add3A_335 = arith.constant 1 : i32
        %add3A_336 = vector.broadcast %add3A_335 : i32 to vector<16xi32>
        %add3A_337 = arith.addi %add3A_334, %add3A_336 : vector<16xi32>
        tpu.vector_store_idx %arg8[%add3A_337], %broadcast_in_dim3A_5 masked %lt3A_244 : memref<32768xf32, #tpu.memory_space<vmem>>[vector<16xi32>], vector<16xf32>, vector<16xi1>
        %add3A_338 = arith.constant 1 : i32
        %add3A_339 = vector.broadcast %add3A_338 : i32 to vector<16xi32>
        %add3A_340 = arith.addi %add3A_337, %add3A_339 : vector<16xi32>
        tpu.vector_store_idx %arg8[%add3A_340], %broadcast_in_dim3A_5 masked %lt3A_244 : memref<32768xf32, #tpu.memory_space<vmem>>[vector<16xi32>], vector<16xf32>, vector<16xi1>
        %add3A_341 = arith.constant 1 : i32
        %add3A_342 = vector.broadcast %add3A_341 : i32 to vector<16xi32>
        %add3A_343 = arith.addi %add3A_340, %add3A_342 : vector<16xi32>
        tpu.vector_store_idx %arg8[%add3A_343], %broadcast_in_dim3A_5 masked %lt3A_244 : memref<32768xf32, #tpu.memory_space<vmem>>[vector<16xi32>], vector<16xf32>, vector<16xi1>
        %add3A_344 = arith.constant 1 : i32
        %add3A_345 = vector.broadcast %add3A_344 : i32 to vector<16xi32>
        %add3A_346 = arith.addi %add3A_343, %add3A_345 : vector<16xi32>
        tpu.vector_store_idx %arg8[%add3A_346], %broadcast_in_dim3A_5 masked %lt3A_244 : memref<32768xf32, #tpu.memory_space<vmem>>[vector<16xi32>], vector<16xf32>, vector<16xi1>
        %add3A_347 = arith.constant 1 : i32
        %add3A_348 = vector.broadcast %add3A_347 : i32 to vector<16xi32>
        %add3A_349 = arith.addi %add3A_346, %add3A_348 : vector<16xi32>
        tpu.vector_store_idx %arg8[%add3A_349], %broadcast_in_dim3A_5 masked %lt3A_244 : memref<32768xf32, #tpu.memory_space<vmem>>[vector<16xi32>], vector<16xf32>, vector<16xi1>
        %add3A_350 = arith.constant 1 : i32
        %add3A_351 = vector.broadcast %add3A_350 : i32 to vector<16xi32>
        %add3A_352 = arith.addi %add3A_349, %add3A_351 : vector<16xi32>
        tpu.vector_store_idx %arg8[%add3A_352], %broadcast_in_dim3A_5 masked %lt3A_244 : memref<32768xf32, #tpu.memory_space<vmem>>[vector<16xi32>], vector<16xf32>, vector<16xi1>
        %add3A_353 = arith.constant 1 : i32
        %add3A_354 = vector.broadcast %add3A_353 : i32 to vector<16xi32>
        %add3A_355 = arith.addi %add3A_352, %add3A_354 : vector<16xi32>
        tpu.vector_store_idx %arg8[%add3A_355], %broadcast_in_dim3A_5 masked %lt3A_244 : memref<32768xf32, #tpu.memory_space<vmem>>[vector<16xi32>], vector<16xf32>, vector<16xi1>
        %add3A_356 = arith.constant 1 : i32
        %add3A_357 = vector.broadcast %add3A_356 : i32 to vector<16xi32>
        %add3A_358 = arith.addi %add3A_355, %add3A_357 : vector<16xi32>
        tpu.vector_store_idx %arg8[%add3A_358], %broadcast_in_dim3A_5 masked %lt3A_244 : memref<32768xf32, #tpu.memory_space<vmem>>[vector<16xi32>], vector<16xf32>, vector<16xi1>
        %add3A_359 = arith.constant 1 : i32
        %add3A_360 = vector.broadcast %add3A_359 : i32 to vector<16xi32>
        %add3A_361 = arith.addi %add3A_358, %add3A_360 : vector<16xi32>
        tpu.vector_store_idx %arg8[%add3A_361], %broadcast_in_dim3A_5 masked %lt3A_244 : memref<32768xf32, #tpu.memory_space<vmem>>[vector<16xi32>], vector<16xf32>, vector<16xi1>
        %add3A_362 = arith.constant 1 : i32
        %add3A_363 = vector.broadcast %add3A_362 : i32 to vector<16xi32>
        %add3A_364 = arith.addi %add3A_361, %add3A_363 : vector<16xi32>
        tpu.vector_store_idx %arg8[%add3A_364], %broadcast_in_dim3A_5 masked %lt3A_244 : memref<32768xf32, #tpu.memory_space<vmem>>[vector<16xi32>], vector<16xf32>, vector<16xi1>
        %add3A_365 = arith.constant 1 : i32
        %add3A_366 = vector.broadcast %add3A_365 : i32 to vector<16xi32>
        %add3A_367 = arith.addi %add3A_364, %add3A_366 : vector<16xi32>
        tpu.vector_store_idx %arg8[%add3A_367], %broadcast_in_dim3A_5 masked %lt3A_244 : memref<32768xf32, #tpu.memory_space<vmem>>[vector<16xi32>], vector<16xf32>, vector<16xi1>
        %add3A_368 = arith.constant 1 : i32
        %add3A_369 = vector.broadcast %add3A_368 : i32 to vector<16xi32>
        %add3A_370 = arith.addi %add3A_367, %add3A_369 : vector<16xi32>
        tpu.vector_store_idx %arg8[%add3A_370], %broadcast_in_dim3A_5 masked %lt3A_244 : memref<32768xf32, #tpu.memory_space<vmem>>[vector<16xi32>], vector<16xf32>, vector<16xi1>
        %add3A_371 = arith.constant 1 : i32
        %add3A_372 = vector.broadcast %add3A_371 : i32 to vector<16xi32>
        %add3A_373 = arith.addi %add3A_370, %add3A_372 : vector<16xi32>
        tpu.vector_store_idx %arg8[%add3A_373], %broadcast_in_dim3A_5 masked %lt3A_244 : memref<32768xf32, #tpu.memory_space<vmem>>[vector<16xi32>], vector<16xf32>, vector<16xi1>
        %add3A_374 = arith.constant 1 : i32
        %add3A_375 = vector.broadcast %add3A_374 : i32 to vector<16xi32>
        %add3A_376 = arith.addi %add3A_373, %add3A_375 : vector<16xi32>
        tpu.vector_store_idx %arg8[%add3A_376], %broadcast_in_dim3A_5 masked %lt3A_244 : memref<32768xf32, #tpu.memory_space<vmem>>[vector<16xi32>], vector<16xf32>, vector<16xi1>
        %add3A_377 = arith.constant 1 : i32
        %add3A_378 = vector.broadcast %add3A_377 : i32 to vector<16xi32>
        %add3A_379 = arith.addi %add3A_376, %add3A_378 : vector<16xi32>
        tpu.vector_store_idx %arg8[%add3A_379], %broadcast_in_dim3A_5 masked %lt3A_244 : memref<32768xf32, #tpu.memory_space<vmem>>[vector<16xi32>], vector<16xf32>, vector<16xi1>
        %add3A_380 = arith.constant 1 : i32
        %add3A_381 = vector.broadcast %add3A_380 : i32 to vector<16xi32>
        %add3A_382 = arith.addi %add3A_379, %add3A_381 : vector<16xi32>
        tpu.vector_store_idx %arg8[%add3A_382], %broadcast_in_dim3A_5 masked %lt3A_244 : memref<32768xf32, #tpu.memory_space<vmem>>[vector<16xi32>], vector<16xf32>, vector<16xi1>
        %add3A_383 = arith.constant 1 : i32
        %add3A_384 = vector.broadcast %add3A_383 : i32 to vector<16xi32>
        %add3A_385 = arith.addi %add3A_382, %add3A_384 : vector<16xi32>
        tpu.vector_store_idx %arg8[%add3A_385], %broadcast_in_dim3A_5 masked %lt3A_244 : memref<32768xf32, #tpu.memory_space<vmem>>[vector<16xi32>], vector<16xf32>, vector<16xi1>
        %add3A_386 = arith.constant 1 : i32
        %add3A_387 = vector.broadcast %add3A_386 : i32 to vector<16xi32>
        %add3A_388 = arith.addi %add3A_385, %add3A_387 : vector<16xi32>
        tpu.vector_store_idx %arg8[%add3A_388], %broadcast_in_dim3A_5 masked %lt3A_244 : memref<32768xf32, #tpu.memory_space<vmem>>[vector<16xi32>], vector<16xf32>, vector<16xi1>
        %add3A_389 = arith.constant 1 : i32
        %add3A_390 = vector.broadcast %add3A_389 : i32 to vector<16xi32>
        %add3A_391 = arith.addi %add3A_388, %add3A_390 : vector<16xi32>
        tpu.vector_store_idx %arg8[%add3A_391], %broadcast_in_dim3A_5 masked %lt3A_244 : memref<32768xf32, #tpu.memory_space<vmem>>[vector<16xi32>], vector<16xf32>, vector<16xi1>
        %add3A_392 = arith.constant 1 : i32
        %add3A_393 = vector.broadcast %add3A_392 : i32 to vector<16xi32>
        %add3A_394 = arith.addi %add3A_391, %add3A_393 : vector<16xi32>
        tpu.vector_store_idx %arg8[%add3A_394], %broadcast_in_dim3A_5 masked %lt3A_244 : memref<32768xf32, #tpu.memory_space<vmem>>[vector<16xi32>], vector<16xf32>, vector<16xi1>
        %add3A_395 = arith.constant 1 : i32
        %add3A_396 = vector.broadcast %add3A_395 : i32 to vector<16xi32>
        %add3A_397 = arith.addi %add3A_394, %add3A_396 : vector<16xi32>
        tpu.vector_store_idx %arg8[%add3A_397], %broadcast_in_dim3A_5 masked %lt3A_244 : memref<32768xf32, #tpu.memory_space<vmem>>[vector<16xi32>], vector<16xf32>, vector<16xi1>
        %add3A_398 = arith.constant 1 : i32
        %add3A_399 = vector.broadcast %add3A_398 : i32 to vector<16xi32>
        %add3A_400 = arith.addi %add3A_397, %add3A_399 : vector<16xi32>
        tpu.vector_store_idx %arg8[%add3A_400], %broadcast_in_dim3A_5 masked %lt3A_244 : memref<32768xf32, #tpu.memory_space<vmem>>[vector<16xi32>], vector<16xf32>, vector<16xi1>
        %add3A_401 = arith.constant 1 : i32
        %add3A_402 = vector.broadcast %add3A_401 : i32 to vector<16xi32>
        %add3A_403 = arith.addi %add3A_400, %add3A_402 : vector<16xi32>
        tpu.vector_store_idx %arg8[%add3A_403], %broadcast_in_dim3A_5 masked %lt3A_244 : memref<32768xf32, #tpu.memory_space<vmem>>[vector<16xi32>], vector<16xf32>, vector<16xi1>
        %add3A_404 = arith.constant 1 : i32
        %add3A_405 = vector.broadcast %add3A_404 : i32 to vector<16xi32>
        %add3A_406 = arith.addi %add3A_403, %add3A_405 : vector<16xi32>
        tpu.vector_store_idx %arg8[%add3A_406], %broadcast_in_dim3A_5 masked %lt3A_244 : memref<32768xf32, #tpu.memory_space<vmem>>[vector<16xi32>], vector<16xf32>, vector<16xi1>
        %add3A_407 = arith.constant 1 : i32
        %add3A_408 = vector.broadcast %add3A_407 : i32 to vector<16xi32>
        %add3A_409 = arith.addi %add3A_406, %add3A_408 : vector<16xi32>
        tpu.vector_store_idx %arg8[%add3A_409], %broadcast_in_dim3A_5 masked %lt3A_244 : memref<32768xf32, #tpu.memory_space<vmem>>[vector<16xi32>], vector<16xf32>, vector<16xi1>
        %add3A_410 = arith.constant 1 : i32
        %add3A_411 = vector.broadcast %add3A_410 : i32 to vector<16xi32>
        %add3A_412 = arith.addi %add3A_409, %add3A_411 : vector<16xi32>
        tpu.vector_store_idx %arg8[%add3A_412], %broadcast_in_dim3A_5 masked %lt3A_244 : memref<32768xf32, #tpu.memory_space<vmem>>[vector<16xi32>], vector<16xf32>, vector<16xi1>
        %add3A_413 = arith.constant 1 : i32
        %add3A_414 = vector.broadcast %add3A_413 : i32 to vector<16xi32>
        %add3A_415 = arith.addi %add3A_412, %add3A_414 : vector<16xi32>
        tpu.vector_store_idx %arg8[%add3A_415], %broadcast_in_dim3A_5 masked %lt3A_244 : memref<32768xf32, #tpu.memory_space<vmem>>[vector<16xi32>], vector<16xf32>, vector<16xi1>
        %add3A_416 = arith.constant 1 : i32
        %add3A_417 = vector.broadcast %add3A_416 : i32 to vector<16xi32>
        %add3A_418 = arith.addi %add3A_415, %add3A_417 : vector<16xi32>
        tpu.vector_store_idx %arg8[%add3A_418], %broadcast_in_dim3A_5 masked %lt3A_244 : memref<32768xf32, #tpu.memory_space<vmem>>[vector<16xi32>], vector<16xf32>, vector<16xi1>
        %add3A_419 = arith.constant 1 : i32
        %add3A_420 = vector.broadcast %add3A_419 : i32 to vector<16xi32>
        %add3A_421 = arith.addi %add3A_418, %add3A_420 : vector<16xi32>
        tpu.vector_store_idx %arg8[%add3A_421], %broadcast_in_dim3A_5 masked %lt3A_244 : memref<32768xf32, #tpu.memory_space<vmem>>[vector<16xi32>], vector<16xf32>, vector<16xi1>
        %add3A_422 = arith.constant 1 : i32
        %add3A_423 = vector.broadcast %add3A_422 : i32 to vector<16xi32>
        %add3A_424 = arith.addi %add3A_421, %add3A_423 : vector<16xi32>
        tpu.vector_store_idx %arg8[%add3A_424], %broadcast_in_dim3A_5 masked %lt3A_244 : memref<32768xf32, #tpu.memory_space<vmem>>[vector<16xi32>], vector<16xf32>, vector<16xi1>
        %add3A_425 = arith.constant 1 : i32
        %add3A_426 = vector.broadcast %add3A_425 : i32 to vector<16xi32>
        %add3A_427 = arith.addi %add3A_424, %add3A_426 : vector<16xi32>
        tpu.vector_store_idx %arg8[%add3A_427], %broadcast_in_dim3A_5 masked %lt3A_244 : memref<32768xf32, #tpu.memory_space<vmem>>[vector<16xi32>], vector<16xf32>, vector<16xi1>
        %add3A_428 = arith.constant 1 : i32
        %add3A_429 = vector.broadcast %add3A_428 : i32 to vector<16xi32>
        %add3A_430 = arith.addi %add3A_427, %add3A_429 : vector<16xi32>
        tpu.vector_store_idx %arg8[%add3A_430], %broadcast_in_dim3A_5 masked %lt3A_244 : memref<32768xf32, #tpu.memory_space<vmem>>[vector<16xi32>], vector<16xf32>, vector<16xi1>
        %add3A_431 = arith.constant 1 : i32
        %add3A_432 = vector.broadcast %add3A_431 : i32 to vector<16xi32>
        %add3A_433 = arith.addi %add3A_430, %add3A_432 : vector<16xi32>
        tpu.vector_store_idx %arg8[%add3A_433], %broadcast_in_dim3A_5 masked %lt3A_244 : memref<32768xf32, #tpu.memory_space<vmem>>[vector<16xi32>], vector<16xf32>, vector<16xi1>
      }
      %while3A_144 = arith.constant 1 : i32
      scf.for %while3A_234 = %while3A_142 to %while3A_138 step %while3A_144  : i32 {
        %mul3A_235 = arith.muli %while3A_234, %while3A_134 : i32
        %add3A_236 = arith.addi %while3A_135, %mul3A_235 : i32
        %mul3A_237 = arith.constant 16 : i32
        %mul3A_238 = arith.muli %add3A_236, %mul3A_237 : i32
        %get3A = arith.index_cast %mul3A_238 : i32 to index
        %get3A_239 = tpu.vector_load %arg7[%get3A] {strides = array<i32>} : memref<12304xi32, #tpu.memory_space<vmem>>, vector<16xi32>,
        %mul3A_240 = arith.constant 16 : i32
        %mul3A_241 = arith.muli %add3A_236, %mul3A_240 : i32
        %sub3A_242 = arith.subi %while3A_99, %mul3A_241 : i32
        %min3A = arith.constant 16 : i32
        %min3A_243 = arith.minsi %sub3A_242, %min3A : i32
        %lt3A = vector.broadcast %min3A_243 : i32 to vector<16xi32>
        %lt3A_244 = arith.cmpi slt, %iota3A, %lt3A : vector<16xi32>
        tpu.vector_store_idx %arg8[%get3A_239], %broadcast_in_dim3A_5 masked %lt3A_244 : memref<32768xf32, #tpu.memory_space<vmem>>[vector<16xi32>], vector<16xf32>, vector<16xi1>
        %add3A_245 = arith.constant 1 : i32
        %add3A_246 = vector.broadcast %add3A_245 : i32 to vector<16xi32>
        %add3A_247 = arith.addi %get3A_239, %add3A_246 : vector<16xi32>
        tpu.vector_store_idx %arg8[%add3A_247], %broadcast_in_dim3A_5 masked %lt3A_244 : memref<32768xf32, #tpu.memory_space<vmem>>[vector<16xi32>], vector<16xf32>, vector<16xi1>
        %add3A_248 = arith.constant 1 : i32
        %add3A_249 = vector.broadcast %add3A_248 : i32 to vector<16xi32>
        %add3A_250 = arith.addi %add3A_247, %add3A_249 : vector<16xi32>
        tpu.vector_store_idx %arg8[%add3A_250], %broadcast_in_dim3A_5 masked %lt3A_244 : memref<32768xf32, #tpu.memory_space<vmem>>[vector<16xi32>], vector<16xf32>, vector<16xi1>
        %add3A_251 = arith.constant 1 : i32
        %add3A_252 = vector.broadcast %add3A_251 : i32 to vector<16xi32>
        %add3A_253 = arith.addi %add3A_250, %add3A_252 : vector<16xi32>
        tpu.vector_store_idx %arg8[%add3A_253], %broadcast_in_dim3A_5 masked %lt3A_244 : memref<32768xf32, #tpu.memory_space<vmem>>[vector<16xi32>], vector<16xf32>, vector<16xi1>
        %add3A_254 = arith.constant 1 : i32
        %add3A_255 = vector.broadcast %add3A_254 : i32 to vector<16xi32>
        %add3A_256 = arith.addi %add3A_253, %add3A_255 : vector<16xi32>
        tpu.vector_store_idx %arg8[%add3A_256], %broadcast_in_dim3A_5 masked %lt3A_244 : memref<32768xf32, #tpu.memory_space<vmem>>[vector<16xi32>], vector<16xf32>, vector<16xi1>
        %add3A_257 = arith.constant 1 : i32
        %add3A_258 = vector.broadcast %add3A_257 : i32 to vector<16xi32>
        %add3A_259 = arith.addi %add3A_256, %add3A_258 : vector<16xi32>
        tpu.vector_store_idx %arg8[%add3A_259], %broadcast_in_dim3A_5 masked %lt3A_244 : memref<32768xf32, #tpu.memory_space<vmem>>[vector<16xi32>], vector<16xf32>, vector<16xi1>
        %add3A_260 = arith.constant 1 : i32
        %add3A_261 = vector.broadcast %add3A_260 : i32 to vector<16xi32>
        %add3A_262 = arith.addi %add3A_259, %add3A_261 : vector<16xi32>
        tpu.vector_store_idx %arg8[%add3A_262], %broadcast_in_dim3A_5 masked %lt3A_244 : memref<32768xf32, #tpu.memory_space<vmem>>[vector<16xi32>], vector<16xf32>, vector<16xi1>
        %add3A_263 = arith.constant 1 : i32
        %add3A_264 = vector.broadcast %add3A_263 : i32 to vector<16xi32>
        %add3A_265 = arith.addi %add3A_262, %add3A_264 : vector<16xi32>
        tpu.vector_store_idx %arg8[%add3A_265], %broadcast_in_dim3A_5 masked %lt3A_244 : memref<32768xf32, #tpu.memory_space<vmem>>[vector<16xi32>], vector<16xf32>, vector<16xi1>
        %add3A_266 = arith.constant 1 : i32
        %add3A_267 = vector.broadcast %add3A_266 : i32 to vector<16xi32>
        %add3A_268 = arith.addi %add3A_265, %add3A_267 : vector<16xi32>
        tpu.vector_store_idx %arg8[%add3A_268], %broadcast_in_dim3A_5 masked %lt3A_244 : memref<32768xf32, #tpu.memory_space<vmem>>[vector<16xi32>], vector<16xf32>, vector<16xi1>
        %add3A_269 = arith.constant 1 : i32
        %add3A_270 = vector.broadcast %add3A_269 : i32 to vector<16xi32>
        %add3A_271 = arith.addi %add3A_268, %add3A_270 : vector<16xi32>
        tpu.vector_store_idx %arg8[%add3A_271], %broadcast_in_dim3A_5 masked %lt3A_244 : memref<32768xf32, #tpu.memory_space<vmem>>[vector<16xi32>], vector<16xf32>, vector<16xi1>
        %add3A_272 = arith.constant 1 : i32
        %add3A_273 = vector.broadcast %add3A_272 : i32 to vector<16xi32>
        %add3A_274 = arith.addi %add3A_271, %add3A_273 : vector<16xi32>
        tpu.vector_store_idx %arg8[%add3A_274], %broadcast_in_dim3A_5 masked %lt3A_244 : memref<32768xf32, #tpu.memory_space<vmem>>[vector<16xi32>], vector<16xf32>, vector<16xi1>
        %add3A_275 = arith.constant 1 : i32
        %add3A_276 = vector.broadcast %add3A_275 : i32 to vector<16xi32>
        %add3A_277 = arith.addi %add3A_274, %add3A_276 : vector<16xi32>
        tpu.vector_store_idx %arg8[%add3A_277], %broadcast_in_dim3A_5 masked %lt3A_244 : memref<32768xf32, #tpu.memory_space<vmem>>[vector<16xi32>], vector<16xf32>, vector<16xi1>
        %add3A_278 = arith.constant 1 : i32
        %add3A_279 = vector.broadcast %add3A_278 : i32 to vector<16xi32>
        %add3A_280 = arith.addi %add3A_277, %add3A_279 : vector<16xi32>
        tpu.vector_store_idx %arg8[%add3A_280], %broadcast_in_dim3A_5 masked %lt3A_244 : memref<32768xf32, #tpu.memory_space<vmem>>[vector<16xi32>], vector<16xf32>, vector<16xi1>
        %add3A_281 = arith.constant 1 : i32
        %add3A_282 = vector.broadcast %add3A_281 : i32 to vector<16xi32>
        %add3A_283 = arith.addi %add3A_280, %add3A_282 : vector<16xi32>
        tpu.vector_store_idx %arg8[%add3A_283], %broadcast_in_dim3A_5 masked %lt3A_244 : memref<32768xf32, #tpu.memory_space<vmem>>[vector<16xi32>], vector<16xf32>, vector<16xi1>
        %add3A_284 = arith.constant 1 : i32
        %add3A_285 = vector.broadcast %add3A_284 : i32 to vector<16xi32>
        %add3A_286 = arith.addi %add3A_283, %add3A_285 : vector<16xi32>
        tpu.vector_store_idx %arg8[%add3A_286], %broadcast_in_dim3A_5 masked %lt3A_244 : memref<32768xf32, #tpu.memory_space<vmem>>[vector<16xi32>], vector<16xf32>, vector<16xi1>
        %add3A_287 = arith.constant 1 : i32
        %add3A_288 = vector.broadcast %add3A_287 : i32 to vector<16xi32>
        %add3A_289 = arith.addi %add3A_286, %add3A_288 : vector<16xi32>
        tpu.vector_store_idx %arg8[%add3A_289], %broadcast_in_dim3A_5 masked %lt3A_244 : memref<32768xf32, #tpu.memory_space<vmem>>[vector<16xi32>], vector<16xf32>, vector<16xi1>
        %add3A_290 = arith.constant 1 : i32
        %add3A_291 = vector.broadcast %add3A_290 : i32 to vector<16xi32>
        %add3A_292 = arith.addi %add3A_289, %add3A_291 : vector<16xi32>
        tpu.vector_store_idx %arg8[%add3A_292], %broadcast_in_dim3A_5 masked %lt3A_244 : memref<32768xf32, #tpu.memory_space<vmem>>[vector<16xi32>], vector<16xf32>, vector<16xi1>
        %add3A_293 = arith.constant 1 : i32
        %add3A_294 = vector.broadcast %add3A_293 : i32 to vector<16xi32>
        %add3A_295 = arith.addi %add3A_292, %add3A_294 : vector<16xi32>
        tpu.vector_store_idx %arg8[%add3A_295], %broadcast_in_dim3A_5 masked %lt3A_244 : memref<32768xf32, #tpu.memory_space<vmem>>[vector<16xi32>], vector<16xf32>, vector<16xi1>
        %add3A_296 = arith.constant 1 : i32
        %add3A_297 = vector.broadcast %add3A_296 : i32 to vector<16xi32>
        %add3A_298 = arith.addi %add3A_295, %add3A_297 : vector<16xi32>
        tpu.vector_store_idx %arg8[%add3A_298], %broadcast_in_dim3A_5 masked %lt3A_244 : memref<32768xf32, #tpu.memory_space<vmem>>[vector<16xi32>], vector<16xf32>, vector<16xi1>
        %add3A_299 = arith.constant 1 : i32
        %add3A_300 = vector.broadcast %add3A_299 : i32 to vector<16xi32>
        %add3A_301 = arith.addi %add3A_298, %add3A_300 : vector<16xi32>
        tpu.vector_store_idx %arg8[%add3A_301], %broadcast_in_dim3A_5 masked %lt3A_244 : memref<32768xf32, #tpu.memory_space<vmem>>[vector<16xi32>], vector<16xf32>, vector<16xi1>
        %add3A_302 = arith.constant 1 : i32
        %add3A_303 = vector.broadcast %add3A_302 : i32 to vector<16xi32>
        %add3A_304 = arith.addi %add3A_301, %add3A_303 : vector<16xi32>
        tpu.vector_store_idx %arg8[%add3A_304], %broadcast_in_dim3A_5 masked %lt3A_244 : memref<32768xf32, #tpu.memory_space<vmem>>[vector<16xi32>], vector<16xf32>, vector<16xi1>
        %add3A_305 = arith.constant 1 : i32
        %add3A_306 = vector.broadcast %add3A_305 : i32 to vector<16xi32>
        %add3A_307 = arith.addi %add3A_304, %add3A_306 : vector<16xi32>
        tpu.vector_store_idx %arg8[%add3A_307], %broadcast_in_dim3A_5 masked %lt3A_244 : memref<32768xf32, #tpu.memory_space<vmem>>[vector<16xi32>], vector<16xf32>, vector<16xi1>
        %add3A_308 = arith.constant 1 : i32
        %add3A_309 = vector.broadcast %add3A_308 : i32 to vector<16xi32>
        %add3A_310 = arith.addi %add3A_307, %add3A_309 : vector<16xi32>
        tpu.vector_store_idx %arg8[%add3A_310], %broadcast_in_dim3A_5 masked %lt3A_244 : memref<32768xf32, #tpu.memory_space<vmem>>[vector<16xi32>], vector<16xf32>, vector<16xi1>
        %add3A_311 = arith.constant 1 : i32
        %add3A_312 = vector.broadcast %add3A_311 : i32 to vector<16xi32>
        %add3A_313 = arith.addi %add3A_310, %add3A_312 : vector<16xi32>
        tpu.vector_store_idx %arg8[%add3A_313], %broadcast_in_dim3A_5 masked %lt3A_244 : memref<32768xf32, #tpu.memory_space<vmem>>[vector<16xi32>], vector<16xf32>, vector<16xi1>
        %add3A_314 = arith.constant 1 : i32
        %add3A_315 = vector.broadcast %add3A_314 : i32 to vector<16xi32>
        %add3A_316 = arith.addi %add3A_313, %add3A_315 : vector<16xi32>
        tpu.vector_store_idx %arg8[%add3A_316], %broadcast_in_dim3A_5 masked %lt3A_244 : memref<32768xf32, #tpu.memory_space<vmem>>[vector<16xi32>], vector<16xf32>, vector<16xi1>
        %add3A_317 = arith.constant 1 : i32
        %add3A_318 = vector.broadcast %add3A_317 : i32 to vector<16xi32>
        %add3A_319 = arith.addi %add3A_316, %add3A_318 : vector<16xi32>
        tpu.vector_store_idx %arg8[%add3A_319], %broadcast_in_dim3A_5 masked %lt3A_244 : memref<32768xf32, #tpu.memory_space<vmem>>[vector<16xi32>], vector<16xf32>, vector<16xi1>
        %add3A_320 = arith.constant 1 : i32
        %add3A_321 = vector.broadcast %add3A_320 : i32 to vector<16xi32>
        %add3A_322 = arith.addi %add3A_319, %add3A_321 : vector<16xi32>
        tpu.vector_store_idx %arg8[%add3A_322], %broadcast_in_dim3A_5 masked %lt3A_244 : memref<32768xf32, #tpu.memory_space<vmem>>[vector<16xi32>], vector<16xf32>, vector<16xi1>
        %add3A_323 = arith.constant 1 : i32
        %add3A_324 = vector.broadcast %add3A_323 : i32 to vector<16xi32>
        %add3A_325 = arith.addi %add3A_322, %add3A_324 : vector<16xi32>
        tpu.vector_store_idx %arg8[%add3A_325], %broadcast_in_dim3A_5 masked %lt3A_244 : memref<32768xf32, #tpu.memory_space<vmem>>[vector<16xi32>], vector<16xf32>, vector<16xi1>
        %add3A_326 = arith.constant 1 : i32
        %add3A_327 = vector.broadcast %add3A_326 : i32 to vector<16xi32>
        %add3A_328 = arith.addi %add3A_325, %add3A_327 : vector<16xi32>
        tpu.vector_store_idx %arg8[%add3A_328], %broadcast_in_dim3A_5 masked %lt3A_244 : memref<32768xf32, #tpu.memory_space<vmem>>[vector<16xi32>], vector<16xf32>, vector<16xi1>
        %add3A_329 = arith.constant 1 : i32
        %add3A_330 = vector.broadcast %add3A_329 : i32 to vector<16xi32>
        %add3A_331 = arith.addi %add3A_328, %add3A_330 : vector<16xi32>
        tpu.vector_store_idx %arg8[%add3A_331], %broadcast_in_dim3A_5 masked %lt3A_244 : memref<32768xf32, #tpu.memory_space<vmem>>[vector<16xi32>], vector<16xf32>, vector<16xi1>
        %add3A_332 = arith.constant 1 : i32
        %add3A_333 = vector.broadcast %add3A_332 : i32 to vector<16xi32>
        %add3A_334 = arith.addi %add3A_331, %add3A_333 : vector<16xi32>
        tpu.vector_store_idx %arg8[%add3A_334], %broadcast_in_dim3A_5 masked %lt3A_244 : memref<32768xf32, #tpu.memory_space<vmem>>[vector<16xi32>], vector<16xf32>, vector<16xi1>
        %add3A_335 = arith.constant 1 : i32
        %add3A_336 = vector.broadcast %add3A_335 : i32 to vector<16xi32>
        %add3A_337 = arith.addi %add3A_334, %add3A_336 : vector<16xi32>
        tpu.vector_store_idx %arg8[%add3A_337], %broadcast_in_dim3A_5 masked %lt3A_244 : memref<32768xf32, #tpu.memory_space<vmem>>[vector<16xi32>], vector<16xf32>, vector<16xi1>
        %add3A_338 = arith.constant 1 : i32
        %add3A_339 = vector.broadcast %add3A_338 : i32 to vector<16xi32>
        %add3A_340 = arith.addi %add3A_337, %add3A_339 : vector<16xi32>
        tpu.vector_store_idx %arg8[%add3A_340], %broadcast_in_dim3A_5 masked %lt3A_244 : memref<32768xf32, #tpu.memory_space<vmem>>[vector<16xi32>], vector<16xf32>, vector<16xi1>
        %add3A_341 = arith.constant 1 : i32
        %add3A_342 = vector.broadcast %add3A_341 : i32 to vector<16xi32>
        %add3A_343 = arith.addi %add3A_340, %add3A_342 : vector<16xi32>
        tpu.vector_store_idx %arg8[%add3A_343], %broadcast_in_dim3A_5 masked %lt3A_244 : memref<32768xf32, #tpu.memory_space<vmem>>[vector<16xi32>], vector<16xf32>, vector<16xi1>
        %add3A_344 = arith.constant 1 : i32
        %add3A_345 = vector.broadcast %add3A_344 : i32 to vector<16xi32>
        %add3A_346 = arith.addi %add3A_343, %add3A_345 : vector<16xi32>
        tpu.vector_store_idx %arg8[%add3A_346], %broadcast_in_dim3A_5 masked %lt3A_244 : memref<32768xf32, #tpu.memory_space<vmem>>[vector<16xi32>], vector<16xf32>, vector<16xi1>
        %add3A_347 = arith.constant 1 : i32
        %add3A_348 = vector.broadcast %add3A_347 : i32 to vector<16xi32>
        %add3A_349 = arith.addi %add3A_346, %add3A_348 : vector<16xi32>
        tpu.vector_store_idx %arg8[%add3A_349], %broadcast_in_dim3A_5 masked %lt3A_244 : memref<32768xf32, #tpu.memory_space<vmem>>[vector<16xi32>], vector<16xf32>, vector<16xi1>
        %add3A_350 = arith.constant 1 : i32
        %add3A_351 = vector.broadcast %add3A_350 : i32 to vector<16xi32>
        %add3A_352 = arith.addi %add3A_349, %add3A_351 : vector<16xi32>
        tpu.vector_store_idx %arg8[%add3A_352], %broadcast_in_dim3A_5 masked %lt3A_244 : memref<32768xf32, #tpu.memory_space<vmem>>[vector<16xi32>], vector<16xf32>, vector<16xi1>
        %add3A_353 = arith.constant 1 : i32
        %add3A_354 = vector.broadcast %add3A_353 : i32 to vector<16xi32>
        %add3A_355 = arith.addi %add3A_352, %add3A_354 : vector<16xi32>
        tpu.vector_store_idx %arg8[%add3A_355], %broadcast_in_dim3A_5 masked %lt3A_244 : memref<32768xf32, #tpu.memory_space<vmem>>[vector<16xi32>], vector<16xf32>, vector<16xi1>
        %add3A_356 = arith.constant 1 : i32
        %add3A_357 = vector.broadcast %add3A_356 : i32 to vector<16xi32>
        %add3A_358 = arith.addi %add3A_355, %add3A_357 : vector<16xi32>
        tpu.vector_store_idx %arg8[%add3A_358], %broadcast_in_dim3A_5 masked %lt3A_244 : memref<32768xf32, #tpu.memory_space<vmem>>[vector<16xi32>], vector<16xf32>, vector<16xi1>
        %add3A_359 = arith.constant 1 : i32
        %add3A_360 = vector.broadcast %add3A_359 : i32 to vector<16xi32>
        %add3A_361 = arith.addi %add3A_358, %add3A_360 : vector<16xi32>
        tpu.vector_store_idx %arg8[%add3A_361], %broadcast_in_dim3A_5 masked %lt3A_244 : memref<32768xf32, #tpu.memory_space<vmem>>[vector<16xi32>], vector<16xf32>, vector<16xi1>
        %add3A_362 = arith.constant 1 : i32
        %add3A_363 = vector.broadcast %add3A_362 : i32 to vector<16xi32>
        %add3A_364 = arith.addi %add3A_361, %add3A_363 : vector<16xi32>
        tpu.vector_store_idx %arg8[%add3A_364], %broadcast_in_dim3A_5 masked %lt3A_244 : memref<32768xf32, #tpu.memory_space<vmem>>[vector<16xi32>], vector<16xf32>, vector<16xi1>
        %add3A_365 = arith.constant 1 : i32
        %add3A_366 = vector.broadcast %add3A_365 : i32 to vector<16xi32>
        %add3A_367 = arith.addi %add3A_364, %add3A_366 : vector<16xi32>
        tpu.vector_store_idx %arg8[%add3A_367], %broadcast_in_dim3A_5 masked %lt3A_244 : memref<32768xf32, #tpu.memory_space<vmem>>[vector<16xi32>], vector<16xf32>, vector<16xi1>
        %add3A_368 = arith.constant 1 : i32
        %add3A_369 = vector.broadcast %add3A_368 : i32 to vector<16xi32>
        %add3A_370 = arith.addi %add3A_367, %add3A_369 : vector<16xi32>
        tpu.vector_store_idx %arg8[%add3A_370], %broadcast_in_dim3A_5 masked %lt3A_244 : memref<32768xf32, #tpu.memory_space<vmem>>[vector<16xi32>], vector<16xf32>, vector<16xi1>
        %add3A_371 = arith.constant 1 : i32
        %add3A_372 = vector.broadcast %add3A_371 : i32 to vector<16xi32>
        %add3A_373 = arith.addi %add3A_370, %add3A_372 : vector<16xi32>
        tpu.vector_store_idx %arg8[%add3A_373], %broadcast_in_dim3A_5 masked %lt3A_244 : memref<32768xf32, #tpu.memory_space<vmem>>[vector<16xi32>], vector<16xf32>, vector<16xi1>
        %add3A_374 = arith.constant 1 : i32
        %add3A_375 = vector.broadcast %add3A_374 : i32 to vector<16xi32>
        %add3A_376 = arith.addi %add3A_373, %add3A_375 : vector<16xi32>
        tpu.vector_store_idx %arg8[%add3A_376], %broadcast_in_dim3A_5 masked %lt3A_244 : memref<32768xf32, #tpu.memory_space<vmem>>[vector<16xi32>], vector<16xf32>, vector<16xi1>
        %add3A_377 = arith.constant 1 : i32
        %add3A_378 = vector.broadcast %add3A_377 : i32 to vector<16xi32>
        %add3A_379 = arith.addi %add3A_376, %add3A_378 : vector<16xi32>
        tpu.vector_store_idx %arg8[%add3A_379], %broadcast_in_dim3A_5 masked %lt3A_244 : memref<32768xf32, #tpu.memory_space<vmem>>[vector<16xi32>], vector<16xf32>, vector<16xi1>
        %add3A_380 = arith.constant 1 : i32
        %add3A_381 = vector.broadcast %add3A_380 : i32 to vector<16xi32>
        %add3A_382 = arith.addi %add3A_379, %add3A_381 : vector<16xi32>
        tpu.vector_store_idx %arg8[%add3A_382], %broadcast_in_dim3A_5 masked %lt3A_244 : memref<32768xf32, #tpu.memory_space<vmem>>[vector<16xi32>], vector<16xf32>, vector<16xi1>
        %add3A_383 = arith.constant 1 : i32
        %add3A_384 = vector.broadcast %add3A_383 : i32 to vector<16xi32>
        %add3A_385 = arith.addi %add3A_382, %add3A_384 : vector<16xi32>
        tpu.vector_store_idx %arg8[%add3A_385], %broadcast_in_dim3A_5 masked %lt3A_244 : memref<32768xf32, #tpu.memory_space<vmem>>[vector<16xi32>], vector<16xf32>, vector<16xi1>
        %add3A_386 = arith.constant 1 : i32
        %add3A_387 = vector.broadcast %add3A_386 : i32 to vector<16xi32>
        %add3A_388 = arith.addi %add3A_385, %add3A_387 : vector<16xi32>
        tpu.vector_store_idx %arg8[%add3A_388], %broadcast_in_dim3A_5 masked %lt3A_244 : memref<32768xf32, #tpu.memory_space<vmem>>[vector<16xi32>], vector<16xf32>, vector<16xi1>
        %add3A_389 = arith.constant 1 : i32
        %add3A_390 = vector.broadcast %add3A_389 : i32 to vector<16xi32>
        %add3A_391 = arith.addi %add3A_388, %add3A_390 : vector<16xi32>
        tpu.vector_store_idx %arg8[%add3A_391], %broadcast_in_dim3A_5 masked %lt3A_244 : memref<32768xf32, #tpu.memory_space<vmem>>[vector<16xi32>], vector<16xf32>, vector<16xi1>
        %add3A_392 = arith.constant 1 : i32
        %add3A_393 = vector.broadcast %add3A_392 : i32 to vector<16xi32>
        %add3A_394 = arith.addi %add3A_391, %add3A_393 : vector<16xi32>
        tpu.vector_store_idx %arg8[%add3A_394], %broadcast_in_dim3A_5 masked %lt3A_244 : memref<32768xf32, #tpu.memory_space<vmem>>[vector<16xi32>], vector<16xf32>, vector<16xi1>
        %add3A_395 = arith.constant 1 : i32
        %add3A_396 = vector.broadcast %add3A_395 : i32 to vector<16xi32>
        %add3A_397 = arith.addi %add3A_394, %add3A_396 : vector<16xi32>
        tpu.vector_store_idx %arg8[%add3A_397], %broadcast_in_dim3A_5 masked %lt3A_244 : memref<32768xf32, #tpu.memory_space<vmem>>[vector<16xi32>], vector<16xf32>, vector<16xi1>
        %add3A_398 = arith.constant 1 : i32
        %add3A_399 = vector.broadcast %add3A_398 : i32 to vector<16xi32>
        %add3A_400 = arith.addi %add3A_397, %add3A_399 : vector<16xi32>
        tpu.vector_store_idx %arg8[%add3A_400], %broadcast_in_dim3A_5 masked %lt3A_244 : memref<32768xf32, #tpu.memory_space<vmem>>[vector<16xi32>], vector<16xf32>, vector<16xi1>
        %add3A_401 = arith.constant 1 : i32
        %add3A_402 = vector.broadcast %add3A_401 : i32 to vector<16xi32>
        %add3A_403 = arith.addi %add3A_400, %add3A_402 : vector<16xi32>
        tpu.vector_store_idx %arg8[%add3A_403], %broadcast_in_dim3A_5 masked %lt3A_244 : memref<32768xf32, #tpu.memory_space<vmem>>[vector<16xi32>], vector<16xf32>, vector<16xi1>
        %add3A_404 = arith.constant 1 : i32
        %add3A_405 = vector.broadcast %add3A_404 : i32 to vector<16xi32>
        %add3A_406 = arith.addi %add3A_403, %add3A_405 : vector<16xi32>
        tpu.vector_store_idx %arg8[%add3A_406], %broadcast_in_dim3A_5 masked %lt3A_244 : memref<32768xf32, #tpu.memory_space<vmem>>[vector<16xi32>], vector<16xf32>, vector<16xi1>
        %add3A_407 = arith.constant 1 : i32
        %add3A_408 = vector.broadcast %add3A_407 : i32 to vector<16xi32>
        %add3A_409 = arith.addi %add3A_406, %add3A_408 : vector<16xi32>
        tpu.vector_store_idx %arg8[%add3A_409], %broadcast_in_dim3A_5 masked %lt3A_244 : memref<32768xf32, #tpu.memory_space<vmem>>[vector<16xi32>], vector<16xf32>, vector<16xi1>
        %add3A_410 = arith.constant 1 : i32
        %add3A_411 = vector.broadcast %add3A_410 : i32 to vector<16xi32>
        %add3A_412 = arith.addi %add3A_409, %add3A_411 : vector<16xi32>
        tpu.vector_store_idx %arg8[%add3A_412], %broadcast_in_dim3A_5 masked %lt3A_244 : memref<32768xf32, #tpu.memory_space<vmem>>[vector<16xi32>], vector<16xf32>, vector<16xi1>
        %add3A_413 = arith.constant 1 : i32
        %add3A_414 = vector.broadcast %add3A_413 : i32 to vector<16xi32>
        %add3A_415 = arith.addi %add3A_412, %add3A_414 : vector<16xi32>
        tpu.vector_store_idx %arg8[%add3A_415], %broadcast_in_dim3A_5 masked %lt3A_244 : memref<32768xf32, #tpu.memory_space<vmem>>[vector<16xi32>], vector<16xf32>, vector<16xi1>
        %add3A_416 = arith.constant 1 : i32
        %add3A_417 = vector.broadcast %add3A_416 : i32 to vector<16xi32>
        %add3A_418 = arith.addi %add3A_415, %add3A_417 : vector<16xi32>
        tpu.vector_store_idx %arg8[%add3A_418], %broadcast_in_dim3A_5 masked %lt3A_244 : memref<32768xf32, #tpu.memory_space<vmem>>[vector<16xi32>], vector<16xf32>, vector<16xi1>
        %add3A_419 = arith.constant 1 : i32
        %add3A_420 = vector.broadcast %add3A_419 : i32 to vector<16xi32>
        %add3A_421 = arith.addi %add3A_418, %add3A_420 : vector<16xi32>
        tpu.vector_store_idx %arg8[%add3A_421], %broadcast_in_dim3A_5 masked %lt3A_244 : memref<32768xf32, #tpu.memory_space<vmem>>[vector<16xi32>], vector<16xf32>, vector<16xi1>
        %add3A_422 = arith.constant 1 : i32
        %add3A_423 = vector.broadcast %add3A_422 : i32 to vector<16xi32>
        %add3A_424 = arith.addi %add3A_421, %add3A_423 : vector<16xi32>
        tpu.vector_store_idx %arg8[%add3A_424], %broadcast_in_dim3A_5 masked %lt3A_244 : memref<32768xf32, #tpu.memory_space<vmem>>[vector<16xi32>], vector<16xf32>, vector<16xi1>
        %add3A_425 = arith.constant 1 : i32
        %add3A_426 = vector.broadcast %add3A_425 : i32 to vector<16xi32>
        %add3A_427 = arith.addi %add3A_424, %add3A_426 : vector<16xi32>
        tpu.vector_store_idx %arg8[%add3A_427], %broadcast_in_dim3A_5 masked %lt3A_244 : memref<32768xf32, #tpu.memory_space<vmem>>[vector<16xi32>], vector<16xf32>, vector<16xi1>
        %add3A_428 = arith.constant 1 : i32
        %add3A_429 = vector.broadcast %add3A_428 : i32 to vector<16xi32>
        %add3A_430 = arith.addi %add3A_427, %add3A_429 : vector<16xi32>
        tpu.vector_store_idx %arg8[%add3A_430], %broadcast_in_dim3A_5 masked %lt3A_244 : memref<32768xf32, #tpu.memory_space<vmem>>[vector<16xi32>], vector<16xf32>, vector<16xi1>
        %add3A_431 = arith.constant 1 : i32
        %add3A_432 = vector.broadcast %add3A_431 : i32 to vector<16xi32>
        %add3A_433 = arith.addi %add3A_430, %add3A_432 : vector<16xi32>
        tpu.vector_store_idx %arg8[%add3A_433], %broadcast_in_dim3A_5 masked %lt3A_244 : memref<32768xf32, #tpu.memory_space<vmem>>[vector<16xi32>], vector<16xf32>, vector<16xi1>
      }
      %mul3A_145 = arith.constant 32768 : i32
      %mul3A_146 = arith.muli %mul3A_71, %mul3A_145 : i32
      %add3A_147 = arith.addi %mul3A_4, %mul3A_146 : i32
      %dma_start3A_148 = tpu.memref_slice %arg3[%add3A_147] : memref<16777216xf32, #tpu.memory_space<hbm>> -> memref<32768xf32, #tpu.memory_space<hbm>>
      %dma_start3A_149 = tpu.memref_slice %arg3[%add3A_147] : memref<16777216xf32, #tpu.memory_space<hbm>> -> memref<32768xf32, #tpu.memory_space<hbm>>
      tpu.enqueue_dma source(%arg8 : memref<32768xf32, #tpu.memory_space<vmem>>) target(%dma_start3A_149 : memref<32768xf32, #tpu.memory_space<hbm>>) target_semaphore(%arg12 : memref<!tpu.dma_semaphore, #tpu.memory_space<semaphore_mem>>)
      %mul3A_150 = arith.constant 2 : i32
      %mul3A_151 = arith.muli %mul3A_150, %add3A_69 : i32
      %add3A_152 = arith.constant 1 : i32
      %add3A_153 = arith.addi %mul3A_151, %add3A_152 : i32
      %gt3A_154 = arith.constant 0 : i32
      %gt3A_155 = arith.cmpi sgt, %add3A_69, %gt3A_154 : i32
      %convert_element_type3A_156 = arith.extui %gt3A_155 : i1 to i32
      %cond3A_157 = arith.constant 0 : i32
      %cond3A_158 = arith.cmpi ne, %convert_element_type3A_156, %cond3A_157 : i32
      scf.if %cond3A_158 {
        %add3A_234 = arith.constant 0 : i32
        %add3A_235 = arith.addi %mul3A_4, %add3A_234 : i32
        %dma_wait3A_236 = tpu.memref_slice %arg3[%add3A_235] : memref<16777216xf32, #tpu.memory_space<hbm>> -> memref<32768xf32, #tpu.memory_space<hbm>>
        %dma_wait3A_237 = tpu.memref_slice %arg3[%add3A_235] : memref<16777216xf32, #tpu.memory_space<hbm>> -> memref<32768xf32, #tpu.memory_space<hbm>>
        tpu.wait_dma2 semaphore(%arg12 : memref<!tpu.dma_semaphore, #tpu.memory_space<semaphore_mem>>) src(%arg9 : memref<32768xf32, #tpu.memory_space<vmem>>) dst(%dma_wait3A_237 : memref<32768xf32, #tpu.memory_space<hbm>>)
      } else {
      }
      %mul3A_159 = arith.constant 32768 : i32
      %mul3A_160 = arith.muli %add3A_153, %mul3A_159 : i32
      %add3A_161 = arith.addi %mul3A_4, %mul3A_160 : i32
      tpu.enqueue_dma source(%arg11 : memref<32768xf32, #tpu.memory_space<vmem_shared>>) target(%arg9 : memref<32768xf32, #tpu.memory_space<vmem>>) target_semaphore(%arg14 : memref<!tpu.dma_semaphore, #tpu.memory_space<semaphore_mem>>)
      %sub3A_162 = arith.constant 0 : i32
      %sub3A_163 = arith.subi %select_n3A, %sub3A_162 : i32
      %sub3A_164 = arith.constant 1 : i32
      %sub3A_165 = arith.constant 1 : i32
      %sub3A_166 = arith.subi %sub3A_164, %sub3A_165 : i32
      %add3A_167 = arith.addi %sub3A_163, %sub3A_166 : i32
      %div3A_168 = arith.constant 1 : i32
      %div3A_169 = arith.divsi %add3A_167, %div3A_168 : i32
      %while3A_170 = arith.constant 1 : i32
      %while3A_171 = arith.constant 0 : i32
      %while3A_172 = arith.constant 0 : i32
      %while3A_173 = arith.constant 0 : i32
      %while3A_174 = arith.subi %div3A_169, %while3A_172 : i32
      %while3A_175 = arith.addi %while3A_172, %while3A_174 : i32
      %while3A_176 = arith.constant 1 : i32
      %while3A_177 = arith.divsi %while3A_174, %while3A_176 : i32
      %while3A_178 = arith.muli %while3A_177, %while3A_176 : i32
      %while3A_179 = arith.addi %while3A_172, %while3A_178 : i32
      %while3A_180 = arith.constant 1 : i32
      %while3A_181 = scf.for %while3A_234 = %while3A_172 to %while3A_179 step %while3A_180 iter_args(%while3A_235 = %while3A_173) -> (i32)  : i32 {
        %mul3A_236 = arith.muli %while3A_234, %while3A_170 : i32
        %add3A_237 = arith.addi %while3A_171, %mul3A_236 : i32
        %mul3A_238 = arith.constant 16 : i32
        %mul3A_239 = arith.muli %add3A_237, %mul3A_238 : i32
        %get3A = arith.index_cast %mul3A_239 : i32 to index
        %get3A_240 = tpu.vector_load %arg6[%get3A] {strides = array<i32>} : memref<12304xi32, #tpu.memory_space<vmem>>, vector<16xi32>,
        %sub3A_241 = vector.broadcast %add3A_161 : i32 to vector<16xi32>
        %sub3A_242 = arith.subi %get3A_240, %sub3A_241 : vector<16xi32>
        %lt3A = arith.constant 32768 : i32
        %lt3A_243 = vector.broadcast %lt3A : i32 to vector<16xi32>
        %lt3A_244 = arith.cmpi ult, %sub3A_242, %lt3A_243 : vector<16xi32>
        %all_reduce_population_count3A = tpu.all_reduce %lt3A_244 {dim = 0 : i64, kind = #tpu.reduction_kind<sum>} : vector<16xi1> -> vector<16xi32>
        %slice3A = vector.extract_strided_slice %all_reduce_population_count3A {offsets = [0], sizes = [1], strides = [1]} : vector<16xi32> to vector<1xi32>
        %squeeze3A = vector.extract %slice3A[0] : i32 from vector<1xi32>
        %gt3A_245 = arith.constant 0 : i32
        %gt3A_246 = arith.cmpi sgt, %squeeze3A, %gt3A_245 : i32
        %convert_element_type3A_247 = arith.extui %gt3A_246 : i1 to i32
        %cond3A_248 = arith.constant 0 : i32
        %cond3A_249 = arith.cmpi ne, %convert_element_type3A_247, %cond3A_248 : i32
        scf.if %cond3A_249 {
          %swap3A_251 = arith.index_cast %while3A_235 : i32 to index
          %swap3A_252 = tpu.vector_load %arg7[%swap3A_251] masked %lt3A_244 {strides = array<i32>} : memref<12304xi32, #tpu.memory_space<vmem>>, vector<16xi32>, vector<16xi1>
          tpu.vector_store %arg7[%swap3A_251], %sub3A_242 masked %lt3A_244 {strides = array<i32>} : memref<12304xi32, #tpu.memory_space<vmem>>, vector<16xi32>, vector<16xi1>
        } else {
        }
        %add3A_250 = arith.addi %while3A_235, %squeeze3A : i32
        scf.yield %add3A_250 : i32
      }
      %while3A_182 = arith.constant 1 : i32
      %while3A_183 = scf.for %while3A_234 = %while3A_179 to %while3A_175 step %while3A_182 iter_args(%while3A_235 = %while3A_181) -> (i32)  : i32 {
        %mul3A_236 = arith.muli %while3A_234, %while3A_170 : i32
        %add3A_237 = arith.addi %while3A_171, %mul3A_236 : i32
        %mul3A_238 = arith.constant 16 : i32
        %mul3A_239 = arith.muli %add3A_237, %mul3A_238 : i32
        %get3A = arith.index_cast %mul3A_239 : i32 to index
        %get3A_240 = tpu.vector_load %arg6[%get3A] {strides = array<i32>} : memref<12304xi32, #tpu.memory_space<vmem>>, vector<16xi32>,
        %sub3A_241 = vector.broadcast %add3A_161 : i32 to vector<16xi32>
        %sub3A_242 = arith.subi %get3A_240, %sub3A_241 : vector<16xi32>
        %lt3A = arith.constant 32768 : i32
        %lt3A_243 = vector.broadcast %lt3A : i32 to vector<16xi32>
        %lt3A_244 = arith.cmpi ult, %sub3A_242, %lt3A_243 : vector<16xi32>
        %all_reduce_population_count3A = tpu.all_reduce %lt3A_244 {dim = 0 : i64, kind = #tpu.reduction_kind<sum>} : vector<16xi1> -> vector<16xi32>
        %slice3A = vector.extract_strided_slice %all_reduce_population_count3A {offsets = [0], sizes = [1], strides = [1]} : vector<16xi32> to vector<1xi32>
        %squeeze3A = vector.extract %slice3A[0] : i32 from vector<1xi32>
        %gt3A_245 = arith.constant 0 : i32
        %gt3A_246 = arith.cmpi sgt, %squeeze3A, %gt3A_245 : i32
        %convert_element_type3A_247 = arith.extui %gt3A_246 : i1 to i32
        %cond3A_248 = arith.constant 0 : i32
        %cond3A_249 = arith.cmpi ne, %convert_element_type3A_247, %cond3A_248 : i32
        scf.if %cond3A_249 {
          %swap3A_251 = arith.index_cast %while3A_235 : i32 to index
          %swap3A_252 = tpu.vector_load %arg7[%swap3A_251] masked %lt3A_244 {strides = array<i32>} : memref<12304xi32, #tpu.memory_space<vmem>>, vector<16xi32>, vector<16xi1>
          tpu.vector_store %arg7[%swap3A_251], %sub3A_242 masked %lt3A_244 {strides = array<i32>} : memref<12304xi32, #tpu.memory_space<vmem>>, vector<16xi32>, vector<16xi1>
        } else {
        }
        %add3A_250 = arith.addi %while3A_235, %squeeze3A : i32
        scf.yield %add3A_250 : i32
      }
      tpu.wait_dma2 semaphore(%arg14 : memref<!tpu.dma_semaphore, #tpu.memory_space<semaphore_mem>>) src(%arg11 : memref<32768xf32, #tpu.memory_space<vmem_shared>>) dst(%arg9 : memref<32768xf32, #tpu.memory_space<vmem>>)
      %add3A_184 = arith.constant 15 : i32
      %add3A_185 = arith.addi %while3A_183, %add3A_184 : i32
      %jit3A_186 = arith.constant 16 : i32
      %div3A_187 = arith.divsi %add3A_185, %jit3A_186 : i32
      %sign3A_188 = arith.constant 0 : i32
      %sign3A_189 = arith.cmpi sgt, %add3A_185, %sign3A_188 : i32
      %sign3A_190 = arith.extui %sign3A_189 : i1 to i32
      %sign3A_191 = arith.constant 0 : i32
      %sign3A_192 = arith.cmpi slt, %add3A_185, %sign3A_191 : i32
      %sign3A_193 = arith.extui %sign3A_192 : i1 to i32
      %sign3A_194 = arith.subi %sign3A_190, %sign3A_193 : i32
      %sign3A_195 = arith.constant 0 : i32
      %sign3A_196 = arith.cmpi sgt, %jit3A_186, %sign3A_195 : i32
      %sign3A_197 = arith.extui %sign3A_196 : i1 to i32
      %sign3A_198 = arith.constant 0 : i32
      %sign3A_199 = arith.cmpi slt, %jit3A_186, %sign3A_198 : i32
      %sign3A_200 = arith.extui %sign3A_199 : i1 to i32
      %sign3A_201 = arith.subi %sign3A_197, %sign3A_200 : i32
      %ne3A_202 = arith.cmpi ne, %sign3A_194, %sign3A_201 : i32
      %rem3A_203 = arith.remsi %add3A_185, %jit3A_186 : i32
      %ne3A_204 = arith.constant 0 : i32
      %ne3A_205 = arith.cmpi ne, %rem3A_203, %ne3A_204 : i32
      %and3A_206 = arith.andi %ne3A_202, %ne3A_205 : i1
      %sub3A_207 = arith.constant 1 : i32
      %sub3A_208 = arith.subi %div3A_187, %sub3A_207 : i32
      %select_n3A_209 = arith.select %and3A_206, %sub3A_208, %div3A_187 : i32
      %sub3A_210 = arith.constant 0 : i32
      %sub3A_211 = arith.subi %select_n3A_209, %sub3A_210 : i32
      %sub3A_212 = arith.constant 1 : i32
      %sub3A_213 = arith.constant 1 : i32
      %sub3A_214 = arith.subi %sub3A_212, %sub3A_213 : i32
      %add3A_215 = arith.addi %sub3A_211, %sub3A_214 : i32
      %div3A_216 = arith.constant 1 : i32
      %div3A_217 = arith.divsi %add3A_215, %div3A_216 : i32
      %while3A_218 = arith.constant 1 : i32
      %while3A_219 = arith.constant 0 : i32
      %while3A_220 = arith.constant 0 : i32
      %while3A_221 = arith.subi %div3A_217, %while3A_220 : i32
      %while3A_222 = arith.addi %while3A_220, %while3A_221 : i32
      %while3A_223 = arith.constant 1 : i32
      %while3A_224 = arith.divsi %while3A_221, %while3A_223 : i32
      %while3A_225 = arith.muli %while3A_224, %while3A_223 : i32
      %while3A_226 = arith.addi %while3A_220, %while3A_225 : i32
      %while3A_227 = arith.constant 1 : i32
      scf.for %while3A_234 = %while3A_220 to %while3A_226 step %while3A_227  : i32 {
        %mul3A_235 = arith.muli %while3A_234, %while3A_218 : i32
        %add3A_236 = arith.addi %while3A_219, %mul3A_235 : i32
        %mul3A_237 = arith.constant 16 : i32
        %mul3A_238 = arith.muli %add3A_236, %mul3A_237 : i32
        %get3A = arith.index_cast %mul3A_238 : i32 to index
        %get3A_239 = tpu.vector_load %arg7[%get3A] {strides = array<i32>} : memref<12304xi32, #tpu.memory_space<vmem>>, vector<16xi32>,
        %mul3A_240 = arith.constant 16 : i32
        %mul3A_241 = arith.muli %add3A_236, %mul3A_240 : i32
        %sub3A_242 = arith.subi %while3A_183, %mul3A_241 : i32
        %min3A = arith.constant 16 : i32
        %min3A_243 = arith.minsi %sub3A_242, %min3A : i32
        %lt3A = vector.broadcast %min3A_243 : i32 to vector<16xi32>
        %lt3A_244 = arith.cmpi slt, %iota3A, %lt3A : vector<16xi32>
        tpu.vector_store_idx %arg9[%get3A_239], %broadcast_in_dim3A_5 masked %lt3A_244 : memref<32768xf32, #tpu.memory_space<vmem>>[vector<16xi32>], vector<16xf32>, vector<16xi1>
        %add3A_245 = arith.constant 1 : i32
        %add3A_246 = vector.broadcast %add3A_245 : i32 to vector<16xi32>
        %add3A_247 = arith.addi %get3A_239, %add3A_246 : vector<16xi32>
        tpu.vector_store_idx %arg9[%add3A_247], %broadcast_in_dim3A_5 masked %lt3A_244 : memref<32768xf32, #tpu.memory_space<vmem>>[vector<16xi32>], vector<16xf32>, vector<16xi1>
        %add3A_248 = arith.constant 1 : i32
        %add3A_249 = vector.broadcast %add3A_248 : i32 to vector<16xi32>
        %add3A_250 = arith.addi %add3A_247, %add3A_249 : vector<16xi32>
        tpu.vector_store_idx %arg9[%add3A_250], %broadcast_in_dim3A_5 masked %lt3A_244 : memref<32768xf32, #tpu.memory_space<vmem>>[vector<16xi32>], vector<16xf32>, vector<16xi1>
        %add3A_251 = arith.constant 1 : i32
        %add3A_252 = vector.broadcast %add3A_251 : i32 to vector<16xi32>
        %add3A_253 = arith.addi %add3A_250, %add3A_252 : vector<16xi32>
        tpu.vector_store_idx %arg9[%add3A_253], %broadcast_in_dim3A_5 masked %lt3A_244 : memref<32768xf32, #tpu.memory_space<vmem>>[vector<16xi32>], vector<16xf32>, vector<16xi1>
        %add3A_254 = arith.constant 1 : i32
        %add3A_255 = vector.broadcast %add3A_254 : i32 to vector<16xi32>
        %add3A_256 = arith.addi %add3A_253, %add3A_255 : vector<16xi32>
        tpu.vector_store_idx %arg9[%add3A_256], %broadcast_in_dim3A_5 masked %lt3A_244 : memref<32768xf32, #tpu.memory_space<vmem>>[vector<16xi32>], vector<16xf32>, vector<16xi1>
        %add3A_257 = arith.constant 1 : i32
        %add3A_258 = vector.broadcast %add3A_257 : i32 to vector<16xi32>
        %add3A_259 = arith.addi %add3A_256, %add3A_258 : vector<16xi32>
        tpu.vector_store_idx %arg9[%add3A_259], %broadcast_in_dim3A_5 masked %lt3A_244 : memref<32768xf32, #tpu.memory_space<vmem>>[vector<16xi32>], vector<16xf32>, vector<16xi1>
        %add3A_260 = arith.constant 1 : i32
        %add3A_261 = vector.broadcast %add3A_260 : i32 to vector<16xi32>
        %add3A_262 = arith.addi %add3A_259, %add3A_261 : vector<16xi32>
        tpu.vector_store_idx %arg9[%add3A_262], %broadcast_in_dim3A_5 masked %lt3A_244 : memref<32768xf32, #tpu.memory_space<vmem>>[vector<16xi32>], vector<16xf32>, vector<16xi1>
        %add3A_263 = arith.constant 1 : i32
        %add3A_264 = vector.broadcast %add3A_263 : i32 to vector<16xi32>
        %add3A_265 = arith.addi %add3A_262, %add3A_264 : vector<16xi32>
        tpu.vector_store_idx %arg9[%add3A_265], %broadcast_in_dim3A_5 masked %lt3A_244 : memref<32768xf32, #tpu.memory_space<vmem>>[vector<16xi32>], vector<16xf32>, vector<16xi1>
        %add3A_266 = arith.constant 1 : i32
        %add3A_267 = vector.broadcast %add3A_266 : i32 to vector<16xi32>
        %add3A_268 = arith.addi %add3A_265, %add3A_267 : vector<16xi32>
        tpu.vector_store_idx %arg9[%add3A_268], %broadcast_in_dim3A_5 masked %lt3A_244 : memref<32768xf32, #tpu.memory_space<vmem>>[vector<16xi32>], vector<16xf32>, vector<16xi1>
        %add3A_269 = arith.constant 1 : i32
        %add3A_270 = vector.broadcast %add3A_269 : i32 to vector<16xi32>
        %add3A_271 = arith.addi %add3A_268, %add3A_270 : vector<16xi32>
        tpu.vector_store_idx %arg9[%add3A_271], %broadcast_in_dim3A_5 masked %lt3A_244 : memref<32768xf32, #tpu.memory_space<vmem>>[vector<16xi32>], vector<16xf32>, vector<16xi1>
        %add3A_272 = arith.constant 1 : i32
        %add3A_273 = vector.broadcast %add3A_272 : i32 to vector<16xi32>
        %add3A_274 = arith.addi %add3A_271, %add3A_273 : vector<16xi32>
        tpu.vector_store_idx %arg9[%add3A_274], %broadcast_in_dim3A_5 masked %lt3A_244 : memref<32768xf32, #tpu.memory_space<vmem>>[vector<16xi32>], vector<16xf32>, vector<16xi1>
        %add3A_275 = arith.constant 1 : i32
        %add3A_276 = vector.broadcast %add3A_275 : i32 to vector<16xi32>
        %add3A_277 = arith.addi %add3A_274, %add3A_276 : vector<16xi32>
        tpu.vector_store_idx %arg9[%add3A_277], %broadcast_in_dim3A_5 masked %lt3A_244 : memref<32768xf32, #tpu.memory_space<vmem>>[vector<16xi32>], vector<16xf32>, vector<16xi1>
        %add3A_278 = arith.constant 1 : i32
        %add3A_279 = vector.broadcast %add3A_278 : i32 to vector<16xi32>
        %add3A_280 = arith.addi %add3A_277, %add3A_279 : vector<16xi32>
        tpu.vector_store_idx %arg9[%add3A_280], %broadcast_in_dim3A_5 masked %lt3A_244 : memref<32768xf32, #tpu.memory_space<vmem>>[vector<16xi32>], vector<16xf32>, vector<16xi1>
        %add3A_281 = arith.constant 1 : i32
        %add3A_282 = vector.broadcast %add3A_281 : i32 to vector<16xi32>
        %add3A_283 = arith.addi %add3A_280, %add3A_282 : vector<16xi32>
        tpu.vector_store_idx %arg9[%add3A_283], %broadcast_in_dim3A_5 masked %lt3A_244 : memref<32768xf32, #tpu.memory_space<vmem>>[vector<16xi32>], vector<16xf32>, vector<16xi1>
        %add3A_284 = arith.constant 1 : i32
        %add3A_285 = vector.broadcast %add3A_284 : i32 to vector<16xi32>
        %add3A_286 = arith.addi %add3A_283, %add3A_285 : vector<16xi32>
        tpu.vector_store_idx %arg9[%add3A_286], %broadcast_in_dim3A_5 masked %lt3A_244 : memref<32768xf32, #tpu.memory_space<vmem>>[vector<16xi32>], vector<16xf32>, vector<16xi1>
        %add3A_287 = arith.constant 1 : i32
        %add3A_288 = vector.broadcast %add3A_287 : i32 to vector<16xi32>
        %add3A_289 = arith.addi %add3A_286, %add3A_288 : vector<16xi32>
        tpu.vector_store_idx %arg9[%add3A_289], %broadcast_in_dim3A_5 masked %lt3A_244 : memref<32768xf32, #tpu.memory_space<vmem>>[vector<16xi32>], vector<16xf32>, vector<16xi1>
        %add3A_290 = arith.constant 1 : i32
        %add3A_291 = vector.broadcast %add3A_290 : i32 to vector<16xi32>
        %add3A_292 = arith.addi %add3A_289, %add3A_291 : vector<16xi32>
        tpu.vector_store_idx %arg9[%add3A_292], %broadcast_in_dim3A_5 masked %lt3A_244 : memref<32768xf32, #tpu.memory_space<vmem>>[vector<16xi32>], vector<16xf32>, vector<16xi1>
        %add3A_293 = arith.constant 1 : i32
        %add3A_294 = vector.broadcast %add3A_293 : i32 to vector<16xi32>
        %add3A_295 = arith.addi %add3A_292, %add3A_294 : vector<16xi32>
        tpu.vector_store_idx %arg9[%add3A_295], %broadcast_in_dim3A_5 masked %lt3A_244 : memref<32768xf32, #tpu.memory_space<vmem>>[vector<16xi32>], vector<16xf32>, vector<16xi1>
        %add3A_296 = arith.constant 1 : i32
        %add3A_297 = vector.broadcast %add3A_296 : i32 to vector<16xi32>
        %add3A_298 = arith.addi %add3A_295, %add3A_297 : vector<16xi32>
        tpu.vector_store_idx %arg9[%add3A_298], %broadcast_in_dim3A_5 masked %lt3A_244 : memref<32768xf32, #tpu.memory_space<vmem>>[vector<16xi32>], vector<16xf32>, vector<16xi1>
        %add3A_299 = arith.constant 1 : i32
        %add3A_300 = vector.broadcast %add3A_299 : i32 to vector<16xi32>
        %add3A_301 = arith.addi %add3A_298, %add3A_300 : vector<16xi32>
        tpu.vector_store_idx %arg9[%add3A_301], %broadcast_in_dim3A_5 masked %lt3A_244 : memref<32768xf32, #tpu.memory_space<vmem>>[vector<16xi32>], vector<16xf32>, vector<16xi1>
        %add3A_302 = arith.constant 1 : i32
        %add3A_303 = vector.broadcast %add3A_302 : i32 to vector<16xi32>
        %add3A_304 = arith.addi %add3A_301, %add3A_303 : vector<16xi32>
        tpu.vector_store_idx %arg9[%add3A_304], %broadcast_in_dim3A_5 masked %lt3A_244 : memref<32768xf32, #tpu.memory_space<vmem>>[vector<16xi32>], vector<16xf32>, vector<16xi1>
        %add3A_305 = arith.constant 1 : i32
        %add3A_306 = vector.broadcast %add3A_305 : i32 to vector<16xi32>
        %add3A_307 = arith.addi %add3A_304, %add3A_306 : vector<16xi32>
        tpu.vector_store_idx %arg9[%add3A_307], %broadcast_in_dim3A_5 masked %lt3A_244 : memref<32768xf32, #tpu.memory_space<vmem>>[vector<16xi32>], vector<16xf32>, vector<16xi1>
        %add3A_308 = arith.constant 1 : i32
        %add3A_309 = vector.broadcast %add3A_308 : i32 to vector<16xi32>
        %add3A_310 = arith.addi %add3A_307, %add3A_309 : vector<16xi32>
        tpu.vector_store_idx %arg9[%add3A_310], %broadcast_in_dim3A_5 masked %lt3A_244 : memref<32768xf32, #tpu.memory_space<vmem>>[vector<16xi32>], vector<16xf32>, vector<16xi1>
        %add3A_311 = arith.constant 1 : i32
        %add3A_312 = vector.broadcast %add3A_311 : i32 to vector<16xi32>
        %add3A_313 = arith.addi %add3A_310, %add3A_312 : vector<16xi32>
        tpu.vector_store_idx %arg9[%add3A_313], %broadcast_in_dim3A_5 masked %lt3A_244 : memref<32768xf32, #tpu.memory_space<vmem>>[vector<16xi32>], vector<16xf32>, vector<16xi1>
        %add3A_314 = arith.constant 1 : i32
        %add3A_315 = vector.broadcast %add3A_314 : i32 to vector<16xi32>
        %add3A_316 = arith.addi %add3A_313, %add3A_315 : vector<16xi32>
        tpu.vector_store_idx %arg9[%add3A_316], %broadcast_in_dim3A_5 masked %lt3A_244 : memref<32768xf32, #tpu.memory_space<vmem>>[vector<16xi32>], vector<16xf32>, vector<16xi1>
        %add3A_317 = arith.constant 1 : i32
        %add3A_318 = vector.broadcast %add3A_317 : i32 to vector<16xi32>
        %add3A_319 = arith.addi %add3A_316, %add3A_318 : vector<16xi32>
        tpu.vector_store_idx %arg9[%add3A_319], %broadcast_in_dim3A_5 masked %lt3A_244 : memref<32768xf32, #tpu.memory_space<vmem>>[vector<16xi32>], vector<16xf32>, vector<16xi1>
        %add3A_320 = arith.constant 1 : i32
        %add3A_321 = vector.broadcast %add3A_320 : i32 to vector<16xi32>
        %add3A_322 = arith.addi %add3A_319, %add3A_321 : vector<16xi32>
        tpu.vector_store_idx %arg9[%add3A_322], %broadcast_in_dim3A_5 masked %lt3A_244 : memref<32768xf32, #tpu.memory_space<vmem>>[vector<16xi32>], vector<16xf32>, vector<16xi1>
        %add3A_323 = arith.constant 1 : i32
        %add3A_324 = vector.broadcast %add3A_323 : i32 to vector<16xi32>
        %add3A_325 = arith.addi %add3A_322, %add3A_324 : vector<16xi32>
        tpu.vector_store_idx %arg9[%add3A_325], %broadcast_in_dim3A_5 masked %lt3A_244 : memref<32768xf32, #tpu.memory_space<vmem>>[vector<16xi32>], vector<16xf32>, vector<16xi1>
        %add3A_326 = arith.constant 1 : i32
        %add3A_327 = vector.broadcast %add3A_326 : i32 to vector<16xi32>
        %add3A_328 = arith.addi %add3A_325, %add3A_327 : vector<16xi32>
        tpu.vector_store_idx %arg9[%add3A_328], %broadcast_in_dim3A_5 masked %lt3A_244 : memref<32768xf32, #tpu.memory_space<vmem>>[vector<16xi32>], vector<16xf32>, vector<16xi1>
        %add3A_329 = arith.constant 1 : i32
        %add3A_330 = vector.broadcast %add3A_329 : i32 to vector<16xi32>
        %add3A_331 = arith.addi %add3A_328, %add3A_330 : vector<16xi32>
        tpu.vector_store_idx %arg9[%add3A_331], %broadcast_in_dim3A_5 masked %lt3A_244 : memref<32768xf32, #tpu.memory_space<vmem>>[vector<16xi32>], vector<16xf32>, vector<16xi1>
        %add3A_332 = arith.constant 1 : i32
        %add3A_333 = vector.broadcast %add3A_332 : i32 to vector<16xi32>
        %add3A_334 = arith.addi %add3A_331, %add3A_333 : vector<16xi32>
        tpu.vector_store_idx %arg9[%add3A_334], %broadcast_in_dim3A_5 masked %lt3A_244 : memref<32768xf32, #tpu.memory_space<vmem>>[vector<16xi32>], vector<16xf32>, vector<16xi1>
        %add3A_335 = arith.constant 1 : i32
        %add3A_336 = vector.broadcast %add3A_335 : i32 to vector<16xi32>
        %add3A_337 = arith.addi %add3A_334, %add3A_336 : vector<16xi32>
        tpu.vector_store_idx %arg9[%add3A_337], %broadcast_in_dim3A_5 masked %lt3A_244 : memref<32768xf32, #tpu.memory_space<vmem>>[vector<16xi32>], vector<16xf32>, vector<16xi1>
        %add3A_338 = arith.constant 1 : i32
        %add3A_339 = vector.broadcast %add3A_338 : i32 to vector<16xi32>
        %add3A_340 = arith.addi %add3A_337, %add3A_339 : vector<16xi32>
        tpu.vector_store_idx %arg9[%add3A_340], %broadcast_in_dim3A_5 masked %lt3A_244 : memref<32768xf32, #tpu.memory_space<vmem>>[vector<16xi32>], vector<16xf32>, vector<16xi1>
        %add3A_341 = arith.constant 1 : i32
        %add3A_342 = vector.broadcast %add3A_341 : i32 to vector<16xi32>
        %add3A_343 = arith.addi %add3A_340, %add3A_342 : vector<16xi32>
        tpu.vector_store_idx %arg9[%add3A_343], %broadcast_in_dim3A_5 masked %lt3A_244 : memref<32768xf32, #tpu.memory_space<vmem>>[vector<16xi32>], vector<16xf32>, vector<16xi1>
        %add3A_344 = arith.constant 1 : i32
        %add3A_345 = vector.broadcast %add3A_344 : i32 to vector<16xi32>
        %add3A_346 = arith.addi %add3A_343, %add3A_345 : vector<16xi32>
        tpu.vector_store_idx %arg9[%add3A_346], %broadcast_in_dim3A_5 masked %lt3A_244 : memref<32768xf32, #tpu.memory_space<vmem>>[vector<16xi32>], vector<16xf32>, vector<16xi1>
        %add3A_347 = arith.constant 1 : i32
        %add3A_348 = vector.broadcast %add3A_347 : i32 to vector<16xi32>
        %add3A_349 = arith.addi %add3A_346, %add3A_348 : vector<16xi32>
        tpu.vector_store_idx %arg9[%add3A_349], %broadcast_in_dim3A_5 masked %lt3A_244 : memref<32768xf32, #tpu.memory_space<vmem>>[vector<16xi32>], vector<16xf32>, vector<16xi1>
        %add3A_350 = arith.constant 1 : i32
        %add3A_351 = vector.broadcast %add3A_350 : i32 to vector<16xi32>
        %add3A_352 = arith.addi %add3A_349, %add3A_351 : vector<16xi32>
        tpu.vector_store_idx %arg9[%add3A_352], %broadcast_in_dim3A_5 masked %lt3A_244 : memref<32768xf32, #tpu.memory_space<vmem>>[vector<16xi32>], vector<16xf32>, vector<16xi1>
        %add3A_353 = arith.constant 1 : i32
        %add3A_354 = vector.broadcast %add3A_353 : i32 to vector<16xi32>
        %add3A_355 = arith.addi %add3A_352, %add3A_354 : vector<16xi32>
        tpu.vector_store_idx %arg9[%add3A_355], %broadcast_in_dim3A_5 masked %lt3A_244 : memref<32768xf32, #tpu.memory_space<vmem>>[vector<16xi32>], vector<16xf32>, vector<16xi1>
        %add3A_356 = arith.constant 1 : i32
        %add3A_357 = vector.broadcast %add3A_356 : i32 to vector<16xi32>
        %add3A_358 = arith.addi %add3A_355, %add3A_357 : vector<16xi32>
        tpu.vector_store_idx %arg9[%add3A_358], %broadcast_in_dim3A_5 masked %lt3A_244 : memref<32768xf32, #tpu.memory_space<vmem>>[vector<16xi32>], vector<16xf32>, vector<16xi1>
        %add3A_359 = arith.constant 1 : i32
        %add3A_360 = vector.broadcast %add3A_359 : i32 to vector<16xi32>
        %add3A_361 = arith.addi %add3A_358, %add3A_360 : vector<16xi32>
        tpu.vector_store_idx %arg9[%add3A_361], %broadcast_in_dim3A_5 masked %lt3A_244 : memref<32768xf32, #tpu.memory_space<vmem>>[vector<16xi32>], vector<16xf32>, vector<16xi1>
        %add3A_362 = arith.constant 1 : i32
        %add3A_363 = vector.broadcast %add3A_362 : i32 to vector<16xi32>
        %add3A_364 = arith.addi %add3A_361, %add3A_363 : vector<16xi32>
        tpu.vector_store_idx %arg9[%add3A_364], %broadcast_in_dim3A_5 masked %lt3A_244 : memref<32768xf32, #tpu.memory_space<vmem>>[vector<16xi32>], vector<16xf32>, vector<16xi1>
        %add3A_365 = arith.constant 1 : i32
        %add3A_366 = vector.broadcast %add3A_365 : i32 to vector<16xi32>
        %add3A_367 = arith.addi %add3A_364, %add3A_366 : vector<16xi32>
        tpu.vector_store_idx %arg9[%add3A_367], %broadcast_in_dim3A_5 masked %lt3A_244 : memref<32768xf32, #tpu.memory_space<vmem>>[vector<16xi32>], vector<16xf32>, vector<16xi1>
        %add3A_368 = arith.constant 1 : i32
        %add3A_369 = vector.broadcast %add3A_368 : i32 to vector<16xi32>
        %add3A_370 = arith.addi %add3A_367, %add3A_369 : vector<16xi32>
        tpu.vector_store_idx %arg9[%add3A_370], %broadcast_in_dim3A_5 masked %lt3A_244 : memref<32768xf32, #tpu.memory_space<vmem>>[vector<16xi32>], vector<16xf32>, vector<16xi1>
        %add3A_371 = arith.constant 1 : i32
        %add3A_372 = vector.broadcast %add3A_371 : i32 to vector<16xi32>
        %add3A_373 = arith.addi %add3A_370, %add3A_372 : vector<16xi32>
        tpu.vector_store_idx %arg9[%add3A_373], %broadcast_in_dim3A_5 masked %lt3A_244 : memref<32768xf32, #tpu.memory_space<vmem>>[vector<16xi32>], vector<16xf32>, vector<16xi1>
        %add3A_374 = arith.constant 1 : i32
        %add3A_375 = vector.broadcast %add3A_374 : i32 to vector<16xi32>
        %add3A_376 = arith.addi %add3A_373, %add3A_375 : vector<16xi32>
        tpu.vector_store_idx %arg9[%add3A_376], %broadcast_in_dim3A_5 masked %lt3A_244 : memref<32768xf32, #tpu.memory_space<vmem>>[vector<16xi32>], vector<16xf32>, vector<16xi1>
        %add3A_377 = arith.constant 1 : i32
        %add3A_378 = vector.broadcast %add3A_377 : i32 to vector<16xi32>
        %add3A_379 = arith.addi %add3A_376, %add3A_378 : vector<16xi32>
        tpu.vector_store_idx %arg9[%add3A_379], %broadcast_in_dim3A_5 masked %lt3A_244 : memref<32768xf32, #tpu.memory_space<vmem>>[vector<16xi32>], vector<16xf32>, vector<16xi1>
        %add3A_380 = arith.constant 1 : i32
        %add3A_381 = vector.broadcast %add3A_380 : i32 to vector<16xi32>
        %add3A_382 = arith.addi %add3A_379, %add3A_381 : vector<16xi32>
        tpu.vector_store_idx %arg9[%add3A_382], %broadcast_in_dim3A_5 masked %lt3A_244 : memref<32768xf32, #tpu.memory_space<vmem>>[vector<16xi32>], vector<16xf32>, vector<16xi1>
        %add3A_383 = arith.constant 1 : i32
        %add3A_384 = vector.broadcast %add3A_383 : i32 to vector<16xi32>
        %add3A_385 = arith.addi %add3A_382, %add3A_384 : vector<16xi32>
        tpu.vector_store_idx %arg9[%add3A_385], %broadcast_in_dim3A_5 masked %lt3A_244 : memref<32768xf32, #tpu.memory_space<vmem>>[vector<16xi32>], vector<16xf32>, vector<16xi1>
        %add3A_386 = arith.constant 1 : i32
        %add3A_387 = vector.broadcast %add3A_386 : i32 to vector<16xi32>
        %add3A_388 = arith.addi %add3A_385, %add3A_387 : vector<16xi32>
        tpu.vector_store_idx %arg9[%add3A_388], %broadcast_in_dim3A_5 masked %lt3A_244 : memref<32768xf32, #tpu.memory_space<vmem>>[vector<16xi32>], vector<16xf32>, vector<16xi1>
        %add3A_389 = arith.constant 1 : i32
        %add3A_390 = vector.broadcast %add3A_389 : i32 to vector<16xi32>
        %add3A_391 = arith.addi %add3A_388, %add3A_390 : vector<16xi32>
        tpu.vector_store_idx %arg9[%add3A_391], %broadcast_in_dim3A_5 masked %lt3A_244 : memref<32768xf32, #tpu.memory_space<vmem>>[vector<16xi32>], vector<16xf32>, vector<16xi1>
        %add3A_392 = arith.constant 1 : i32
        %add3A_393 = vector.broadcast %add3A_392 : i32 to vector<16xi32>
        %add3A_394 = arith.addi %add3A_391, %add3A_393 : vector<16xi32>
        tpu.vector_store_idx %arg9[%add3A_394], %broadcast_in_dim3A_5 masked %lt3A_244 : memref<32768xf32, #tpu.memory_space<vmem>>[vector<16xi32>], vector<16xf32>, vector<16xi1>
        %add3A_395 = arith.constant 1 : i32
        %add3A_396 = vector.broadcast %add3A_395 : i32 to vector<16xi32>
        %add3A_397 = arith.addi %add3A_394, %add3A_396 : vector<16xi32>
        tpu.vector_store_idx %arg9[%add3A_397], %broadcast_in_dim3A_5 masked %lt3A_244 : memref<32768xf32, #tpu.memory_space<vmem>>[vector<16xi32>], vector<16xf32>, vector<16xi1>
        %add3A_398 = arith.constant 1 : i32
        %add3A_399 = vector.broadcast %add3A_398 : i32 to vector<16xi32>
        %add3A_400 = arith.addi %add3A_397, %add3A_399 : vector<16xi32>
        tpu.vector_store_idx %arg9[%add3A_400], %broadcast_in_dim3A_5 masked %lt3A_244 : memref<32768xf32, #tpu.memory_space<vmem>>[vector<16xi32>], vector<16xf32>, vector<16xi1>
        %add3A_401 = arith.constant 1 : i32
        %add3A_402 = vector.broadcast %add3A_401 : i32 to vector<16xi32>
        %add3A_403 = arith.addi %add3A_400, %add3A_402 : vector<16xi32>
        tpu.vector_store_idx %arg9[%add3A_403], %broadcast_in_dim3A_5 masked %lt3A_244 : memref<32768xf32, #tpu.memory_space<vmem>>[vector<16xi32>], vector<16xf32>, vector<16xi1>
        %add3A_404 = arith.constant 1 : i32
        %add3A_405 = vector.broadcast %add3A_404 : i32 to vector<16xi32>
        %add3A_406 = arith.addi %add3A_403, %add3A_405 : vector<16xi32>
        tpu.vector_store_idx %arg9[%add3A_406], %broadcast_in_dim3A_5 masked %lt3A_244 : memref<32768xf32, #tpu.memory_space<vmem>>[vector<16xi32>], vector<16xf32>, vector<16xi1>
        %add3A_407 = arith.constant 1 : i32
        %add3A_408 = vector.broadcast %add3A_407 : i32 to vector<16xi32>
        %add3A_409 = arith.addi %add3A_406, %add3A_408 : vector<16xi32>
        tpu.vector_store_idx %arg9[%add3A_409], %broadcast_in_dim3A_5 masked %lt3A_244 : memref<32768xf32, #tpu.memory_space<vmem>>[vector<16xi32>], vector<16xf32>, vector<16xi1>
        %add3A_410 = arith.constant 1 : i32
        %add3A_411 = vector.broadcast %add3A_410 : i32 to vector<16xi32>
        %add3A_412 = arith.addi %add3A_409, %add3A_411 : vector<16xi32>
        tpu.vector_store_idx %arg9[%add3A_412], %broadcast_in_dim3A_5 masked %lt3A_244 : memref<32768xf32, #tpu.memory_space<vmem>>[vector<16xi32>], vector<16xf32>, vector<16xi1>
        %add3A_413 = arith.constant 1 : i32
        %add3A_414 = vector.broadcast %add3A_413 : i32 to vector<16xi32>
        %add3A_415 = arith.addi %add3A_412, %add3A_414 : vector<16xi32>
        tpu.vector_store_idx %arg9[%add3A_415], %broadcast_in_dim3A_5 masked %lt3A_244 : memref<32768xf32, #tpu.memory_space<vmem>>[vector<16xi32>], vector<16xf32>, vector<16xi1>
        %add3A_416 = arith.constant 1 : i32
        %add3A_417 = vector.broadcast %add3A_416 : i32 to vector<16xi32>
        %add3A_418 = arith.addi %add3A_415, %add3A_417 : vector<16xi32>
        tpu.vector_store_idx %arg9[%add3A_418], %broadcast_in_dim3A_5 masked %lt3A_244 : memref<32768xf32, #tpu.memory_space<vmem>>[vector<16xi32>], vector<16xf32>, vector<16xi1>
        %add3A_419 = arith.constant 1 : i32
        %add3A_420 = vector.broadcast %add3A_419 : i32 to vector<16xi32>
        %add3A_421 = arith.addi %add3A_418, %add3A_420 : vector<16xi32>
        tpu.vector_store_idx %arg9[%add3A_421], %broadcast_in_dim3A_5 masked %lt3A_244 : memref<32768xf32, #tpu.memory_space<vmem>>[vector<16xi32>], vector<16xf32>, vector<16xi1>
        %add3A_422 = arith.constant 1 : i32
        %add3A_423 = vector.broadcast %add3A_422 : i32 to vector<16xi32>
        %add3A_424 = arith.addi %add3A_421, %add3A_423 : vector<16xi32>
        tpu.vector_store_idx %arg9[%add3A_424], %broadcast_in_dim3A_5 masked %lt3A_244 : memref<32768xf32, #tpu.memory_space<vmem>>[vector<16xi32>], vector<16xf32>, vector<16xi1>
        %add3A_425 = arith.constant 1 : i32
        %add3A_426 = vector.broadcast %add3A_425 : i32 to vector<16xi32>
        %add3A_427 = arith.addi %add3A_424, %add3A_426 : vector<16xi32>
        tpu.vector_store_idx %arg9[%add3A_427], %broadcast_in_dim3A_5 masked %lt3A_244 : memref<32768xf32, #tpu.memory_space<vmem>>[vector<16xi32>], vector<16xf32>, vector<16xi1>
        %add3A_428 = arith.constant 1 : i32
        %add3A_429 = vector.broadcast %add3A_428 : i32 to vector<16xi32>
        %add3A_430 = arith.addi %add3A_427, %add3A_429 : vector<16xi32>
        tpu.vector_store_idx %arg9[%add3A_430], %broadcast_in_dim3A_5 masked %lt3A_244 : memref<32768xf32, #tpu.memory_space<vmem>>[vector<16xi32>], vector<16xf32>, vector<16xi1>
        %add3A_431 = arith.constant 1 : i32
        %add3A_432 = vector.broadcast %add3A_431 : i32 to vector<16xi32>
        %add3A_433 = arith.addi %add3A_430, %add3A_432 : vector<16xi32>
        tpu.vector_store_idx %arg9[%add3A_433], %broadcast_in_dim3A_5 masked %lt3A_244 : memref<32768xf32, #tpu.memory_space<vmem>>[vector<16xi32>], vector<16xf32>, vector<16xi1>
      }
      %while3A_228 = arith.constant 1 : i32
      scf.for %while3A_234 = %while3A_226 to %while3A_222 step %while3A_228  : i32 {
        %mul3A_235 = arith.muli %while3A_234, %while3A_218 : i32
        %add3A_236 = arith.addi %while3A_219, %mul3A_235 : i32
        %mul3A_237 = arith.constant 16 : i32
        %mul3A_238 = arith.muli %add3A_236, %mul3A_237 : i32
        %get3A = arith.index_cast %mul3A_238 : i32 to index
        %get3A_239 = tpu.vector_load %arg7[%get3A] {strides = array<i32>} : memref<12304xi32, #tpu.memory_space<vmem>>, vector<16xi32>,
        %mul3A_240 = arith.constant 16 : i32
        %mul3A_241 = arith.muli %add3A_236, %mul3A_240 : i32
        %sub3A_242 = arith.subi %while3A_183, %mul3A_241 : i32
        %min3A = arith.constant 16 : i32
        %min3A_243 = arith.minsi %sub3A_242, %min3A : i32
        %lt3A = vector.broadcast %min3A_243 : i32 to vector<16xi32>
        %lt3A_244 = arith.cmpi slt, %iota3A, %lt3A : vector<16xi32>
        tpu.vector_store_idx %arg9[%get3A_239], %broadcast_in_dim3A_5 masked %lt3A_244 : memref<32768xf32, #tpu.memory_space<vmem>>[vector<16xi32>], vector<16xf32>, vector<16xi1>
        %add3A_245 = arith.constant 1 : i32
        %add3A_246 = vector.broadcast %add3A_245 : i32 to vector<16xi32>
        %add3A_247 = arith.addi %get3A_239, %add3A_246 : vector<16xi32>
        tpu.vector_store_idx %arg9[%add3A_247], %broadcast_in_dim3A_5 masked %lt3A_244 : memref<32768xf32, #tpu.memory_space<vmem>>[vector<16xi32>], vector<16xf32>, vector<16xi1>
        %add3A_248 = arith.constant 1 : i32
        %add3A_249 = vector.broadcast %add3A_248 : i32 to vector<16xi32>
        %add3A_250 = arith.addi %add3A_247, %add3A_249 : vector<16xi32>
        tpu.vector_store_idx %arg9[%add3A_250], %broadcast_in_dim3A_5 masked %lt3A_244 : memref<32768xf32, #tpu.memory_space<vmem>>[vector<16xi32>], vector<16xf32>, vector<16xi1>
        %add3A_251 = arith.constant 1 : i32
        %add3A_252 = vector.broadcast %add3A_251 : i32 to vector<16xi32>
        %add3A_253 = arith.addi %add3A_250, %add3A_252 : vector<16xi32>
        tpu.vector_store_idx %arg9[%add3A_253], %broadcast_in_dim3A_5 masked %lt3A_244 : memref<32768xf32, #tpu.memory_space<vmem>>[vector<16xi32>], vector<16xf32>, vector<16xi1>
        %add3A_254 = arith.constant 1 : i32
        %add3A_255 = vector.broadcast %add3A_254 : i32 to vector<16xi32>
        %add3A_256 = arith.addi %add3A_253, %add3A_255 : vector<16xi32>
        tpu.vector_store_idx %arg9[%add3A_256], %broadcast_in_dim3A_5 masked %lt3A_244 : memref<32768xf32, #tpu.memory_space<vmem>>[vector<16xi32>], vector<16xf32>, vector<16xi1>
        %add3A_257 = arith.constant 1 : i32
        %add3A_258 = vector.broadcast %add3A_257 : i32 to vector<16xi32>
        %add3A_259 = arith.addi %add3A_256, %add3A_258 : vector<16xi32>
        tpu.vector_store_idx %arg9[%add3A_259], %broadcast_in_dim3A_5 masked %lt3A_244 : memref<32768xf32, #tpu.memory_space<vmem>>[vector<16xi32>], vector<16xf32>, vector<16xi1>
        %add3A_260 = arith.constant 1 : i32
        %add3A_261 = vector.broadcast %add3A_260 : i32 to vector<16xi32>
        %add3A_262 = arith.addi %add3A_259, %add3A_261 : vector<16xi32>
        tpu.vector_store_idx %arg9[%add3A_262], %broadcast_in_dim3A_5 masked %lt3A_244 : memref<32768xf32, #tpu.memory_space<vmem>>[vector<16xi32>], vector<16xf32>, vector<16xi1>
        %add3A_263 = arith.constant 1 : i32
        %add3A_264 = vector.broadcast %add3A_263 : i32 to vector<16xi32>
        %add3A_265 = arith.addi %add3A_262, %add3A_264 : vector<16xi32>
        tpu.vector_store_idx %arg9[%add3A_265], %broadcast_in_dim3A_5 masked %lt3A_244 : memref<32768xf32, #tpu.memory_space<vmem>>[vector<16xi32>], vector<16xf32>, vector<16xi1>
        %add3A_266 = arith.constant 1 : i32
        %add3A_267 = vector.broadcast %add3A_266 : i32 to vector<16xi32>
        %add3A_268 = arith.addi %add3A_265, %add3A_267 : vector<16xi32>
        tpu.vector_store_idx %arg9[%add3A_268], %broadcast_in_dim3A_5 masked %lt3A_244 : memref<32768xf32, #tpu.memory_space<vmem>>[vector<16xi32>], vector<16xf32>, vector<16xi1>
        %add3A_269 = arith.constant 1 : i32
        %add3A_270 = vector.broadcast %add3A_269 : i32 to vector<16xi32>
        %add3A_271 = arith.addi %add3A_268, %add3A_270 : vector<16xi32>
        tpu.vector_store_idx %arg9[%add3A_271], %broadcast_in_dim3A_5 masked %lt3A_244 : memref<32768xf32, #tpu.memory_space<vmem>>[vector<16xi32>], vector<16xf32>, vector<16xi1>
        %add3A_272 = arith.constant 1 : i32
        %add3A_273 = vector.broadcast %add3A_272 : i32 to vector<16xi32>
        %add3A_274 = arith.addi %add3A_271, %add3A_273 : vector<16xi32>
        tpu.vector_store_idx %arg9[%add3A_274], %broadcast_in_dim3A_5 masked %lt3A_244 : memref<32768xf32, #tpu.memory_space<vmem>>[vector<16xi32>], vector<16xf32>, vector<16xi1>
        %add3A_275 = arith.constant 1 : i32
        %add3A_276 = vector.broadcast %add3A_275 : i32 to vector<16xi32>
        %add3A_277 = arith.addi %add3A_274, %add3A_276 : vector<16xi32>
        tpu.vector_store_idx %arg9[%add3A_277], %broadcast_in_dim3A_5 masked %lt3A_244 : memref<32768xf32, #tpu.memory_space<vmem>>[vector<16xi32>], vector<16xf32>, vector<16xi1>
        %add3A_278 = arith.constant 1 : i32
        %add3A_279 = vector.broadcast %add3A_278 : i32 to vector<16xi32>
        %add3A_280 = arith.addi %add3A_277, %add3A_279 : vector<16xi32>
        tpu.vector_store_idx %arg9[%add3A_280], %broadcast_in_dim3A_5 masked %lt3A_244 : memref<32768xf32, #tpu.memory_space<vmem>>[vector<16xi32>], vector<16xf32>, vector<16xi1>
        %add3A_281 = arith.constant 1 : i32
        %add3A_282 = vector.broadcast %add3A_281 : i32 to vector<16xi32>
        %add3A_283 = arith.addi %add3A_280, %add3A_282 : vector<16xi32>
        tpu.vector_store_idx %arg9[%add3A_283], %broadcast_in_dim3A_5 masked %lt3A_244 : memref<32768xf32, #tpu.memory_space<vmem>>[vector<16xi32>], vector<16xf32>, vector<16xi1>
        %add3A_284 = arith.constant 1 : i32
        %add3A_285 = vector.broadcast %add3A_284 : i32 to vector<16xi32>
        %add3A_286 = arith.addi %add3A_283, %add3A_285 : vector<16xi32>
        tpu.vector_store_idx %arg9[%add3A_286], %broadcast_in_dim3A_5 masked %lt3A_244 : memref<32768xf32, #tpu.memory_space<vmem>>[vector<16xi32>], vector<16xf32>, vector<16xi1>
        %add3A_287 = arith.constant 1 : i32
        %add3A_288 = vector.broadcast %add3A_287 : i32 to vector<16xi32>
        %add3A_289 = arith.addi %add3A_286, %add3A_288 : vector<16xi32>
        tpu.vector_store_idx %arg9[%add3A_289], %broadcast_in_dim3A_5 masked %lt3A_244 : memref<32768xf32, #tpu.memory_space<vmem>>[vector<16xi32>], vector<16xf32>, vector<16xi1>
        %add3A_290 = arith.constant 1 : i32
        %add3A_291 = vector.broadcast %add3A_290 : i32 to vector<16xi32>
        %add3A_292 = arith.addi %add3A_289, %add3A_291 : vector<16xi32>
        tpu.vector_store_idx %arg9[%add3A_292], %broadcast_in_dim3A_5 masked %lt3A_244 : memref<32768xf32, #tpu.memory_space<vmem>>[vector<16xi32>], vector<16xf32>, vector<16xi1>
        %add3A_293 = arith.constant 1 : i32
        %add3A_294 = vector.broadcast %add3A_293 : i32 to vector<16xi32>
        %add3A_295 = arith.addi %add3A_292, %add3A_294 : vector<16xi32>
        tpu.vector_store_idx %arg9[%add3A_295], %broadcast_in_dim3A_5 masked %lt3A_244 : memref<32768xf32, #tpu.memory_space<vmem>>[vector<16xi32>], vector<16xf32>, vector<16xi1>
        %add3A_296 = arith.constant 1 : i32
        %add3A_297 = vector.broadcast %add3A_296 : i32 to vector<16xi32>
        %add3A_298 = arith.addi %add3A_295, %add3A_297 : vector<16xi32>
        tpu.vector_store_idx %arg9[%add3A_298], %broadcast_in_dim3A_5 masked %lt3A_244 : memref<32768xf32, #tpu.memory_space<vmem>>[vector<16xi32>], vector<16xf32>, vector<16xi1>
        %add3A_299 = arith.constant 1 : i32
        %add3A_300 = vector.broadcast %add3A_299 : i32 to vector<16xi32>
        %add3A_301 = arith.addi %add3A_298, %add3A_300 : vector<16xi32>
        tpu.vector_store_idx %arg9[%add3A_301], %broadcast_in_dim3A_5 masked %lt3A_244 : memref<32768xf32, #tpu.memory_space<vmem>>[vector<16xi32>], vector<16xf32>, vector<16xi1>
        %add3A_302 = arith.constant 1 : i32
        %add3A_303 = vector.broadcast %add3A_302 : i32 to vector<16xi32>
        %add3A_304 = arith.addi %add3A_301, %add3A_303 : vector<16xi32>
        tpu.vector_store_idx %arg9[%add3A_304], %broadcast_in_dim3A_5 masked %lt3A_244 : memref<32768xf32, #tpu.memory_space<vmem>>[vector<16xi32>], vector<16xf32>, vector<16xi1>
        %add3A_305 = arith.constant 1 : i32
        %add3A_306 = vector.broadcast %add3A_305 : i32 to vector<16xi32>
        %add3A_307 = arith.addi %add3A_304, %add3A_306 : vector<16xi32>
        tpu.vector_store_idx %arg9[%add3A_307], %broadcast_in_dim3A_5 masked %lt3A_244 : memref<32768xf32, #tpu.memory_space<vmem>>[vector<16xi32>], vector<16xf32>, vector<16xi1>
        %add3A_308 = arith.constant 1 : i32
        %add3A_309 = vector.broadcast %add3A_308 : i32 to vector<16xi32>
        %add3A_310 = arith.addi %add3A_307, %add3A_309 : vector<16xi32>
        tpu.vector_store_idx %arg9[%add3A_310], %broadcast_in_dim3A_5 masked %lt3A_244 : memref<32768xf32, #tpu.memory_space<vmem>>[vector<16xi32>], vector<16xf32>, vector<16xi1>
        %add3A_311 = arith.constant 1 : i32
        %add3A_312 = vector.broadcast %add3A_311 : i32 to vector<16xi32>
        %add3A_313 = arith.addi %add3A_310, %add3A_312 : vector<16xi32>
        tpu.vector_store_idx %arg9[%add3A_313], %broadcast_in_dim3A_5 masked %lt3A_244 : memref<32768xf32, #tpu.memory_space<vmem>>[vector<16xi32>], vector<16xf32>, vector<16xi1>
        %add3A_314 = arith.constant 1 : i32
        %add3A_315 = vector.broadcast %add3A_314 : i32 to vector<16xi32>
        %add3A_316 = arith.addi %add3A_313, %add3A_315 : vector<16xi32>
        tpu.vector_store_idx %arg9[%add3A_316], %broadcast_in_dim3A_5 masked %lt3A_244 : memref<32768xf32, #tpu.memory_space<vmem>>[vector<16xi32>], vector<16xf32>, vector<16xi1>
        %add3A_317 = arith.constant 1 : i32
        %add3A_318 = vector.broadcast %add3A_317 : i32 to vector<16xi32>
        %add3A_319 = arith.addi %add3A_316, %add3A_318 : vector<16xi32>
        tpu.vector_store_idx %arg9[%add3A_319], %broadcast_in_dim3A_5 masked %lt3A_244 : memref<32768xf32, #tpu.memory_space<vmem>>[vector<16xi32>], vector<16xf32>, vector<16xi1>
        %add3A_320 = arith.constant 1 : i32
        %add3A_321 = vector.broadcast %add3A_320 : i32 to vector<16xi32>
        %add3A_322 = arith.addi %add3A_319, %add3A_321 : vector<16xi32>
        tpu.vector_store_idx %arg9[%add3A_322], %broadcast_in_dim3A_5 masked %lt3A_244 : memref<32768xf32, #tpu.memory_space<vmem>>[vector<16xi32>], vector<16xf32>, vector<16xi1>
        %add3A_323 = arith.constant 1 : i32
        %add3A_324 = vector.broadcast %add3A_323 : i32 to vector<16xi32>
        %add3A_325 = arith.addi %add3A_322, %add3A_324 : vector<16xi32>
        tpu.vector_store_idx %arg9[%add3A_325], %broadcast_in_dim3A_5 masked %lt3A_244 : memref<32768xf32, #tpu.memory_space<vmem>>[vector<16xi32>], vector<16xf32>, vector<16xi1>
        %add3A_326 = arith.constant 1 : i32
        %add3A_327 = vector.broadcast %add3A_326 : i32 to vector<16xi32>
        %add3A_328 = arith.addi %add3A_325, %add3A_327 : vector<16xi32>
        tpu.vector_store_idx %arg9[%add3A_328], %broadcast_in_dim3A_5 masked %lt3A_244 : memref<32768xf32, #tpu.memory_space<vmem>>[vector<16xi32>], vector<16xf32>, vector<16xi1>
        %add3A_329 = arith.constant 1 : i32
        %add3A_330 = vector.broadcast %add3A_329 : i32 to vector<16xi32>
        %add3A_331 = arith.addi %add3A_328, %add3A_330 : vector<16xi32>
        tpu.vector_store_idx %arg9[%add3A_331], %broadcast_in_dim3A_5 masked %lt3A_244 : memref<32768xf32, #tpu.memory_space<vmem>>[vector<16xi32>], vector<16xf32>, vector<16xi1>
        %add3A_332 = arith.constant 1 : i32
        %add3A_333 = vector.broadcast %add3A_332 : i32 to vector<16xi32>
        %add3A_334 = arith.addi %add3A_331, %add3A_333 : vector<16xi32>
        tpu.vector_store_idx %arg9[%add3A_334], %broadcast_in_dim3A_5 masked %lt3A_244 : memref<32768xf32, #tpu.memory_space<vmem>>[vector<16xi32>], vector<16xf32>, vector<16xi1>
        %add3A_335 = arith.constant 1 : i32
        %add3A_336 = vector.broadcast %add3A_335 : i32 to vector<16xi32>
        %add3A_337 = arith.addi %add3A_334, %add3A_336 : vector<16xi32>
        tpu.vector_store_idx %arg9[%add3A_337], %broadcast_in_dim3A_5 masked %lt3A_244 : memref<32768xf32, #tpu.memory_space<vmem>>[vector<16xi32>], vector<16xf32>, vector<16xi1>
        %add3A_338 = arith.constant 1 : i32
        %add3A_339 = vector.broadcast %add3A_338 : i32 to vector<16xi32>
        %add3A_340 = arith.addi %add3A_337, %add3A_339 : vector<16xi32>
        tpu.vector_store_idx %arg9[%add3A_340], %broadcast_in_dim3A_5 masked %lt3A_244 : memref<32768xf32, #tpu.memory_space<vmem>>[vector<16xi32>], vector<16xf32>, vector<16xi1>
        %add3A_341 = arith.constant 1 : i32
        %add3A_342 = vector.broadcast %add3A_341 : i32 to vector<16xi32>
        %add3A_343 = arith.addi %add3A_340, %add3A_342 : vector<16xi32>
        tpu.vector_store_idx %arg9[%add3A_343], %broadcast_in_dim3A_5 masked %lt3A_244 : memref<32768xf32, #tpu.memory_space<vmem>>[vector<16xi32>], vector<16xf32>, vector<16xi1>
        %add3A_344 = arith.constant 1 : i32
        %add3A_345 = vector.broadcast %add3A_344 : i32 to vector<16xi32>
        %add3A_346 = arith.addi %add3A_343, %add3A_345 : vector<16xi32>
        tpu.vector_store_idx %arg9[%add3A_346], %broadcast_in_dim3A_5 masked %lt3A_244 : memref<32768xf32, #tpu.memory_space<vmem>>[vector<16xi32>], vector<16xf32>, vector<16xi1>
        %add3A_347 = arith.constant 1 : i32
        %add3A_348 = vector.broadcast %add3A_347 : i32 to vector<16xi32>
        %add3A_349 = arith.addi %add3A_346, %add3A_348 : vector<16xi32>
        tpu.vector_store_idx %arg9[%add3A_349], %broadcast_in_dim3A_5 masked %lt3A_244 : memref<32768xf32, #tpu.memory_space<vmem>>[vector<16xi32>], vector<16xf32>, vector<16xi1>
        %add3A_350 = arith.constant 1 : i32
        %add3A_351 = vector.broadcast %add3A_350 : i32 to vector<16xi32>
        %add3A_352 = arith.addi %add3A_349, %add3A_351 : vector<16xi32>
        tpu.vector_store_idx %arg9[%add3A_352], %broadcast_in_dim3A_5 masked %lt3A_244 : memref<32768xf32, #tpu.memory_space<vmem>>[vector<16xi32>], vector<16xf32>, vector<16xi1>
        %add3A_353 = arith.constant 1 : i32
        %add3A_354 = vector.broadcast %add3A_353 : i32 to vector<16xi32>
        %add3A_355 = arith.addi %add3A_352, %add3A_354 : vector<16xi32>
        tpu.vector_store_idx %arg9[%add3A_355], %broadcast_in_dim3A_5 masked %lt3A_244 : memref<32768xf32, #tpu.memory_space<vmem>>[vector<16xi32>], vector<16xf32>, vector<16xi1>
        %add3A_356 = arith.constant 1 : i32
        %add3A_357 = vector.broadcast %add3A_356 : i32 to vector<16xi32>
        %add3A_358 = arith.addi %add3A_355, %add3A_357 : vector<16xi32>
        tpu.vector_store_idx %arg9[%add3A_358], %broadcast_in_dim3A_5 masked %lt3A_244 : memref<32768xf32, #tpu.memory_space<vmem>>[vector<16xi32>], vector<16xf32>, vector<16xi1>
        %add3A_359 = arith.constant 1 : i32
        %add3A_360 = vector.broadcast %add3A_359 : i32 to vector<16xi32>
        %add3A_361 = arith.addi %add3A_358, %add3A_360 : vector<16xi32>
        tpu.vector_store_idx %arg9[%add3A_361], %broadcast_in_dim3A_5 masked %lt3A_244 : memref<32768xf32, #tpu.memory_space<vmem>>[vector<16xi32>], vector<16xf32>, vector<16xi1>
        %add3A_362 = arith.constant 1 : i32
        %add3A_363 = vector.broadcast %add3A_362 : i32 to vector<16xi32>
        %add3A_364 = arith.addi %add3A_361, %add3A_363 : vector<16xi32>
        tpu.vector_store_idx %arg9[%add3A_364], %broadcast_in_dim3A_5 masked %lt3A_244 : memref<32768xf32, #tpu.memory_space<vmem>>[vector<16xi32>], vector<16xf32>, vector<16xi1>
        %add3A_365 = arith.constant 1 : i32
        %add3A_366 = vector.broadcast %add3A_365 : i32 to vector<16xi32>
        %add3A_367 = arith.addi %add3A_364, %add3A_366 : vector<16xi32>
        tpu.vector_store_idx %arg9[%add3A_367], %broadcast_in_dim3A_5 masked %lt3A_244 : memref<32768xf32, #tpu.memory_space<vmem>>[vector<16xi32>], vector<16xf32>, vector<16xi1>
        %add3A_368 = arith.constant 1 : i32
        %add3A_369 = vector.broadcast %add3A_368 : i32 to vector<16xi32>
        %add3A_370 = arith.addi %add3A_367, %add3A_369 : vector<16xi32>
        tpu.vector_store_idx %arg9[%add3A_370], %broadcast_in_dim3A_5 masked %lt3A_244 : memref<32768xf32, #tpu.memory_space<vmem>>[vector<16xi32>], vector<16xf32>, vector<16xi1>
        %add3A_371 = arith.constant 1 : i32
        %add3A_372 = vector.broadcast %add3A_371 : i32 to vector<16xi32>
        %add3A_373 = arith.addi %add3A_370, %add3A_372 : vector<16xi32>
        tpu.vector_store_idx %arg9[%add3A_373], %broadcast_in_dim3A_5 masked %lt3A_244 : memref<32768xf32, #tpu.memory_space<vmem>>[vector<16xi32>], vector<16xf32>, vector<16xi1>
        %add3A_374 = arith.constant 1 : i32
        %add3A_375 = vector.broadcast %add3A_374 : i32 to vector<16xi32>
        %add3A_376 = arith.addi %add3A_373, %add3A_375 : vector<16xi32>
        tpu.vector_store_idx %arg9[%add3A_376], %broadcast_in_dim3A_5 masked %lt3A_244 : memref<32768xf32, #tpu.memory_space<vmem>>[vector<16xi32>], vector<16xf32>, vector<16xi1>
        %add3A_377 = arith.constant 1 : i32
        %add3A_378 = vector.broadcast %add3A_377 : i32 to vector<16xi32>
        %add3A_379 = arith.addi %add3A_376, %add3A_378 : vector<16xi32>
        tpu.vector_store_idx %arg9[%add3A_379], %broadcast_in_dim3A_5 masked %lt3A_244 : memref<32768xf32, #tpu.memory_space<vmem>>[vector<16xi32>], vector<16xf32>, vector<16xi1>
        %add3A_380 = arith.constant 1 : i32
        %add3A_381 = vector.broadcast %add3A_380 : i32 to vector<16xi32>
        %add3A_382 = arith.addi %add3A_379, %add3A_381 : vector<16xi32>
        tpu.vector_store_idx %arg9[%add3A_382], %broadcast_in_dim3A_5 masked %lt3A_244 : memref<32768xf32, #tpu.memory_space<vmem>>[vector<16xi32>], vector<16xf32>, vector<16xi1>
        %add3A_383 = arith.constant 1 : i32
        %add3A_384 = vector.broadcast %add3A_383 : i32 to vector<16xi32>
        %add3A_385 = arith.addi %add3A_382, %add3A_384 : vector<16xi32>
        tpu.vector_store_idx %arg9[%add3A_385], %broadcast_in_dim3A_5 masked %lt3A_244 : memref<32768xf32, #tpu.memory_space<vmem>>[vector<16xi32>], vector<16xf32>, vector<16xi1>
        %add3A_386 = arith.constant 1 : i32
        %add3A_387 = vector.broadcast %add3A_386 : i32 to vector<16xi32>
        %add3A_388 = arith.addi %add3A_385, %add3A_387 : vector<16xi32>
        tpu.vector_store_idx %arg9[%add3A_388], %broadcast_in_dim3A_5 masked %lt3A_244 : memref<32768xf32, #tpu.memory_space<vmem>>[vector<16xi32>], vector<16xf32>, vector<16xi1>
        %add3A_389 = arith.constant 1 : i32
        %add3A_390 = vector.broadcast %add3A_389 : i32 to vector<16xi32>
        %add3A_391 = arith.addi %add3A_388, %add3A_390 : vector<16xi32>
        tpu.vector_store_idx %arg9[%add3A_391], %broadcast_in_dim3A_5 masked %lt3A_244 : memref<32768xf32, #tpu.memory_space<vmem>>[vector<16xi32>], vector<16xf32>, vector<16xi1>
        %add3A_392 = arith.constant 1 : i32
        %add3A_393 = vector.broadcast %add3A_392 : i32 to vector<16xi32>
        %add3A_394 = arith.addi %add3A_391, %add3A_393 : vector<16xi32>
        tpu.vector_store_idx %arg9[%add3A_394], %broadcast_in_dim3A_5 masked %lt3A_244 : memref<32768xf32, #tpu.memory_space<vmem>>[vector<16xi32>], vector<16xf32>, vector<16xi1>
        %add3A_395 = arith.constant 1 : i32
        %add3A_396 = vector.broadcast %add3A_395 : i32 to vector<16xi32>
        %add3A_397 = arith.addi %add3A_394, %add3A_396 : vector<16xi32>
        tpu.vector_store_idx %arg9[%add3A_397], %broadcast_in_dim3A_5 masked %lt3A_244 : memref<32768xf32, #tpu.memory_space<vmem>>[vector<16xi32>], vector<16xf32>, vector<16xi1>
        %add3A_398 = arith.constant 1 : i32
        %add3A_399 = vector.broadcast %add3A_398 : i32 to vector<16xi32>
        %add3A_400 = arith.addi %add3A_397, %add3A_399 : vector<16xi32>
        tpu.vector_store_idx %arg9[%add3A_400], %broadcast_in_dim3A_5 masked %lt3A_244 : memref<32768xf32, #tpu.memory_space<vmem>>[vector<16xi32>], vector<16xf32>, vector<16xi1>
        %add3A_401 = arith.constant 1 : i32
        %add3A_402 = vector.broadcast %add3A_401 : i32 to vector<16xi32>
        %add3A_403 = arith.addi %add3A_400, %add3A_402 : vector<16xi32>
        tpu.vector_store_idx %arg9[%add3A_403], %broadcast_in_dim3A_5 masked %lt3A_244 : memref<32768xf32, #tpu.memory_space<vmem>>[vector<16xi32>], vector<16xf32>, vector<16xi1>
        %add3A_404 = arith.constant 1 : i32
        %add3A_405 = vector.broadcast %add3A_404 : i32 to vector<16xi32>
        %add3A_406 = arith.addi %add3A_403, %add3A_405 : vector<16xi32>
        tpu.vector_store_idx %arg9[%add3A_406], %broadcast_in_dim3A_5 masked %lt3A_244 : memref<32768xf32, #tpu.memory_space<vmem>>[vector<16xi32>], vector<16xf32>, vector<16xi1>
        %add3A_407 = arith.constant 1 : i32
        %add3A_408 = vector.broadcast %add3A_407 : i32 to vector<16xi32>
        %add3A_409 = arith.addi %add3A_406, %add3A_408 : vector<16xi32>
        tpu.vector_store_idx %arg9[%add3A_409], %broadcast_in_dim3A_5 masked %lt3A_244 : memref<32768xf32, #tpu.memory_space<vmem>>[vector<16xi32>], vector<16xf32>, vector<16xi1>
        %add3A_410 = arith.constant 1 : i32
        %add3A_411 = vector.broadcast %add3A_410 : i32 to vector<16xi32>
        %add3A_412 = arith.addi %add3A_409, %add3A_411 : vector<16xi32>
        tpu.vector_store_idx %arg9[%add3A_412], %broadcast_in_dim3A_5 masked %lt3A_244 : memref<32768xf32, #tpu.memory_space<vmem>>[vector<16xi32>], vector<16xf32>, vector<16xi1>
        %add3A_413 = arith.constant 1 : i32
        %add3A_414 = vector.broadcast %add3A_413 : i32 to vector<16xi32>
        %add3A_415 = arith.addi %add3A_412, %add3A_414 : vector<16xi32>
        tpu.vector_store_idx %arg9[%add3A_415], %broadcast_in_dim3A_5 masked %lt3A_244 : memref<32768xf32, #tpu.memory_space<vmem>>[vector<16xi32>], vector<16xf32>, vector<16xi1>
        %add3A_416 = arith.constant 1 : i32
        %add3A_417 = vector.broadcast %add3A_416 : i32 to vector<16xi32>
        %add3A_418 = arith.addi %add3A_415, %add3A_417 : vector<16xi32>
        tpu.vector_store_idx %arg9[%add3A_418], %broadcast_in_dim3A_5 masked %lt3A_244 : memref<32768xf32, #tpu.memory_space<vmem>>[vector<16xi32>], vector<16xf32>, vector<16xi1>
        %add3A_419 = arith.constant 1 : i32
        %add3A_420 = vector.broadcast %add3A_419 : i32 to vector<16xi32>
        %add3A_421 = arith.addi %add3A_418, %add3A_420 : vector<16xi32>
        tpu.vector_store_idx %arg9[%add3A_421], %broadcast_in_dim3A_5 masked %lt3A_244 : memref<32768xf32, #tpu.memory_space<vmem>>[vector<16xi32>], vector<16xf32>, vector<16xi1>
        %add3A_422 = arith.constant 1 : i32
        %add3A_423 = vector.broadcast %add3A_422 : i32 to vector<16xi32>
        %add3A_424 = arith.addi %add3A_421, %add3A_423 : vector<16xi32>
        tpu.vector_store_idx %arg9[%add3A_424], %broadcast_in_dim3A_5 masked %lt3A_244 : memref<32768xf32, #tpu.memory_space<vmem>>[vector<16xi32>], vector<16xf32>, vector<16xi1>
        %add3A_425 = arith.constant 1 : i32
        %add3A_426 = vector.broadcast %add3A_425 : i32 to vector<16xi32>
        %add3A_427 = arith.addi %add3A_424, %add3A_426 : vector<16xi32>
        tpu.vector_store_idx %arg9[%add3A_427], %broadcast_in_dim3A_5 masked %lt3A_244 : memref<32768xf32, #tpu.memory_space<vmem>>[vector<16xi32>], vector<16xf32>, vector<16xi1>
        %add3A_428 = arith.constant 1 : i32
        %add3A_429 = vector.broadcast %add3A_428 : i32 to vector<16xi32>
        %add3A_430 = arith.addi %add3A_427, %add3A_429 : vector<16xi32>
        tpu.vector_store_idx %arg9[%add3A_430], %broadcast_in_dim3A_5 masked %lt3A_244 : memref<32768xf32, #tpu.memory_space<vmem>>[vector<16xi32>], vector<16xf32>, vector<16xi1>
        %add3A_431 = arith.constant 1 : i32
        %add3A_432 = vector.broadcast %add3A_431 : i32 to vector<16xi32>
        %add3A_433 = arith.addi %add3A_430, %add3A_432 : vector<16xi32>
        tpu.vector_store_idx %arg9[%add3A_433], %broadcast_in_dim3A_5 masked %lt3A_244 : memref<32768xf32, #tpu.memory_space<vmem>>[vector<16xi32>], vector<16xf32>, vector<16xi1>
      }
      %mul3A_229 = arith.constant 32768 : i32
      %mul3A_230 = arith.muli %add3A_153, %mul3A_229 : i32
      %add3A_231 = arith.addi %mul3A_4, %mul3A_230 : i32
      %dma_start3A_232 = tpu.memref_slice %arg3[%add3A_231] : memref<16777216xf32, #tpu.memory_space<hbm>> -> memref<32768xf32, #tpu.memory_space<hbm>>
      %dma_start3A_233 = tpu.memref_slice %arg3[%add3A_231] : memref<16777216xf32, #tpu.memory_space<hbm>> -> memref<32768xf32, #tpu.memory_space<hbm>>
      tpu.enqueue_dma source(%arg9 : memref<32768xf32, #tpu.memory_space<vmem>>) target(%dma_start3A_233 : memref<32768xf32, #tpu.memory_space<hbm>>) target_semaphore(%arg12 : memref<!tpu.dma_semaphore, #tpu.memory_space<semaphore_mem>>)
    }
    %scan3A_51 = arith.constant 8 : i32
    %add3A_52 = arith.constant 0 : i32
    %add3A_53 = arith.addi %mul3A_4, %add3A_52 : i32
    %dma_wait3A = tpu.memref_slice %arg3[%add3A_53] : memref<16777216xf32, #tpu.memory_space<hbm>> -> memref<32768xf32, #tpu.memory_space<hbm>>
    %dma_wait3A_54 = tpu.memref_slice %arg3[%add3A_53] : memref<16777216xf32, #tpu.memory_space<hbm>> -> memref<32768xf32, #tpu.memory_space<hbm>>
    tpu.wait_dma2 semaphore(%arg12 : memref<!tpu.dma_semaphore, #tpu.memory_space<semaphore_mem>>) src(%arg8 : memref<32768xf32, #tpu.memory_space<vmem>>) dst(%dma_wait3A_54 : memref<32768xf32, #tpu.memory_space<hbm>>)
    %add3A_55 = arith.constant 0 : i32
    %add3A_56 = arith.addi %mul3A_4, %add3A_55 : i32
    %dma_wait3A_57 = tpu.memref_slice %arg3[%add3A_56] : memref<16777216xf32, #tpu.memory_space<hbm>> -> memref<32768xf32, #tpu.memory_space<hbm>>
    %dma_wait3A_58 = tpu.memref_slice %arg3[%add3A_56] : memref<16777216xf32, #tpu.memory_space<hbm>> -> memref<32768xf32, #tpu.memory_space<hbm>>
    tpu.wait_dma2 semaphore(%arg12 : memref<!tpu.dma_semaphore, #tpu.memory_space<semaphore_mem>>) src(%arg9 : memref<32768xf32, #tpu.memory_space<vmem>>) dst(%dma_wait3A_58 : memref<32768xf32, #tpu.memory_space<hbm>>)
    %scan3A_59 = arith.constant 0 : i32
    %scan3A_60 = arith.constant 14 : i32
    %scan3A_61 = arith.addi %scan3A_59, %scan3A_60 : i32
    %scan3A_62 = arith.constant 1 : i32
    %scan3A_63 = scf.for %scan3A_65 = %scan3A_59 to %scan3A_61 step %scan3A_62 iter_args(%scan3A_66 = %scan3A_26#1) -> (i32)  : i32 {
      %mul3A_67 = arith.constant 1 : i32
      %mul3A_68 = arith.muli %scan3A_65, %mul3A_67 : i32
      %add3A_69 = arith.constant 1 : i32
      %add3A_70 = arith.addi %add3A_69, %mul3A_68 : i32
      %scan3A_71 = arith.constant 0 : i32
      %scan3A_72 = arith.constant 6272 : i32
      %scan3A_73 = arith.constant 0 : i32
      %scan3A_74 = arith.constant 14 : i32
      %scan3A_75 = arith.addi %scan3A_73, %scan3A_74 : i32
      %scan3A_76 = arith.constant 1 : i32
      %scan3A_77:2 = scf.for %scan3A_111 = %scan3A_73 to %scan3A_75 step %scan3A_76 iter_args(%scan3A_112 = %scan3A_71, %scan3A_113 = %scan3A_72) -> (i32, i32)  : i32 {
        %mul3A_114 = arith.constant 1 : i32
        %mul3A_115 = arith.muli %scan3A_111, %mul3A_114 : i32
        %add3A_116 = arith.constant 0 : i32
        %add3A_117 = arith.addi %add3A_116, %mul3A_115 : i32
        %add3A_118 = arith.constant 1 : i32
        %add3A_119 = arith.addi %add3A_117, %add3A_118 : i32
        %mul3A_120 = arith.constant 448 : i32
        %mul3A_121 = arith.muli %add3A_119, %mul3A_120 : i32
        %gt3A_122 = arith.cmpi sgt, %mul3A_121, %scan3A_66 : i32
        %convert_element_type3A_123 = arith.extui %gt3A_122 : i1 to i32
        %cond3A_124 = arith.constant 0 : i32
        %cond3A_125 = arith.cmpi ne, %convert_element_type3A_123, %cond3A_124 : i32
        scf.if %cond3A_125 {
          %mul3A_157 = arith.constant 2 : i32
          %mul3A_158 = arith.muli %add3A_117, %mul3A_157 : i32
          %mul3A_159 = arith.constant 7168 : i32
          %mul3A_160 = arith.muli %mul3A_158, %mul3A_159 : i32
          %dma_start3A_161 = tpu.memref_slice %arg2[%mul3A_160] : memref<200704xi32, #tpu.memory_space<hbm>> -> memref<14336xi32, #tpu.memory_space<hbm>>
          %dma_start3A_162 = tpu.memref_slice %arg2[%mul3A_160] : memref<200704xi32, #tpu.memory_space<hbm>> -> memref<14336xi32, #tpu.memory_space<hbm>>
          tpu.enqueue_dma source(%dma_start3A_162 : memref<14336xi32, #tpu.memory_space<hbm>>) target(%arg4 : memref<14336xi32, #tpu.memory_space<vmem>>) target_semaphore(%arg13 : memref<!tpu.dma_semaphore, #tpu.memory_space<semaphore_mem>>)
          %dma_wait3A_163 = tpu.memref_slice %arg2[%mul3A_160] : memref<200704xi32, #tpu.memory_space<hbm>> -> memref<14336xi32, #tpu.memory_space<hbm>>
          %dma_wait3A_164 = tpu.memref_slice %arg2[%mul3A_160] : memref<200704xi32, #tpu.memory_space<hbm>> -> memref<14336xi32, #tpu.memory_space<hbm>>
          tpu.wait_dma2 semaphore(%arg13 : memref<!tpu.dma_semaphore, #tpu.memory_space<semaphore_mem>>) src(%dma_wait3A_164 : memref<14336xi32, #tpu.memory_space<hbm>>) dst(%arg4 : memref<14336xi32, #tpu.memory_space<vmem>>)
        } else {
        }
        %mul3A_126 = arith.constant 448 : i32
        %mul3A_127 = arith.muli %add3A_117, %mul3A_126 : i32
        %sub3A_128 = arith.subi %scan3A_66, %mul3A_127 : i32
        %jit3A_129 = arith.constant 0 : i32
        %jit3A_130 = arith.constant 448 : i32
        %max3A = arith.maxsi %jit3A_129, %sub3A_128 : i32
        %min3A = arith.minsi %jit3A_130, %max3A : i32
        %lt3A = arith.constant 0 : i32
        %lt3A_131 = arith.cmpi slt, %scan3A_112, %lt3A : i32
        %sub3A_132 = arith.constant 448 : i32
        %sub3A_133 = arith.subi %sub3A_132, %min3A : i32
        %sub3A_134 = arith.constant 1 : i32
        %sub3A_135 = arith.constant 1 : i32
        %sub3A_136 = arith.subi %sub3A_134, %sub3A_135 : i32
        %add3A_137 = arith.addi %sub3A_133, %sub3A_136 : i32
        %div3A_138 = arith.constant 1 : i32
        %div3A_139 = arith.divsi %add3A_137, %div3A_138 : i32
        %while3A = arith.constant 1 : i32
        %while3A_140 = arith.constant 0 : i32
        %while3A_141 = arith.subi %div3A_139, %while3A_140 : i32
        %while3A_142 = arith.addi %while3A_140, %while3A_141 : i32
        %while3A_143 = arith.constant 1 : i32
        %while3A_144 = arith.divsi %while3A_141, %while3A_143 : i32
        %while3A_145 = arith.muli %while3A_144, %while3A_143 : i32
        %while3A_146 = arith.addi %while3A_140, %while3A_145 : i32
        %while3A_147 = arith.constant 1 : i32
        %while3A_148:2 = scf.for %while3A_157 = %while3A_140 to %while3A_146 step %while3A_147 iter_args(%while3A_158 = %scan3A_112, %while3A_159 = %lt3A_131) -> (i32, i1)  : i32 {
          %mul3A_160 = arith.muli %while3A_157, %while3A : i32
          %add3A_161 = arith.addi %min3A, %mul3A_160 : i32
          %mul3A_162 = arith.constant 16 : i32
          %mul3A_163 = arith.muli %add3A_161, %mul3A_162 : i32
          %add3A_164 = arith.constant 7168 : i32
          %add3A_165 = arith.addi %add3A_164, %mul3A_163 : i32
          %get3A = arith.index_cast %add3A_165 : i32 to index
          %get3A_166 = tpu.vector_load %arg4[%get3A] {strides = array<i32>} : memref<14336xi32, #tpu.memory_space<vmem>>, vector<16xi32>,
          %mul3A_167 = arith.constant 16 : i32
          %mul3A_168 = arith.muli %add3A_161, %mul3A_167 : i32
          %get3A_169 = arith.index_cast %mul3A_168 : i32 to index
          %get3A_170 = tpu.vector_load %arg4[%get3A_169] {strides = array<i32>} : memref<14336xi32, #tpu.memory_space<vmem>>, vector<16xi32>,
          %sub3A_171 = vector.broadcast %mul3A_2 : i32 to vector<16xi32>
          %sub3A_172 = arith.subi %get3A_166, %sub3A_171 : vector<16xi32>
          %lt3A_173 = arith.constant 128 : i32
          %lt3A_174 = vector.broadcast %lt3A_173 : i32 to vector<16xi32>
          %lt3A_175 = arith.cmpi ult, %sub3A_172, %lt3A_174 : vector<16xi32>
          %all_reduce_population_count3A = tpu.all_reduce %lt3A_175 {dim = 0 : i64, kind = #tpu.reduction_kind<sum>} : vector<16xi1> -> vector<16xi32>
          %slice3A = vector.extract_strided_slice %all_reduce_population_count3A {offsets = [0], sizes = [1], strides = [1]} : vector<16xi32> to vector<1xi32>
          %squeeze3A = vector.extract %slice3A[0] : i32 from vector<1xi32>
          %mul3A_176 = arith.constant 4096 : i32
          %mul3A_177 = vector.broadcast %mul3A_176 : i32 to vector<16xi32>
          %mul3A_178 = arith.muli %get3A_166, %mul3A_177 : vector<16xi32>
          %add3A_179 = arith.addi %mul3A_178, %get3A_170 : vector<16xi32>
          %swap3A_180 = arith.index_cast %while3A_158 : i32 to index
          %swap3A_181 = tpu.vector_load %arg6[%swap3A_180] masked %lt3A_175 {strides = array<i32>} : memref<12304xi32, #tpu.memory_space<vmem>>, vector<16xi32>, vector<16xi1>
          tpu.vector_store %arg6[%swap3A_180], %add3A_179 masked %lt3A_175 {strides = array<i32>} : memref<12304xi32, #tpu.memory_space<vmem>>, vector<16xi32>, vector<16xi1>
          %add3A_182 = arith.addi %while3A_158, %squeeze3A : i32
          %le3A = arith.constant 12288 : i32
          %le3A_183 = arith.cmpi sle, %add3A_182, %le3A : i32
          %add3A_184 = arith.addi %while3A_158, %squeeze3A : i32
          %select_n3A_185 = arith.select %le3A_183, %add3A_184, %while3A_158 : i32
          %not3A = arith.constant true
          %not3A_186 = arith.xori %le3A_183, %not3A : i1
          %or3A = arith.ori %while3A_159, %not3A_186 : i1
          scf.yield %select_n3A_185, %or3A : i32, i1
        }
        %while3A_149 = arith.constant 1 : i32
        %while3A_150:2 = scf.for %while3A_157 = %while3A_146 to %while3A_142 step %while3A_149 iter_args(%while3A_158 = %while3A_148#0, %while3A_159 = %while3A_148#1) -> (i32, i1)  : i32 {
          %mul3A_160 = arith.muli %while3A_157, %while3A : i32
          %add3A_161 = arith.addi %min3A, %mul3A_160 : i32
          %mul3A_162 = arith.constant 16 : i32
          %mul3A_163 = arith.muli %add3A_161, %mul3A_162 : i32
          %add3A_164 = arith.constant 7168 : i32
          %add3A_165 = arith.addi %add3A_164, %mul3A_163 : i32
          %get3A = arith.index_cast %add3A_165 : i32 to index
          %get3A_166 = tpu.vector_load %arg4[%get3A] {strides = array<i32>} : memref<14336xi32, #tpu.memory_space<vmem>>, vector<16xi32>,
          %mul3A_167 = arith.constant 16 : i32
          %mul3A_168 = arith.muli %add3A_161, %mul3A_167 : i32
          %get3A_169 = arith.index_cast %mul3A_168 : i32 to index
          %get3A_170 = tpu.vector_load %arg4[%get3A_169] {strides = array<i32>} : memref<14336xi32, #tpu.memory_space<vmem>>, vector<16xi32>,
          %sub3A_171 = vector.broadcast %mul3A_2 : i32 to vector<16xi32>
          %sub3A_172 = arith.subi %get3A_166, %sub3A_171 : vector<16xi32>
          %lt3A_173 = arith.constant 128 : i32
          %lt3A_174 = vector.broadcast %lt3A_173 : i32 to vector<16xi32>
          %lt3A_175 = arith.cmpi ult, %sub3A_172, %lt3A_174 : vector<16xi32>
          %all_reduce_population_count3A = tpu.all_reduce %lt3A_175 {dim = 0 : i64, kind = #tpu.reduction_kind<sum>} : vector<16xi1> -> vector<16xi32>
          %slice3A = vector.extract_strided_slice %all_reduce_population_count3A {offsets = [0], sizes = [1], strides = [1]} : vector<16xi32> to vector<1xi32>
          %squeeze3A = vector.extract %slice3A[0] : i32 from vector<1xi32>
          %mul3A_176 = arith.constant 4096 : i32
          %mul3A_177 = vector.broadcast %mul3A_176 : i32 to vector<16xi32>
          %mul3A_178 = arith.muli %get3A_166, %mul3A_177 : vector<16xi32>
          %add3A_179 = arith.addi %mul3A_178, %get3A_170 : vector<16xi32>
          %swap3A_180 = arith.index_cast %while3A_158 : i32 to index
          %swap3A_181 = tpu.vector_load %arg6[%swap3A_180] masked %lt3A_175 {strides = array<i32>} : memref<12304xi32, #tpu.memory_space<vmem>>, vector<16xi32>, vector<16xi1>
          tpu.vector_store %arg6[%swap3A_180], %add3A_179 masked %lt3A_175 {strides = array<i32>} : memref<12304xi32, #tpu.memory_space<vmem>>, vector<16xi32>, vector<16xi1>
          %add3A_182 = arith.addi %while3A_158, %squeeze3A : i32
          %le3A = arith.constant 12288 : i32
          %le3A_183 = arith.cmpi sle, %add3A_182, %le3A : i32
          %add3A_184 = arith.addi %while3A_158, %squeeze3A : i32
          %select_n3A_185 = arith.select %le3A_183, %add3A_184, %while3A_158 : i32
          %not3A = arith.constant true
          %not3A_186 = arith.xori %le3A_183, %not3A : i1
          %or3A = arith.ori %while3A_159, %not3A_186 : i1
          scf.yield %select_n3A_185, %or3A : i32, i1
        }
        %eq3A_151 = arith.constant 6272 : i32
        %eq3A_152 = arith.cmpi eq, %scan3A_113, %eq3A_151 : i32
        %and3A_153 = arith.andi %while3A_150#1, %eq3A_152 : i1
        %mul3A_154 = arith.constant 448 : i32
        %mul3A_155 = arith.muli %add3A_117, %mul3A_154 : i32
        %select_n3A_156 = arith.select %and3A_153, %mul3A_155, %scan3A_113 : i32
        scf.yield %while3A_150#0, %select_n3A_156 : i32, i32
      }
      %scan3A_78 = arith.constant 14 : i32
      %swap3A_79 = arith.index_cast %scan3A_77#0 : i32 to index
      %swap3A_80 = tpu.vector_load %arg6[%swap3A_79] {strides = array<i32>} : memref<12304xi32, #tpu.memory_space<vmem>>, vector<16xi32>,
      tpu.vector_store %arg6[%swap3A_79], %broadcast_in_dim3A_9 {strides = array<i32>} : memref<12304xi32, #tpu.memory_space<vmem>>, vector<16xi32>,
      %add3A_81 = arith.constant 15 : i32
      %add3A_82 = arith.addi %scan3A_77#0, %add3A_81 : i32
      %jit3A_83 = arith.constant 16 : i32
      %div3A_84 = arith.divsi %add3A_82, %jit3A_83 : i32
      %sign3A_85 = arith.constant 0 : i32
      %sign3A_86 = arith.cmpi sgt, %add3A_82, %sign3A_85 : i32
      %sign3A_87 = arith.extui %sign3A_86 : i1 to i32
      %sign3A_88 = arith.constant 0 : i32
      %sign3A_89 = arith.cmpi slt, %add3A_82, %sign3A_88 : i32
      %sign3A_90 = arith.extui %sign3A_89 : i1 to i32
      %sign3A_91 = arith.subi %sign3A_87, %sign3A_90 : i32
      %sign3A_92 = arith.constant 0 : i32
      %sign3A_93 = arith.cmpi sgt, %jit3A_83, %sign3A_92 : i32
      %sign3A_94 = arith.extui %sign3A_93 : i1 to i32
      %sign3A_95 = arith.constant 0 : i32
      %sign3A_96 = arith.cmpi slt, %jit3A_83, %sign3A_95 : i32
      %sign3A_97 = arith.extui %sign3A_96 : i1 to i32
      %sign3A_98 = arith.subi %sign3A_94, %sign3A_97 : i32
      %ne3A_99 = arith.cmpi ne, %sign3A_91, %sign3A_98 : i32
      %rem3A_100 = arith.remsi %add3A_82, %jit3A_83 : i32
      %ne3A_101 = arith.constant 0 : i32
      %ne3A_102 = arith.cmpi ne, %rem3A_100, %ne3A_101 : i32
      %and3A_103 = arith.andi %ne3A_99, %ne3A_102 : i1
      %sub3A_104 = arith.constant 1 : i32
      %sub3A_105 = arith.subi %div3A_84, %sub3A_104 : i32
      %select_n3A_106 = arith.select %and3A_103, %sub3A_105, %div3A_84 : i32
      %gt3A = arith.constant 0 : i32
      %gt3A_107 = arith.cmpi sgt, %scan3A_77#0, %gt3A : i32
      %convert_element_type3A_108 = arith.extui %gt3A_107 : i1 to i32
      %cond3A_109 = arith.constant 0 : i32
      %cond3A_110 = arith.cmpi ne, %convert_element_type3A_108, %cond3A_109 : i32
      scf.if %cond3A_110 {
        %scan3A_111 = arith.constant 0 : i32
        %scan3A_112 = arith.constant 16 : i32
        %scan3A_113 = arith.addi %scan3A_111, %scan3A_112 : i32
        %scan3A_114 = arith.constant 1 : i32
        scf.for %scan3A_116 = %scan3A_111 to %scan3A_113 step %scan3A_114  : i32 {
          %mul3A_117 = arith.constant 1 : i32
          %mul3A_118 = arith.muli %scan3A_116, %mul3A_117 : i32
          %add3A_119 = arith.constant 0 : i32
          %add3A_120 = arith.addi %add3A_119, %mul3A_118 : i32
          %mul3A_121 = arith.constant 32768 : i32
          %mul3A_122 = arith.muli %add3A_120, %mul3A_121 : i32
          %add3A_123 = arith.addi %mul3A_4, %mul3A_122 : i32
          "tpu.region"() ({
            %run_scoped3A = tpu.sem_alloc : memref<!tpu.dma_semaphore, #tpu.memory_space<semaphore_mem>>
            %dma_start3A_197 = tpu.memref_slice %arg3[%add3A_123] : memref<16777216xf32, #tpu.memory_space<hbm>> -> memref<32768xf32, #tpu.memory_space<hbm>>
            %dma_start3A_198 = tpu.memref_slice %arg3[%add3A_123] : memref<16777216xf32, #tpu.memory_space<hbm>> -> memref<32768xf32, #tpu.memory_space<hbm>>
            tpu.enqueue_dma source(%dma_start3A_198 : memref<32768xf32, #tpu.memory_space<hbm>>) target(%arg8 : memref<32768xf32, #tpu.memory_space<vmem>>) target_semaphore(%run_scoped3A : memref<!tpu.dma_semaphore, #tpu.memory_space<semaphore_mem>>)
            %dma_wait3A_199 = tpu.memref_slice %arg3[%add3A_123] : memref<16777216xf32, #tpu.memory_space<hbm>> -> memref<32768xf32, #tpu.memory_space<hbm>>
            %dma_wait3A_200 = tpu.memref_slice %arg3[%add3A_123] : memref<16777216xf32, #tpu.memory_space<hbm>> -> memref<32768xf32, #tpu.memory_space<hbm>>
            tpu.wait_dma2 semaphore(%run_scoped3A : memref<!tpu.dma_semaphore, #tpu.memory_space<semaphore_mem>>) src(%dma_wait3A_200 : memref<32768xf32, #tpu.memory_space<hbm>>) dst(%arg8 : memref<32768xf32, #tpu.memory_space<vmem>>)
            tpu.yield
          }) : () -> ()
          %sub3A_124 = arith.constant 0 : i32
          %sub3A_125 = arith.subi %select_n3A_106, %sub3A_124 : i32
          %sub3A_126 = arith.constant 1 : i32
          %sub3A_127 = arith.constant 1 : i32
          %sub3A_128 = arith.subi %sub3A_126, %sub3A_127 : i32
          %add3A_129 = arith.addi %sub3A_125, %sub3A_128 : i32
          %div3A_130 = arith.constant 1 : i32
          %div3A_131 = arith.divsi %add3A_129, %div3A_130 : i32
          %while3A = arith.constant 1 : i32
          %while3A_132 = arith.constant 0 : i32
          %while3A_133 = arith.constant 0 : i32
          %while3A_134 = arith.constant 0 : i32
          %while3A_135 = arith.subi %div3A_131, %while3A_133 : i32
          %while3A_136 = arith.addi %while3A_133, %while3A_135 : i32
          %while3A_137 = arith.constant 1 : i32
          %while3A_138 = arith.divsi %while3A_135, %while3A_137 : i32
          %while3A_139 = arith.muli %while3A_138, %while3A_137 : i32
          %while3A_140 = arith.addi %while3A_133, %while3A_139 : i32
          %while3A_141 = arith.constant 1 : i32
          %while3A_142 = scf.for %while3A_197 = %while3A_133 to %while3A_140 step %while3A_141 iter_args(%while3A_198 = %while3A_134) -> (i32)  : i32 {
            %mul3A_199 = arith.muli %while3A_197, %while3A : i32
            %add3A_200 = arith.addi %while3A_132, %mul3A_199 : i32
            %mul3A_201 = arith.constant 16 : i32
            %mul3A_202 = arith.muli %add3A_200, %mul3A_201 : i32
            %get3A = arith.index_cast %mul3A_202 : i32 to index
            %get3A_203 = tpu.vector_load %arg6[%get3A] {strides = array<i32>} : memref<12304xi32, #tpu.memory_space<vmem>>, vector<16xi32>,
            %sub3A_204 = vector.broadcast %add3A_123 : i32 to vector<16xi32>
            %sub3A_205 = arith.subi %get3A_203, %sub3A_204 : vector<16xi32>
            %lt3A = arith.constant 32768 : i32
            %lt3A_206 = vector.broadcast %lt3A : i32 to vector<16xi32>
            %lt3A_207 = arith.cmpi ult, %sub3A_205, %lt3A_206 : vector<16xi32>
            %all_reduce_population_count3A = tpu.all_reduce %lt3A_207 {dim = 0 : i64, kind = #tpu.reduction_kind<sum>} : vector<16xi1> -> vector<16xi32>
            %slice3A = vector.extract_strided_slice %all_reduce_population_count3A {offsets = [0], sizes = [1], strides = [1]} : vector<16xi32> to vector<1xi32>
            %squeeze3A = vector.extract %slice3A[0] : i32 from vector<1xi32>
            %gt3A_208 = arith.constant 0 : i32
            %gt3A_209 = arith.cmpi sgt, %squeeze3A, %gt3A_208 : i32
            %convert_element_type3A_210 = arith.extui %gt3A_209 : i1 to i32
            %cond3A_211 = arith.constant 0 : i32
            %cond3A_212 = arith.cmpi ne, %convert_element_type3A_210, %cond3A_211 : i32
            scf.if %cond3A_212 {
              %swap3A_214 = arith.index_cast %while3A_198 : i32 to index
              %swap3A_215 = tpu.vector_load %arg7[%swap3A_214] masked %lt3A_207 {strides = array<i32>} : memref<12304xi32, #tpu.memory_space<vmem>>, vector<16xi32>, vector<16xi1>
              tpu.vector_store %arg7[%swap3A_214], %sub3A_205 masked %lt3A_207 {strides = array<i32>} : memref<12304xi32, #tpu.memory_space<vmem>>, vector<16xi32>, vector<16xi1>
            } else {
            }
            %add3A_213 = arith.addi %while3A_198, %squeeze3A : i32
            scf.yield %add3A_213 : i32
          }
          %while3A_143 = arith.constant 1 : i32
          %while3A_144 = scf.for %while3A_197 = %while3A_140 to %while3A_136 step %while3A_143 iter_args(%while3A_198 = %while3A_142) -> (i32)  : i32 {
            %mul3A_199 = arith.muli %while3A_197, %while3A : i32
            %add3A_200 = arith.addi %while3A_132, %mul3A_199 : i32
            %mul3A_201 = arith.constant 16 : i32
            %mul3A_202 = arith.muli %add3A_200, %mul3A_201 : i32
            %get3A = arith.index_cast %mul3A_202 : i32 to index
            %get3A_203 = tpu.vector_load %arg6[%get3A] {strides = array<i32>} : memref<12304xi32, #tpu.memory_space<vmem>>, vector<16xi32>,
            %sub3A_204 = vector.broadcast %add3A_123 : i32 to vector<16xi32>
            %sub3A_205 = arith.subi %get3A_203, %sub3A_204 : vector<16xi32>
            %lt3A = arith.constant 32768 : i32
            %lt3A_206 = vector.broadcast %lt3A : i32 to vector<16xi32>
            %lt3A_207 = arith.cmpi ult, %sub3A_205, %lt3A_206 : vector<16xi32>
            %all_reduce_population_count3A = tpu.all_reduce %lt3A_207 {dim = 0 : i64, kind = #tpu.reduction_kind<sum>} : vector<16xi1> -> vector<16xi32>
            %slice3A = vector.extract_strided_slice %all_reduce_population_count3A {offsets = [0], sizes = [1], strides = [1]} : vector<16xi32> to vector<1xi32>
            %squeeze3A = vector.extract %slice3A[0] : i32 from vector<1xi32>
            %gt3A_208 = arith.constant 0 : i32
            %gt3A_209 = arith.cmpi sgt, %squeeze3A, %gt3A_208 : i32
            %convert_element_type3A_210 = arith.extui %gt3A_209 : i1 to i32
            %cond3A_211 = arith.constant 0 : i32
            %cond3A_212 = arith.cmpi ne, %convert_element_type3A_210, %cond3A_211 : i32
            scf.if %cond3A_212 {
              %swap3A_214 = arith.index_cast %while3A_198 : i32 to index
              %swap3A_215 = tpu.vector_load %arg7[%swap3A_214] masked %lt3A_207 {strides = array<i32>} : memref<12304xi32, #tpu.memory_space<vmem>>, vector<16xi32>, vector<16xi1>
              tpu.vector_store %arg7[%swap3A_214], %sub3A_205 masked %lt3A_207 {strides = array<i32>} : memref<12304xi32, #tpu.memory_space<vmem>>, vector<16xi32>, vector<16xi1>
            } else {
            }
            %add3A_213 = arith.addi %while3A_198, %squeeze3A : i32
            scf.yield %add3A_213 : i32
          }
          %add3A_145 = arith.constant 15 : i32
          %add3A_146 = arith.addi %while3A_144, %add3A_145 : i32
          %jit3A_147 = arith.constant 16 : i32
          %div3A_148 = arith.divsi %add3A_146, %jit3A_147 : i32
          %sign3A_149 = arith.constant 0 : i32
          %sign3A_150 = arith.cmpi sgt, %add3A_146, %sign3A_149 : i32
          %sign3A_151 = arith.extui %sign3A_150 : i1 to i32
          %sign3A_152 = arith.constant 0 : i32
          %sign3A_153 = arith.cmpi slt, %add3A_146, %sign3A_152 : i32
          %sign3A_154 = arith.extui %sign3A_153 : i1 to i32
          %sign3A_155 = arith.subi %sign3A_151, %sign3A_154 : i32
          %sign3A_156 = arith.constant 0 : i32
          %sign3A_157 = arith.cmpi sgt, %jit3A_147, %sign3A_156 : i32
          %sign3A_158 = arith.extui %sign3A_157 : i1 to i32
          %sign3A_159 = arith.constant 0 : i32
          %sign3A_160 = arith.cmpi slt, %jit3A_147, %sign3A_159 : i32
          %sign3A_161 = arith.extui %sign3A_160 : i1 to i32
          %sign3A_162 = arith.subi %sign3A_158, %sign3A_161 : i32
          %ne3A_163 = arith.cmpi ne, %sign3A_155, %sign3A_162 : i32
          %rem3A_164 = arith.remsi %add3A_146, %jit3A_147 : i32
          %ne3A_165 = arith.constant 0 : i32
          %ne3A_166 = arith.cmpi ne, %rem3A_164, %ne3A_165 : i32
          %and3A_167 = arith.andi %ne3A_163, %ne3A_166 : i1
          %sub3A_168 = arith.constant 1 : i32
          %sub3A_169 = arith.subi %div3A_148, %sub3A_168 : i32
          %select_n3A_170 = arith.select %and3A_167, %sub3A_169, %div3A_148 : i32
          %sub3A_171 = arith.constant 0 : i32
          %sub3A_172 = arith.subi %select_n3A_170, %sub3A_171 : i32
          %sub3A_173 = arith.constant 1 : i32
          %sub3A_174 = arith.constant 1 : i32
          %sub3A_175 = arith.subi %sub3A_173, %sub3A_174 : i32
          %add3A_176 = arith.addi %sub3A_172, %sub3A_175 : i32
          %div3A_177 = arith.constant 1 : i32
          %div3A_178 = arith.divsi %add3A_176, %div3A_177 : i32
          %while3A_179 = arith.constant 1 : i32
          %while3A_180 = arith.constant 0 : i32
          %while3A_181 = arith.constant 0 : i32
          %while3A_182 = arith.subi %div3A_178, %while3A_181 : i32
          %while3A_183 = arith.addi %while3A_181, %while3A_182 : i32
          %while3A_184 = arith.constant 1 : i32
          %while3A_185 = arith.divsi %while3A_182, %while3A_184 : i32
          %while3A_186 = arith.muli %while3A_185, %while3A_184 : i32
          %while3A_187 = arith.addi %while3A_181, %while3A_186 : i32
          %while3A_188 = arith.constant 1 : i32
          scf.for %while3A_197 = %while3A_181 to %while3A_187 step %while3A_188  : i32 {
            %mul3A_198 = arith.muli %while3A_197, %while3A_179 : i32
            %add3A_199 = arith.addi %while3A_180, %mul3A_198 : i32
            %mul3A_200 = arith.constant 16 : i32
            %mul3A_201 = arith.muli %add3A_199, %mul3A_200 : i32
            %get3A = arith.index_cast %mul3A_201 : i32 to index
            %get3A_202 = tpu.vector_load %arg7[%get3A] {strides = array<i32>} : memref<12304xi32, #tpu.memory_space<vmem>>, vector<16xi32>,
            %mul3A_203 = arith.constant 16 : i32
            %mul3A_204 = arith.muli %add3A_199, %mul3A_203 : i32
            %sub3A_205 = arith.subi %while3A_144, %mul3A_204 : i32
            %min3A = arith.constant 16 : i32
            %min3A_206 = arith.minsi %sub3A_205, %min3A : i32
            %lt3A = vector.broadcast %min3A_206 : i32 to vector<16xi32>
            %lt3A_207 = arith.cmpi slt, %iota3A, %lt3A : vector<16xi32>
            tpu.vector_store_idx %arg8[%get3A_202], %broadcast_in_dim3A_5 masked %lt3A_207 : memref<32768xf32, #tpu.memory_space<vmem>>[vector<16xi32>], vector<16xf32>, vector<16xi1>
            %add3A_208 = arith.constant 1 : i32
            %add3A_209 = vector.broadcast %add3A_208 : i32 to vector<16xi32>
            %add3A_210 = arith.addi %get3A_202, %add3A_209 : vector<16xi32>
            tpu.vector_store_idx %arg8[%add3A_210], %broadcast_in_dim3A_5 masked %lt3A_207 : memref<32768xf32, #tpu.memory_space<vmem>>[vector<16xi32>], vector<16xf32>, vector<16xi1>
            %add3A_211 = arith.constant 1 : i32
            %add3A_212 = vector.broadcast %add3A_211 : i32 to vector<16xi32>
            %add3A_213 = arith.addi %add3A_210, %add3A_212 : vector<16xi32>
            tpu.vector_store_idx %arg8[%add3A_213], %broadcast_in_dim3A_5 masked %lt3A_207 : memref<32768xf32, #tpu.memory_space<vmem>>[vector<16xi32>], vector<16xf32>, vector<16xi1>
            %add3A_214 = arith.constant 1 : i32
            %add3A_215 = vector.broadcast %add3A_214 : i32 to vector<16xi32>
            %add3A_216 = arith.addi %add3A_213, %add3A_215 : vector<16xi32>
            tpu.vector_store_idx %arg8[%add3A_216], %broadcast_in_dim3A_5 masked %lt3A_207 : memref<32768xf32, #tpu.memory_space<vmem>>[vector<16xi32>], vector<16xf32>, vector<16xi1>
            %add3A_217 = arith.constant 1 : i32
            %add3A_218 = vector.broadcast %add3A_217 : i32 to vector<16xi32>
            %add3A_219 = arith.addi %add3A_216, %add3A_218 : vector<16xi32>
            tpu.vector_store_idx %arg8[%add3A_219], %broadcast_in_dim3A_5 masked %lt3A_207 : memref<32768xf32, #tpu.memory_space<vmem>>[vector<16xi32>], vector<16xf32>, vector<16xi1>
            %add3A_220 = arith.constant 1 : i32
            %add3A_221 = vector.broadcast %add3A_220 : i32 to vector<16xi32>
            %add3A_222 = arith.addi %add3A_219, %add3A_221 : vector<16xi32>
            tpu.vector_store_idx %arg8[%add3A_222], %broadcast_in_dim3A_5 masked %lt3A_207 : memref<32768xf32, #tpu.memory_space<vmem>>[vector<16xi32>], vector<16xf32>, vector<16xi1>
            %add3A_223 = arith.constant 1 : i32
            %add3A_224 = vector.broadcast %add3A_223 : i32 to vector<16xi32>
            %add3A_225 = arith.addi %add3A_222, %add3A_224 : vector<16xi32>
            tpu.vector_store_idx %arg8[%add3A_225], %broadcast_in_dim3A_5 masked %lt3A_207 : memref<32768xf32, #tpu.memory_space<vmem>>[vector<16xi32>], vector<16xf32>, vector<16xi1>
            %add3A_226 = arith.constant 1 : i32
            %add3A_227 = vector.broadcast %add3A_226 : i32 to vector<16xi32>
            %add3A_228 = arith.addi %add3A_225, %add3A_227 : vector<16xi32>
            tpu.vector_store_idx %arg8[%add3A_228], %broadcast_in_dim3A_5 masked %lt3A_207 : memref<32768xf32, #tpu.memory_space<vmem>>[vector<16xi32>], vector<16xf32>, vector<16xi1>
            %add3A_229 = arith.constant 1 : i32
            %add3A_230 = vector.broadcast %add3A_229 : i32 to vector<16xi32>
            %add3A_231 = arith.addi %add3A_228, %add3A_230 : vector<16xi32>
            tpu.vector_store_idx %arg8[%add3A_231], %broadcast_in_dim3A_5 masked %lt3A_207 : memref<32768xf32, #tpu.memory_space<vmem>>[vector<16xi32>], vector<16xf32>, vector<16xi1>
            %add3A_232 = arith.constant 1 : i32
            %add3A_233 = vector.broadcast %add3A_232 : i32 to vector<16xi32>
            %add3A_234 = arith.addi %add3A_231, %add3A_233 : vector<16xi32>
            tpu.vector_store_idx %arg8[%add3A_234], %broadcast_in_dim3A_5 masked %lt3A_207 : memref<32768xf32, #tpu.memory_space<vmem>>[vector<16xi32>], vector<16xf32>, vector<16xi1>
            %add3A_235 = arith.constant 1 : i32
            %add3A_236 = vector.broadcast %add3A_235 : i32 to vector<16xi32>
            %add3A_237 = arith.addi %add3A_234, %add3A_236 : vector<16xi32>
            tpu.vector_store_idx %arg8[%add3A_237], %broadcast_in_dim3A_5 masked %lt3A_207 : memref<32768xf32, #tpu.memory_space<vmem>>[vector<16xi32>], vector<16xf32>, vector<16xi1>
            %add3A_238 = arith.constant 1 : i32
            %add3A_239 = vector.broadcast %add3A_238 : i32 to vector<16xi32>
            %add3A_240 = arith.addi %add3A_237, %add3A_239 : vector<16xi32>
            tpu.vector_store_idx %arg8[%add3A_240], %broadcast_in_dim3A_5 masked %lt3A_207 : memref<32768xf32, #tpu.memory_space<vmem>>[vector<16xi32>], vector<16xf32>, vector<16xi1>
            %add3A_241 = arith.constant 1 : i32
            %add3A_242 = vector.broadcast %add3A_241 : i32 to vector<16xi32>
            %add3A_243 = arith.addi %add3A_240, %add3A_242 : vector<16xi32>
            tpu.vector_store_idx %arg8[%add3A_243], %broadcast_in_dim3A_5 masked %lt3A_207 : memref<32768xf32, #tpu.memory_space<vmem>>[vector<16xi32>], vector<16xf32>, vector<16xi1>
            %add3A_244 = arith.constant 1 : i32
            %add3A_245 = vector.broadcast %add3A_244 : i32 to vector<16xi32>
            %add3A_246 = arith.addi %add3A_243, %add3A_245 : vector<16xi32>
            tpu.vector_store_idx %arg8[%add3A_246], %broadcast_in_dim3A_5 masked %lt3A_207 : memref<32768xf32, #tpu.memory_space<vmem>>[vector<16xi32>], vector<16xf32>, vector<16xi1>
            %add3A_247 = arith.constant 1 : i32
            %add3A_248 = vector.broadcast %add3A_247 : i32 to vector<16xi32>
            %add3A_249 = arith.addi %add3A_246, %add3A_248 : vector<16xi32>
            tpu.vector_store_idx %arg8[%add3A_249], %broadcast_in_dim3A_5 masked %lt3A_207 : memref<32768xf32, #tpu.memory_space<vmem>>[vector<16xi32>], vector<16xf32>, vector<16xi1>
            %add3A_250 = arith.constant 1 : i32
            %add3A_251 = vector.broadcast %add3A_250 : i32 to vector<16xi32>
            %add3A_252 = arith.addi %add3A_249, %add3A_251 : vector<16xi32>
            tpu.vector_store_idx %arg8[%add3A_252], %broadcast_in_dim3A_5 masked %lt3A_207 : memref<32768xf32, #tpu.memory_space<vmem>>[vector<16xi32>], vector<16xf32>, vector<16xi1>
            %add3A_253 = arith.constant 1 : i32
            %add3A_254 = vector.broadcast %add3A_253 : i32 to vector<16xi32>
            %add3A_255 = arith.addi %add3A_252, %add3A_254 : vector<16xi32>
            tpu.vector_store_idx %arg8[%add3A_255], %broadcast_in_dim3A_5 masked %lt3A_207 : memref<32768xf32, #tpu.memory_space<vmem>>[vector<16xi32>], vector<16xf32>, vector<16xi1>
            %add3A_256 = arith.constant 1 : i32
            %add3A_257 = vector.broadcast %add3A_256 : i32 to vector<16xi32>
            %add3A_258 = arith.addi %add3A_255, %add3A_257 : vector<16xi32>
            tpu.vector_store_idx %arg8[%add3A_258], %broadcast_in_dim3A_5 masked %lt3A_207 : memref<32768xf32, #tpu.memory_space<vmem>>[vector<16xi32>], vector<16xf32>, vector<16xi1>
            %add3A_259 = arith.constant 1 : i32
            %add3A_260 = vector.broadcast %add3A_259 : i32 to vector<16xi32>
            %add3A_261 = arith.addi %add3A_258, %add3A_260 : vector<16xi32>
            tpu.vector_store_idx %arg8[%add3A_261], %broadcast_in_dim3A_5 masked %lt3A_207 : memref<32768xf32, #tpu.memory_space<vmem>>[vector<16xi32>], vector<16xf32>, vector<16xi1>
            %add3A_262 = arith.constant 1 : i32
            %add3A_263 = vector.broadcast %add3A_262 : i32 to vector<16xi32>
            %add3A_264 = arith.addi %add3A_261, %add3A_263 : vector<16xi32>
            tpu.vector_store_idx %arg8[%add3A_264], %broadcast_in_dim3A_5 masked %lt3A_207 : memref<32768xf32, #tpu.memory_space<vmem>>[vector<16xi32>], vector<16xf32>, vector<16xi1>
            %add3A_265 = arith.constant 1 : i32
            %add3A_266 = vector.broadcast %add3A_265 : i32 to vector<16xi32>
            %add3A_267 = arith.addi %add3A_264, %add3A_266 : vector<16xi32>
            tpu.vector_store_idx %arg8[%add3A_267], %broadcast_in_dim3A_5 masked %lt3A_207 : memref<32768xf32, #tpu.memory_space<vmem>>[vector<16xi32>], vector<16xf32>, vector<16xi1>
            %add3A_268 = arith.constant 1 : i32
            %add3A_269 = vector.broadcast %add3A_268 : i32 to vector<16xi32>
            %add3A_270 = arith.addi %add3A_267, %add3A_269 : vector<16xi32>
            tpu.vector_store_idx %arg8[%add3A_270], %broadcast_in_dim3A_5 masked %lt3A_207 : memref<32768xf32, #tpu.memory_space<vmem>>[vector<16xi32>], vector<16xf32>, vector<16xi1>
            %add3A_271 = arith.constant 1 : i32
            %add3A_272 = vector.broadcast %add3A_271 : i32 to vector<16xi32>
            %add3A_273 = arith.addi %add3A_270, %add3A_272 : vector<16xi32>
            tpu.vector_store_idx %arg8[%add3A_273], %broadcast_in_dim3A_5 masked %lt3A_207 : memref<32768xf32, #tpu.memory_space<vmem>>[vector<16xi32>], vector<16xf32>, vector<16xi1>
            %add3A_274 = arith.constant 1 : i32
            %add3A_275 = vector.broadcast %add3A_274 : i32 to vector<16xi32>
            %add3A_276 = arith.addi %add3A_273, %add3A_275 : vector<16xi32>
            tpu.vector_store_idx %arg8[%add3A_276], %broadcast_in_dim3A_5 masked %lt3A_207 : memref<32768xf32, #tpu.memory_space<vmem>>[vector<16xi32>], vector<16xf32>, vector<16xi1>
            %add3A_277 = arith.constant 1 : i32
            %add3A_278 = vector.broadcast %add3A_277 : i32 to vector<16xi32>
            %add3A_279 = arith.addi %add3A_276, %add3A_278 : vector<16xi32>
            tpu.vector_store_idx %arg8[%add3A_279], %broadcast_in_dim3A_5 masked %lt3A_207 : memref<32768xf32, #tpu.memory_space<vmem>>[vector<16xi32>], vector<16xf32>, vector<16xi1>
            %add3A_280 = arith.constant 1 : i32
            %add3A_281 = vector.broadcast %add3A_280 : i32 to vector<16xi32>
            %add3A_282 = arith.addi %add3A_279, %add3A_281 : vector<16xi32>
            tpu.vector_store_idx %arg8[%add3A_282], %broadcast_in_dim3A_5 masked %lt3A_207 : memref<32768xf32, #tpu.memory_space<vmem>>[vector<16xi32>], vector<16xf32>, vector<16xi1>
            %add3A_283 = arith.constant 1 : i32
            %add3A_284 = vector.broadcast %add3A_283 : i32 to vector<16xi32>
            %add3A_285 = arith.addi %add3A_282, %add3A_284 : vector<16xi32>
            tpu.vector_store_idx %arg8[%add3A_285], %broadcast_in_dim3A_5 masked %lt3A_207 : memref<32768xf32, #tpu.memory_space<vmem>>[vector<16xi32>], vector<16xf32>, vector<16xi1>
            %add3A_286 = arith.constant 1 : i32
            %add3A_287 = vector.broadcast %add3A_286 : i32 to vector<16xi32>
            %add3A_288 = arith.addi %add3A_285, %add3A_287 : vector<16xi32>
            tpu.vector_store_idx %arg8[%add3A_288], %broadcast_in_dim3A_5 masked %lt3A_207 : memref<32768xf32, #tpu.memory_space<vmem>>[vector<16xi32>], vector<16xf32>, vector<16xi1>
            %add3A_289 = arith.constant 1 : i32
            %add3A_290 = vector.broadcast %add3A_289 : i32 to vector<16xi32>
            %add3A_291 = arith.addi %add3A_288, %add3A_290 : vector<16xi32>
            tpu.vector_store_idx %arg8[%add3A_291], %broadcast_in_dim3A_5 masked %lt3A_207 : memref<32768xf32, #tpu.memory_space<vmem>>[vector<16xi32>], vector<16xf32>, vector<16xi1>
            %add3A_292 = arith.constant 1 : i32
            %add3A_293 = vector.broadcast %add3A_292 : i32 to vector<16xi32>
            %add3A_294 = arith.addi %add3A_291, %add3A_293 : vector<16xi32>
            tpu.vector_store_idx %arg8[%add3A_294], %broadcast_in_dim3A_5 masked %lt3A_207 : memref<32768xf32, #tpu.memory_space<vmem>>[vector<16xi32>], vector<16xf32>, vector<16xi1>
            %add3A_295 = arith.constant 1 : i32
            %add3A_296 = vector.broadcast %add3A_295 : i32 to vector<16xi32>
            %add3A_297 = arith.addi %add3A_294, %add3A_296 : vector<16xi32>
            tpu.vector_store_idx %arg8[%add3A_297], %broadcast_in_dim3A_5 masked %lt3A_207 : memref<32768xf32, #tpu.memory_space<vmem>>[vector<16xi32>], vector<16xf32>, vector<16xi1>
            %add3A_298 = arith.constant 1 : i32
            %add3A_299 = vector.broadcast %add3A_298 : i32 to vector<16xi32>
            %add3A_300 = arith.addi %add3A_297, %add3A_299 : vector<16xi32>
            tpu.vector_store_idx %arg8[%add3A_300], %broadcast_in_dim3A_5 masked %lt3A_207 : memref<32768xf32, #tpu.memory_space<vmem>>[vector<16xi32>], vector<16xf32>, vector<16xi1>
            %add3A_301 = arith.constant 1 : i32
            %add3A_302 = vector.broadcast %add3A_301 : i32 to vector<16xi32>
            %add3A_303 = arith.addi %add3A_300, %add3A_302 : vector<16xi32>
            tpu.vector_store_idx %arg8[%add3A_303], %broadcast_in_dim3A_5 masked %lt3A_207 : memref<32768xf32, #tpu.memory_space<vmem>>[vector<16xi32>], vector<16xf32>, vector<16xi1>
            %add3A_304 = arith.constant 1 : i32
            %add3A_305 = vector.broadcast %add3A_304 : i32 to vector<16xi32>
            %add3A_306 = arith.addi %add3A_303, %add3A_305 : vector<16xi32>
            tpu.vector_store_idx %arg8[%add3A_306], %broadcast_in_dim3A_5 masked %lt3A_207 : memref<32768xf32, #tpu.memory_space<vmem>>[vector<16xi32>], vector<16xf32>, vector<16xi1>
            %add3A_307 = arith.constant 1 : i32
            %add3A_308 = vector.broadcast %add3A_307 : i32 to vector<16xi32>
            %add3A_309 = arith.addi %add3A_306, %add3A_308 : vector<16xi32>
            tpu.vector_store_idx %arg8[%add3A_309], %broadcast_in_dim3A_5 masked %lt3A_207 : memref<32768xf32, #tpu.memory_space<vmem>>[vector<16xi32>], vector<16xf32>, vector<16xi1>
            %add3A_310 = arith.constant 1 : i32
            %add3A_311 = vector.broadcast %add3A_310 : i32 to vector<16xi32>
            %add3A_312 = arith.addi %add3A_309, %add3A_311 : vector<16xi32>
            tpu.vector_store_idx %arg8[%add3A_312], %broadcast_in_dim3A_5 masked %lt3A_207 : memref<32768xf32, #tpu.memory_space<vmem>>[vector<16xi32>], vector<16xf32>, vector<16xi1>
            %add3A_313 = arith.constant 1 : i32
            %add3A_314 = vector.broadcast %add3A_313 : i32 to vector<16xi32>
            %add3A_315 = arith.addi %add3A_312, %add3A_314 : vector<16xi32>
            tpu.vector_store_idx %arg8[%add3A_315], %broadcast_in_dim3A_5 masked %lt3A_207 : memref<32768xf32, #tpu.memory_space<vmem>>[vector<16xi32>], vector<16xf32>, vector<16xi1>
            %add3A_316 = arith.constant 1 : i32
            %add3A_317 = vector.broadcast %add3A_316 : i32 to vector<16xi32>
            %add3A_318 = arith.addi %add3A_315, %add3A_317 : vector<16xi32>
            tpu.vector_store_idx %arg8[%add3A_318], %broadcast_in_dim3A_5 masked %lt3A_207 : memref<32768xf32, #tpu.memory_space<vmem>>[vector<16xi32>], vector<16xf32>, vector<16xi1>
            %add3A_319 = arith.constant 1 : i32
            %add3A_320 = vector.broadcast %add3A_319 : i32 to vector<16xi32>
            %add3A_321 = arith.addi %add3A_318, %add3A_320 : vector<16xi32>
            tpu.vector_store_idx %arg8[%add3A_321], %broadcast_in_dim3A_5 masked %lt3A_207 : memref<32768xf32, #tpu.memory_space<vmem>>[vector<16xi32>], vector<16xf32>, vector<16xi1>
            %add3A_322 = arith.constant 1 : i32
            %add3A_323 = vector.broadcast %add3A_322 : i32 to vector<16xi32>
            %add3A_324 = arith.addi %add3A_321, %add3A_323 : vector<16xi32>
            tpu.vector_store_idx %arg8[%add3A_324], %broadcast_in_dim3A_5 masked %lt3A_207 : memref<32768xf32, #tpu.memory_space<vmem>>[vector<16xi32>], vector<16xf32>, vector<16xi1>
            %add3A_325 = arith.constant 1 : i32
            %add3A_326 = vector.broadcast %add3A_325 : i32 to vector<16xi32>
            %add3A_327 = arith.addi %add3A_324, %add3A_326 : vector<16xi32>
            tpu.vector_store_idx %arg8[%add3A_327], %broadcast_in_dim3A_5 masked %lt3A_207 : memref<32768xf32, #tpu.memory_space<vmem>>[vector<16xi32>], vector<16xf32>, vector<16xi1>
            %add3A_328 = arith.constant 1 : i32
            %add3A_329 = vector.broadcast %add3A_328 : i32 to vector<16xi32>
            %add3A_330 = arith.addi %add3A_327, %add3A_329 : vector<16xi32>
            tpu.vector_store_idx %arg8[%add3A_330], %broadcast_in_dim3A_5 masked %lt3A_207 : memref<32768xf32, #tpu.memory_space<vmem>>[vector<16xi32>], vector<16xf32>, vector<16xi1>
            %add3A_331 = arith.constant 1 : i32
            %add3A_332 = vector.broadcast %add3A_331 : i32 to vector<16xi32>
            %add3A_333 = arith.addi %add3A_330, %add3A_332 : vector<16xi32>
            tpu.vector_store_idx %arg8[%add3A_333], %broadcast_in_dim3A_5 masked %lt3A_207 : memref<32768xf32, #tpu.memory_space<vmem>>[vector<16xi32>], vector<16xf32>, vector<16xi1>
            %add3A_334 = arith.constant 1 : i32
            %add3A_335 = vector.broadcast %add3A_334 : i32 to vector<16xi32>
            %add3A_336 = arith.addi %add3A_333, %add3A_335 : vector<16xi32>
            tpu.vector_store_idx %arg8[%add3A_336], %broadcast_in_dim3A_5 masked %lt3A_207 : memref<32768xf32, #tpu.memory_space<vmem>>[vector<16xi32>], vector<16xf32>, vector<16xi1>
            %add3A_337 = arith.constant 1 : i32
            %add3A_338 = vector.broadcast %add3A_337 : i32 to vector<16xi32>
            %add3A_339 = arith.addi %add3A_336, %add3A_338 : vector<16xi32>
            tpu.vector_store_idx %arg8[%add3A_339], %broadcast_in_dim3A_5 masked %lt3A_207 : memref<32768xf32, #tpu.memory_space<vmem>>[vector<16xi32>], vector<16xf32>, vector<16xi1>
            %add3A_340 = arith.constant 1 : i32
            %add3A_341 = vector.broadcast %add3A_340 : i32 to vector<16xi32>
            %add3A_342 = arith.addi %add3A_339, %add3A_341 : vector<16xi32>
            tpu.vector_store_idx %arg8[%add3A_342], %broadcast_in_dim3A_5 masked %lt3A_207 : memref<32768xf32, #tpu.memory_space<vmem>>[vector<16xi32>], vector<16xf32>, vector<16xi1>
            %add3A_343 = arith.constant 1 : i32
            %add3A_344 = vector.broadcast %add3A_343 : i32 to vector<16xi32>
            %add3A_345 = arith.addi %add3A_342, %add3A_344 : vector<16xi32>
            tpu.vector_store_idx %arg8[%add3A_345], %broadcast_in_dim3A_5 masked %lt3A_207 : memref<32768xf32, #tpu.memory_space<vmem>>[vector<16xi32>], vector<16xf32>, vector<16xi1>
            %add3A_346 = arith.constant 1 : i32
            %add3A_347 = vector.broadcast %add3A_346 : i32 to vector<16xi32>
            %add3A_348 = arith.addi %add3A_345, %add3A_347 : vector<16xi32>
            tpu.vector_store_idx %arg8[%add3A_348], %broadcast_in_dim3A_5 masked %lt3A_207 : memref<32768xf32, #tpu.memory_space<vmem>>[vector<16xi32>], vector<16xf32>, vector<16xi1>
            %add3A_349 = arith.constant 1 : i32
            %add3A_350 = vector.broadcast %add3A_349 : i32 to vector<16xi32>
            %add3A_351 = arith.addi %add3A_348, %add3A_350 : vector<16xi32>
            tpu.vector_store_idx %arg8[%add3A_351], %broadcast_in_dim3A_5 masked %lt3A_207 : memref<32768xf32, #tpu.memory_space<vmem>>[vector<16xi32>], vector<16xf32>, vector<16xi1>
            %add3A_352 = arith.constant 1 : i32
            %add3A_353 = vector.broadcast %add3A_352 : i32 to vector<16xi32>
            %add3A_354 = arith.addi %add3A_351, %add3A_353 : vector<16xi32>
            tpu.vector_store_idx %arg8[%add3A_354], %broadcast_in_dim3A_5 masked %lt3A_207 : memref<32768xf32, #tpu.memory_space<vmem>>[vector<16xi32>], vector<16xf32>, vector<16xi1>
            %add3A_355 = arith.constant 1 : i32
            %add3A_356 = vector.broadcast %add3A_355 : i32 to vector<16xi32>
            %add3A_357 = arith.addi %add3A_354, %add3A_356 : vector<16xi32>
            tpu.vector_store_idx %arg8[%add3A_357], %broadcast_in_dim3A_5 masked %lt3A_207 : memref<32768xf32, #tpu.memory_space<vmem>>[vector<16xi32>], vector<16xf32>, vector<16xi1>
            %add3A_358 = arith.constant 1 : i32
            %add3A_359 = vector.broadcast %add3A_358 : i32 to vector<16xi32>
            %add3A_360 = arith.addi %add3A_357, %add3A_359 : vector<16xi32>
            tpu.vector_store_idx %arg8[%add3A_360], %broadcast_in_dim3A_5 masked %lt3A_207 : memref<32768xf32, #tpu.memory_space<vmem>>[vector<16xi32>], vector<16xf32>, vector<16xi1>
            %add3A_361 = arith.constant 1 : i32
            %add3A_362 = vector.broadcast %add3A_361 : i32 to vector<16xi32>
            %add3A_363 = arith.addi %add3A_360, %add3A_362 : vector<16xi32>
            tpu.vector_store_idx %arg8[%add3A_363], %broadcast_in_dim3A_5 masked %lt3A_207 : memref<32768xf32, #tpu.memory_space<vmem>>[vector<16xi32>], vector<16xf32>, vector<16xi1>
            %add3A_364 = arith.constant 1 : i32
            %add3A_365 = vector.broadcast %add3A_364 : i32 to vector<16xi32>
            %add3A_366 = arith.addi %add3A_363, %add3A_365 : vector<16xi32>
            tpu.vector_store_idx %arg8[%add3A_366], %broadcast_in_dim3A_5 masked %lt3A_207 : memref<32768xf32, #tpu.memory_space<vmem>>[vector<16xi32>], vector<16xf32>, vector<16xi1>
            %add3A_367 = arith.constant 1 : i32
            %add3A_368 = vector.broadcast %add3A_367 : i32 to vector<16xi32>
            %add3A_369 = arith.addi %add3A_366, %add3A_368 : vector<16xi32>
            tpu.vector_store_idx %arg8[%add3A_369], %broadcast_in_dim3A_5 masked %lt3A_207 : memref<32768xf32, #tpu.memory_space<vmem>>[vector<16xi32>], vector<16xf32>, vector<16xi1>
            %add3A_370 = arith.constant 1 : i32
            %add3A_371 = vector.broadcast %add3A_370 : i32 to vector<16xi32>
            %add3A_372 = arith.addi %add3A_369, %add3A_371 : vector<16xi32>
            tpu.vector_store_idx %arg8[%add3A_372], %broadcast_in_dim3A_5 masked %lt3A_207 : memref<32768xf32, #tpu.memory_space<vmem>>[vector<16xi32>], vector<16xf32>, vector<16xi1>
            %add3A_373 = arith.constant 1 : i32
            %add3A_374 = vector.broadcast %add3A_373 : i32 to vector<16xi32>
            %add3A_375 = arith.addi %add3A_372, %add3A_374 : vector<16xi32>
            tpu.vector_store_idx %arg8[%add3A_375], %broadcast_in_dim3A_5 masked %lt3A_207 : memref<32768xf32, #tpu.memory_space<vmem>>[vector<16xi32>], vector<16xf32>, vector<16xi1>
            %add3A_376 = arith.constant 1 : i32
            %add3A_377 = vector.broadcast %add3A_376 : i32 to vector<16xi32>
            %add3A_378 = arith.addi %add3A_375, %add3A_377 : vector<16xi32>
            tpu.vector_store_idx %arg8[%add3A_378], %broadcast_in_dim3A_5 masked %lt3A_207 : memref<32768xf32, #tpu.memory_space<vmem>>[vector<16xi32>], vector<16xf32>, vector<16xi1>
            %add3A_379 = arith.constant 1 : i32
            %add3A_380 = vector.broadcast %add3A_379 : i32 to vector<16xi32>
            %add3A_381 = arith.addi %add3A_378, %add3A_380 : vector<16xi32>
            tpu.vector_store_idx %arg8[%add3A_381], %broadcast_in_dim3A_5 masked %lt3A_207 : memref<32768xf32, #tpu.memory_space<vmem>>[vector<16xi32>], vector<16xf32>, vector<16xi1>
            %add3A_382 = arith.constant 1 : i32
            %add3A_383 = vector.broadcast %add3A_382 : i32 to vector<16xi32>
            %add3A_384 = arith.addi %add3A_381, %add3A_383 : vector<16xi32>
            tpu.vector_store_idx %arg8[%add3A_384], %broadcast_in_dim3A_5 masked %lt3A_207 : memref<32768xf32, #tpu.memory_space<vmem>>[vector<16xi32>], vector<16xf32>, vector<16xi1>
            %add3A_385 = arith.constant 1 : i32
            %add3A_386 = vector.broadcast %add3A_385 : i32 to vector<16xi32>
            %add3A_387 = arith.addi %add3A_384, %add3A_386 : vector<16xi32>
            tpu.vector_store_idx %arg8[%add3A_387], %broadcast_in_dim3A_5 masked %lt3A_207 : memref<32768xf32, #tpu.memory_space<vmem>>[vector<16xi32>], vector<16xf32>, vector<16xi1>
            %add3A_388 = arith.constant 1 : i32
            %add3A_389 = vector.broadcast %add3A_388 : i32 to vector<16xi32>
            %add3A_390 = arith.addi %add3A_387, %add3A_389 : vector<16xi32>
            tpu.vector_store_idx %arg8[%add3A_390], %broadcast_in_dim3A_5 masked %lt3A_207 : memref<32768xf32, #tpu.memory_space<vmem>>[vector<16xi32>], vector<16xf32>, vector<16xi1>
            %add3A_391 = arith.constant 1 : i32
            %add3A_392 = vector.broadcast %add3A_391 : i32 to vector<16xi32>
            %add3A_393 = arith.addi %add3A_390, %add3A_392 : vector<16xi32>
            tpu.vector_store_idx %arg8[%add3A_393], %broadcast_in_dim3A_5 masked %lt3A_207 : memref<32768xf32, #tpu.memory_space<vmem>>[vector<16xi32>], vector<16xf32>, vector<16xi1>
            %add3A_394 = arith.constant 1 : i32
            %add3A_395 = vector.broadcast %add3A_394 : i32 to vector<16xi32>
            %add3A_396 = arith.addi %add3A_393, %add3A_395 : vector<16xi32>
            tpu.vector_store_idx %arg8[%add3A_396], %broadcast_in_dim3A_5 masked %lt3A_207 : memref<32768xf32, #tpu.memory_space<vmem>>[vector<16xi32>], vector<16xf32>, vector<16xi1>
          }
          %while3A_189 = arith.constant 1 : i32
          scf.for %while3A_197 = %while3A_187 to %while3A_183 step %while3A_189  : i32 {
            %mul3A_198 = arith.muli %while3A_197, %while3A_179 : i32
            %add3A_199 = arith.addi %while3A_180, %mul3A_198 : i32
            %mul3A_200 = arith.constant 16 : i32
            %mul3A_201 = arith.muli %add3A_199, %mul3A_200 : i32
            %get3A = arith.index_cast %mul3A_201 : i32 to index
            %get3A_202 = tpu.vector_load %arg7[%get3A] {strides = array<i32>} : memref<12304xi32, #tpu.memory_space<vmem>>, vector<16xi32>,
            %mul3A_203 = arith.constant 16 : i32
            %mul3A_204 = arith.muli %add3A_199, %mul3A_203 : i32
            %sub3A_205 = arith.subi %while3A_144, %mul3A_204 : i32
            %min3A = arith.constant 16 : i32
            %min3A_206 = arith.minsi %sub3A_205, %min3A : i32
            %lt3A = vector.broadcast %min3A_206 : i32 to vector<16xi32>
            %lt3A_207 = arith.cmpi slt, %iota3A, %lt3A : vector<16xi32>
            tpu.vector_store_idx %arg8[%get3A_202], %broadcast_in_dim3A_5 masked %lt3A_207 : memref<32768xf32, #tpu.memory_space<vmem>>[vector<16xi32>], vector<16xf32>, vector<16xi1>
            %add3A_208 = arith.constant 1 : i32
            %add3A_209 = vector.broadcast %add3A_208 : i32 to vector<16xi32>
            %add3A_210 = arith.addi %get3A_202, %add3A_209 : vector<16xi32>
            tpu.vector_store_idx %arg8[%add3A_210], %broadcast_in_dim3A_5 masked %lt3A_207 : memref<32768xf32, #tpu.memory_space<vmem>>[vector<16xi32>], vector<16xf32>, vector<16xi1>
            %add3A_211 = arith.constant 1 : i32
            %add3A_212 = vector.broadcast %add3A_211 : i32 to vector<16xi32>
            %add3A_213 = arith.addi %add3A_210, %add3A_212 : vector<16xi32>
            tpu.vector_store_idx %arg8[%add3A_213], %broadcast_in_dim3A_5 masked %lt3A_207 : memref<32768xf32, #tpu.memory_space<vmem>>[vector<16xi32>], vector<16xf32>, vector<16xi1>
            %add3A_214 = arith.constant 1 : i32
            %add3A_215 = vector.broadcast %add3A_214 : i32 to vector<16xi32>
            %add3A_216 = arith.addi %add3A_213, %add3A_215 : vector<16xi32>
            tpu.vector_store_idx %arg8[%add3A_216], %broadcast_in_dim3A_5 masked %lt3A_207 : memref<32768xf32, #tpu.memory_space<vmem>>[vector<16xi32>], vector<16xf32>, vector<16xi1>
            %add3A_217 = arith.constant 1 : i32
            %add3A_218 = vector.broadcast %add3A_217 : i32 to vector<16xi32>
            %add3A_219 = arith.addi %add3A_216, %add3A_218 : vector<16xi32>
            tpu.vector_store_idx %arg8[%add3A_219], %broadcast_in_dim3A_5 masked %lt3A_207 : memref<32768xf32, #tpu.memory_space<vmem>>[vector<16xi32>], vector<16xf32>, vector<16xi1>
            %add3A_220 = arith.constant 1 : i32
            %add3A_221 = vector.broadcast %add3A_220 : i32 to vector<16xi32>
            %add3A_222 = arith.addi %add3A_219, %add3A_221 : vector<16xi32>
            tpu.vector_store_idx %arg8[%add3A_222], %broadcast_in_dim3A_5 masked %lt3A_207 : memref<32768xf32, #tpu.memory_space<vmem>>[vector<16xi32>], vector<16xf32>, vector<16xi1>
            %add3A_223 = arith.constant 1 : i32
            %add3A_224 = vector.broadcast %add3A_223 : i32 to vector<16xi32>
            %add3A_225 = arith.addi %add3A_222, %add3A_224 : vector<16xi32>
            tpu.vector_store_idx %arg8[%add3A_225], %broadcast_in_dim3A_5 masked %lt3A_207 : memref<32768xf32, #tpu.memory_space<vmem>>[vector<16xi32>], vector<16xf32>, vector<16xi1>
            %add3A_226 = arith.constant 1 : i32
            %add3A_227 = vector.broadcast %add3A_226 : i32 to vector<16xi32>
            %add3A_228 = arith.addi %add3A_225, %add3A_227 : vector<16xi32>
            tpu.vector_store_idx %arg8[%add3A_228], %broadcast_in_dim3A_5 masked %lt3A_207 : memref<32768xf32, #tpu.memory_space<vmem>>[vector<16xi32>], vector<16xf32>, vector<16xi1>
            %add3A_229 = arith.constant 1 : i32
            %add3A_230 = vector.broadcast %add3A_229 : i32 to vector<16xi32>
            %add3A_231 = arith.addi %add3A_228, %add3A_230 : vector<16xi32>
            tpu.vector_store_idx %arg8[%add3A_231], %broadcast_in_dim3A_5 masked %lt3A_207 : memref<32768xf32, #tpu.memory_space<vmem>>[vector<16xi32>], vector<16xf32>, vector<16xi1>
            %add3A_232 = arith.constant 1 : i32
            %add3A_233 = vector.broadcast %add3A_232 : i32 to vector<16xi32>
            %add3A_234 = arith.addi %add3A_231, %add3A_233 : vector<16xi32>
            tpu.vector_store_idx %arg8[%add3A_234], %broadcast_in_dim3A_5 masked %lt3A_207 : memref<32768xf32, #tpu.memory_space<vmem>>[vector<16xi32>], vector<16xf32>, vector<16xi1>
            %add3A_235 = arith.constant 1 : i32
            %add3A_236 = vector.broadcast %add3A_235 : i32 to vector<16xi32>
            %add3A_237 = arith.addi %add3A_234, %add3A_236 : vector<16xi32>
            tpu.vector_store_idx %arg8[%add3A_237], %broadcast_in_dim3A_5 masked %lt3A_207 : memref<32768xf32, #tpu.memory_space<vmem>>[vector<16xi32>], vector<16xf32>, vector<16xi1>
            %add3A_238 = arith.constant 1 : i32
            %add3A_239 = vector.broadcast %add3A_238 : i32 to vector<16xi32>
            %add3A_240 = arith.addi %add3A_237, %add3A_239 : vector<16xi32>
            tpu.vector_store_idx %arg8[%add3A_240], %broadcast_in_dim3A_5 masked %lt3A_207 : memref<32768xf32, #tpu.memory_space<vmem>>[vector<16xi32>], vector<16xf32>, vector<16xi1>
            %add3A_241 = arith.constant 1 : i32
            %add3A_242 = vector.broadcast %add3A_241 : i32 to vector<16xi32>
            %add3A_243 = arith.addi %add3A_240, %add3A_242 : vector<16xi32>
            tpu.vector_store_idx %arg8[%add3A_243], %broadcast_in_dim3A_5 masked %lt3A_207 : memref<32768xf32, #tpu.memory_space<vmem>>[vector<16xi32>], vector<16xf32>, vector<16xi1>
            %add3A_244 = arith.constant 1 : i32
            %add3A_245 = vector.broadcast %add3A_244 : i32 to vector<16xi32>
            %add3A_246 = arith.addi %add3A_243, %add3A_245 : vector<16xi32>
            tpu.vector_store_idx %arg8[%add3A_246], %broadcast_in_dim3A_5 masked %lt3A_207 : memref<32768xf32, #tpu.memory_space<vmem>>[vector<16xi32>], vector<16xf32>, vector<16xi1>
            %add3A_247 = arith.constant 1 : i32
            %add3A_248 = vector.broadcast %add3A_247 : i32 to vector<16xi32>
            %add3A_249 = arith.addi %add3A_246, %add3A_248 : vector<16xi32>
            tpu.vector_store_idx %arg8[%add3A_249], %broadcast_in_dim3A_5 masked %lt3A_207 : memref<32768xf32, #tpu.memory_space<vmem>>[vector<16xi32>], vector<16xf32>, vector<16xi1>
            %add3A_250 = arith.constant 1 : i32
            %add3A_251 = vector.broadcast %add3A_250 : i32 to vector<16xi32>
            %add3A_252 = arith.addi %add3A_249, %add3A_251 : vector<16xi32>
            tpu.vector_store_idx %arg8[%add3A_252], %broadcast_in_dim3A_5 masked %lt3A_207 : memref<32768xf32, #tpu.memory_space<vmem>>[vector<16xi32>], vector<16xf32>, vector<16xi1>
            %add3A_253 = arith.constant 1 : i32
            %add3A_254 = vector.broadcast %add3A_253 : i32 to vector<16xi32>
            %add3A_255 = arith.addi %add3A_252, %add3A_254 : vector<16xi32>
            tpu.vector_store_idx %arg8[%add3A_255], %broadcast_in_dim3A_5 masked %lt3A_207 : memref<32768xf32, #tpu.memory_space<vmem>>[vector<16xi32>], vector<16xf32>, vector<16xi1>
            %add3A_256 = arith.constant 1 : i32
            %add3A_257 = vector.broadcast %add3A_256 : i32 to vector<16xi32>
            %add3A_258 = arith.addi %add3A_255, %add3A_257 : vector<16xi32>
            tpu.vector_store_idx %arg8[%add3A_258], %broadcast_in_dim3A_5 masked %lt3A_207 : memref<32768xf32, #tpu.memory_space<vmem>>[vector<16xi32>], vector<16xf32>, vector<16xi1>
            %add3A_259 = arith.constant 1 : i32
            %add3A_260 = vector.broadcast %add3A_259 : i32 to vector<16xi32>
            %add3A_261 = arith.addi %add3A_258, %add3A_260 : vector<16xi32>
            tpu.vector_store_idx %arg8[%add3A_261], %broadcast_in_dim3A_5 masked %lt3A_207 : memref<32768xf32, #tpu.memory_space<vmem>>[vector<16xi32>], vector<16xf32>, vector<16xi1>
            %add3A_262 = arith.constant 1 : i32
            %add3A_263 = vector.broadcast %add3A_262 : i32 to vector<16xi32>
            %add3A_264 = arith.addi %add3A_261, %add3A_263 : vector<16xi32>
            tpu.vector_store_idx %arg8[%add3A_264], %broadcast_in_dim3A_5 masked %lt3A_207 : memref<32768xf32, #tpu.memory_space<vmem>>[vector<16xi32>], vector<16xf32>, vector<16xi1>
            %add3A_265 = arith.constant 1 : i32
            %add3A_266 = vector.broadcast %add3A_265 : i32 to vector<16xi32>
            %add3A_267 = arith.addi %add3A_264, %add3A_266 : vector<16xi32>
            tpu.vector_store_idx %arg8[%add3A_267], %broadcast_in_dim3A_5 masked %lt3A_207 : memref<32768xf32, #tpu.memory_space<vmem>>[vector<16xi32>], vector<16xf32>, vector<16xi1>
            %add3A_268 = arith.constant 1 : i32
            %add3A_269 = vector.broadcast %add3A_268 : i32 to vector<16xi32>
            %add3A_270 = arith.addi %add3A_267, %add3A_269 : vector<16xi32>
            tpu.vector_store_idx %arg8[%add3A_270], %broadcast_in_dim3A_5 masked %lt3A_207 : memref<32768xf32, #tpu.memory_space<vmem>>[vector<16xi32>], vector<16xf32>, vector<16xi1>
            %add3A_271 = arith.constant 1 : i32
            %add3A_272 = vector.broadcast %add3A_271 : i32 to vector<16xi32>
            %add3A_273 = arith.addi %add3A_270, %add3A_272 : vector<16xi32>
            tpu.vector_store_idx %arg8[%add3A_273], %broadcast_in_dim3A_5 masked %lt3A_207 : memref<32768xf32, #tpu.memory_space<vmem>>[vector<16xi32>], vector<16xf32>, vector<16xi1>
            %add3A_274 = arith.constant 1 : i32
            %add3A_275 = vector.broadcast %add3A_274 : i32 to vector<16xi32>
            %add3A_276 = arith.addi %add3A_273, %add3A_275 : vector<16xi32>
            tpu.vector_store_idx %arg8[%add3A_276], %broadcast_in_dim3A_5 masked %lt3A_207 : memref<32768xf32, #tpu.memory_space<vmem>>[vector<16xi32>], vector<16xf32>, vector<16xi1>
            %add3A_277 = arith.constant 1 : i32
            %add3A_278 = vector.broadcast %add3A_277 : i32 to vector<16xi32>
            %add3A_279 = arith.addi %add3A_276, %add3A_278 : vector<16xi32>
            tpu.vector_store_idx %arg8[%add3A_279], %broadcast_in_dim3A_5 masked %lt3A_207 : memref<32768xf32, #tpu.memory_space<vmem>>[vector<16xi32>], vector<16xf32>, vector<16xi1>
            %add3A_280 = arith.constant 1 : i32
            %add3A_281 = vector.broadcast %add3A_280 : i32 to vector<16xi32>
            %add3A_282 = arith.addi %add3A_279, %add3A_281 : vector<16xi32>
            tpu.vector_store_idx %arg8[%add3A_282], %broadcast_in_dim3A_5 masked %lt3A_207 : memref<32768xf32, #tpu.memory_space<vmem>>[vector<16xi32>], vector<16xf32>, vector<16xi1>
            %add3A_283 = arith.constant 1 : i32
            %add3A_284 = vector.broadcast %add3A_283 : i32 to vector<16xi32>
            %add3A_285 = arith.addi %add3A_282, %add3A_284 : vector<16xi32>
            tpu.vector_store_idx %arg8[%add3A_285], %broadcast_in_dim3A_5 masked %lt3A_207 : memref<32768xf32, #tpu.memory_space<vmem>>[vector<16xi32>], vector<16xf32>, vector<16xi1>
            %add3A_286 = arith.constant 1 : i32
            %add3A_287 = vector.broadcast %add3A_286 : i32 to vector<16xi32>
            %add3A_288 = arith.addi %add3A_285, %add3A_287 : vector<16xi32>
            tpu.vector_store_idx %arg8[%add3A_288], %broadcast_in_dim3A_5 masked %lt3A_207 : memref<32768xf32, #tpu.memory_space<vmem>>[vector<16xi32>], vector<16xf32>, vector<16xi1>
            %add3A_289 = arith.constant 1 : i32
            %add3A_290 = vector.broadcast %add3A_289 : i32 to vector<16xi32>
            %add3A_291 = arith.addi %add3A_288, %add3A_290 : vector<16xi32>
            tpu.vector_store_idx %arg8[%add3A_291], %broadcast_in_dim3A_5 masked %lt3A_207 : memref<32768xf32, #tpu.memory_space<vmem>>[vector<16xi32>], vector<16xf32>, vector<16xi1>
            %add3A_292 = arith.constant 1 : i32
            %add3A_293 = vector.broadcast %add3A_292 : i32 to vector<16xi32>
            %add3A_294 = arith.addi %add3A_291, %add3A_293 : vector<16xi32>
            tpu.vector_store_idx %arg8[%add3A_294], %broadcast_in_dim3A_5 masked %lt3A_207 : memref<32768xf32, #tpu.memory_space<vmem>>[vector<16xi32>], vector<16xf32>, vector<16xi1>
            %add3A_295 = arith.constant 1 : i32
            %add3A_296 = vector.broadcast %add3A_295 : i32 to vector<16xi32>
            %add3A_297 = arith.addi %add3A_294, %add3A_296 : vector<16xi32>
            tpu.vector_store_idx %arg8[%add3A_297], %broadcast_in_dim3A_5 masked %lt3A_207 : memref<32768xf32, #tpu.memory_space<vmem>>[vector<16xi32>], vector<16xf32>, vector<16xi1>
            %add3A_298 = arith.constant 1 : i32
            %add3A_299 = vector.broadcast %add3A_298 : i32 to vector<16xi32>
            %add3A_300 = arith.addi %add3A_297, %add3A_299 : vector<16xi32>
            tpu.vector_store_idx %arg8[%add3A_300], %broadcast_in_dim3A_5 masked %lt3A_207 : memref<32768xf32, #tpu.memory_space<vmem>>[vector<16xi32>], vector<16xf32>, vector<16xi1>
            %add3A_301 = arith.constant 1 : i32
            %add3A_302 = vector.broadcast %add3A_301 : i32 to vector<16xi32>
            %add3A_303 = arith.addi %add3A_300, %add3A_302 : vector<16xi32>
            tpu.vector_store_idx %arg8[%add3A_303], %broadcast_in_dim3A_5 masked %lt3A_207 : memref<32768xf32, #tpu.memory_space<vmem>>[vector<16xi32>], vector<16xf32>, vector<16xi1>
            %add3A_304 = arith.constant 1 : i32
            %add3A_305 = vector.broadcast %add3A_304 : i32 to vector<16xi32>
            %add3A_306 = arith.addi %add3A_303, %add3A_305 : vector<16xi32>
            tpu.vector_store_idx %arg8[%add3A_306], %broadcast_in_dim3A_5 masked %lt3A_207 : memref<32768xf32, #tpu.memory_space<vmem>>[vector<16xi32>], vector<16xf32>, vector<16xi1>
            %add3A_307 = arith.constant 1 : i32
            %add3A_308 = vector.broadcast %add3A_307 : i32 to vector<16xi32>
            %add3A_309 = arith.addi %add3A_306, %add3A_308 : vector<16xi32>
            tpu.vector_store_idx %arg8[%add3A_309], %broadcast_in_dim3A_5 masked %lt3A_207 : memref<32768xf32, #tpu.memory_space<vmem>>[vector<16xi32>], vector<16xf32>, vector<16xi1>
            %add3A_310 = arith.constant 1 : i32
            %add3A_311 = vector.broadcast %add3A_310 : i32 to vector<16xi32>
            %add3A_312 = arith.addi %add3A_309, %add3A_311 : vector<16xi32>
            tpu.vector_store_idx %arg8[%add3A_312], %broadcast_in_dim3A_5 masked %lt3A_207 : memref<32768xf32, #tpu.memory_space<vmem>>[vector<16xi32>], vector<16xf32>, vector<16xi1>
            %add3A_313 = arith.constant 1 : i32
            %add3A_314 = vector.broadcast %add3A_313 : i32 to vector<16xi32>
            %add3A_315 = arith.addi %add3A_312, %add3A_314 : vector<16xi32>
            tpu.vector_store_idx %arg8[%add3A_315], %broadcast_in_dim3A_5 masked %lt3A_207 : memref<32768xf32, #tpu.memory_space<vmem>>[vector<16xi32>], vector<16xf32>, vector<16xi1>
            %add3A_316 = arith.constant 1 : i32
            %add3A_317 = vector.broadcast %add3A_316 : i32 to vector<16xi32>
            %add3A_318 = arith.addi %add3A_315, %add3A_317 : vector<16xi32>
            tpu.vector_store_idx %arg8[%add3A_318], %broadcast_in_dim3A_5 masked %lt3A_207 : memref<32768xf32, #tpu.memory_space<vmem>>[vector<16xi32>], vector<16xf32>, vector<16xi1>
            %add3A_319 = arith.constant 1 : i32
            %add3A_320 = vector.broadcast %add3A_319 : i32 to vector<16xi32>
            %add3A_321 = arith.addi %add3A_318, %add3A_320 : vector<16xi32>
            tpu.vector_store_idx %arg8[%add3A_321], %broadcast_in_dim3A_5 masked %lt3A_207 : memref<32768xf32, #tpu.memory_space<vmem>>[vector<16xi32>], vector<16xf32>, vector<16xi1>
            %add3A_322 = arith.constant 1 : i32
            %add3A_323 = vector.broadcast %add3A_322 : i32 to vector<16xi32>
            %add3A_324 = arith.addi %add3A_321, %add3A_323 : vector<16xi32>
            tpu.vector_store_idx %arg8[%add3A_324], %broadcast_in_dim3A_5 masked %lt3A_207 : memref<32768xf32, #tpu.memory_space<vmem>>[vector<16xi32>], vector<16xf32>, vector<16xi1>
            %add3A_325 = arith.constant 1 : i32
            %add3A_326 = vector.broadcast %add3A_325 : i32 to vector<16xi32>
            %add3A_327 = arith.addi %add3A_324, %add3A_326 : vector<16xi32>
            tpu.vector_store_idx %arg8[%add3A_327], %broadcast_in_dim3A_5 masked %lt3A_207 : memref<32768xf32, #tpu.memory_space<vmem>>[vector<16xi32>], vector<16xf32>, vector<16xi1>
            %add3A_328 = arith.constant 1 : i32
            %add3A_329 = vector.broadcast %add3A_328 : i32 to vector<16xi32>
            %add3A_330 = arith.addi %add3A_327, %add3A_329 : vector<16xi32>
            tpu.vector_store_idx %arg8[%add3A_330], %broadcast_in_dim3A_5 masked %lt3A_207 : memref<32768xf32, #tpu.memory_space<vmem>>[vector<16xi32>], vector<16xf32>, vector<16xi1>
            %add3A_331 = arith.constant 1 : i32
            %add3A_332 = vector.broadcast %add3A_331 : i32 to vector<16xi32>
            %add3A_333 = arith.addi %add3A_330, %add3A_332 : vector<16xi32>
            tpu.vector_store_idx %arg8[%add3A_333], %broadcast_in_dim3A_5 masked %lt3A_207 : memref<32768xf32, #tpu.memory_space<vmem>>[vector<16xi32>], vector<16xf32>, vector<16xi1>
            %add3A_334 = arith.constant 1 : i32
            %add3A_335 = vector.broadcast %add3A_334 : i32 to vector<16xi32>
            %add3A_336 = arith.addi %add3A_333, %add3A_335 : vector<16xi32>
            tpu.vector_store_idx %arg8[%add3A_336], %broadcast_in_dim3A_5 masked %lt3A_207 : memref<32768xf32, #tpu.memory_space<vmem>>[vector<16xi32>], vector<16xf32>, vector<16xi1>
            %add3A_337 = arith.constant 1 : i32
            %add3A_338 = vector.broadcast %add3A_337 : i32 to vector<16xi32>
            %add3A_339 = arith.addi %add3A_336, %add3A_338 : vector<16xi32>
            tpu.vector_store_idx %arg8[%add3A_339], %broadcast_in_dim3A_5 masked %lt3A_207 : memref<32768xf32, #tpu.memory_space<vmem>>[vector<16xi32>], vector<16xf32>, vector<16xi1>
            %add3A_340 = arith.constant 1 : i32
            %add3A_341 = vector.broadcast %add3A_340 : i32 to vector<16xi32>
            %add3A_342 = arith.addi %add3A_339, %add3A_341 : vector<16xi32>
            tpu.vector_store_idx %arg8[%add3A_342], %broadcast_in_dim3A_5 masked %lt3A_207 : memref<32768xf32, #tpu.memory_space<vmem>>[vector<16xi32>], vector<16xf32>, vector<16xi1>
            %add3A_343 = arith.constant 1 : i32
            %add3A_344 = vector.broadcast %add3A_343 : i32 to vector<16xi32>
            %add3A_345 = arith.addi %add3A_342, %add3A_344 : vector<16xi32>
            tpu.vector_store_idx %arg8[%add3A_345], %broadcast_in_dim3A_5 masked %lt3A_207 : memref<32768xf32, #tpu.memory_space<vmem>>[vector<16xi32>], vector<16xf32>, vector<16xi1>
            %add3A_346 = arith.constant 1 : i32
            %add3A_347 = vector.broadcast %add3A_346 : i32 to vector<16xi32>
            %add3A_348 = arith.addi %add3A_345, %add3A_347 : vector<16xi32>
            tpu.vector_store_idx %arg8[%add3A_348], %broadcast_in_dim3A_5 masked %lt3A_207 : memref<32768xf32, #tpu.memory_space<vmem>>[vector<16xi32>], vector<16xf32>, vector<16xi1>
            %add3A_349 = arith.constant 1 : i32
            %add3A_350 = vector.broadcast %add3A_349 : i32 to vector<16xi32>
            %add3A_351 = arith.addi %add3A_348, %add3A_350 : vector<16xi32>
            tpu.vector_store_idx %arg8[%add3A_351], %broadcast_in_dim3A_5 masked %lt3A_207 : memref<32768xf32, #tpu.memory_space<vmem>>[vector<16xi32>], vector<16xf32>, vector<16xi1>
            %add3A_352 = arith.constant 1 : i32
            %add3A_353 = vector.broadcast %add3A_352 : i32 to vector<16xi32>
            %add3A_354 = arith.addi %add3A_351, %add3A_353 : vector<16xi32>
            tpu.vector_store_idx %arg8[%add3A_354], %broadcast_in_dim3A_5 masked %lt3A_207 : memref<32768xf32, #tpu.memory_space<vmem>>[vector<16xi32>], vector<16xf32>, vector<16xi1>
            %add3A_355 = arith.constant 1 : i32
            %add3A_356 = vector.broadcast %add3A_355 : i32 to vector<16xi32>
            %add3A_357 = arith.addi %add3A_354, %add3A_356 : vector<16xi32>
            tpu.vector_store_idx %arg8[%add3A_357], %broadcast_in_dim3A_5 masked %lt3A_207 : memref<32768xf32, #tpu.memory_space<vmem>>[vector<16xi32>], vector<16xf32>, vector<16xi1>
            %add3A_358 = arith.constant 1 : i32
            %add3A_359 = vector.broadcast %add3A_358 : i32 to vector<16xi32>
            %add3A_360 = arith.addi %add3A_357, %add3A_359 : vector<16xi32>
            tpu.vector_store_idx %arg8[%add3A_360], %broadcast_in_dim3A_5 masked %lt3A_207 : memref<32768xf32, #tpu.memory_space<vmem>>[vector<16xi32>], vector<16xf32>, vector<16xi1>
            %add3A_361 = arith.constant 1 : i32
            %add3A_362 = vector.broadcast %add3A_361 : i32 to vector<16xi32>
            %add3A_363 = arith.addi %add3A_360, %add3A_362 : vector<16xi32>
            tpu.vector_store_idx %arg8[%add3A_363], %broadcast_in_dim3A_5 masked %lt3A_207 : memref<32768xf32, #tpu.memory_space<vmem>>[vector<16xi32>], vector<16xf32>, vector<16xi1>
            %add3A_364 = arith.constant 1 : i32
            %add3A_365 = vector.broadcast %add3A_364 : i32 to vector<16xi32>
            %add3A_366 = arith.addi %add3A_363, %add3A_365 : vector<16xi32>
            tpu.vector_store_idx %arg8[%add3A_366], %broadcast_in_dim3A_5 masked %lt3A_207 : memref<32768xf32, #tpu.memory_space<vmem>>[vector<16xi32>], vector<16xf32>, vector<16xi1>
            %add3A_367 = arith.constant 1 : i32
            %add3A_368 = vector.broadcast %add3A_367 : i32 to vector<16xi32>
            %add3A_369 = arith.addi %add3A_366, %add3A_368 : vector<16xi32>
            tpu.vector_store_idx %arg8[%add3A_369], %broadcast_in_dim3A_5 masked %lt3A_207 : memref<32768xf32, #tpu.memory_space<vmem>>[vector<16xi32>], vector<16xf32>, vector<16xi1>
            %add3A_370 = arith.constant 1 : i32
            %add3A_371 = vector.broadcast %add3A_370 : i32 to vector<16xi32>
            %add3A_372 = arith.addi %add3A_369, %add3A_371 : vector<16xi32>
            tpu.vector_store_idx %arg8[%add3A_372], %broadcast_in_dim3A_5 masked %lt3A_207 : memref<32768xf32, #tpu.memory_space<vmem>>[vector<16xi32>], vector<16xf32>, vector<16xi1>
            %add3A_373 = arith.constant 1 : i32
            %add3A_374 = vector.broadcast %add3A_373 : i32 to vector<16xi32>
            %add3A_375 = arith.addi %add3A_372, %add3A_374 : vector<16xi32>
            tpu.vector_store_idx %arg8[%add3A_375], %broadcast_in_dim3A_5 masked %lt3A_207 : memref<32768xf32, #tpu.memory_space<vmem>>[vector<16xi32>], vector<16xf32>, vector<16xi1>
            %add3A_376 = arith.constant 1 : i32
            %add3A_377 = vector.broadcast %add3A_376 : i32 to vector<16xi32>
            %add3A_378 = arith.addi %add3A_375, %add3A_377 : vector<16xi32>
            tpu.vector_store_idx %arg8[%add3A_378], %broadcast_in_dim3A_5 masked %lt3A_207 : memref<32768xf32, #tpu.memory_space<vmem>>[vector<16xi32>], vector<16xf32>, vector<16xi1>
            %add3A_379 = arith.constant 1 : i32
            %add3A_380 = vector.broadcast %add3A_379 : i32 to vector<16xi32>
            %add3A_381 = arith.addi %add3A_378, %add3A_380 : vector<16xi32>
            tpu.vector_store_idx %arg8[%add3A_381], %broadcast_in_dim3A_5 masked %lt3A_207 : memref<32768xf32, #tpu.memory_space<vmem>>[vector<16xi32>], vector<16xf32>, vector<16xi1>
            %add3A_382 = arith.constant 1 : i32
            %add3A_383 = vector.broadcast %add3A_382 : i32 to vector<16xi32>
            %add3A_384 = arith.addi %add3A_381, %add3A_383 : vector<16xi32>
            tpu.vector_store_idx %arg8[%add3A_384], %broadcast_in_dim3A_5 masked %lt3A_207 : memref<32768xf32, #tpu.memory_space<vmem>>[vector<16xi32>], vector<16xf32>, vector<16xi1>
            %add3A_385 = arith.constant 1 : i32
            %add3A_386 = vector.broadcast %add3A_385 : i32 to vector<16xi32>
            %add3A_387 = arith.addi %add3A_384, %add3A_386 : vector<16xi32>
            tpu.vector_store_idx %arg8[%add3A_387], %broadcast_in_dim3A_5 masked %lt3A_207 : memref<32768xf32, #tpu.memory_space<vmem>>[vector<16xi32>], vector<16xf32>, vector<16xi1>
            %add3A_388 = arith.constant 1 : i32
            %add3A_389 = vector.broadcast %add3A_388 : i32 to vector<16xi32>
            %add3A_390 = arith.addi %add3A_387, %add3A_389 : vector<16xi32>
            tpu.vector_store_idx %arg8[%add3A_390], %broadcast_in_dim3A_5 masked %lt3A_207 : memref<32768xf32, #tpu.memory_space<vmem>>[vector<16xi32>], vector<16xf32>, vector<16xi1>
            %add3A_391 = arith.constant 1 : i32
            %add3A_392 = vector.broadcast %add3A_391 : i32 to vector<16xi32>
            %add3A_393 = arith.addi %add3A_390, %add3A_392 : vector<16xi32>
            tpu.vector_store_idx %arg8[%add3A_393], %broadcast_in_dim3A_5 masked %lt3A_207 : memref<32768xf32, #tpu.memory_space<vmem>>[vector<16xi32>], vector<16xf32>, vector<16xi1>
            %add3A_394 = arith.constant 1 : i32
            %add3A_395 = vector.broadcast %add3A_394 : i32 to vector<16xi32>
            %add3A_396 = arith.addi %add3A_393, %add3A_395 : vector<16xi32>
            tpu.vector_store_idx %arg8[%add3A_396], %broadcast_in_dim3A_5 masked %lt3A_207 : memref<32768xf32, #tpu.memory_space<vmem>>[vector<16xi32>], vector<16xf32>, vector<16xi1>
          }
          %mul3A_190 = arith.constant 32768 : i32
          %mul3A_191 = arith.muli %add3A_120, %mul3A_190 : i32
          %add3A_192 = arith.addi %mul3A_4, %mul3A_191 : i32
          %dma_start3A_193 = tpu.memref_slice %arg3[%add3A_192] : memref<16777216xf32, #tpu.memory_space<hbm>> -> memref<32768xf32, #tpu.memory_space<hbm>>
          %dma_start3A_194 = tpu.memref_slice %arg3[%add3A_192] : memref<16777216xf32, #tpu.memory_space<hbm>> -> memref<32768xf32, #tpu.memory_space<hbm>>
          tpu.enqueue_dma source(%arg8 : memref<32768xf32, #tpu.memory_space<vmem>>) target(%dma_start3A_194 : memref<32768xf32, #tpu.memory_space<hbm>>) target_semaphore(%arg12 : memref<!tpu.dma_semaphore, #tpu.memory_space<semaphore_mem>>)
          %dma_wait3A_195 = tpu.memref_slice %arg3[%add3A_192] : memref<16777216xf32, #tpu.memory_space<hbm>> -> memref<32768xf32, #tpu.memory_space<hbm>>
          %dma_wait3A_196 = tpu.memref_slice %arg3[%add3A_192] : memref<16777216xf32, #tpu.memory_space<hbm>> -> memref<32768xf32, #tpu.memory_space<hbm>>
          tpu.wait_dma2 semaphore(%arg12 : memref<!tpu.dma_semaphore, #tpu.memory_space<semaphore_mem>>) src(%arg8 : memref<32768xf32, #tpu.memory_space<vmem>>) dst(%dma_wait3A_196 : memref<32768xf32, #tpu.memory_space<hbm>>)
        }
        %scan3A_115 = arith.constant 16 : i32
      } else {
      }
      scf.yield %scan3A_77#1 : i32
    }
    %scan3A_64 = arith.constant 14 : i32
    return
  }
}

</mosaic_0001>

<sc_bundles>
// kernel: kernel.3.cloned.1.call-start
scs
__scs_entry_jumppad:
0x0: {  	(pc) =	sbr.rel $0x88, $3  }
0x1: {  	(tag) =	ssettag $0x0;
	lr =	simm.s32 $0x1  }
0x2: {  	[smem:$0x3FA0] =	sst lr;
	_ =	strace $0xD0000000  }
0x3: {  	_ = 	snop  }
0x4: {  	_ = 	snop  }
0x5: {  	_ = 	snop  }
0x6: {  	_ = 	snop  }
0x7: {  	_ = 	snop  }
__scs_overlays_trampoline_lowered:
0x8: {  	[smem:$0x3FAF] =	sst s0  }
0x9: {  	[smem:$0x3FB0] =	sst s1  }
0xa: {  	[smem:$0x3FB1] =	sst s2  }
0xb: {  	[smem:$0x3FB2] =	sst s3  }
0xc: {  	[smem:$0x3FB3] =	sst s4  }
0xd: {  	[smem:$0x3FB4] =	sst s5  }
0xe: {  	[smem:$0x3FB5] =	sst s6  }
0xf: {  	[smem:$0x3FB6] =	sst s7  }
0x10: {  	[smem:$0x3FB7] =	sst s8  }
0x11: {  	[smem:$0x3FB8] =	sst s9;
	s0 =	simm.s32 @!p0 $0x0  }
0x12: {  	s1 =	sld [smem:$0x3F9E];
	s0 =	simm.s32 @p0 $0x1  }
0x13: {  	[smem:$0x3FB9] =	sst s0;
	s0 =	simm.s32 @!p1 $0x0  }
0x14: {  	s2 =	sld [smem:$0x3F9D];
	s0 =	simm.s32 @p1 $0x1  }
0x15: {  	[smem:$0x3FBA] =	sst s0;
	s0 =	simm.s32 @!p2 $0x0  }
0x16: {  	s3 =	sld [smem:$0x3FDB];
	s0 =	simm.s32 @p2 $0x1  }
0x17: {  	s4 =	simm.s32 $0x1BF5;
	[smem:$0x3FBC] =	sst s0  }
0x18: {  	s0 =	sld [smem:$0x3F9F];
	_ =	swait.ge [sflag:s4], $0x0  }
0x19: {  	s7 =	sld [smem:$0x3FA0]  }
0x1a: {  	s8 =	sadd.s32 $0xFFFFE003, lr  }
0x1b: {  	s9 =	sadd.s32 $0xFFFFFEF7, lr;
	s5 =	simm.s32 $0xFFFFFFFF;
	p2 =	slt.u32 s8, $0xFFFFF086  }
0x1c: {  	p1 =	slt.u32 s9, $0xF7A;
	s5 =	simm.s32 @!p2 $0x0  }
0x1d: {  	s5 =	simm.s32 @p1 $0x1;
	p0 =	seq.s32 s7, s2  }
0x1e: {  	s7 =	smul.u32 @!p0 $0xF7A, s2;
	p2 =	seq.s32 @!p0 s5, $0x0  }
0x1f: {  	s9 =	smul.u32 $0xF7A, s1;
	s8 =	simm.s32 @!p0 $0x1BF5;
	p2 =	por !p2, p0  }
0x20: {  	[sflag:s8] =	ssyncset.s32 @!p0 $0xFFFFF086;
	s6 =	sadd.s32 @!p0 s3, s7;
	s7 =	simm.s32 @!p0 $0x108  }
0x21: {  	s3 =	sadd.s32 s3, s9;
	s6 =	sadd.s32 @!p0 $0x88, s6;
	s7 =	simm.s32 @p2 $0x1082  }
0x22: {  	[simem:s7], [sflag:s8] =	dma.local @!p0 [hbm:s6], $0xF7A  }
0x23: {  	s9 =	sor.u32 $0xD0000000, s2;
	s6 =	simm.s32 $0x108;
	_ =	swait.ge @!p0 [sflag:s8], $0x0  }
0x24: {  	s3 =	sadd.s32 $0x88, s3;
	s6 =	simm.s32 @!p1 $0x1082;
	[sflag:s4] =	ssyncset.s32 $0xFFFFF086  }
0x25: {  	[simem:s6], [sflag:s4] =	dma.local [hbm:s3], $0xF7A  }
0x26: {  	[smem:$0x3FA0] =	sst s1;
	(tag) =	ssettag s2;
	_ =	strace s9  }
0x27: {  	s1 =	sld [smem:$0x3FB0]  }
0x28: {  	s2 =	sld [smem:$0x3FB1]  }
0x29: {  	s4 =	sld [smem:$0x3FB3]  }
0x2a: {  	p0 =	seq.s32 s5, $0x0;
	s5 =	sld [smem:$0x3FB4]  }
0x2b: {  	s6 =	sld [smem:$0x3FB5]  }
0x2c: {  	s7 =	sld [smem:$0x3FB6]  }
0x2d: {  	s3 =	simm.s32 $0x108;
	s8 =	sld [smem:$0x3FB7]  }
0x2e: {  	s3 =	simm.s32 @!p0 $0x1082;
	s9 =	sld [smem:$0x3FB8]  }
0x2f: {  	lr =	sadd.s32 s0, s3;
	s0 =	sld [smem:$0x3FAF]  }
0x30: {  	s3 =	sld [smem:$0x3FB2]  }
0x31: {  	[smem:$0x3FBB] =	sst s10  }
0x32: {  	s10 =	sld [smem:$0x3FB9];
	_ =	sdelay $0x3  }
0x33: {  	p0 =	seq.s32 s10, $0x1;
	s10 =	sld [smem:$0x3FBB];
	_ =	sdelay $0x3  }
0x34: {  	[smem:$0x3FBB] =	sst s10  }
0x35: {  	s10 =	sld [smem:$0x3FBA];
	_ =	sdelay $0x3  }
0x36: {  	p1 =	seq.s32 s10, $0x1;
	s10 =	sld [smem:$0x3FBB];
	_ =	sdelay $0x3  }
0x37: {  	[smem:$0x3FBB] =	sst s10  }
0x38: {  	s10 =	sld [smem:$0x3FBC]  }
0x39: {  	_ = 	snop;
	(pc) =	sbr.ind lr, $3  }
0x3a: {  	_ = 	snop  }
0x3b: {  	_ = 	snop  }
0x3c: {  	p2 =	seq.s32 s10, $0x1;
	s10 =	sld [smem:$0x3FBB]  }
0x3d: {  	_ =	shalt  }
0x3e: {  	_ =	shalt  }
0x3f: {  	_ =	shalt  }
0x40: {  	_ =	shalt  }
0x41: {  	_ =	shalt  }
0x42: {  	_ =	shalt  }
0x43: {  	_ =	shalt  }
0x44: {  	_ =	shalt  }
0x45: {  	_ =	shalt  }
0x46: {  	_ =	shalt  }
0x47: {  	_ =	shalt  }
0x48: {  	_ =	shalt  }
0x49: {  	_ =	shalt  }
0x4a: {  	_ =	shalt  }
0x4b: {  	_ =	shalt  }
0x4c: {  	_ =	shalt  }
0x4d: {  	_ =	shalt  }
0x4e: {  	_ =	shalt  }
0x4f: {  	_ =	shalt  }
0x50: {  	_ =	shalt  }
0x51: {  	_ =	shalt  }
0x52: {  	_ =	shalt  }
0x53: {  	_ =	shalt  }
0x54: {  	_ =	shalt  }
0x55: {  	_ =	shalt  }
0x56: {  	_ =	shalt  }
0x57: {  	_ =	shalt  }
0x58: {  	_ =	shalt  }
0x59: {  	_ =	shalt  }
0x5a: {  	_ =	shalt  }
0x5b: {  	_ =	shalt  }
0x5c: {  	_ =	shalt  }
0x5d: {  	_ =	shalt  }
0x5e: {  	_ =	shalt  }
0x5f: {  	_ =	shalt  }
0x60: {  	_ =	shalt  }
0x61: {  	_ =	shalt  }
0x62: {  	_ =	shalt  }
0x63: {  	_ =	shalt  }
0x64: {  	_ =	shalt  }
0x65: {  	_ =	shalt  }
0x66: {  	_ =	shalt  }
0x67: {  	_ =	shalt  }
0x68: {  	_ =	shalt  }
0x69: {  	_ =	shalt  }
0x6a: {  	_ =	shalt  }
0x6b: {  	_ =	shalt  }
0x6c: {  	_ =	shalt  }
0x6d: {  	_ =	shalt  }
0x6e: {  	_ =	shalt  }
0x6f: {  	_ =	shalt  }
0x70: {  	_ =	shalt  }
0x71: {  	_ =	shalt  }
0x72: {  	_ =	shalt  }
0x73: {  	_ =	shalt  }
0x74: {  	_ =	shalt  }
0x75: {  	_ =	shalt  }
0x76: {  	_ =	shalt  }
0x77: {  	_ =	shalt  }
0x78: {  	_ =	shalt  }
0x79: {  	_ =	shalt  }
0x7a: {  	_ =	shalt  }
0x7b: {  	_ =	shalt  }
0x7c: {  	_ =	shalt  }
0x7d: {  	_ =	shalt  }
0x7e: {  	_ =	shalt  }
0x7f: {  	_ =	shalt  }
0x80: {  	_ =	shalt  }
0x81: {  	_ =	shalt  }
0x82: {  	_ =	shalt  }
0x83: {  	_ =	shalt  }
0x84: {  	_ =	shalt  }
0x85: {  	_ =	shalt  }
0x86: {  	_ =	shalt  }
0x87: {  	_ =	shalt  }
.Lfunc_end0:
.L_simem_size_0:
called_computation_lowered:
.L_overlay_start_0:
0x88: {  	s2 =	sld [smem:$0x3FD9]  }
0x89: {  	s3 =	sld [smem:$0x3FFE];
	_ =	sdelay $0x1  }
0x8a: {  	s1 =	srdreg.scid  }
0x8b: {  	s0 =	sand.u32 $0x1, s1  }
0x8c: {  	s17 =	sshll.u32 s0, $0xA;
	s2 =	sadd.s32 s3, s2  }
0x8d: {  	s2 =	sadd.s32 s2, s17  }
0x8e: {  	[smem:$0x3FC7] =	sst s2  }
0x8f: {  	_ = 	snop  }
0x90: {  	s2 =	sld [smem:$0x3FD0];
	(tm) =	ssettm $0x1  }
0x91: {  	s18 =	sld [smem:$0x3FFB];
	_ =	sdelay $0x3  }
0x92: {  	_ =	strace s18  }
0x93: {  	s3 =	sld [smem:$0x3FFC];
	_ =	sdelay $0x3  }
0x94: {  	_ =	strace s3  }
0x95: {  	s3 =	sld [smem:$0x3FFD];
	_ =	sdelay $0x3  }
0x96: {  	_ =	strace s3  }
0x97: {  	_ =	strace $0x8FFFFFFF  }
0x98: {  	s19 =	sld [smem:$0x3FDB];
	_ =	sdelay $0x1  }
0x99: {  	s4 =	simm.s32 $_scs_section_size  }
0x9a: {  	s5 =	simm.s32 $_size__tile_overlayer_lowered;
	s6 =	simm.s32 $_tile_overlayer_lowered  }
0x9b: {  	s22 =	simm.s32 $0x1BFF;
	s21 =	sshll.u32 s6, $0x1;
	s3 =	sadd.s32 s4, s19  }
0x9c: {  	s7 =	simm.s32 $0x0;
	s20 =	sshll.u32 s5, $0x1;
	s5 =	sadd.s32 s21, s3  }
0x9d: {  	[timem:s7], [sflag:s22] =	dma.local [hbm:s5], s20  }
0x9e: {  	_ =	swait.ge [sflag:s22], s20  }
0x9f: {  	s4 =	ssub.s32 $0x0, s20;
	[sflag:s22] =	ssyncset.done $0x0  }
0xa0: {  	[sflag:s22] =	ssyncadd.s32 s4;
	_ =	sdelay $0x1  }
0xa1: {  	s23 =	simm.s32 $0x1B8B  }
0xa2: {  	_ =	swait.ge [sflag:s23], $0x1  }
0xa3: {  	[sflag:s23] =	ssyncset.done $0x0  }
0xa4: {  	s25 =	simm.s32 $0x1B8E;
	s24 =	sld [smem:$0x3FFE];
	[sflag:s23] =	ssyncadd.s32 $0xFFFFFFFF  }
0xa5: {  	s26 =	simm.s32 $execute0_lowered;
	[smem:$0x3FD2] =	sst s25  }
0xa6: {  	s5 =	sshll.u32 s26, $0x1;
	_ =	strace $0x80000046;
	[dreg:$0x1] =	wrdreg $0xFFFFFFFF  }
0xa7: {  	s28 =	simm.s32 $_size_execute0_lowered;
	s3 =	sadd.s32 s3, s5;
	[dreg:$0x0] =	wrdreg $0x0  }
0xa8: {  	s5 =	sshll.u32 s28, $0x1;
	[dreg:$0x2] =	wrdreg s3  }
0xa9: {  	[dreg:$0x3] =	wrdreg s5  }
0xaa: {  	[dreg:$0x4] =	wrdreg $0xC0  }
0xab: {  	_ =	task [dreg:s7], $0x5FFFF  }
0xac: {  	[dreg:$0x1] =	wrdreg $0xFFFFFFFF  }
0xad: {  	[dreg:$0x0] =	wrdreg $0x60  }
0xae: {  	[dreg:$0x2] =	wrdreg s2  }
0xaf: {  	[dreg:$0x3] =	wrdreg s24  }
0xb0: {  	[dreg:$0x4] =	wrdreg $0x1E1000  }
0xb1: {  	[dreg:$0x5] =	wrdreg $0x9  }
0xb2: {  	_ =	task.clear_ibuf [dreg:s7], $0x6FFFF;
	_ =	strace $0x90000046  }
0xb3: {  	s29 =	simm.s32 $0x9;
	_ =	strace $0x80000048  }
0xb4: {  	_ =	swait.ge [sflag:s29], $0x1  }
0xb5: {  	[sflag:s29] =	ssyncadd.s32 $0xFFFFFFFF  }
0xb6: {  	_ =	strace $0x90000048  }
0xb7: {  	_ =	sfence  }
0xb8: {  	s30 =	sld [smem:$0x0];
	_ =	sdelay $0x2  }
0xb9: {  	s31 =	sshll.u32 s1, $0xD;
	s1 =	sshrl.u32 s1, $0x2  }
0xba: {  	s3 =	sand.u32 $0x4000, s31;
	s1 =	sadd.s32 s1, s30  }
0xbb: {  	s0 =	sor.u32 s3, s0;
	s1 =	sshll.u32 s1, $0x11  }
0xbc: {  	s0 =	sor.u32 s1, s0  }
0xbd: {  	s0 =	sadd.s32 $0x8F2B, s0  }
0xbe: {  	[sflag:s0] =	ssyncadd.remote.s32 $0x1  }
0xbf: {  	_ =	sfence.sel $0xFFFF  }
0xc0: {  	[dreg:$0x0] =	wrdreg $0xFFFFFFFF;
	(pc) =	sbr.abs _section_cstart, $3  }
0xc1: {  	[dreg:$0x1] =	wrdreg $0xFFFFFFFF  }
0xc2: {  	_ =	task.clear_ibuf [dreg:s7], $0x2FFFF;
	_ =	strace $0x9FFFFFFF  }
0xc3: {  	(tm) =	ssettm $0x7FFFFFFF  }
tec
execute0_lowered:
.L_overlay_start_1:
0x0: {  	(tag) =	ssettag $0x1  }
0x1: {  	s15 =	rddreg [dreg:$0x0]  }
0x2: {  	s12 =	rddreg [dreg:$0x2];
	s13 =	simm.s32 $0x0  }
0x3: {  	[smem:$0x7FF] =	sst s13;
	s23 =	sadd.s32 $0x1000, s12  }
0x4: {  	s24 =	sadd.s32 $0x2000, s12;
	_ =	strace $0x80000047;
	[dreg:$0x5] =	wrdreg s23  }
0x5: {  	s0 =	srdreg.scid;
	s25 =	sadd.s32 $0x3000, s12;
	[dreg:$0x6] =	wrdreg s24  }
0x6: {  	s1 =	stileid.u32;
	s26 =	sadd.s32 $0x4000, s12;
	[dreg:$0x7] =	wrdreg s25  }
0x7: {  	s16 =	simm.s32 $0x2;
	s28 =	sadd.s32 $0x5000, s12;
	[dreg:$0x8] =	wrdreg s26  }
0x8: {  	s0 =	sand.u32 $0x1, s0;
	s29 =	sadd.s32 $0x6000, s12;
	[dreg:$0x9] =	wrdreg s28  }
0x9: {  	s30 =	sadd.s32 $0x7000, s12;
	p0 =	sne.s32 s1, $0x0;
	[dreg:$0xa] =	wrdreg s29  }
0xa: {  	s2 =	ssub.s32 $0x2, s0;
	s0 =	sshll.u32 s0, $0x4;
	[dreg:$0xb] =	wrdreg s30  }
.Ltmp0:
0xb: {  	s3 =	sshrl.u32 s2, $0x1;
	s0 =	sor.u32 s1, s0;
	(pc) =	sbr.rel .LBB2_1-.Ltmp0, $4  }
0xc: {  	s2 =	ssub.s32 s2, s3;
	s22 =	sshll.u32 s0, $0x7;
	s14 =	sshll.u32 s0, $0x13  }
0xd: {  	s0 =	simm.s32 @!p0 $0x0;
	s31 =	smax.u32 s2, $0x1;
	[dreg:$0x4] =	wrdreg s14  }
0xe: {  	v1 =	vimm.f32 $0.0e+00;
	s17 =	simm.s32 $0xD100;
	v2 =	vimm.s32 $0xFFFFFFFF;
	s0 =	simm.s32 @p0 $0x1;
	[dreg:$0xc] =	wrdreg s31  }
0xf: {  	v3 =	vlaneseq.u32;
	v4 =	vimm.f32 $1.000000000e+00;
	s19 =	simm.s32 $0x15100;
	s1 =	simm.s32 $0x0;
	v0 =	vmov s22;
	[smem:$0x7FD] =	sst s0  }
.LBB2_50:
0x10: {  	s1 =	rddreg [dreg:$0xd]  }
0x11: {  	s0 =	rddreg [dreg:$0xc];
	s1 =	sadd.s32 $0x1, s1  }
0x12: {  	p0 =	sne.s32 s1, s0  }
.Ltmp1:
0x13: {  	_ = 	snop;
	(pc) =	sbr.rel @!p0 .LBB2_51-.Ltmp1, $1  }
0x14: {  	_ =	sdelay $0x3  }
.LBB2_1:
0x15: {  	s0 =	simm.s32 $0x1D140  }
0x16: {  	[tilespmem:s0+$0xFFFFFFC0] =	vst v1  }
0x17: {  	[tilespmem:s0+$0x30] =	vst v1  }
0x18: {  	[tilespmem:s0+$0x20] =	vst v1  }
0x19: {  	[tilespmem:s0+$0x10] =	vst v1  }
0x1a: {  	[tilespmem:s0+$0x0] =	vst v1  }
0x1b: {  	[tilespmem:s0+$0xFFFFFFF0] =	vst v1  }
0x1c: {  	[dreg:$0xd] =	wrdreg s1;
	s1 =	simm.s32 $0x0;
	[tilespmem:s0+$0xFFFFFFE0] =	vst v1  }
.LBB2_2:
0x1d: {  	s1 =	sadd.s32 $0x8, s1;
	[tilespmem:s0+$0xFFFFFFD0] =	vst v1;
	s0 =	sadd.s32 $0x80, s0  }
0x1e: {  	[tilespmem:s0+$0xFFFFFFC0] =	vst v1;
	p0 =	slt.u32 s1, $0xF8  }
0x1f: {  	[tilespmem:s0+$0x30] =	vst v1  }
.Ltmp2:
0x20: {  	[tilespmem:s0+$0x20] =	vst v1;
	(pc) =	sbr.rel @p0 .LBB2_2-.Ltmp2, $4  }
0x21: {  	[tilespmem:s0+$0x10] =	vst v1  }
0x22: {  	[tilespmem:s0+$0x0] =	vst v1  }
0x23: {  	[tilespmem:s0+$0xFFFFFFF0] =	vst v1  }
0x24: {  	[tilespmem:s0+$0xFFFFFFE0] =	vst v1  }
0x25: {  	s31 =	sld [smem:$0x7FD];
	_ =	sdelay $0x2  }
0x26: {  	p0 =	seq.s32 s31, $0x1  }
0x27: {  	[tilespmem:s0+$0xFFFFFFD0] =	vst v1;
	s0 =	simm.s32 @!p0 $0x1D100;
	s1 =	simm.s32 @!p0 $0x4  }
0x28: {  	[spmem:s12] =	stream.linear.scatter @!p0 [tilespmem:s0], [sflag:$0x4], $0x1000, $0x38;
	[tilespmem:$0x1E900] =	vst v63  }
0x29: {  	_ =	swait.ge @!p0 [sflag:s1], $0x1000  }
0x2a: {  	[sflag:s1] =	ssyncset.done @!p0 $0x0  }
0x2b: {  	s2 =	rddreg [dreg:$0x5];
	[sflag:s1] =	ssyncadd.s32 @!p0 $0xFFFFF000  }
0x2c: {  	[spmem:s2] =	stream.linear.scatter @!p0 [tilespmem:s0], [sflag:$0x4], $0x1000, $0x38;
	[tilespmem:$0x1E900] =	vst v63  }
0x2d: {  	_ =	swait.ge @!p0 [sflag:s1], $0x1000  }
0x2e: {  	[sflag:s1] =	ssyncset.done @!p0 $0x0  }
0x2f: {  	s2 =	rddreg [dreg:$0x6];
	[sflag:s1] =	ssyncadd.s32 @!p0 $0xFFFFF000  }
0x30: {  	[spmem:s2] =	stream.linear.scatter @!p0 [tilespmem:s0], [sflag:$0x4], $0x1000, $0x38;
	[tilespmem:$0x1E900] =	vst v63  }
0x31: {  	_ =	swait.ge @!p0 [sflag:s1], $0x1000  }
0x32: {  	[sflag:s1] =	ssyncset.done @!p0 $0x0  }
0x33: {  	s2 =	rddreg [dreg:$0x7];
	[sflag:s1] =	ssyncadd.s32 @!p0 $0xFFFFF000  }
0x34: {  	[spmem:s2] =	stream.linear.scatter @!p0 [tilespmem:s0], [sflag:$0x4], $0x1000, $0x38;
	[tilespmem:$0x1E900] =	vst v63  }
0x35: {  	_ =	swait.ge @!p0 [sflag:s1], $0x1000  }
0x36: {  	[sflag:s1] =	ssyncset.done @!p0 $0x0  }
0x37: {  	s2 =	rddreg [dreg:$0x8];
	[sflag:s1] =	ssyncadd.s32 @!p0 $0xFFFFF000  }
0x38: {  	[spmem:s2] =	stream.linear.scatter @!p0 [tilespmem:s0], [sflag:$0x4], $0x1000, $0x38;
	[tilespmem:$0x1E900] =	vst v63  }
0x39: {  	_ =	swait.ge @!p0 [sflag:s1], $0x1000  }
0x3a: {  	[sflag:s1] =	ssyncset.done @!p0 $0x0  }
0x3b: {  	s2 =	rddreg [dreg:$0x9];
	[sflag:s1] =	ssyncadd.s32 @!p0 $0xFFFFF000  }
0x3c: {  	[spmem:s2] =	stream.linear.scatter @!p0 [tilespmem:s0], [sflag:$0x4], $0x1000, $0x38;
	[tilespmem:$0x1E900] =	vst v63  }
0x3d: {  	_ =	swait.ge @!p0 [sflag:s1], $0x1000  }
0x3e: {  	[sflag:s1] =	ssyncset.done @!p0 $0x0  }
0x3f: {  	s2 =	rddreg [dreg:$0xa];
	[sflag:s1] =	ssyncadd.s32 @!p0 $0xFFFFF000  }
0x40: {  	[spmem:s2] =	stream.linear.scatter @!p0 [tilespmem:s0], [sflag:$0x4], $0x1000, $0x38;
	[tilespmem:$0x1E900] =	vst v63  }
0x41: {  	_ =	swait.ge @!p0 [sflag:s1], $0x1000  }
0x42: {  	[sflag:s1] =	ssyncset.done @!p0 $0x0  }
0x43: {  	s2 =	rddreg [dreg:$0xb];
	[sflag:s1] =	ssyncadd.s32 @!p0 $0xFFFFF000  }
0x44: {  	[spmem:s2] =	stream.linear.scatter @!p0 [tilespmem:s0], [sflag:$0x4], $0x1000, $0x38;
	[tilespmem:$0x1E900] =	vst v63  }
0x45: {  	_ =	swait.ge @!p0 [sflag:s1], $0x1000  }
0x46: {  	[sflag:s1] =	ssyncset.done @!p0 $0x0  }
0x47: {  	s23 =	simm.s32 $0x0;
	[sflag:s1] =	ssyncadd.s32 @!p0 $0xFFFFF000  }
0x48: {  	s22 =	simm.s32 $0x1880;
	s24 =	simm.s32 $0x0;
	[bflag:$0x0] =	sbarrier.arrive $0xFFFF  }
0x49: {  	[tilespmem:s23], [sflag:$0x2] =	stream.linear.gather [hbm4b:s15+s23], $0x3800, $0x38;
	[tilespmem:$0x1E900] =	vst v63  }
.LBB2_4:
0x4a: {  	s0 =	sshllo.u32 s24, $0x1  }
0x4b: {  	_ =	swait.ge [sflag:s16], $0x3800;
	[dreg:$0xe] =	wrdreg s0;
	s0 =	smul.u32 $0x700, s0  }
0x4c: {  	s1 =	simm.s32 $0x3800;
	[sflag:s16] =	ssyncset.done $0x0  }
0x4d: {  	s20 =	simm.s32 $0x1CF0;
	[sflag:s16] =	ssyncadd.s32 $0xFFFFC800;
	s0 =	sadd.s32 s15, s0  }
0x4e: {  	[tilespmem:s1], [sflag:$0x2] =	stream.linear.gather [hbm4b:s0+s13], $0x3800, $0x38;
	[tilespmem:$0x1E900] =	vst v63  }
0x4f: {  	v5 =	vld [tilespmem:s20+$0xFFFFFF10]  }
0x50: {  	v6 =	vld [tilespmem:s20+$0xFFFFE310];
	_ =	sdelay $0x3  }
0x51: {  	v7 =	vsub.s32 v5, v0;
	v5 =	vshll.u32 v5, $0xC  }
0x52: {  	vm0 =	vlt.u32 v7, $0x80;
	v5 =	vadd.s32 v6, v5  }
0x53: {  	v6 =	vmpcnt.ones.xlane vm0;
	[tilespmem:s23+$0x7000] =	vst.msk vm0, v5  }
0x54: {  	v5 =	vld [tilespmem:s20+$0xFFFFFF20]  }
0x55: {  	(v2sf) =	vpush v6, $0x0;
	_ =	sdelay $0x3  }
0x56: {  	v6 =	vsub.s32 v5, v0  }
0x57: {  	vm0 =	vlt.u32 v6, $0x80  }
0x58: {  	v6 =	vmpcnt.ones.xlane vm0;
	_ =	sdelay $0x1  }
0x59: {  	(v2sf) =	vpush v6, $0x0;
	_ =	sdelay $0x4  }
0x5a: {  	v6 =	vld [tilespmem:s20+$0xFFFFE320];
	_ =	sdelay $0x1  }
0x5b: {  	s21 =	spop (v2sf)  }
0x5c: {  	s3 =	sadd.s32 s23, s21  }
0x5d: {  	v5 =	vshll.u32 v5, $0xC;
	p0 =	slt.s32 s3, $0x3001  }
0x5e: {  	p6 =	slt.s32 s23, $0x0;
	v5 =	vadd.s32 v6, v5;
	s23 =	smov.u32 @p0 s3  }
0x5f: {  	[tilespmem:s23+$0x7000] =	vst.msk vm0, v5  }
0x60: {  	v5 =	vld [tilespmem:s20+$0xFFFFFF30]  }
0x61: {  	v6 =	vld [tilespmem:s20+$0xFFFFE330];
	_ =	sdelay $0x1  }
0x62: {  	s25 =	spop (v2sf)  }
0x63: {  	s2 =	sadd.s32 s23, s25  }
0x64: {  	p0 =	slt.s32 s2, $0x3001;
	v7 =	vsub.s32 v5, v0;
	v5 =	vshll.u32 v5, $0xC  }
0x65: {  	s23 =	smov.u32 @p0 s2;
	vm0 =	vlt.u32 v7, $0x80;
	v5 =	vadd.s32 v6, v5  }
0x66: {  	v6 =	vmpcnt.ones.xlane vm0;
	[tilespmem:s23+$0x7000] =	vst.msk vm0, v5  }
0x67: {  	v5 =	vld [tilespmem:s20+$0xFFFFFF40]  }
0x68: {  	(v2sf) =	vpush v6, $0x0;
	_ =	sdelay $0x3  }
0x69: {  	v6 =	vsub.s32 v5, v0  }
0x6a: {  	vm0 =	vlt.u32 v6, $0x80  }
0x6b: {  	v6 =	vmpcnt.ones.xlane vm0;
	_ =	sdelay $0x1  }
0x6c: {  	(v2sf) =	vpush v6, $0x0;
	_ =	sdelay $0x4  }
0x6d: {  	v6 =	vld [tilespmem:s20+$0xFFFFE340];
	_ =	sdelay $0x1  }
0x6e: {  	s26 =	spop (v2sf)  }
0x6f: {  	s1 =	sadd.s32 s23, s26  }
0x70: {  	v5 =	vshll.u32 v5, $0xC;
	p0 =	slt.s32 s1, $0x3001  }
0x71: {  	v5 =	vadd.s32 v6, v5;
	s23 =	smov.u32 @p0 s1  }
0x72: {  	[tilespmem:s23+$0x7000] =	vst.msk vm0, v5  }
0x73: {  	v5 =	vld [tilespmem:s20+$0xFFFFFF50]  }
0x74: {  	v6 =	vld [tilespmem:s20+$0xFFFFE350];
	_ =	sdelay $0x1  }
0x75: {  	s4 =	spop (v2sf)  }
0x76: {  	s4 =	sadd.s32 s23, s4  }
0x77: {  	p0 =	slt.s32 s4, $0x3001;
	v7 =	vsub.s32 v5, v0;
	v5 =	vshll.u32 v5, $0xC  }
0x78: {  	s23 =	smov.u32 @p0 s4;
	vm0 =	vlt.u32 v7, $0x80;
	v5 =	vadd.s32 v6, v5  }
0x79: {  	v6 =	vmpcnt.ones.xlane vm0;
	[tilespmem:s23+$0x7000] =	vst.msk vm0, v5  }
0x7a: {  	v5 =	vld [tilespmem:s20+$0xFFFFFF60]  }
0x7b: {  	(v2sf) =	vpush v6, $0x0;
	_ =	sdelay $0x3  }
0x7c: {  	v6 =	vsub.s32 v5, v0  }
0x7d: {  	vm0 =	vlt.u32 v6, $0x80  }
0x7e: {  	v6 =	vmpcnt.ones.xlane vm0;
	_ =	sdelay $0x1  }
0x7f: {  	(v2sf) =	vpush v6, $0x0;
	_ =	sdelay $0x4  }
0x80: {  	v6 =	vld [tilespmem:s20+$0xFFFFE360];
	_ =	sdelay $0x1  }
0x81: {  	s5 =	spop (v2sf)  }
0x82: {  	s5 =	sadd.s32 s23, s5  }
0x83: {  	v5 =	vshll.u32 v5, $0xC;
	p0 =	slt.s32 s5, $0x3001  }
0x84: {  	v5 =	vadd.s32 v6, v5;
	s23 =	smov.u32 @p0 s5  }
0x85: {  	[tilespmem:s23+$0x7000] =	vst.msk vm0, v5  }
0x86: {  	v5 =	vld [tilespmem:s20+$0xFFFFFF70]  }
0x87: {  	v6 =	vld [tilespmem:s20+$0xFFFFE370];
	_ =	sdelay $0x1  }
0x88: {  	s6 =	spop (v2sf)  }
0x89: {  	s6 =	sadd.s32 s23, s6  }
0x8a: {  	p0 =	slt.s32 s6, $0x3001;
	v7 =	vsub.s32 v5, v0;
	v5 =	vshll.u32 v5, $0xC  }
0x8b: {  	s23 =	smov.u32 @p0 s6;
	vm0 =	vlt.u32 v7, $0x80;
	v5 =	vadd.s32 v6, v5  }
0x8c: {  	v6 =	vmpcnt.ones.xlane vm0;
	[tilespmem:s23+$0x7000] =	vst.msk vm0, v5  }
0x8d: {  	v5 =	vld [tilespmem:s20+$0xFFFFFF80]  }
0x8e: {  	(v2sf) =	vpush v6, $0x0;
	_ =	sdelay $0x3  }
0x8f: {  	v6 =	vsub.s32 v5, v0  }
0x90: {  	vm0 =	vlt.u32 v6, $0x80  }
0x91: {  	v6 =	vmpcnt.ones.xlane vm0;
	_ =	sdelay $0x1  }
0x92: {  	(v2sf) =	vpush v6, $0x0;
	_ =	sdelay $0x4  }
0x93: {  	v6 =	vld [tilespmem:s20+$0xFFFFE380];
	_ =	sdelay $0x1  }
0x94: {  	s7 =	spop (v2sf)  }
0x95: {  	s7 =	sadd.s32 s23, s7  }
0x96: {  	v5 =	vshll.u32 v5, $0xC;
	p0 =	slt.s32 s7, $0x3001  }
0x97: {  	v5 =	vadd.s32 v6, v5;
	s23 =	smov.u32 @p0 s7  }
0x98: {  	[tilespmem:s23+$0x7000] =	vst.msk vm0, v5  }
0x99: {  	v5 =	vld [tilespmem:s20+$0xFFFFFF90]  }
0x9a: {  	v6 =	vld [tilespmem:s20+$0xFFFFE390];
	_ =	sdelay $0x1  }
0x9b: {  	s8 =	spop (v2sf)  }
0x9c: {  	s8 =	sadd.s32 s23, s8  }
0x9d: {  	p0 =	slt.s32 s8, $0x3001;
	v7 =	vsub.s32 v5, v0;
	v5 =	vshll.u32 v5, $0xC  }
0x9e: {  	s23 =	smov.u32 @p0 s8;
	vm0 =	vlt.u32 v7, $0x80;
	v5 =	vadd.s32 v6, v5  }
0x9f: {  	v6 =	vmpcnt.ones.xlane vm0;
	[tilespmem:s23+$0x7000] =	vst.msk vm0, v5  }
0xa0: {  	v5 =	vld [tilespmem:s20+$0xFFFFFFA0]  }
0xa1: {  	(v2sf) =	vpush v6, $0x0;
	_ =	sdelay $0x3  }
0xa2: {  	v6 =	vsub.s32 v5, v0  }
0xa3: {  	vm0 =	vlt.u32 v6, $0x80  }
0xa4: {  	v6 =	vmpcnt.ones.xlane vm0;
	_ =	sdelay $0x1  }
0xa5: {  	(v2sf) =	vpush v6, $0x0;
	_ =	sdelay $0x4  }
0xa6: {  	v6 =	vld [tilespmem:s20+$0xFFFFE3A0];
	_ =	sdelay $0x1  }
0xa7: {  	s9 =	spop (v2sf)  }
0xa8: {  	s9 =	sadd.s32 s23, s9  }
0xa9: {  	v5 =	vshll.u32 v5, $0xC;
	p0 =	slt.s32 s9, $0x3001  }
0xaa: {  	v5 =	vadd.s32 v6, v5;
	s23 =	smov.u32 @p0 s9  }
0xab: {  	[tilespmem:s23+$0x7000] =	vst.msk vm0, v5  }
0xac: {  	v5 =	vld [tilespmem:s20+$0xFFFFFFB0]  }
0xad: {  	v6 =	vld [tilespmem:s20+$0xFFFFE3B0];
	_ =	sdelay $0x1  }
0xae: {  	s10 =	spop (v2sf)  }
0xaf: {  	s10 =	sadd.s32 s23, s10  }
0xb0: {  	p0 =	slt.s32 s10, $0x3001;
	v7 =	vsub.s32 v5, v0;
	v5 =	vshll.u32 v5, $0xC  }
0xb1: {  	s23 =	smov.u32 @p0 s10;
	vm0 =	vlt.u32 v7, $0x80;
	v5 =	vadd.s32 v6, v5  }
0xb2: {  	v6 =	vmpcnt.ones.xlane vm0;
	[tilespmem:s23+$0x7000] =	vst.msk vm0, v5  }
0xb3: {  	v5 =	vld [tilespmem:s20+$0xFFFFFFC0]  }
0xb4: {  	(v2sf) =	vpush v6, $0x0;
	_ =	sdelay $0x3  }
0xb5: {  	v6 =	vsub.s32 v5, v0  }
0xb6: {  	vm0 =	vlt.u32 v6, $0x80  }
0xb7: {  	v6 =	vmpcnt.ones.xlane vm0;
	_ =	sdelay $0x1  }
0xb8: {  	(v2sf) =	vpush v6, $0x0;
	_ =	sdelay $0x4  }
0xb9: {  	v6 =	vld [tilespmem:s20+$0xFFFFE3C0];
	_ =	sdelay $0x1  }
0xba: {  	s11 =	spop (v2sf)  }
0xbb: {  	s11 =	sadd.s32 s23, s11  }
0xbc: {  	v5 =	vshll.u32 v5, $0xC;
	p0 =	slt.s32 s11, $0x3001  }
0xbd: {  	v5 =	vadd.s32 v6, v5;
	s23 =	smov.u32 @p0 s11  }
0xbe: {  	[tilespmem:s23+$0x7000] =	vst.msk vm0, v5  }
0xbf: {  	v5 =	vld [tilespmem:s20+$0xFFFFFFD0]  }
0xc0: {  	v6 =	vld [tilespmem:s20+$0xFFFFE3D0];
	_ =	sdelay $0x1  }
0xc1: {  	s12 =	spop (v2sf)  }
0xc2: {  	s12 =	sadd.s32 s23, s12  }
0xc3: {  	p0 =	slt.s32 s12, $0x3001;
	v7 =	vsub.s32 v5, v0;
	v5 =	vshll.u32 v5, $0xC  }
0xc4: {  	s23 =	smov.u32 @p0 s12;
	vm0 =	vlt.u32 v7, $0x80;
	v5 =	vadd.s32 v6, v5  }
0xc5: {  	v6 =	vmpcnt.ones.xlane vm0;
	[tilespmem:s23+$0x7000] =	vst.msk vm0, v5  }
0xc6: {  	v5 =	vld [tilespmem:s20+$0xFFFFFFE0]  }
0xc7: {  	(v2sf) =	vpush v6, $0x0;
	_ =	sdelay $0x3  }
0xc8: {  	v6 =	vsub.s32 v5, v0  }
0xc9: {  	vm0 =	vlt.u32 v6, $0x80  }
0xca: {  	v6 =	vmpcnt.ones.xlane vm0;
	_ =	sdelay $0x1  }
0xcb: {  	(v2sf) =	vpush v6, $0x0;
	_ =	sdelay $0x4  }
0xcc: {  	v6 =	vld [tilespmem:s20+$0xFFFFE3E0];
	_ =	sdelay $0x1  }
0xcd: {  	s29 =	spop (v2sf)  }
0xce: {  	s13 =	sadd.s32 s23, s29  }
0xcf: {  	v5 =	vshll.u32 v5, $0xC;
	p0 =	slt.s32 s13, $0x3001  }
0xd0: {  	v5 =	vadd.s32 v6, v5;
	s23 =	smov.u32 @p0 s13  }
0xd1: {  	[tilespmem:s23+$0x7000] =	vst.msk vm0, v5  }
0xd2: {  	v5 =	vld [tilespmem:s20+$0xFFFFFFF0]  }
0xd3: {  	v6 =	vld [tilespmem:s20+$0xFFFFE3F0];
	_ =	sdelay $0x1  }
0xd4: {  	s14 =	spop (v2sf)  }
0xd5: {  	s14 =	sadd.s32 s23, s14  }
0xd6: {  	p0 =	slt.s32 s14, $0x3001;
	v7 =	vsub.s32 v5, v0;
	v5 =	vshll.u32 v5, $0xC  }
0xd7: {  	s23 =	smov.u32 @p0 s14;
	vm0 =	vlt.u32 v7, $0x80;
	v5 =	vadd.s32 v6, v5  }
0xd8: {  	v6 =	vmpcnt.ones.xlane vm0;
	[tilespmem:s23+$0x7000] =	vst.msk vm0, v5  }
0xd9: {  	v5 =	vld [tilespmem:s20+$0x0]  }
0xda: {  	(v2sf) =	vpush v6, $0x0;
	_ =	sdelay $0x3  }
0xdb: {  	v6 =	vsub.s32 v5, v0  }
0xdc: {  	vm0 =	vlt.u32 v6, $0x80  }
0xdd: {  	v6 =	vmpcnt.ones.xlane vm0;
	_ =	sdelay $0x1  }
0xde: {  	(v2sf) =	vpush v6, $0x0;
	_ =	sdelay $0x2  }
0xdf: {  	p1 =	sgt.s32 s3, $0x3000;
	p4 =	sgt.s32 s2, $0x3000  }
0xe0: {  	p2 =	sgt.s32 s1, $0x3000;
	p0 =	por p1, p4  }
0xe1: {  	p5 =	sgt.s32 s4, $0x3000;
	p0 =	por p0, p2;
	v6 =	vld [tilespmem:s20+$0xFFFFE400]  }
0xe2: {  	p3 =	sgt.s32 s5, $0x3000;
	p0 =	por p0, p5  }
0xe3: {  	p4 =	sgt.s32 s6, $0x3000;
	p0 =	por p0, p3;
	s30 =	spop (v2sf)  }
0xe4: {  	p5 =	sgt.s32 s7, $0x3000;
	p0 =	por p0, p4;
	s0 =	sadd.s32 s23, s30  }
0xe5: {  	p3 =	sgt.s32 s8, $0x3000;
	p0 =	por p0, p5;
	v5 =	vshll.u32 v5, $0xC;
	p2 =	slt.s32 s0, $0x3001  }
0xe6: {  	p4 =	sgt.s32 s9, $0x3000;
	p0 =	por p0, p3;
	v5 =	vadd.s32 v6, v5;
	s23 =	smov.u32 @p2 s0  }
0xe7: {  	s26 =	simm.s32 $0x1DF0;
	p5 =	sgt.s32 s10, $0x3000;
	p0 =	por p0, p4;
	[tilespmem:s23+$0x7000] =	vst.msk vm0, v5  }
0xe8: {  	p3 =	sgt.s32 s11, $0x3000;
	p0 =	por p0, p5;
	v5 =	vld [tilespmem:s26+$0xFFFFFF10]  }
0xe9: {  	p4 =	sgt.s32 s12, $0x3000;
	p0 =	por p0, p3;
	v6 =	vld [tilespmem:s26+$0xFFFFE310]  }
0xea: {  	p5 =	sgt.s32 s13, $0x3000;
	p0 =	por p0, p4  }
0xeb: {  	p3 =	sgt.s32 s14, $0x3000;
	p0 =	por p0, p5;
	s31 =	spop (v2sf)  }
0xec: {  	p0 =	por p0, p3;
	p4 =	sgt.s32 s0, $0x3000;
	s0 =	sadd.s32 s23, s31  }
0xed: {  	p0 =	por p0, p4;
	v7 =	vsub.s32 v5, v0;
	v5 =	vshll.u32 v5, $0xC;
	p1 =	slt.s32 s0, $0x3001;
	p5 =	sgt.s32 s0, $0x3000  }
0xee: {  	s28 =	simm.s32 $0x10;
	s23 =	smov.u32 @p1 s0;
	p3 =	por p0, p5;
	vm0 =	vlt.u32 v7, $0x80;
	v5 =	vadd.s32 v6, v5  }
.LBB2_5:
0xef: {  	v6 =	vmpcnt.ones.xlane vm0;
	[tilespmem:s23+$0x7000] =	vst.msk vm0, v5  }
0xf0: {  	v5 =	vld [tilespmem:s26+$0xFFFFFF20]  }
0xf1: {  	(v2sf) =	vpush v6, $0x0;
	_ =	sdelay $0x3  }
0xf2: {  	v6 =	vsub.s32 v5, v0  }
0xf3: {  	vm0 =	vlt.u32 v6, $0x80  }
0xf4: {  	v6 =	vmpcnt.ones.xlane vm0;
	_ =	sdelay $0x1  }
0xf5: {  	(v2sf) =	vpush v6, $0x0;
	_ =	sdelay $0x4  }
0xf6: {  	v6 =	vld [tilespmem:s26+$0xFFFFE320]  }
0xf7: {  	s28 =	sadd.s32 $0x10, s28  }
0xf8: {  	p0 =	slt.u32 s28, $0x1B0;
	s20 =	spop (v2sf)  }
0xf9: {  	s0 =	simm.s32 @!p0 $0x0;
	s29 =	sadd.s32 s23, s20  }
0xfa: {  	s0 =	simm.s32 @p0 $0x1;
	v5 =	vshll.u32 v5, $0xC;
	p0 =	slt.s32 s29, $0x3001  }
0xfb: {  	v5 =	vadd.s32 v6, v5;
	s23 =	smov.u32 @p0 s29  }
0xfc: {  	[tilespmem:s23+$0x7000] =	vst.msk vm0, v5  }
0xfd: {  	v5 =	vld [tilespmem:s26+$0xFFFFFF30]  }
0xfe: {  	v6 =	vld [tilespmem:s26+$0xFFFFE330];
	_ =	sdelay $0x1  }
0xff: {  	s21 =	spop (v2sf)  }
0x100: {  	[smem:$0x7FC] =	sst s0;
	s0 =	sadd.s32 s23, s21  }
0x101: {  	p0 =	slt.s32 s0, $0x3001;
	v7 =	vsub.s32 v5, v0;
	v5 =	vshll.u32 v5, $0xC  }
0x102: {  	s23 =	smov.u32 @p0 s0;
	vm0 =	vlt.u32 v7, $0x80;
	v5 =	vadd.s32 v6, v5  }
0x103: {  	v6 =	vmpcnt.ones.xlane vm0;
	[tilespmem:s23+$0x7000] =	vst.msk vm0, v5  }
0x104: {  	v5 =	vld [tilespmem:s26+$0xFFFFFF40]  }
0x105: {  	(v2sf) =	vpush v6, $0x0;
	_ =	sdelay $0x3  }
0x106: {  	v6 =	vsub.s32 v5, v0  }
0x107: {  	vm0 =	vlt.u32 v6, $0x80  }
0x108: {  	v6 =	vmpcnt.ones.xlane vm0;
	_ =	sdelay $0x1  }
0x109: {  	(v2sf) =	vpush v6, $0x0;
	_ =	sdelay $0x4  }
0x10a: {  	v6 =	vld [tilespmem:s26+$0xFFFFE340];
	_ =	sdelay $0x1  }
0x10b: {  	s25 =	spop (v2sf)  }
0x10c: {  	p1 =	sgt.s32 s0, $0x3000;
	s0 =	sadd.s32 s23, s25  }
0x10d: {  	v5 =	vshll.u32 v5, $0xC;
	p0 =	slt.s32 s0, $0x3001  }
0x10e: {  	v5 =	vadd.s32 v6, v5;
	s23 =	smov.u32 @p0 s0  }
0x10f: {  	[tilespmem:s23+$0x7000] =	vst.msk vm0, v5  }
0x110: {  	v5 =	vld [tilespmem:s26+$0xFFFFFF50]  }
0x111: {  	v6 =	vld [tilespmem:s26+$0xFFFFE350];
	_ =	sdelay $0x1  }
0x112: {  	s30 =	spop (v2sf)  }
0x113: {  	p2 =	sgt.s32 s0, $0x3000;
	s0 =	sadd.s32 s23, s30  }
0x114: {  	p0 =	slt.s32 s0, $0x3001;
	v7 =	vsub.s32 v5, v0;
	v5 =	vshll.u32 v5, $0xC  }
0x115: {  	s23 =	smov.u32 @p0 s0;
	vm0 =	vlt.u32 v7, $0x80;
	v5 =	vadd.s32 v6, v5  }
0x116: {  	v6 =	vmpcnt.ones.xlane vm0;
	[tilespmem:s23+$0x7000] =	vst.msk vm0, v5  }
0x117: {  	v5 =	vld [tilespmem:s26+$0xFFFFFF60]  }
0x118: {  	(v2sf) =	vpush v6, $0x0;
	_ =	sdelay $0x3  }
0x119: {  	v6 =	vsub.s32 v5, v0  }
0x11a: {  	vm0 =	vlt.u32 v6, $0x80  }
0x11b: {  	v6 =	vmpcnt.ones.xlane vm0;
	_ =	sdelay $0x1  }
0x11c: {  	(v2sf) =	vpush v6, $0x0;
	_ =	sdelay $0x4  }
0x11d: {  	v6 =	vld [tilespmem:s26+$0xFFFFE360];
	_ =	sdelay $0x1  }
0x11e: {  	s31 =	spop (v2sf)  }
0x11f: {  	p5 =	por p6, p3;
	p3 =	sgt.s32 s0, $0x3000;
	s0 =	sadd.s32 s23, s31  }
0x120: {  	v5 =	vshll.u32 v5, $0xC;
	p0 =	slt.s32 s0, $0x3001  }
0x121: {  	v5 =	vadd.s32 v6, v5;
	s23 =	smov.u32 @p0 s0  }
0x122: {  	s1 =	simm.s32 @!p3 $0x0;
	[tilespmem:s23+$0x7000] =	vst.msk vm0, v5  }
0x123: {  	s1 =	simm.s32 @p3 $0x1;
	p3 =	sgt.s32 s0, $0x3000;
	v5 =	vld [tilespmem:s26+$0xFFFFFF70]  }
0x124: {  	[smem:$0x7F3] =	sst s1;
	s1 =	simm.s32 @!p3 $0x0;
	v6 =	vld [tilespmem:s26+$0xFFFFE370]  }
0x125: {  	s1 =	simm.s32 @p3 $0x1  }
0x126: {  	[smem:$0x7F4] =	sst s1;
	s1 =	spop (v2sf)  }
0x127: {  	s0 =	sadd.s32 s23, s1  }
0x128: {  	p0 =	slt.s32 s0, $0x3001;
	v7 =	vsub.s32 v5, v0;
	v5 =	vshll.u32 v5, $0xC  }
0x129: {  	s23 =	smov.u32 @p0 s0;
	vm0 =	vlt.u32 v7, $0x80;
	v5 =	vadd.s32 v6, v5  }
0x12a: {  	v6 =	vmpcnt.ones.xlane vm0;
	[tilespmem:s23+$0x7000] =	vst.msk vm0, v5  }
0x12b: {  	v5 =	vld [tilespmem:s26+$0xFFFFFF80]  }
0x12c: {  	(v2sf) =	vpush v6, $0x0;
	_ =	sdelay $0x3  }
0x12d: {  	v6 =	vsub.s32 v5, v0  }
0x12e: {  	vm0 =	vlt.u32 v6, $0x80  }
0x12f: {  	v6 =	vmpcnt.ones.xlane vm0;
	_ =	sdelay $0x1  }
0x130: {  	(v2sf) =	vpush v6, $0x0;
	_ =	sdelay $0x4  }
0x131: {  	v6 =	vld [tilespmem:s26+$0xFFFFE380];
	_ =	sdelay $0x1  }
0x132: {  	s2 =	spop (v2sf)  }
0x133: {  	p3 =	sgt.s32 s0, $0x3000;
	s0 =	sadd.s32 s23, s2  }
0x134: {  	v5 =	vshll.u32 v5, $0xC;
	p0 =	slt.s32 s0, $0x3001  }
0x135: {  	v5 =	vadd.s32 v6, v5;
	s23 =	smov.u32 @p0 s0  }
0x136: {  	[tilespmem:s23+$0x7000] =	vst.msk vm0, v5  }
0x137: {  	v5 =	vld [tilespmem:s26+$0xFFFFFF90]  }
0x138: {  	v6 =	vld [tilespmem:s26+$0xFFFFE390];
	_ =	sdelay $0x1  }
0x139: {  	s1 =	simm.s32 @!p3 $0x0;
	s3 =	spop (v2sf)  }
0x13a: {  	s1 =	simm.s32 @p3 $0x1;
	p3 =	sgt.s32 s0, $0x3000;
	s0 =	sadd.s32 s23, s3  }
0x13b: {  	p0 =	slt.s32 s0, $0x3001;
	v7 =	vsub.s32 v5, v0;
	v5 =	vshll.u32 v5, $0xC  }
0x13c: {  	s23 =	smov.u32 @p0 s0;
	vm0 =	vlt.u32 v7, $0x80;
	v5 =	vadd.s32 v6, v5  }
0x13d: {  	v6 =	vmpcnt.ones.xlane vm0;
	[tilespmem:s23+$0x7000] =	vst.msk vm0, v5  }
0x13e: {  	v5 =	vld [tilespmem:s26+$0xFFFFFFA0]  }
0x13f: {  	(v2sf) =	vpush v6, $0x0;
	_ =	sdelay $0x3  }
0x140: {  	v6 =	vsub.s32 v5, v0  }
0x141: {  	vm0 =	vlt.u32 v6, $0x80  }
0x142: {  	v6 =	vmpcnt.ones.xlane vm0;
	_ =	sdelay $0x1  }
0x143: {  	(v2sf) =	vpush v6, $0x0;
	_ =	sdelay $0x4  }
0x144: {  	v7 =	vld [tilespmem:s26+$0xFFFFE3A0];
	_ =	sdelay $0x1  }
0x145: {  	[smem:$0x7F5] =	sst s1;
	s1 =	simm.s32 @!p3 $0x0;
	s4 =	spop (v2sf)  }
0x146: {  	s1 =	simm.s32 @p3 $0x1;
	p3 =	sgt.s32 s0, $0x3000;
	s0 =	sadd.s32 s23, s4  }
0x147: {  	v5 =	vshll.u32 v5, $0xC;
	p0 =	slt.s32 s0, $0x3001  }
0x148: {  	v5 =	vadd.s32 v7, v5;
	s23 =	smov.u32 @p0 s0  }
0x149: {  	[tilespmem:s23+$0x7000] =	vst.msk vm0, v5  }
0x14a: {  	v5 =	vld [tilespmem:s26+$0xFFFFFFB0]  }
0x14b: {  	v6 =	vld [tilespmem:s26+$0xFFFFE3B0];
	_ =	sdelay $0x1  }
0x14c: {  	[smem:$0x7F6] =	sst s1;
	s1 =	simm.s32 @!p3 $0x0;
	s5 =	spop (v2sf)  }
0x14d: {  	s1 =	simm.s32 @p3 $0x1;
	p3 =	sgt.s32 s0, $0x3000;
	s0 =	sadd.s32 s23, s5  }
0x14e: {  	p0 =	slt.s32 s0, $0x3001;
	v7 =	vsub.s32 v5, v0;
	v5 =	vshll.u32 v5, $0xC  }
0x14f: {  	s23 =	smov.u32 @p0 s0;
	vm0 =	vlt.u32 v7, $0x80;
	v5 =	vadd.s32 v6, v5  }
0x150: {  	v6 =	vmpcnt.ones.xlane vm0;
	[tilespmem:s23+$0x7000] =	vst.msk vm0, v5  }
0x151: {  	v5 =	vld [tilespmem:s26+$0xFFFFFFC0]  }
0x152: {  	(v2sf) =	vpush v6, $0x0;
	_ =	sdelay $0x3  }
0x153: {  	v6 =	vsub.s32 v5, v0  }
0x154: {  	vm0 =	vlt.u32 v6, $0x80  }
0x155: {  	v6 =	vmpcnt.ones.xlane vm0;
	_ =	sdelay $0x1  }
0x156: {  	(v2sf) =	vpush v6, $0x0;
	_ =	sdelay $0x4  }
0x157: {  	v7 =	vld [tilespmem:s26+$0xFFFFE3C0];
	_ =	sdelay $0x1  }
0x158: {  	[smem:$0x7F7] =	sst s1;
	s1 =	simm.s32 @!p3 $0x0;
	s6 =	spop (v2sf)  }
0x159: {  	s1 =	simm.s32 @p3 $0x1;
	p3 =	sgt.s32 s0, $0x3000;
	s0 =	sadd.s32 s23, s6  }
0x15a: {  	v5 =	vshll.u32 v5, $0xC;
	p0 =	slt.s32 s0, $0x3001  }
0x15b: {  	v5 =	vadd.s32 v7, v5;
	s23 =	smov.u32 @p0 s0  }
0x15c: {  	[tilespmem:s23+$0x7000] =	vst.msk vm0, v5  }
0x15d: {  	v5 =	vld [tilespmem:s26+$0xFFFFFFD0]  }
0x15e: {  	v6 =	vld [tilespmem:s26+$0xFFFFE3D0];
	_ =	sdelay $0x1  }
0x15f: {  	[smem:$0x7F8] =	sst s1;
	s1 =	simm.s32 @!p3 $0x0;
	s7 =	spop (v2sf)  }
0x160: {  	s1 =	simm.s32 @p3 $0x1;
	p3 =	sgt.s32 s0, $0x3000;
	s0 =	sadd.s32 s23, s7  }
0x161: {  	p0 =	slt.s32 s0, $0x3001;
	v7 =	vsub.s32 v5, v0;
	v5 =	vshll.u32 v5, $0xC  }
0x162: {  	s23 =	smov.u32 @p0 s0;
	vm0 =	vlt.u32 v7, $0x80;
	v5 =	vadd.s32 v6, v5  }
0x163: {  	v6 =	vmpcnt.ones.xlane vm0;
	[tilespmem:s23+$0x7000] =	vst.msk vm0, v5  }
0x164: {  	v5 =	vld [tilespmem:s26+$0xFFFFFFE0]  }
0x165: {  	(v2sf) =	vpush v6, $0x0;
	_ =	sdelay $0x3  }
0x166: {  	v6 =	vsub.s32 v5, v0  }
0x167: {  	vm0 =	vlt.u32 v6, $0x80  }
0x168: {  	v6 =	vmpcnt.ones.xlane vm0;
	_ =	sdelay $0x1  }
0x169: {  	(v2sf) =	vpush v6, $0x0;
	_ =	sdelay $0x4  }
0x16a: {  	v7 =	vld [tilespmem:s26+$0xFFFFE3E0];
	_ =	sdelay $0x1  }
0x16b: {  	[smem:$0x7F9] =	sst s1;
	s1 =	simm.s32 @!p3 $0x0;
	s8 =	spop (v2sf)  }
0x16c: {  	s1 =	simm.s32 @p3 $0x1;
	p3 =	sgt.s32 s0, $0x3000;
	s0 =	sadd.s32 s23, s8  }
0x16d: {  	v5 =	vshll.u32 v5, $0xC;
	p0 =	slt.s32 s0, $0x3001  }
0x16e: {  	v5 =	vadd.s32 v7, v5;
	s23 =	smov.u32 @p0 s0  }
0x16f: {  	[tilespmem:s23+$0x7000] =	vst.msk vm0, v5  }
0x170: {  	v5 =	vld [tilespmem:s26+$0xFFFFFFF0]  }
0x171: {  	v6 =	vld [tilespmem:s26+$0xFFFFE3F0];
	_ =	sdelay $0x1  }
0x172: {  	s9 =	spop (v2sf)  }
0x173: {  	p4 =	sgt.s32 s0, $0x3000;
	s0 =	sadd.s32 s23, s9  }
0x174: {  	p0 =	slt.s32 s0, $0x3001;
	v7 =	vsub.s32 v5, v0;
	v5 =	vshll.u32 v5, $0xC  }
0x175: {  	s23 =	smov.u32 @p0 s0;
	vm0 =	vlt.u32 v7, $0x80;
	v5 =	vadd.s32 v6, v5  }
0x176: {  	[tilespmem:s23+$0x7000] =	vst.msk vm0, v5  }
0x177: {  	v5 =	vld [tilespmem:s26+$0x0];
	_ =	sdelay $0x2  }
0x178: {  	v6 =	vmpcnt.ones.xlane vm0;
	_ =	sdelay $0x1  }
0x179: {  	(v2sf) =	vpush v6, $0x0;
	v6 =	vsub.s32 v5, v0  }
0x17a: {  	s10 =	sld [smem:$0x7F3];
	vm0 =	vlt.u32 v6, $0x80  }
0x17b: {  	s31 =	sld [smem:$0x7FC];
	v6 =	vmpcnt.ones.xlane vm0  }
0x17c: {  	s11 =	sld [smem:$0x7F4]  }
0x17d: {  	s13 =	sld [smem:$0x7F5];
	(v2sf) =	vpush v6, $0x0  }
0x17e: {  	s14 =	sld [smem:$0x7F6]  }
0x17f: {  	s18 =	sld [smem:$0x7F7]  }
0x180: {  	p6 =	sgt.s32 s29, $0x3000;
	s20 =	sld [smem:$0x7F8]  }
0x181: {  	s21 =	sld [smem:$0x7F9];
	p0 =	por p6, p1  }
0x182: {  	[smem:$0x7FA] =	sst s1;
	p6 =	seq.s32 s10, $0x1;
	p0 =	por p0, p2  }
0x183: {  	s25 =	sld [smem:$0x7FA];
	p2 =	seq.s32 s11, $0x1;
	p0 =	por p0, p6  }
0x184: {  	s1 =	simm.s32 @!p3 $0x0;
	p6 =	seq.s32 s13, $0x1;
	p0 =	por p0, p2  }
0x185: {  	s1 =	simm.s32 @p3 $0x1;
	p2 =	seq.s32 s14, $0x1;
	p0 =	por p0, p6  }
0x186: {  	[smem:$0x7FB] =	sst s1;
	p6 =	seq.s32 s18, $0x1;
	p0 =	por p0, p2  }
0x187: {  	s29 =	sld [smem:$0x7FB];
	v7 =	vld [tilespmem:s26+$0xFFFFE400];
	p0 =	por p0, p6;
	p6 =	seq.s32 s20, $0x1  }
0x188: {  	p3 =	sgt.s32 s0, $0x3000;
	p0 =	por p0, p6;
	p6 =	seq.s32 s21, $0x1  }
0x189: {  	p0 =	por p0, p6;
	p6 =	seq.s32 s25, $0x1;
	s12 =	spop (v2sf)  }
0x18a: {  	p0 =	por p0, p6;
	p6 =	seq.s32 s29, $0x1;
	s0 =	sadd.s32 s23, s12  }
0x18b: {  	s26 =	sadd.s32 $0x100, s26;
	v5 =	vshll.u32 v5, $0xC;
	p0 =	por p0, p6;
	p1 =	slt.s32 s0, $0x3001  }
0x18c: {  	v5 =	vadd.s32 v7, v5;
	p0 =	por p0, p4;
	s23 =	smov.u32 @p1 s0;
	s30 =	spop (v2sf)  }
0x18d: {  	p0 =	por p0, p3;
	p2 =	sgt.s32 s0, $0x3000;
	[tilespmem:s23+$0x7000] =	vst.msk vm0, v5;
	s0 =	sadd.s32 s23, s30  }
0x18e: {  	p6 =	por p5, p5;
	p0 =	por p0, p2;
	v5 =	vld [tilespmem:s26+$0xFFFFFF10];
	p5 =	sgt.s32 s0, $0x3000  }
0x18f: {  	v6 =	vld [tilespmem:s26+$0xFFFFE310];
	p3 =	por p0, p5;
	p0 =	seq.s32 s31, $0x1  }
.Ltmp3:
0x190: {  	_ = 	snop;
	(pc) =	sbr.rel @p0 .LBB2_5-.Ltmp3, $3  }
0x191: {  	_ =	sdelay $0x1  }
0x192: {  	v7 =	vsub.s32 v5, v0;
	v5 =	vshll.u32 v5, $0xC;
	p1 =	slt.s32 s0, $0x3001  }
0x193: {  	vm0 =	vlt.u32 v7, $0x80;
	v5 =	vadd.s32 v6, v5;
	s23 =	smov.u32 @p1 s0  }
0x194: {  	v6 =	vmpcnt.ones.xlane vm0;
	[tilespmem:s23+$0x7000] =	vst.msk vm0, v5  }
0x195: {  	v5 =	vld [tilespmem:s26+$0xFFFFFF20]  }
0x196: {  	(v2sf) =	vpush v6, $0x0;
	_ =	sdelay $0x3  }
0x197: {  	v6 =	vsub.s32 v5, v0  }
0x198: {  	vm0 =	vlt.u32 v6, $0x80  }
0x199: {  	v6 =	vmpcnt.ones.xlane vm0;
	_ =	sdelay $0x1  }
0x19a: {  	(v2sf) =	vpush v6, $0x0;
	_ =	sdelay $0x4  }
0x19b: {  	v6 =	vld [tilespmem:s26+$0xFFFFE320];
	_ =	sdelay $0x1  }
0x19c: {  	s0 =	spop (v2sf)  }
0x19d: {  	s0 =	sadd.s32 s23, s0  }
0x19e: {  	v5 =	vshll.u32 v5, $0xC;
	p0 =	slt.s32 s0, $0x3001  }
0x19f: {  	v5 =	vadd.s32 v6, v5;
	s23 =	smov.u32 @p0 s0  }
0x1a0: {  	[tilespmem:s23+$0x7000] =	vst.msk vm0, v5  }
0x1a1: {  	v5 =	vld [tilespmem:s26+$0xFFFFFF30]  }
0x1a2: {  	v6 =	vld [tilespmem:s26+$0xFFFFE330];
	_ =	sdelay $0x1  }
0x1a3: {  	s8 =	spop (v2sf)  }
0x1a4: {  	s31 =	sadd.s32 s23, s8  }
0x1a5: {  	p0 =	slt.s32 s31, $0x3001;
	v7 =	vsub.s32 v5, v0;
	v5 =	vshll.u32 v5, $0xC  }
0x1a6: {  	s23 =	smov.u32 @p0 s31;
	vm0 =	vlt.u32 v7, $0x80;
	v5 =	vadd.s32 v6, v5  }
0x1a7: {  	v6 =	vmpcnt.ones.xlane vm0;
	[tilespmem:s23+$0x7000] =	vst.msk vm0, v5  }
0x1a8: {  	v5 =	vld [tilespmem:s26+$0xFFFFFF40]  }
0x1a9: {  	(v2sf) =	vpush v6, $0x0;
	_ =	sdelay $0x3  }
0x1aa: {  	v6 =	vsub.s32 v5, v0  }
0x1ab: {  	vm0 =	vlt.u32 v6, $0x80  }
0x1ac: {  	v6 =	vmpcnt.ones.xlane vm0;
	_ =	sdelay $0x1  }
0x1ad: {  	(v2sf) =	vpush v6, $0x0;
	_ =	sdelay $0x4  }
0x1ae: {  	v6 =	vld [tilespmem:s26+$0xFFFFE340];
	_ =	sdelay $0x1  }
0x1af: {  	s9 =	spop (v2sf)  }
0x1b0: {  	[dreg:$0xf] =	wrdreg s0;
	s0 =	sadd.s32 s23, s9  }
0x1b1: {  	v5 =	vshll.u32 v5, $0xC;
	p0 =	slt.s32 s0, $0x3001  }
0x1b2: {  	v5 =	vadd.s32 v6, v5;
	s23 =	smov.u32 @p0 s0  }
0x1b3: {  	[tilespmem:s23+$0x7000] =	vst.msk vm0, v5  }
0x1b4: {  	v5 =	vld [tilespmem:s26+$0xFFFFFF50]  }
0x1b5: {  	v6 =	vld [tilespmem:s26+$0xFFFFE350];
	_ =	sdelay $0x1  }
0x1b6: {  	s10 =	spop (v2sf)  }
0x1b7: {  	[dreg:$0x10] =	wrdreg s0;
	s0 =	sadd.s32 s23, s10  }
0x1b8: {  	p0 =	slt.s32 s0, $0x3001;
	v7 =	vsub.s32 v5, v0;
	v5 =	vshll.u32 v5, $0xC  }
0x1b9: {  	s23 =	smov.u32 @p0 s0;
	vm0 =	vlt.u32 v7, $0x80;
	v5 =	vadd.s32 v6, v5  }
0x1ba: {  	v6 =	vmpcnt.ones.xlane vm0;
	[tilespmem:s23+$0x7000] =	vst.msk vm0, v5  }
0x1bb: {  	v5 =	vld [tilespmem:s26+$0xFFFFFF60]  }
0x1bc: {  	(v2sf) =	vpush v6, $0x0;
	_ =	sdelay $0x3  }
0x1bd: {  	v6 =	vsub.s32 v5, v0  }
0x1be: {  	vm0 =	vlt.u32 v6, $0x80  }
0x1bf: {  	v6 =	vmpcnt.ones.xlane vm0;
	_ =	sdelay $0x1  }
0x1c0: {  	(v2sf) =	vpush v6, $0x0;
	_ =	sdelay $0x4  }
0x1c1: {  	v6 =	vld [tilespmem:s26+$0xFFFFE360];
	_ =	sdelay $0x1  }
0x1c2: {  	s11 =	spop (v2sf)  }
0x1c3: {  	[dreg:$0x11] =	wrdreg s0;
	s0 =	sadd.s32 s23, s11  }
0x1c4: {  	v5 =	vshll.u32 v5, $0xC;
	p0 =	slt.s32 s0, $0x3001  }
0x1c5: {  	v5 =	vadd.s32 v6, v5;
	s23 =	smov.u32 @p0 s0  }
0x1c6: {  	[tilespmem:s23+$0x7000] =	vst.msk vm0, v5  }
0x1c7: {  	v5 =	vld [tilespmem:s26+$0xFFFFFF70]  }
0x1c8: {  	v6 =	vld [tilespmem:s26+$0xFFFFE370];
	_ =	sdelay $0x1  }
0x1c9: {  	s12 =	spop (v2sf)  }
0x1ca: {  	[dreg:$0x12] =	wrdreg s0;
	s0 =	sadd.s32 s23, s12  }
0x1cb: {  	p0 =	slt.s32 s0, $0x3001;
	v7 =	vsub.s32 v5, v0;
	v5 =	vshll.u32 v5, $0xC  }
0x1cc: {  	s23 =	smov.u32 @p0 s0;
	vm0 =	vlt.u32 v7, $0x80;
	v5 =	vadd.s32 v6, v5  }
0x1cd: {  	v6 =	vmpcnt.ones.xlane vm0;
	[tilespmem:s23+$0x7000] =	vst.msk vm0, v5  }
0x1ce: {  	v5 =	vld [tilespmem:s26+$0xFFFFFF80]  }
0x1cf: {  	(v2sf) =	vpush v6, $0x0;
	_ =	sdelay $0x3  }
0x1d0: {  	v6 =	vsub.s32 v5, v0  }
0x1d1: {  	vm0 =	vlt.u32 v6, $0x80  }
0x1d2: {  	v6 =	vmpcnt.ones.xlane vm0;
	_ =	sdelay $0x1  }
0x1d3: {  	(v2sf) =	vpush v6, $0x0;
	_ =	sdelay $0x4  }
0x1d4: {  	v6 =	vld [tilespmem:s26+$0xFFFFE380];
	_ =	sdelay $0x1  }
0x1d5: {  	s13 =	spop (v2sf)  }
0x1d6: {  	s30 =	sadd.s32 s23, s13  }
0x1d7: {  	v5 =	vshll.u32 v5, $0xC;
	p0 =	slt.s32 s30, $0x3001  }
0x1d8: {  	v5 =	vadd.s32 v6, v5;
	s23 =	smov.u32 @p0 s30  }
0x1d9: {  	[tilespmem:s23+$0x7000] =	vst.msk vm0, v5  }
0x1da: {  	v5 =	vld [tilespmem:s26+$0xFFFFFF90]  }
0x1db: {  	v6 =	vld [tilespmem:s26+$0xFFFFE390];
	_ =	sdelay $0x1  }
0x1dc: {  	s14 =	spop (v2sf)  }
0x1dd: {  	s29 =	sadd.s32 s23, s14  }
0x1de: {  	p0 =	slt.s32 s29, $0x3001;
	v7 =	vsub.s32 v5, v0;
	v5 =	vshll.u32 v5, $0xC  }
0x1df: {  	s23 =	smov.u32 @p0 s29;
	vm0 =	vlt.u32 v7, $0x80;
	v5 =	vadd.s32 v6, v5  }
0x1e0: {  	v6 =	vmpcnt.ones.xlane vm0;
	[tilespmem:s23+$0x7000] =	vst.msk vm0, v5  }
0x1e1: {  	v5 =	vld [tilespmem:s26+$0xFFFFFFA0]  }
0x1e2: {  	(v2sf) =	vpush v6, $0x0;
	_ =	sdelay $0x3  }
0x1e3: {  	v6 =	vsub.s32 v5, v0  }
0x1e4: {  	vm0 =	vlt.u32 v6, $0x80  }
0x1e5: {  	v6 =	vmpcnt.ones.xlane vm0;
	_ =	sdelay $0x1  }
0x1e6: {  	(v2sf) =	vpush v6, $0x0;
	_ =	sdelay $0x4  }
0x1e7: {  	v6 =	vld [tilespmem:s26+$0xFFFFE3A0];
	_ =	sdelay $0x1  }
0x1e8: {  	s18 =	spop (v2sf)  }
0x1e9: {  	s9 =	sadd.s32 s23, s18  }
0x1ea: {  	v5 =	vshll.u32 v5, $0xC;
	p0 =	slt.s32 s9, $0x3001  }
0x1eb: {  	v5 =	vadd.s32 v6, v5;
	s23 =	smov.u32 @p0 s9  }
0x1ec: {  	[tilespmem:s23+$0x7000] =	vst.msk vm0, v5  }
0x1ed: {  	v5 =	vld [tilespmem:s26+$0xFFFFFFB0]  }
0x1ee: {  	v6 =	vld [tilespmem:s26+$0xFFFFE3B0];
	_ =	sdelay $0x1  }
0x1ef: {  	s20 =	spop (v2sf)  }
0x1f0: {  	s10 =	sadd.s32 s23, s20  }
0x1f1: {  	p0 =	slt.s32 s10, $0x3001;
	v7 =	vsub.s32 v5, v0;
	v5 =	vshll.u32 v5, $0xC  }
0x1f2: {  	s23 =	smov.u32 @p0 s10;
	vm0 =	vlt.u32 v7, $0x80;
	v5 =	vadd.s32 v6, v5  }
0x1f3: {  	v6 =	vmpcnt.ones.xlane vm0;
	[tilespmem:s23+$0x7000] =	vst.msk vm0, v5  }
0x1f4: {  	v5 =	vld [tilespmem:s26+$0xFFFFFFC0]  }
0x1f5: {  	(v2sf) =	vpush v6, $0x0;
	_ =	sdelay $0x3  }
0x1f6: {  	v6 =	vsub.s32 v5, v0  }
0x1f7: {  	vm0 =	vlt.u32 v6, $0x80  }
0x1f8: {  	v6 =	vmpcnt.ones.xlane vm0;
	_ =	sdelay $0x1  }
0x1f9: {  	(v2sf) =	vpush v6, $0x0;
	_ =	sdelay $0x4  }
0x1fa: {  	v6 =	vld [tilespmem:s26+$0xFFFFE3C0];
	_ =	sdelay $0x1  }
0x1fb: {  	s21 =	spop (v2sf)  }
0x1fc: {  	s11 =	sadd.s32 s23, s21  }
0x1fd: {  	v5 =	vshll.u32 v5, $0xC;
	p0 =	slt.s32 s11, $0x3001  }
0x1fe: {  	v5 =	vadd.s32 v6, v5;
	s23 =	smov.u32 @p0 s11  }
0x1ff: {  	[tilespmem:s23+$0x7000] =	vst.msk vm0, v5  }
0x200: {  	v5 =	vld [tilespmem:s26+$0xFFFFFFD0]  }
0x201: {  	v6 =	vld [tilespmem:s26+$0xFFFFE3D0];
	_ =	sdelay $0x1  }
0x202: {  	s25 =	spop (v2sf)  }
0x203: {  	s12 =	sadd.s32 s23, s25  }
0x204: {  	p0 =	slt.s32 s12, $0x3001;
	v7 =	vsub.s32 v5, v0;
	v5 =	vshll.u32 v5, $0xC  }
0x205: {  	s23 =	smov.u32 @p0 s12;
	vm0 =	vlt.u32 v7, $0x80;
	v5 =	vadd.s32 v6, v5  }
0x206: {  	v6 =	vmpcnt.ones.xlane vm0;
	[tilespmem:s23+$0x7000] =	vst.msk vm0, v5  }
0x207: {  	v5 =	vld [tilespmem:s26+$0xFFFFFFE0]  }
0x208: {  	(v2sf) =	vpush v6, $0x0;
	_ =	sdelay $0x3  }
0x209: {  	v6 =	vsub.s32 v5, v0  }
0x20a: {  	vm0 =	vlt.u32 v6, $0x80  }
0x20b: {  	v6 =	vmpcnt.ones.xlane vm0;
	_ =	sdelay $0x1  }
0x20c: {  	(v2sf) =	vpush v6, $0x0;
	_ =	sdelay $0x4  }
0x20d: {  	v6 =	vld [tilespmem:s26+$0xFFFFE3E0];
	_ =	sdelay $0x1  }
0x20e: {  	s1 =	spop (v2sf)  }
0x20f: {  	s13 =	sadd.s32 s23, s1  }
0x210: {  	v5 =	vshll.u32 v5, $0xC;
	p0 =	slt.s32 s13, $0x3001  }
0x211: {  	v5 =	vadd.s32 v6, v5;
	s23 =	smov.u32 @p0 s13  }
0x212: {  	[tilespmem:s23+$0x7000] =	vst.msk vm0, v5  }
0x213: {  	v5 =	vld [tilespmem:s26+$0xFFFFFFF0]  }
0x214: {  	v6 =	vld [tilespmem:s26+$0xFFFFE3F0];
	_ =	sdelay $0x1  }
0x215: {  	s2 =	spop (v2sf)  }
0x216: {  	s21 =	sadd.s32 s23, s2  }
0x217: {  	p0 =	slt.s32 s21, $0x3001;
	v7 =	vsub.s32 v5, v0;
	v5 =	vshll.u32 v5, $0xC  }
0x218: {  	s23 =	smov.u32 @p0 s21;
	vm0 =	vlt.u32 v7, $0x80;
	v5 =	vadd.s32 v6, v5  }
0x219: {  	[tilespmem:s23+$0x7000] =	vst.msk vm0, v5  }
0x21a: {  	v5 =	vld [tilespmem:s26+$0x0];
	_ =	sdelay $0x2  }
0x21b: {  	v6 =	vmpcnt.ones.xlane vm0;
	_ =	sdelay $0x1  }
0x21c: {  	(v2sf) =	vpush v6, $0x0;
	v6 =	vsub.s32 v5, v0  }
0x21d: {  	vm0 =	vlt.u32 v6, $0x80  }
0x21e: {  	v6 =	vmpcnt.ones.xlane vm0;
	_ =	sdelay $0x1  }
0x21f: {  	(v2sf) =	vpush v6, $0x0;
	_ =	sdelay $0x8  }
0x220: {  	v6 =	vld [tilespmem:s26+$0xFFFFE400];
	_ =	sdelay $0x1  }
0x221: {  	s3 =	spop (v2sf)  }
0x222: {  	s26 =	sadd.s32 s23, s3  }
0x223: {  	p1 =	seq.s32 s24, $0x6;
	v5 =	vshll.u32 v5, $0xC;
	p0 =	slt.s32 s26, $0x3001  }
0x224: {  	[dreg:$0x13] =	wrdreg s0;
	s0 =	smul.u32 @!p1 $0x7000, s24;
	v5 =	vadd.s32 v6, v5;
	s23 =	smov.u32 @p0 s26  }
0x225: {  	[tilespmem:s23+$0x7000] =	vst.msk vm0, v5;
	s1 =	spop (v2sf)  }
0x226: {  	s0 =	sshrl.u32 @!p1 s0, $0x3;
	_ =	swait.ge [sflag:s16], $0x3800  }
0x227: {  	s0 =	sadd.s32 @!p1 s15, s0;
	s15 =	simm.s32 $0x54F0;
	[sflag:s16] =	ssyncset.done $0x0  }
0x228: {  	s0 =	sadd.s32 @!p1 $0xE00, s0;
	s2 =	simm.s32 @!p1 $0x0;
	[sflag:s16] =	ssyncadd.s32 $0xFFFFC800  }
0x229: {  	[tilespmem:s2], [sflag:$0x2] =	stream.linear.gather @!p1 [hbm4b:s0+s2], $0x3800, $0x38;
	[tilespmem:$0x1E900] =	vst v63  }
0x22a: {  	v5 =	vld [tilespmem:s15+$0xFFFFFF10]  }
0x22b: {  	v6 =	vld [tilespmem:s15+$0xFFFFE310];
	_ =	sdelay $0x2  }
0x22c: {  	s8 =	sadd.s32 s23, s1  }
0x22d: {  	p0 =	slt.s32 s8, $0x3001;
	v7 =	vsub.s32 v5, v0;
	v5 =	vshll.u32 v5, $0xC  }
0x22e: {  	s23 =	smov.u32 @p0 s8;
	vm0 =	vlt.u32 v7, $0x80;
	v5 =	vadd.s32 v6, v5  }
0x22f: {  	v6 =	vmpcnt.ones.xlane vm0;
	[tilespmem:s23+$0x7000] =	vst.msk vm0, v5  }
0x230: {  	v5 =	vld [tilespmem:s15+$0xFFFFFF20]  }
0x231: {  	(v2sf) =	vpush v6, $0x0;
	_ =	sdelay $0x3  }
0x232: {  	v6 =	vsub.s32 v5, v0  }
0x233: {  	vm0 =	vlt.u32 v6, $0x80  }
0x234: {  	v6 =	vmpcnt.ones.xlane vm0;
	_ =	sdelay $0x1  }
0x235: {  	(v2sf) =	vpush v6, $0x0;
	_ =	sdelay $0x4  }
0x236: {  	v6 =	vld [tilespmem:s15+$0xFFFFE320];
	_ =	sdelay $0x1  }
0x237: {  	s4 =	spop (v2sf)  }
0x238: {  	s14 =	sadd.s32 s23, s4  }
0x239: {  	v5 =	vshll.u32 v5, $0xC;
	p0 =	slt.s32 s14, $0x3001  }
0x23a: {  	p5 =	slt.s32 s23, $0x0;
	v5 =	vadd.s32 v6, v5;
	s23 =	smov.u32 @p0 s14  }
0x23b: {  	[tilespmem:s23+$0x7000] =	vst.msk vm0, v5  }
0x23c: {  	v5 =	vld [tilespmem:s15+$0xFFFFFF30]  }
0x23d: {  	v6 =	vld [tilespmem:s15+$0xFFFFE330];
	_ =	sdelay $0x1  }
0x23e: {  	s5 =	spop (v2sf)  }
0x23f: {  	s18 =	sadd.s32 s23, s5  }
0x240: {  	p0 =	slt.s32 s18, $0x3001;
	v7 =	vsub.s32 v5, v0;
	v5 =	vshll.u32 v5, $0xC  }
0x241: {  	s23 =	smov.u32 @p0 s18;
	vm0 =	vlt.u32 v7, $0x80;
	v5 =	vadd.s32 v6, v5  }
0x242: {  	v6 =	vmpcnt.ones.xlane vm0;
	[tilespmem:s23+$0x7000] =	vst.msk vm0, v5  }
0x243: {  	v5 =	vld [tilespmem:s15+$0xFFFFFF40]  }
0x244: {  	(v2sf) =	vpush v6, $0x0;
	_ =	sdelay $0x3  }
0x245: {  	v6 =	vsub.s32 v5, v0  }
0x246: {  	vm0 =	vlt.u32 v6, $0x80  }
0x247: {  	v6 =	vmpcnt.ones.xlane vm0;
	_ =	sdelay $0x1  }
0x248: {  	(v2sf) =	vpush v6, $0x0;
	_ =	sdelay $0x4  }
0x249: {  	v6 =	vld [tilespmem:s15+$0xFFFFE340];
	_ =	sdelay $0x1  }
0x24a: {  	s6 =	spop (v2sf)  }
0x24b: {  	s25 =	sadd.s32 s23, s6  }
0x24c: {  	v5 =	vshll.u32 v5, $0xC;
	p0 =	slt.s32 s25, $0x3001  }
0x24d: {  	v5 =	vadd.s32 v6, v5;
	s23 =	smov.u32 @p0 s25  }
0x24e: {  	[tilespmem:s23+$0x7000] =	vst.msk vm0, v5  }
0x24f: {  	v5 =	vld [tilespmem:s15+$0xFFFFFF50]  }
0x250: {  	v6 =	vld [tilespmem:s15+$0xFFFFE350];
	_ =	sdelay $0x1  }
0x251: {  	s7 =	spop (v2sf)  }
0x252: {  	s7 =	sadd.s32 s23, s7  }
0x253: {  	p0 =	slt.s32 s7, $0x3001;
	v7 =	vsub.s32 v5, v0;
	v5 =	vshll.u32 v5, $0xC  }
0x254: {  	s23 =	smov.u32 @p0 s7;
	vm0 =	vlt.u32 v7, $0x80;
	v5 =	vadd.s32 v6, v5  }
0x255: {  	v6 =	vmpcnt.ones.xlane vm0;
	[tilespmem:s23+$0x7000] =	vst.msk vm0, v5  }
0x256: {  	v5 =	vld [tilespmem:s15+$0xFFFFFF60]  }
0x257: {  	(v2sf) =	vpush v6, $0x0;
	_ =	sdelay $0x3  }
0x258: {  	v6 =	vsub.s32 v5, v0  }
0x259: {  	vm0 =	vlt.u32 v6, $0x80  }
0x25a: {  	v6 =	vmpcnt.ones.xlane vm0;
	_ =	sdelay $0x1  }
0x25b: {  	(v2sf) =	vpush v6, $0x0;
	_ =	sdelay $0x4  }
0x25c: {  	v6 =	vld [tilespmem:s15+$0xFFFFE360];
	_ =	sdelay $0x1  }
0x25d: {  	s16 =	spop (v2sf)  }
0x25e: {  	s6 =	sadd.s32 s23, s16  }
0x25f: {  	v5 =	vshll.u32 v5, $0xC;
	p0 =	slt.s32 s6, $0x3001  }
0x260: {  	v5 =	vadd.s32 v6, v5;
	s23 =	smov.u32 @p0 s6  }
0x261: {  	[tilespmem:s23+$0x7000] =	vst.msk vm0, v5  }
0x262: {  	v5 =	vld [tilespmem:s15+$0xFFFFFF70]  }
0x263: {  	v6 =	vld [tilespmem:s15+$0xFFFFE370];
	_ =	sdelay $0x1  }
0x264: {  	s20 =	spop (v2sf)  }
0x265: {  	s4 =	sadd.s32 s23, s20  }
0x266: {  	p0 =	slt.s32 s4, $0x3001;
	v7 =	vsub.s32 v5, v0;
	v5 =	vshll.u32 v5, $0xC  }
0x267: {  	s23 =	smov.u32 @p0 s4;
	vm0 =	vlt.u32 v7, $0x80;
	v5 =	vadd.s32 v6, v5  }
0x268: {  	v6 =	vmpcnt.ones.xlane vm0;
	[tilespmem:s23+$0x7000] =	vst.msk vm0, v5  }
0x269: {  	v5 =	vld [tilespmem:s15+$0xFFFFFF80]  }
0x26a: {  	(v2sf) =	vpush v6, $0x0;
	_ =	sdelay $0x3  }
0x26b: {  	v6 =	vsub.s32 v5, v0  }
0x26c: {  	vm0 =	vlt.u32 v6, $0x80  }
0x26d: {  	v6 =	vmpcnt.ones.xlane vm0;
	_ =	sdelay $0x1  }
0x26e: {  	(v2sf) =	vpush v6, $0x0;
	_ =	sdelay $0x4  }
0x26f: {  	v6 =	vld [tilespmem:s15+$0xFFFFE380];
	_ =	sdelay $0x1  }
0x270: {  	s1 =	spop (v2sf)  }
0x271: {  	s28 =	smov.u32 s24;
	s24 =	sadd.s32 s23, s1  }
0x272: {  	v5 =	vshll.u32 v5, $0xC;
	p0 =	slt.s32 s24, $0x3001  }
0x273: {  	v5 =	vadd.s32 v6, v5;
	s23 =	smov.u32 @p0 s24  }
0x274: {  	[tilespmem:s23+$0x7000] =	vst.msk vm0, v5  }
0x275: {  	v5 =	vld [tilespmem:s15+$0xFFFFFF90]  }
0x276: {  	v6 =	vld [tilespmem:s15+$0xFFFFE390];
	_ =	sdelay $0x1  }
0x277: {  	s2 =	spop (v2sf)  }
0x278: {  	s5 =	sadd.s32 s23, s2  }
0x279: {  	p0 =	slt.s32 s5, $0x3001;
	v7 =	vsub.s32 v5, v0;
	v5 =	vshll.u32 v5, $0xC  }
0x27a: {  	s23 =	smov.u32 @p0 s5;
	vm0 =	vlt.u32 v7, $0x80;
	v5 =	vadd.s32 v6, v5  }
0x27b: {  	v6 =	vmpcnt.ones.xlane vm0;
	[tilespmem:s23+$0x7000] =	vst.msk vm0, v5  }
0x27c: {  	v5 =	vld [tilespmem:s15+$0xFFFFFFA0]  }
0x27d: {  	(v2sf) =	vpush v6, $0x0;
	_ =	sdelay $0x3  }
0x27e: {  	v6 =	vsub.s32 v5, v0  }
0x27f: {  	vm0 =	vlt.u32 v6, $0x80  }
0x280: {  	v6 =	vmpcnt.ones.xlane vm0;
	_ =	sdelay $0x1  }
0x281: {  	(v2sf) =	vpush v6, $0x0;
	_ =	sdelay $0x4  }
0x282: {  	v6 =	vld [tilespmem:s15+$0xFFFFE3A0];
	_ =	sdelay $0x1  }
0x283: {  	s3 =	spop (v2sf)  }
0x284: {  	s20 =	sadd.s32 s23, s3  }
0x285: {  	v5 =	vshll.u32 v5, $0xC;
	p0 =	slt.s32 s20, $0x3001  }
0x286: {  	v5 =	vadd.s32 v6, v5;
	s23 =	smov.u32 @p0 s20  }
0x287: {  	[tilespmem:s23+$0x7000] =	vst.msk vm0, v5  }
0x288: {  	v5 =	vld [tilespmem:s15+$0xFFFFFFB0]  }
0x289: {  	v6 =	vld [tilespmem:s15+$0xFFFFE3B0];
	_ =	sdelay $0x1  }
0x28a: {  	s16 =	spop (v2sf)  }
0x28b: {  	s16 =	sadd.s32 s23, s16  }
0x28c: {  	p0 =	slt.s32 s16, $0x3001;
	v7 =	vsub.s32 v5, v0;
	v5 =	vshll.u32 v5, $0xC  }
0x28d: {  	s23 =	smov.u32 @p0 s16;
	vm0 =	vlt.u32 v7, $0x80;
	v5 =	vadd.s32 v6, v5  }
0x28e: {  	v6 =	vmpcnt.ones.xlane vm0;
	[tilespmem:s23+$0x7000] =	vst.msk vm0, v5  }
0x28f: {  	v5 =	vld [tilespmem:s15+$0xFFFFFFC0]  }
0x290: {  	(v2sf) =	vpush v6, $0x0;
	_ =	sdelay $0x3  }
0x291: {  	v6 =	vsub.s32 v5, v0  }
0x292: {  	vm0 =	vlt.u32 v6, $0x80  }
0x293: {  	v6 =	vmpcnt.ones.xlane vm0;
	_ =	sdelay $0x1  }
0x294: {  	(v2sf) =	vpush v6, $0x0;
	_ =	sdelay $0x4  }
0x295: {  	v6 =	vld [tilespmem:s15+$0xFFFFE3C0];
	_ =	sdelay $0x1  }
0x296: {  	s1 =	spop (v2sf)  }
0x297: {  	s3 =	sadd.s32 s23, s1  }
0x298: {  	v5 =	vshll.u32 v5, $0xC;
	p0 =	slt.s32 s3, $0x3001  }
0x299: {  	v5 =	vadd.s32 v6, v5;
	s23 =	smov.u32 @p0 s3  }
0x29a: {  	[tilespmem:s23+$0x7000] =	vst.msk vm0, v5  }
0x29b: {  	v5 =	vld [tilespmem:s15+$0xFFFFFFD0]  }
0x29c: {  	v6 =	vld [tilespmem:s15+$0xFFFFE3D0];
	_ =	sdelay $0x1  }
0x29d: {  	s2 =	spop (v2sf)  }
0x29e: {  	s2 =	sadd.s32 s23, s2  }
0x29f: {  	p0 =	slt.s32 s2, $0x3001;
	v7 =	vsub.s32 v5, v0;
	v5 =	vshll.u32 v5, $0xC  }
0x2a0: {  	s23 =	smov.u32 @p0 s2;
	vm0 =	vlt.u32 v7, $0x80;
	v5 =	vadd.s32 v6, v5  }
0x2a1: {  	v6 =	vmpcnt.ones.xlane vm0;
	[tilespmem:s23+$0x7000] =	vst.msk vm0, v5  }
0x2a2: {  	v5 =	vld [tilespmem:s15+$0xFFFFFFE0]  }
0x2a3: {  	(v2sf) =	vpush v6, $0x0;
	_ =	sdelay $0x3  }
0x2a4: {  	v6 =	vsub.s32 v5, v0  }
0x2a5: {  	vm0 =	vlt.u32 v6, $0x80  }
0x2a6: {  	v6 =	vmpcnt.ones.xlane vm0;
	_ =	sdelay $0x1  }
0x2a7: {  	(v2sf) =	vpush v6, $0x0;
	_ =	sdelay $0x4  }
0x2a8: {  	v6 =	vld [tilespmem:s15+$0xFFFFE3E0];
	_ =	sdelay $0x1  }
0x2a9: {  	s1 =	spop (v2sf)  }
0x2aa: {  	s1 =	sadd.s32 s23, s1  }
0x2ab: {  	v5 =	vshll.u32 v5, $0xC;
	p0 =	slt.s32 s1, $0x3001  }
0x2ac: {  	v5 =	vadd.s32 v6, v5;
	s23 =	smov.u32 @p0 s1  }
0x2ad: {  	[tilespmem:s23+$0x7000] =	vst.msk vm0, v5  }
0x2ae: {  	v5 =	vld [tilespmem:s15+$0xFFFFFFF0]  }
0x2af: {  	v6 =	vld [tilespmem:s15+$0xFFFFE3F0];
	_ =	sdelay $0x1  }
0x2b0: {  	p1 =	sgt.s32 s31, $0x3000;
	s31 =	rddreg [dreg:$0xf];
	s0 =	spop (v2sf)  }
0x2b1: {  	p2 =	sgt.s32 s31, $0x3000;
	s31 =	rddreg [dreg:$0x10];
	s0 =	sadd.s32 s23, s0  }
0x2b2: {  	p4 =	sgt.s32 s31, $0x3000;
	p0 =	slt.s32 s0, $0x3001;
	v7 =	vsub.s32 v5, v0;
	v5 =	vshll.u32 v5, $0xC  }
0x2b3: {  	p1 =	por p2, p1;
	s31 =	rddreg [dreg:$0x11];
	s23 =	smov.u32 @p0 s0;
	vm0 =	vlt.u32 v7, $0x80;
	v5 =	vadd.s32 v6, v5  }
0x2b4: {  	p2 =	sgt.s32 s31, $0x3000;
	s31 =	rddreg [dreg:$0x12];
	p0 =	por p1, p4;
	v6 =	vmpcnt.ones.xlane vm0;
	[tilespmem:s23+$0x7000] =	vst.msk vm0, v5  }
0x2b5: {  	p4 =	sgt.s32 s31, $0x3000;
	s31 =	rddreg [dreg:$0x13];
	p0 =	por p0, p2;
	v5 =	vld [tilespmem:s15+$0x0]  }
0x2b6: {  	p2 =	sgt.s32 s31, $0x3000;
	p0 =	por p0, p4;
	(v2sf) =	vpush v6, $0x0  }
0x2b7: {  	p4 =	sgt.s32 s30, $0x3000;
	p0 =	por p0, p2  }
0x2b8: {  	p2 =	sgt.s32 s29, $0x3000;
	p0 =	por p0, p4  }
0x2b9: {  	p4 =	sgt.s32 s9, $0x3000;
	p0 =	por p0, p2  }
0x2ba: {  	p2 =	sgt.s32 s10, $0x3000;
	p0 =	por p0, p4;
	v6 =	vsub.s32 v5, v0  }
0x2bb: {  	p4 =	sgt.s32 s11, $0x3000;
	p0 =	por p0, p2;
	vm0 =	vlt.u32 v6, $0x80  }
0x2bc: {  	p2 =	sgt.s32 s12, $0x3000;
	p0 =	por p0, p4;
	v6 =	vmpcnt.ones.xlane vm0  }
0x2bd: {  	p4 =	sgt.s32 s13, $0x3000;
	p0 =	por p0, p2  }
0x2be: {  	p2 =	sgt.s32 s21, $0x3000;
	p1 =	por p0, p4;
	(v2sf) =	vpush v6, $0x0  }
0x2bf: {  	p4 =	sgt.s32 s18, $0x3000;
	p0 =	por p6, p3;
	p3 =	sgt.s32 s14, $0x3000  }
0x2c0: {  	p6 =	sgt.s32 s26, $0x3000;
	s26 =	simm.s32 $0x55F0;
	p1 =	por p1, p2  }
0x2c1: {  	p3 =	por p3, p4;
	p4 =	sgt.s32 s25, $0x3000;
	p1 =	por p1, p6  }
0x2c2: {  	p6 =	sgt.s32 s7, $0x3000;
	p3 =	por p3, p4;
	p4 =	sgt.s32 s8, $0x3000  }
0x2c3: {  	v6 =	vld [tilespmem:s15+$0xFFFFE400];
	p2 =	por p3, p6;
	p6 =	sgt.s32 s6, $0x3000;
	p1 =	por p1, p4  }
0x2c4: {  	p4 =	sgt.s32 s24, $0x3000;
	p2 =	por p2, p6;
	p6 =	sgt.s32 s4, $0x3000  }
0x2c5: {  	s24 =	smov.u32 s28;
	p2 =	por p2, p6;
	s30 =	spop (v2sf)  }
0x2c6: {  	p6 =	sgt.s32 s5, $0x3000;
	p2 =	por p2, p4;
	s4 =	sadd.s32 s23, s30  }
0x2c7: {  	v5 =	vshll.u32 v5, $0xC;
	s6 =	smov.u32 s22;
	p3 =	por p2, p6;
	p2 =	slt.s32 s4, $0x3001  }
0x2c8: {  	s5 =	smul.u32 $0x380, s28;
	p4 =	sgt.s32 s20, $0x3000;
	v5 =	vadd.s32 v6, v5;
	s23 =	smov.u32 @p2 s4  }
0x2c9: {  	p0 =	por p0, p1;
	p6 =	sgt.s32 s16, $0x3000;
	p1 =	por p3, p4;
	[tilespmem:s23+$0x7000] =	vst.msk vm0, v5  }
0x2ca: {  	s6 =	smov.u32 @p0 s5;
	p3 =	sgt.s32 s3, $0x3000;
	p1 =	por p1, p6;
	v5 =	vld [tilespmem:s26+$0xFFFFFF10]  }
0x2cb: {  	p4 =	sgt.s32 s2, $0x3000;
	p6 =	sgt.s32 s1, $0x3000;
	p0 =	por p1, p3;
	v6 =	vld [tilespmem:s26+$0xFFFFE310]  }
0x2cc: {  	p1 =	seq.s32 s22, $0x1880;
	p3 =	sgt.s32 s0, $0x3000;
	p0 =	por p0, p4  }
0x2cd: {  	s22 =	smov.u32 @p1 s6;
	p0 =	por p0, p6;
	s31 =	spop (v2sf)  }
0x2ce: {  	p4 =	sgt.s32 s4, $0x3000;
	p0 =	por p0, p3;
	s0 =	sadd.s32 s23, s31  }
0x2cf: {  	p0 =	por p0, p4;
	v7 =	vsub.s32 v5, v0;
	v5 =	vshll.u32 v5, $0xC;
	p1 =	slt.s32 s0, $0x3001;
	p6 =	sgt.s32 s0, $0x3000  }
0x2d0: {  	s28 =	simm.s32 $0x10;
	s23 =	smov.u32 @p1 s0;
	p0 =	por p0, p6;
	vm0 =	vlt.u32 v7, $0x80;
	v5 =	vadd.s32 v6, v5  }
.LBB2_7:
0x2d1: {  	v6 =	vmpcnt.ones.xlane vm0;
	[tilespmem:s23+$0x7000] =	vst.msk vm0, v5  }
0x2d2: {  	v5 =	vld [tilespmem:s26+$0xFFFFFF20]  }
0x2d3: {  	(v2sf) =	vpush v6, $0x0;
	_ =	sdelay $0x3  }
0x2d4: {  	v6 =	vsub.s32 v5, v0  }
0x2d5: {  	vm0 =	vlt.u32 v6, $0x80  }
0x2d6: {  	v6 =	vmpcnt.ones.xlane vm0;
	_ =	sdelay $0x1  }
0x2d7: {  	(v2sf) =	vpush v6, $0x0;
	_ =	sdelay $0x4  }
0x2d8: {  	p5 =	por p5, p0;
	v6 =	vld [tilespmem:s26+$0xFFFFE320]  }
0x2d9: {  	s28 =	sadd.s32 $0x10, s28;
	s0 =	simm.s32 @!p5 $0x0  }
0x2da: {  	p0 =	slt.u32 s28, $0x1B0;
	s0 =	simm.s32 @p5 $0x1;
	s29 =	spop (v2sf)  }
0x2db: {  	[smem:$0x7F1] =	sst s0;
	s0 =	simm.s32 @!p0 $0x0;
	s29 =	sadd.s32 s23, s29  }
0x2dc: {  	s0 =	simm.s32 @p0 $0x1;
	v5 =	vshll.u32 v5, $0xC;
	p0 =	slt.s32 s29, $0x3001  }
0x2dd: {  	v5 =	vadd.s32 v6, v5;
	s23 =	smov.u32 @p0 s29  }
0x2de: {  	[tilespmem:s23+$0x7000] =	vst.msk vm0, v5  }
0x2df: {  	v5 =	vld [tilespmem:s26+$0xFFFFFF30]  }
0x2e0: {  	v6 =	vld [tilespmem:s26+$0xFFFFE330];
	_ =	sdelay $0x1  }
0x2e1: {  	s30 =	spop (v2sf)  }
0x2e2: {  	[smem:$0x7F2] =	sst s0;
	s0 =	sadd.s32 s23, s30  }
0x2e3: {  	p0 =	slt.s32 s0, $0x3001;
	v7 =	vsub.s32 v5, v0;
	v5 =	vshll.u32 v5, $0xC  }
0x2e4: {  	s23 =	smov.u32 @p0 s0;
	vm0 =	vlt.u32 v7, $0x80;
	v5 =	vadd.s32 v6, v5  }
0x2e5: {  	v6 =	vmpcnt.ones.xlane vm0;
	[tilespmem:s23+$0x7000] =	vst.msk vm0, v5  }
0x2e6: {  	v5 =	vld [tilespmem:s26+$0xFFFFFF40]  }
0x2e7: {  	(v2sf) =	vpush v6, $0x0;
	_ =	sdelay $0x3  }
0x2e8: {  	v6 =	vsub.s32 v5, v0  }
0x2e9: {  	vm0 =	vlt.u32 v6, $0x80  }
0x2ea: {  	v6 =	vmpcnt.ones.xlane vm0;
	_ =	sdelay $0x1  }
0x2eb: {  	(v2sf) =	vpush v6, $0x0;
	_ =	sdelay $0x4  }
0x2ec: {  	v6 =	vld [tilespmem:s26+$0xFFFFE340];
	_ =	sdelay $0x1  }
0x2ed: {  	s31 =	spop (v2sf)  }
0x2ee: {  	p1 =	sgt.s32 s0, $0x3000;
	s0 =	sadd.s32 s23, s31  }
0x2ef: {  	v5 =	vshll.u32 v5, $0xC;
	p0 =	slt.s32 s0, $0x3001  }
0x2f0: {  	v5 =	vadd.s32 v6, v5;
	s23 =	smov.u32 @p0 s0  }
0x2f1: {  	[tilespmem:s23+$0x7000] =	vst.msk vm0, v5  }
0x2f2: {  	v5 =	vld [tilespmem:s26+$0xFFFFFF50]  }
0x2f3: {  	v6 =	vld [tilespmem:s26+$0xFFFFE350];
	_ =	sdelay $0x1  }
0x2f4: {  	s1 =	spop (v2sf)  }
0x2f5: {  	p2 =	sgt.s32 s0, $0x3000;
	s0 =	sadd.s32 s23, s1  }
0x2f6: {  	p0 =	slt.s32 s0, $0x3001;
	v7 =	vsub.s32 v5, v0;
	v5 =	vshll.u32 v5, $0xC  }
0x2f7: {  	s23 =	smov.u32 @p0 s0;
	vm0 =	vlt.u32 v7, $0x80;
	v5 =	vadd.s32 v6, v5  }
0x2f8: {  	v6 =	vmpcnt.ones.xlane vm0;
	[tilespmem:s23+$0x7000] =	vst.msk vm0, v5  }
0x2f9: {  	v5 =	vld [tilespmem:s26+$0xFFFFFF60]  }
0x2fa: {  	(v2sf) =	vpush v6, $0x0;
	_ =	sdelay $0x3  }
0x2fb: {  	v6 =	vsub.s32 v5, v0  }
0x2fc: {  	vm0 =	vlt.u32 v6, $0x80  }
0x2fd: {  	v6 =	vmpcnt.ones.xlane vm0;
	_ =	sdelay $0x1  }
0x2fe: {  	(v2sf) =	vpush v6, $0x0;
	_ =	sdelay $0x4  }
0x2ff: {  	v6 =	vld [tilespmem:s26+$0xFFFFE360];
	_ =	sdelay $0x1  }
0x300: {  	s2 =	spop (v2sf)  }
0x301: {  	p3 =	sgt.s32 s0, $0x3000;
	s0 =	sadd.s32 s23, s2  }
0x302: {  	v5 =	vshll.u32 v5, $0xC;
	p0 =	slt.s32 s0, $0x3001  }
0x303: {  	v5 =	vadd.s32 v6, v5;
	s23 =	smov.u32 @p0 s0  }
0x304: {  	[tilespmem:s23+$0x7000] =	vst.msk vm0, v5  }
0x305: {  	v5 =	vld [tilespmem:s26+$0xFFFFFF70]  }
0x306: {  	v6 =	vld [tilespmem:s26+$0xFFFFE370];
	_ =	sdelay $0x1  }
0x307: {  	s1 =	simm.s32 @!p3 $0x0;
	s3 =	spop (v2sf)  }
0x308: {  	s1 =	simm.s32 @p3 $0x1;
	p3 =	sgt.s32 s0, $0x3000;
	s0 =	sadd.s32 s23, s3  }
0x309: {  	p0 =	slt.s32 s0, $0x3001;
	v7 =	vsub.s32 v5, v0;
	v5 =	vshll.u32 v5, $0xC  }
0x30a: {  	s23 =	smov.u32 @p0 s0;
	vm0 =	vlt.u32 v7, $0x80;
	v5 =	vadd.s32 v6, v5  }
0x30b: {  	v6 =	vmpcnt.ones.xlane vm0;
	[tilespmem:s23+$0x7000] =	vst.msk vm0, v5  }
0x30c: {  	v5 =	vld [tilespmem:s26+$0xFFFFFF80]  }
0x30d: {  	(v2sf) =	vpush v6, $0x0;
	_ =	sdelay $0x3  }
0x30e: {  	v6 =	vsub.s32 v5, v0  }
0x30f: {  	vm0 =	vlt.u32 v6, $0x80  }
0x310: {  	v6 =	vmpcnt.ones.xlane vm0;
	_ =	sdelay $0x1  }
0x311: {  	(v2sf) =	vpush v6, $0x0;
	_ =	sdelay $0x4  }
0x312: {  	v6 =	vld [tilespmem:s26+$0xFFFFE380];
	_ =	sdelay $0x1  }
0x313: {  	[smem:$0x7E9] =	sst s1;
	s1 =	simm.s32 @!p3 $0x0;
	s4 =	spop (v2sf)  }
0x314: {  	s1 =	simm.s32 @p3 $0x1;
	p3 =	sgt.s32 s0, $0x3000;
	s0 =	sadd.s32 s23, s4  }
0x315: {  	v5 =	vshll.u32 v5, $0xC;
	p0 =	slt.s32 s0, $0x3001  }
0x316: {  	v5 =	vadd.s32 v6, v5;
	s23 =	smov.u32 @p0 s0  }
0x317: {  	[tilespmem:s23+$0x7000] =	vst.msk vm0, v5  }
0x318: {  	v5 =	vld [tilespmem:s26+$0xFFFFFF90]  }
0x319: {  	v6 =	vld [tilespmem:s26+$0xFFFFE390];
	_ =	sdelay $0x1  }
0x31a: {  	[smem:$0x7EA] =	sst s1;
	s1 =	simm.s32 @!p3 $0x0;
	s5 =	spop (v2sf)  }
0x31b: {  	s1 =	simm.s32 @p3 $0x1;
	p3 =	sgt.s32 s0, $0x3000;
	s0 =	sadd.s32 s23, s5  }
0x31c: {  	p0 =	slt.s32 s0, $0x3001;
	v7 =	vsub.s32 v5, v0;
	v5 =	vshll.u32 v5, $0xC  }
0x31d: {  	s23 =	smov.u32 @p0 s0;
	vm0 =	vlt.u32 v7, $0x80;
	v5 =	vadd.s32 v6, v5  }
0x31e: {  	v6 =	vmpcnt.ones.xlane vm0;
	[tilespmem:s23+$0x7000] =	vst.msk vm0, v5  }
0x31f: {  	v5 =	vld [tilespmem:s26+$0xFFFFFFA0]  }
0x320: {  	(v2sf) =	vpush v6, $0x0;
	_ =	sdelay $0x3  }
0x321: {  	v6 =	vsub.s32 v5, v0  }
0x322: {  	vm0 =	vlt.u32 v6, $0x80  }
0x323: {  	v6 =	vmpcnt.ones.xlane vm0;
	_ =	sdelay $0x1  }
0x324: {  	(v2sf) =	vpush v6, $0x0;
	_ =	sdelay $0x4  }
0x325: {  	v7 =	vld [tilespmem:s26+$0xFFFFE3A0];
	_ =	sdelay $0x1  }
0x326: {  	[smem:$0x7EB] =	sst s1;
	s1 =	simm.s32 @!p3 $0x0;
	s6 =	spop (v2sf)  }
0x327: {  	s1 =	simm.s32 @p3 $0x1;
	p3 =	sgt.s32 s0, $0x3000;
	s0 =	sadd.s32 s23, s6  }
0x328: {  	v5 =	vshll.u32 v5, $0xC;
	p0 =	slt.s32 s0, $0x3001  }
0x329: {  	v5 =	vadd.s32 v7, v5;
	s23 =	smov.u32 @p0 s0  }
0x32a: {  	[tilespmem:s23+$0x7000] =	vst.msk vm0, v5  }
0x32b: {  	v5 =	vld [tilespmem:s26+$0xFFFFFFB0]  }
0x32c: {  	v6 =	vld [tilespmem:s26+$0xFFFFE3B0];
	_ =	sdelay $0x1  }
0x32d: {  	[smem:$0x7EC] =	sst s1;
	s1 =	simm.s32 @!p3 $0x0;
	s7 =	spop (v2sf)  }
0x32e: {  	s1 =	simm.s32 @p3 $0x1;
	p3 =	sgt.s32 s0, $0x3000;
	s0 =	sadd.s32 s23, s7  }
0x32f: {  	p0 =	slt.s32 s0, $0x3001;
	v7 =	vsub.s32 v5, v0;
	v5 =	vshll.u32 v5, $0xC  }
0x330: {  	s23 =	smov.u32 @p0 s0;
	vm0 =	vlt.u32 v7, $0x80;
	v5 =	vadd.s32 v6, v5  }
0x331: {  	v6 =	vmpcnt.ones.xlane vm0;
	[tilespmem:s23+$0x7000] =	vst.msk vm0, v5  }
0x332: {  	v5 =	vld [tilespmem:s26+$0xFFFFFFC0]  }
0x333: {  	(v2sf) =	vpush v6, $0x0;
	_ =	sdelay $0x3  }
0x334: {  	v6 =	vsub.s32 v5, v0  }
0x335: {  	vm0 =	vlt.u32 v6, $0x80  }
0x336: {  	v6 =	vmpcnt.ones.xlane vm0;
	_ =	sdelay $0x1  }
0x337: {  	(v2sf) =	vpush v6, $0x0;
	_ =	sdelay $0x4  }
0x338: {  	v7 =	vld [tilespmem:s26+$0xFFFFE3C0];
	_ =	sdelay $0x1  }
0x339: {  	[smem:$0x7ED] =	sst s1;
	s1 =	simm.s32 @!p3 $0x0;
	s8 =	spop (v2sf)  }
0x33a: {  	s1 =	simm.s32 @p3 $0x1;
	p3 =	sgt.s32 s0, $0x3000;
	s0 =	sadd.s32 s23, s8  }
0x33b: {  	v5 =	vshll.u32 v5, $0xC;
	p0 =	slt.s32 s0, $0x3001  }
0x33c: {  	v5 =	vadd.s32 v7, v5;
	s23 =	smov.u32 @p0 s0  }
0x33d: {  	[tilespmem:s23+$0x7000] =	vst.msk vm0, v5  }
0x33e: {  	v5 =	vld [tilespmem:s26+$0xFFFFFFD0]  }
0x33f: {  	v6 =	vld [tilespmem:s26+$0xFFFFE3D0];
	_ =	sdelay $0x1  }
0x340: {  	[smem:$0x7EE] =	sst s1;
	s1 =	simm.s32 @!p3 $0x0;
	s9 =	spop (v2sf)  }
0x341: {  	s1 =	simm.s32 @p3 $0x1;
	p3 =	sgt.s32 s0, $0x3000;
	s0 =	sadd.s32 s23, s9  }
0x342: {  	p0 =	slt.s32 s0, $0x3001;
	v7 =	vsub.s32 v5, v0;
	v5 =	vshll.u32 v5, $0xC  }
0x343: {  	s23 =	smov.u32 @p0 s0;
	vm0 =	vlt.u32 v7, $0x80;
	v5 =	vadd.s32 v6, v5  }
0x344: {  	v6 =	vmpcnt.ones.xlane vm0;
	[tilespmem:s23+$0x7000] =	vst.msk vm0, v5  }
0x345: {  	v5 =	vld [tilespmem:s26+$0xFFFFFFE0]  }
0x346: {  	(v2sf) =	vpush v6, $0x0;
	_ =	sdelay $0x3  }
0x347: {  	v6 =	vsub.s32 v5, v0  }
0x348: {  	vm0 =	vlt.u32 v6, $0x80  }
0x349: {  	v6 =	vmpcnt.ones.xlane vm0;
	_ =	sdelay $0x1  }
0x34a: {  	(v2sf) =	vpush v6, $0x0;
	_ =	sdelay $0x4  }
0x34b: {  	v7 =	vld [tilespmem:s26+$0xFFFFE3E0];
	_ =	sdelay $0x1  }
0x34c: {  	s10 =	spop (v2sf)  }
0x34d: {  	p6 =	sgt.s32 s0, $0x3000;
	s0 =	sadd.s32 s23, s10  }
0x34e: {  	v5 =	vshll.u32 v5, $0xC;
	p0 =	slt.s32 s0, $0x3001  }
0x34f: {  	v5 =	vadd.s32 v7, v5;
	s23 =	smov.u32 @p0 s0  }
0x350: {  	[tilespmem:s23+$0x7000] =	vst.msk vm0, v5  }
0x351: {  	v5 =	vld [tilespmem:s26+$0xFFFFFFF0]  }
0x352: {  	v6 =	vld [tilespmem:s26+$0xFFFFE3F0];
	_ =	sdelay $0x1  }
0x353: {  	s11 =	spop (v2sf)  }
0x354: {  	p4 =	sgt.s32 s0, $0x3000;
	s0 =	sadd.s32 s23, s11  }
0x355: {  	p0 =	slt.s32 s0, $0x3001;
	v7 =	vsub.s32 v5, v0;
	v5 =	vshll.u32 v5, $0xC  }
0x356: {  	s23 =	smov.u32 @p0 s0;
	vm0 =	vlt.u32 v7, $0x80;
	v5 =	vadd.s32 v6, v5  }
0x357: {  	[tilespmem:s23+$0x7000] =	vst.msk vm0, v5  }
0x358: {  	v5 =	vld [tilespmem:s26+$0x0];
	_ =	sdelay $0x2  }
0x359: {  	v6 =	vmpcnt.ones.xlane vm0;
	_ =	sdelay $0x1  }
0x35a: {  	(v2sf) =	vpush v6, $0x0;
	v6 =	vsub.s32 v5, v0  }
0x35b: {  	vm0 =	vlt.u32 v6, $0x80  }
0x35c: {  	v6 =	vmpcnt.ones.xlane vm0  }
0x35d: {  	s31 =	sld [smem:$0x7F2]  }
0x35e: {  	s12 =	sld [smem:$0x7E9];
	(v2sf) =	vpush v6, $0x0  }
0x35f: {  	s13 =	sld [smem:$0x7EA]  }
0x360: {  	s15 =	sld [smem:$0x7EB]  }
0x361: {  	s16 =	sld [smem:$0x7EC]  }
0x362: {  	s18 =	sld [smem:$0x7ED]  }
0x363: {  	s20 =	sld [smem:$0x7EE]  }
0x364: {  	[smem:$0x7EF] =	sst s1;
	s1 =	simm.s32 @!p3 $0x0  }
0x365: {  	p5 =	sgt.s32 s29, $0x3000;
	s21 =	sld [smem:$0x7EF];
	s1 =	simm.s32 @p3 $0x1  }
0x366: {  	[smem:$0x7F0] =	sst s1;
	p0 =	por p5, p1  }
0x367: {  	s25 =	sld [smem:$0x7F0];
	p5 =	seq.s32 s12, $0x1;
	p0 =	por p0, p2  }
0x368: {  	p3 =	sgt.s32 s0, $0x3000;
	p2 =	seq.s32 s13, $0x1;
	v7 =	vld [tilespmem:s26+$0xFFFFE400];
	p0 =	por p0, p5  }
0x369: {  	p5 =	seq.s32 s15, $0x1;
	s26 =	sadd.s32 $0x100, s26;
	p0 =	por p0, p2  }
0x36a: {  	p2 =	seq.s32 s16, $0x1;
	p0 =	por p0, p5;
	s14 =	spop (v2sf)  }
0x36b: {  	p5 =	seq.s32 s18, $0x1;
	p0 =	por p0, p2;
	s0 =	sadd.s32 s23, s14  }
0x36c: {  	p0 =	por p0, p5;
	p5 =	seq.s32 s20, $0x1;
	v5 =	vshll.u32 v5, $0xC;
	p1 =	slt.s32 s0, $0x3001  }
0x36d: {  	p0 =	por p0, p5;
	v5 =	vadd.s32 v7, v5;
	s23 =	smov.u32 @p1 s0;
	s30 =	spop (v2sf)  }
0x36e: {  	p5 =	seq.s32 s21, $0x1;
	p2 =	sgt.s32 s0, $0x3000;
	[tilespmem:s23+$0x7000] =	vst.msk vm0, v5;
	s0 =	sadd.s32 s23, s30  }
0x36f: {  	p0 =	por p0, p5;
	p5 =	seq.s32 s25, $0x1;
	v5 =	vld [tilespmem:s26+$0xFFFFFF10];
	p1 =	slt.s32 s0, $0x3001  }
0x370: {  	p0 =	por p0, p5;
	v6 =	vld [tilespmem:s26+$0xFFFFE310];
	s23 =	smov.u32 @p1 s0;
	p1 =	seq.s32 s31, $0x1  }
.Ltmp4:
0x371: {  	p0 =	por p0, p6;
	(pc) =	sbr.rel @p1 .LBB2_7-.Ltmp4, $4  }
0x372: {  	s29 =	sld [smem:$0x7F1];
	p0 =	por p0, p4  }
0x373: {  	p0 =	por p0, p3  }
0x374: {  	p0 =	por p0, p2;
	v7 =	vsub.s32 v5, v0;
	v5 =	vshll.u32 v5, $0xC;
	p6 =	sgt.s32 s0, $0x3000  }
0x375: {  	p5 =	seq.s32 s29, $0x1;
	vm0 =	vlt.u32 v7, $0x80;
	v5 =	vadd.s32 v6, v5;
	p0 =	por p0, p6  }
0x376: {  	v6 =	vmpcnt.ones.xlane vm0;
	[tilespmem:s23+$0x7000] =	vst.msk vm0, v5  }
0x377: {  	v5 =	vld [tilespmem:s26+$0xFFFFFF20]  }
0x378: {  	(v2sf) =	vpush v6, $0x0;
	_ =	sdelay $0x3  }
0x379: {  	v6 =	vsub.s32 v5, v0  }
0x37a: {  	vm13 =	vlt.u32 v6, $0x80  }
0x37b: {  	v6 =	vmpcnt.ones.xlane vm13;
	_ =	sdelay $0x1  }
0x37c: {  	(v2sf) =	vpush v6, $0x0;
	_ =	sdelay $0x4  }
0x37d: {  	v6 =	vld [tilespmem:s26+$0xFFFFE320];
	_ =	sdelay $0x1  }
0x37e: {  	s0 =	spop (v2sf)  }
0x37f: {  	s0 =	sadd.s32 s23, s0  }
0x380: {  	v5 =	vshll.u32 v5, $0xC;
	p1 =	slt.s32 s0, $0x3001  }
0x381: {  	v5 =	vadd.s32 v6, v5;
	s23 =	smov.u32 @p1 s0  }
0x382: {  	[tilespmem:s23+$0x7000] =	vst.msk vm13, v5  }
0x383: {  	v5 =	vld [tilespmem:s26+$0xFFFFFF30]  }
0x384: {  	v6 =	vld [tilespmem:s26+$0xFFFFE330];
	_ =	sdelay $0x1  }
0x385: {  	s1 =	spop (v2sf)  }
0x386: {  	s2 =	sadd.s32 s23, s1  }
0x387: {  	p1 =	slt.s32 s2, $0x3001;
	v7 =	vsub.s32 v5, v0;
	v5 =	vshll.u32 v5, $0xC  }
0x388: {  	s23 =	smov.u32 @p1 s2;
	vm14 =	vlt.u32 v7, $0x80;
	v5 =	vadd.s32 v6, v5  }
0x389: {  	v6 =	vmpcnt.ones.xlane vm14;
	[tilespmem:s23+$0x7000] =	vst.msk vm14, v5  }
0x38a: {  	v5 =	vld [tilespmem:s26+$0xFFFFFF40]  }
0x38b: {  	(v2sf) =	vpush v6, $0x0;
	_ =	sdelay $0x3  }
0x38c: {  	v6 =	vsub.s32 v5, v0  }
0x38d: {  	vm15 =	vlt.u32 v6, $0x80  }
0x38e: {  	v6 =	vmpcnt.ones.xlane vm15;
	_ =	sdelay $0x1  }
0x38f: {  	(v2sf) =	vpush v6, $0x0;
	_ =	sdelay $0x4  }
0x390: {  	v6 =	vld [tilespmem:s26+$0xFFFFE340];
	_ =	sdelay $0x1  }
0x391: {  	s28 =	spop (v2sf)  }
0x392: {  	s1 =	sadd.s32 s23, s28  }
0x393: {  	v5 =	vshll.u32 v5, $0xC;
	p1 =	slt.s32 s1, $0x3001  }
0x394: {  	v5 =	vadd.s32 v6, v5;
	s23 =	smov.u32 @p1 s1  }
0x395: {  	[tilespmem:s23+$0x7000] =	vst.msk vm15, v5  }
0x396: {  	v5 =	vld [tilespmem:s26+$0xFFFFFF50]  }
0x397: {  	v6 =	vld [tilespmem:s26+$0xFFFFE350];
	_ =	sdelay $0x1  }
0x398: {  	s3 =	spop (v2sf)  }
0x399: {  	s3 =	sadd.s32 s23, s3  }
0x39a: {  	p1 =	slt.s32 s3, $0x3001;
	v7 =	vsub.s32 v5, v0;
	v5 =	vshll.u32 v5, $0xC  }
0x39b: {  	s23 =	smov.u32 @p1 s3;
	vm4 =	vlt.u32 v7, $0x80;
	v5 =	vadd.s32 v6, v5  }
0x39c: {  	v6 =	vmpcnt.ones.xlane vm4;
	[tilespmem:s23+$0x7000] =	vst.msk vm4, v5  }
0x39d: {  	v5 =	vld [tilespmem:s26+$0xFFFFFF60]  }
0x39e: {  	(v2sf) =	vpush v6, $0x0;
	_ =	sdelay $0x3  }
0x39f: {  	v6 =	vsub.s32 v5, v0  }
0x3a0: {  	vm5 =	vlt.u32 v6, $0x80  }
0x3a1: {  	v6 =	vmpcnt.ones.xlane vm5;
	_ =	sdelay $0x1  }
0x3a2: {  	(v2sf) =	vpush v6, $0x0;
	_ =	sdelay $0x4  }
0x3a3: {  	v6 =	vld [tilespmem:s26+$0xFFFFE360];
	_ =	sdelay $0x1  }
0x3a4: {  	s4 =	spop (v2sf)  }
0x3a5: {  	s4 =	sadd.s32 s23, s4  }
0x3a6: {  	v5 =	vshll.u32 v5, $0xC;
	p1 =	slt.s32 s4, $0x3001  }
0x3a7: {  	v5 =	vadd.s32 v6, v5;
	s23 =	smov.u32 @p1 s4  }
0x3a8: {  	[tilespmem:s23+$0x7000] =	vst.msk vm5, v5  }
0x3a9: {  	v5 =	vld [tilespmem:s26+$0xFFFFFF70]  }
0x3aa: {  	v6 =	vld [tilespmem:s26+$0xFFFFE370];
	_ =	sdelay $0x1  }
0x3ab: {  	s5 =	spop (v2sf)  }
0x3ac: {  	s5 =	sadd.s32 s23, s5  }
0x3ad: {  	p1 =	slt.s32 s5, $0x3001;
	v7 =	vsub.s32 v5, v0;
	v5 =	vshll.u32 v5, $0xC  }
0x3ae: {  	s23 =	smov.u32 @p1 s5;
	vm6 =	vlt.u32 v7, $0x80;
	v5 =	vadd.s32 v6, v5  }
0x3af: {  	v6 =	vmpcnt.ones.xlane vm6;
	[tilespmem:s23+$0x7000] =	vst.msk vm6, v5  }
0x3b0: {  	v5 =	vld [tilespmem:s26+$0xFFFFFF80]  }
0x3b1: {  	(v2sf) =	vpush v6, $0x0;
	_ =	sdelay $0x3  }
0x3b2: {  	v6 =	vsub.s32 v5, v0  }
0x3b3: {  	vm7 =	vlt.u32 v6, $0x80  }
0x3b4: {  	v6 =	vmpcnt.ones.xlane vm7;
	_ =	sdelay $0x1  }
0x3b5: {  	(v2sf) =	vpush v6, $0x0;
	_ =	sdelay $0x4  }
0x3b6: {  	v6 =	vld [tilespmem:s26+$0xFFFFE380];
	_ =	sdelay $0x1  }
0x3b7: {  	s6 =	spop (v2sf)  }
0x3b8: {  	s6 =	sadd.s32 s23, s6  }
0x3b9: {  	v5 =	vshll.u32 v5, $0xC;
	p1 =	slt.s32 s6, $0x3001  }
0x3ba: {  	v5 =	vadd.s32 v6, v5;
	s23 =	smov.u32 @p1 s6  }
0x3bb: {  	[tilespmem:s23+$0x7000] =	vst.msk vm7, v5  }
0x3bc: {  	v5 =	vld [tilespmem:s26+$0xFFFFFF90]  }
0x3bd: {  	v6 =	vld [tilespmem:s26+$0xFFFFE390];
	_ =	sdelay $0x1  }
0x3be: {  	s7 =	spop (v2sf)  }
0x3bf: {  	s7 =	sadd.s32 s23, s7  }
0x3c0: {  	p1 =	slt.s32 s7, $0x3001;
	v7 =	vsub.s32 v5, v0;
	v5 =	vshll.u32 v5, $0xC  }
0x3c1: {  	s23 =	smov.u32 @p1 s7;
	vm8 =	vlt.u32 v7, $0x80;
	v5 =	vadd.s32 v6, v5  }
0x3c2: {  	v6 =	vmpcnt.ones.xlane vm8;
	[tilespmem:s23+$0x7000] =	vst.msk vm8, v5  }
0x3c3: {  	v5 =	vld [tilespmem:s26+$0xFFFFFFA0]  }
0x3c4: {  	(v2sf) =	vpush v6, $0x0;
	_ =	sdelay $0x3  }
0x3c5: {  	v6 =	vsub.s32 v5, v0  }
0x3c6: {  	vm9 =	vlt.u32 v6, $0x80  }
0x3c7: {  	v6 =	vmpcnt.ones.xlane vm9;
	_ =	sdelay $0x1  }
0x3c8: {  	(v2sf) =	vpush v6, $0x0;
	_ =	sdelay $0x4  }
0x3c9: {  	v6 =	vld [tilespmem:s26+$0xFFFFE3A0];
	_ =	sdelay $0x1  }
0x3ca: {  	s8 =	spop (v2sf)  }
0x3cb: {  	s8 =	sadd.s32 s23, s8  }
0x3cc: {  	v5 =	vshll.u32 v5, $0xC;
	p1 =	slt.s32 s8, $0x3001  }
0x3cd: {  	v5 =	vadd.s32 v6, v5;
	s23 =	smov.u32 @p1 s8  }
0x3ce: {  	[tilespmem:s23+$0x7000] =	vst.msk vm9, v5  }
0x3cf: {  	v5 =	vld [tilespmem:s26+$0xFFFFFFB0]  }
0x3d0: {  	v6 =	vld [tilespmem:s26+$0xFFFFE3B0];
	_ =	sdelay $0x1  }
0x3d1: {  	s9 =	spop (v2sf)  }
0x3d2: {  	s9 =	sadd.s32 s23, s9  }
0x3d3: {  	p1 =	slt.s32 s9, $0x3001;
	v7 =	vsub.s32 v5, v0;
	v5 =	vshll.u32 v5, $0xC  }
0x3d4: {  	s23 =	smov.u32 @p1 s9;
	vm10 =	vlt.u32 v7, $0x80;
	v5 =	vadd.s32 v6, v5  }
0x3d5: {  	v6 =	vmpcnt.ones.xlane vm10;
	[tilespmem:s23+$0x7000] =	vst.msk vm10, v5  }
0x3d6: {  	v5 =	vld [tilespmem:s26+$0xFFFFFFC0]  }
0x3d7: {  	(v2sf) =	vpush v6, $0x0;
	_ =	sdelay $0x3  }
0x3d8: {  	v6 =	vsub.s32 v5, v0  }
0x3d9: {  	vm11 =	vlt.u32 v6, $0x80  }
0x3da: {  	v6 =	vmpcnt.ones.xlane vm11;
	_ =	sdelay $0x1  }
0x3db: {  	(v2sf) =	vpush v6, $0x0;
	_ =	sdelay $0x4  }
0x3dc: {  	v6 =	vld [tilespmem:s26+$0xFFFFE3C0];
	_ =	sdelay $0x1  }
0x3dd: {  	s10 =	spop (v2sf)  }
0x3de: {  	s10 =	sadd.s32 s23, s10  }
0x3df: {  	v5 =	vshll.u32 v5, $0xC;
	p1 =	slt.s32 s10, $0x3001  }
0x3e0: {  	v5 =	vadd.s32 v6, v5;
	s23 =	smov.u32 @p1 s10  }
0x3e1: {  	[tilespmem:s23+$0x7000] =	vst.msk vm11, v5  }
0x3e2: {  	v5 =	vld [tilespmem:s26+$0xFFFFFFD0]  }
0x3e3: {  	v6 =	vld [tilespmem:s26+$0xFFFFE3D0];
	_ =	sdelay $0x1  }
0x3e4: {  	s11 =	spop (v2sf)  }
0x3e5: {  	s11 =	sadd.s32 s23, s11  }
0x3e6: {  	p1 =	slt.s32 s11, $0x3001;
	v7 =	vsub.s32 v5, v0;
	v5 =	vshll.u32 v5, $0xC  }
0x3e7: {  	s23 =	smov.u32 @p1 s11;
	vm12 =	vlt.u32 v7, $0x80;
	v5 =	vadd.s32 v6, v5  }
0x3e8: {  	v6 =	vmpcnt.ones.xlane vm12;
	[tilespmem:s23+$0x7000] =	vst.msk vm12, v5  }
0x3e9: {  	v5 =	vld [tilespmem:s26+$0xFFFFFFE0]  }
0x3ea: {  	(v2sf) =	vpush v6, $0x0;
	_ =	sdelay $0x3  }
0x3eb: {  	v6 =	vsub.s32 v5, v0  }
0x3ec: {  	vm13 =	vlt.u32 v6, $0x80  }
0x3ed: {  	v6 =	vmpcnt.ones.xlane vm13;
	_ =	sdelay $0x1  }
0x3ee: {  	(v2sf) =	vpush v6, $0x0;
	_ =	sdelay $0x4  }
0x3ef: {  	v6 =	vld [tilespmem:s26+$0xFFFFE3E0];
	_ =	sdelay $0x1  }
0x3f0: {  	s12 =	spop (v2sf)  }
0x3f1: {  	s12 =	sadd.s32 s23, s12  }
0x3f2: {  	v5 =	vshll.u32 v5, $0xC;
	p1 =	slt.s32 s12, $0x3001  }
0x3f3: {  	v5 =	vadd.s32 v6, v5;
	s23 =	smov.u32 @p1 s12  }
0x3f4: {  	[tilespmem:s23+$0x7000] =	vst.msk vm13, v5  }
0x3f5: {  	v5 =	vld [tilespmem:s26+$0xFFFFFFF0]  }
0x3f6: {  	v6 =	vld [tilespmem:s26+$0xFFFFE3F0];
	_ =	sdelay $0x1  }
0x3f7: {  	s13 =	spop (v2sf)  }
0x3f8: {  	s13 =	sadd.s32 s23, s13  }
0x3f9: {  	p1 =	slt.s32 s13, $0x3001;
	v7 =	vsub.s32 v5, v0;
	v5 =	vshll.u32 v5, $0xC  }
0x3fa: {  	s23 =	smov.u32 @p1 s13;
	vm14 =	vlt.u32 v7, $0x80;
	v5 =	vadd.s32 v6, v5  }
0x3fb: {  	[tilespmem:s23+$0x7000] =	vst.msk vm14, v5  }
0x3fc: {  	v5 =	vld [tilespmem:s26+$0x0];
	_ =	sdelay $0x2  }
0x3fd: {  	v6 =	vmpcnt.ones.xlane vm14;
	_ =	sdelay $0x1  }
0x3fe: {  	(v2sf) =	vpush v6, $0x0;
	v6 =	vsub.s32 v5, v0  }
0x3ff: {  	vm15 =	vlt.u32 v6, $0x80  }
0x400: {  	v6 =	vmpcnt.ones.xlane vm15;
	_ =	sdelay $0x1  }
0x401: {  	(v2sf) =	vpush v6, $0x0;
	_ =	sdelay $0x1  }
0x402: {  	p2 =	sgt.s32 s0, $0x3000;
	p6 =	sgt.s32 s2, $0x3000  }
0x403: {  	p3 =	sgt.s32 s1, $0x3000;
	p1 =	por p2, p6  }
0x404: {  	p4 =	sgt.s32 s3, $0x3000;
	p1 =	por p1, p3  }
0x405: {  	p6 =	sgt.s32 s4, $0x3000;
	p1 =	por p1, p4  }
0x406: {  	p4 =	sgt.s32 s5, $0x3000;
	p1 =	por p1, p6  }
0x407: {  	p6 =	sgt.s32 s6, $0x3000;
	p1 =	por p1, p4  }
0x408: {  	p4 =	sgt.s32 s7, $0x3000;
	p1 =	por p1, p6  }
0x409: {  	p6 =	sgt.s32 s8, $0x3000;
	p1 =	por p1, p4  }
0x40a: {  	p4 =	sgt.s32 s9, $0x3000;
	p1 =	por p1, p6  }
0x40b: {  	p6 =	sgt.s32 s10, $0x3000;
	p1 =	por p1, p4  }
0x40c: {  	p4 =	sgt.s32 s11, $0x3000;
	p1 =	por p1, p6;
	s29 =	spop (v2sf)  }
0x40d: {  	p6 =	sgt.s32 s12, $0x3000;
	p1 =	por p1, p4;
	s0 =	sadd.s32 s23, s29  }
0x40e: {  	p1 =	por p1, p6;
	p3 =	slt.s32 s0, $0x3001  }
0x40f: {  	s23 =	smov.u32 @p3 s0;
	p3 =	sgt.s32 s13, $0x3000;
	s30 =	spop (v2sf)  }
0x410: {  	p4 =	sgt.s32 s0, $0x3000;
	p1 =	por p1, p3;
	s0 =	sadd.s32 s23, s30  }
0x411: {  	s31 =	rddreg [dreg:$0xe];
	p1 =	por p1, p4;
	p6 =	sgt.s32 s0, $0x3000  }
0x412: {  	p0 =	por p5, p0;
	s1 =	smul.u32 $0x1C0, s31;
	p1 =	por p1, p6  }
0x413: {  	s24 =	sadd.s32 $0x1, s24;
	s2 =	smov.u32 s22;
	v6 =	vld [tilespmem:s26+$0xFFFFE400];
	p0 =	por p0, p1  }
0x414: {  	s2 =	smov.u32 @p0 s1;
	p0 =	sne.s32 s24, $0x7  }
.Ltmp5:
0x415: {  	_ = 	snop;
	(pc) =	sbr.rel @p0 .LBB2_4-.Ltmp5, $4  }
0x416: {  	s15 =	rddreg [dreg:$0x0]  }
0x417: {  	s16 =	simm.s32 $0x2;
	s18 =	simm.s32 $0x1;
	s20 =	simm.s32 $0x4;
	v5 =	vshll.u32 v5, $0xC  }
0x418: {  	s4 =	simm.s32 $0x3;
	v5 =	vadd.s32 v6, v5;
	p2 =	slt.s32 s0, $0x3001;
	p1 =	seq.s32 s22, $0x1880  }
0x419: {  	s13 =	simm.s32 $0x0;
	[tilespmem:s23+$0x7000] =	vst.msk vm15, v5;
	s23 =	smov.u32 @p2 s0;
	s22 =	smov.u32 @p1 s2  }
0x41a: {  	s0 =	sadd.s32 $0xF, s23  }
0x41b: {  	s1 =	sand.u32 $0xF, s0  }
0x41c: {  	s31 =	sshra.s32 s0, $0x1F;
	p1 =	slt.s32 s0, $0x1;
	p0 =	sne.s32 s1, $0x0  }
.Ltmp6:
0x41d: {  	s1 =	sshrl.u32 s31, $0x1C;
	p0 =	por !p1, !p0;
	(pc) =	sbr.rel .LBB2_10-.Ltmp6, $4  }
0x41e: {  	s0 =	sadd.s32 s1, s0;
	s1 =	simm.s32 $0x1;
	p0 =	por !p0, !p0  }
0x41f: {  	s11 =	rddreg [dreg:$0x1];
	s0 =	sshra.s32 s0, $0x4;
	s1 =	simm.s32 @!p0 $0x0  }
0x420: {  	s12 =	rddreg [dreg:$0x2];
	s24 =	ssub.s32 s0, s1  }
0x421: {  	[tilespmem:s23+$0x7000] =	vst v2;
	s23 =	simm.s32 $0x0;
	s14 =	rddreg [dreg:$0x4];
	p1 =	slt.s32 s24, $0x1  }
.LBB2_26:
0x422: {  	_ =	sdelay $0x4  }
0x423: {  	[tilespmem:v5+s19+$0x0] =	vst.idx.msk vm0, v4  }
.LBB2_27:
0x424: {  	s23 =	sadd.s32 $0x1, s23  }
0x425: {  	p0 =	sne.s32 s23, $0x8  }
.Ltmp7:
0x426: {  	_ = 	snop;
	(pc) =	sbr.rel @!p0 .LBB2_28-.Ltmp7, $4  }
0x427: {  	_ = 	snop  }
0x428: {  	s0 =	sshrl.u32 s26, $0x3  }
0x429: {  	s0 =	sadd.s32 s11, s0  }
0x42a: {  	[hbm4b:s0+s13] =	stream.linear.scatter [tilespmem:s19], [sflag:$0x1], $0x8000, $0x38;
	[tilespmem:$0x1E900] =	vst v63  }
.LBB2_10:
0x42b: {  	p2 =	seq.s32 s23, $0x0  }
.Ltmp8:
0x42c: {  	s0 =	simm.s32 @!p2 $0x1;
	(pc) =	sbr.rel @p1 .LBB2_14-.Ltmp8, $4  }
0x42d: {  	_ =	swait.ge @!p2 [sflag:s0], $0x8000  }
0x42e: {  	s31 =	sshll.u32 s23, $0x10;
	s25 =	sadd.s32 $0xFFFFFFFF, s24;
	[sflag:s0] =	ssyncset.done @!p2 $0x0  }
0x42f: {  	s28 =	simm.s32 $0x0;
	s26 =	sor.u32 s14, s31;
	[sflag:s0] =	ssyncadd.s32 @!p2 $0xFFFF8000  }
0x430: {  	[tilespmem:s17], [sflag:$0x3] =	stream.linear.gather [spmem:s12], $0x8000, $0x38;
	[tilespmem:$0x1E900] =	vst v63  }
0x431: {  	s0 =	simm.s32 $0x7000  }
0x432: {  	v6 =	vld [tilespmem:s0+$0x0];
	_ =	sdelay $0x3  }
0x433: {  	v5 =	vmov s26  }
0x434: {  	v6 =	vsub.s32 v6, v5  }
0x435: {  	vm0 =	vlt.u32 v6, $0x8000  }
0x436: {  	v7 =	vmpcnt.ones.xlane vm0;
	_ =	sdelay $0x1  }
0x437: {  	(v2sf) =	vpush v7, $0x0;
	_ =	sdelay $0xa  }
0x438: {  	s1 =	sadd.s32 $0xFFFFFFFF, s24  }
0x439: {  	p0 =	sne.s32 s1, $0x0  }
.Ltmp9:
0x43a: {  	_ = 	snop;
	(pc) =	sbr.rel @!p0 .LBB2_13-.Ltmp9, $4  }
0x43b: {  	_ = 	snop  }
0x43c: {  	s3 =	spop (v2sf)  }
0x43d: {  	p3 =	slt.s32 s3, $0x1  }
0x43e: {  	s2 =	simm.s32 $0x0;
	s28 =	sadd.s32 $0x0, s3;
	vm0 =	vlt.u32 @!p3 v6, $0x8000  }
.LBB2_12:
0x43f: {  	s1 =	sadd.s32 $0xFFFFFFFF, s1;
	[tilespmem:s2+$0xA080] =	vst.msk @!p3 vm0, v6;
	s0 =	sadd.s32 $0x10, s0;
	s2 =	smov.u32 s28  }
0x440: {  	v6 =	vld [tilespmem:s0+$0x0];
	p0 =	sne.s32 s1, $0x0;
	_ =	sdelay $0x4  }
0x441: {  	v6 =	vsub.s32 v6, v5  }
0x442: {  	vm0 =	vlt.u32 v6, $0x8000  }
0x443: {  	v7 =	vmpcnt.ones.xlane vm0;
	_ =	sdelay $0x1  }
0x444: {  	(v2sf) =	vpush v7, $0x0;
	_ =	sdelay $0xc  }
.Ltmp10:
0x445: {  	(pc) =	sbr.rel @p0 .LBB2_12-.Ltmp10, $4  }
0x446: {  	_ = 	snop  }
0x447: {  	s3 =	spop (v2sf)  }
0x448: {  	p3 =	slt.s32 s3, $0x1;
	s28 =	sadd.s32 s28, s3  }
0x449: {  	vm0 =	vlt.u32 @!p3 v6, $0x8000  }
.LBB2_13:
0x44a: {  	[tilespmem:s2+$0xA080] =	vst.msk @!p3 vm0, v6  }
.LBB2_14:
0x44b: {  	s0 =	sadd.s32 $0xF, s28  }
0x44c: {  	s1 =	sand.u32 $0xF, s0  }
0x44d: {  	s31 =	sshra.s32 s0, $0x1F;
	p3 =	slt.s32 s0, $0x1;
	p0 =	sne.s32 s1, $0x0  }
0x44e: {  	s1 =	sshrl.u32 s31, $0x1C;
	p0 =	por !p3, !p0  }
0x44f: {  	s0 =	sadd.s32 s1, s0;
	s1 =	simm.s32 $0x1;
	p0 =	por !p0, !p0  }
0x450: {  	s0 =	sshra.s32 s0, $0x4;
	s1 =	simm.s32 @!p0 $0x0  }
0x451: {  	s0 =	ssub.s32 s0, s1  }
0x452: {  	p0 =	slt.s32 s0, $0x1  }
.Ltmp11:
0x453: {  	_ = 	snop;
	(pc) =	sbr.rel @p0 .LBB2_18-.Ltmp11, $4  }
0x454: {  	_ = 	snop  }
0x455: {  	_ =	swait.ge [sflag:s4], $0x8000  }
0x456: {  	[sflag:s4] =	ssyncset.done $0x0  }
0x457: {  	s29 =	simm.s32 $0xA080;
	[sflag:s4] =	ssyncadd.s32 $0xFFFF8000  }
0x458: {  	v5 =	vld [tilespmem:s29+$0x0];
	p0 =	slt.s32 s28, $0x10;
	s1 =	smov.u32 s28  }
0x459: {  	s1 =	simm.s32 @!p0 $0x10  }
0x45a: {  	v6 =	vmov s1  }
0x45b: {  	vm0 =	vgt.s32 v6, v3;
	_ =	sdelay $0x1  }
0x45c: {  	v6 =	vadd.s32 $0x1, v5  }
0x45d: {  	v7 =	vadd.s32 $0x2, v5  }
0x45e: {  	v8 =	vadd.s32 $0x3, v5  }
0x45f: {  	v9 =	vadd.s32 $0x4, v5  }
0x460: {  	v10 =	vadd.s32 $0x5, v5;
	[tilespmem:v5+s17+$0x0] =	vst.idx.msk vm0, v4  }
0x461: {  	[tilespmem:v6+s17+$0x0] =	vst.idx.msk vm0, v4;
	v6 =	vadd.s32 $0x6, v5  }
0x462: {  	[tilespmem:v7+s17+$0x0] =	vst.idx.msk vm0, v4;
	v7 =	vadd.s32 $0x7, v5  }
0x463: {  	v31 =	vadd.s32 $0x8, v5;
	[tilespmem:v8+s17+$0x0] =	vst.idx.msk vm0, v4  }
0x464: {  	v32 =	vadd.s32 $0x9, v5;
	[tilespmem:v9+s17+$0x0] =	vst.idx.msk vm0, v4  }
0x465: {  	v33 =	vadd.s32 $0xA, v5;
	[tilespmem:v10+s17+$0x0] =	vst.idx.msk vm0, v4  }
0x466: {  	[tilespmem:v6+s17+$0x0] =	vst.idx.msk vm0, v4;
	v6 =	vadd.s32 $0xB, v5  }
0x467: {  	[tilespmem:v7+s17+$0x0] =	vst.idx.msk vm0, v4;
	v7 =	vadd.s32 $0xC, v5  }
0x468: {  	v34 =	vadd.s32 $0xD, v5;
	[tilespmem:v31+s17+$0x0] =	vst.idx.msk vm0, v4  }
0x469: {  	v35 =	vadd.s32 $0xE, v5;
	[tilespmem:v32+s17+$0x0] =	vst.idx.msk vm0, v4  }
0x46a: {  	v36 =	vadd.s32 $0xF, v5;
	[tilespmem:v33+s17+$0x0] =	vst.idx.msk vm0, v4  }
0x46b: {  	[tilespmem:v6+s17+$0x0] =	vst.idx.msk vm0, v4;
	v6 =	vadd.s32 $0x10, v5  }
0x46c: {  	[tilespmem:v7+s17+$0x0] =	vst.idx.msk vm0, v4;
	v7 =	vadd.s32 $0x11, v5  }
0x46d: {  	v37 =	vadd.s32 $0x12, v5;
	[tilespmem:v34+s17+$0x0] =	vst.idx.msk vm0, v4  }
0x46e: {  	v38 =	vadd.s32 $0x13, v5;
	[tilespmem:v35+s17+$0x0] =	vst.idx.msk vm0, v4  }
0x46f: {  	v39 =	vadd.s32 $0x14, v5;
	[tilespmem:v36+s17+$0x0] =	vst.idx.msk vm0, v4  }
0x470: {  	[tilespmem:v6+s17+$0x0] =	vst.idx.msk vm0, v4;
	v6 =	vadd.s32 $0x15, v5  }
0x471: {  	[tilespmem:v7+s17+$0x0] =	vst.idx.msk vm0, v4;
	v7 =	vadd.s32 $0x16, v5  }
0x472: {  	v40 =	vadd.s32 $0x17, v5;
	[tilespmem:v37+s17+$0x0] =	vst.idx.msk vm0, v4  }
0x473: {  	v41 =	vadd.s32 $0x18, v5;
	[tilespmem:v38+s17+$0x0] =	vst.idx.msk vm0, v4  }
0x474: {  	v42 =	vadd.s32 $0x19, v5;
	[tilespmem:v39+s17+$0x0] =	vst.idx.msk vm0, v4  }
0x475: {  	[tilespmem:v6+s17+$0x0] =	vst.idx.msk vm0, v4;
	v6 =	vadd.s32 $0x1A, v5  }
0x476: {  	[tilespmem:v7+s17+$0x0] =	vst.idx.msk vm0, v4;
	v7 =	vadd.s32 $0x1B, v5  }
0x477: {  	v43 =	vadd.s32 $0x1C, v5;
	[tilespmem:v40+s17+$0x0] =	vst.idx.msk vm0, v4  }
0x478: {  	v44 =	vadd.s32 $0x1D, v5;
	[tilespmem:v41+s17+$0x0] =	vst.idx.msk vm0, v4  }
0x479: {  	v45 =	vadd.s32 $0x1E, v5;
	[tilespmem:v42+s17+$0x0] =	vst.idx.msk vm0, v4  }
0x47a: {  	[tilespmem:v6+s17+$0x0] =	vst.idx.msk vm0, v4;
	v6 =	vadd.s32 $0x1F, v5  }
0x47b: {  	[tilespmem:v7+s17+$0x0] =	vst.idx.msk vm0, v4;
	v7 =	vadd.s32 $0x20, v5  }
0x47c: {  	v46 =	vadd.s32 $0x21, v5;
	[tilespmem:v43+s17+$0x0] =	vst.idx.msk vm0, v4  }
0x47d: {  	v47 =	vadd.s32 $0x22, v5;
	[tilespmem:v44+s17+$0x0] =	vst.idx.msk vm0, v4  }
0x47e: {  	v48 =	vadd.s32 $0x23, v5;
	[tilespmem:v45+s17+$0x0] =	vst.idx.msk vm0, v4  }
0x47f: {  	[tilespmem:v6+s17+$0x0] =	vst.idx.msk vm0, v4;
	v6 =	vadd.s32 $0x24, v5  }
0x480: {  	[tilespmem:v7+s17+$0x0] =	vst.idx.msk vm0, v4;
	v7 =	vadd.s32 $0x25, v5  }
0x481: {  	v49 =	vadd.s32 $0x26, v5;
	[tilespmem:v46+s17+$0x0] =	vst.idx.msk vm0, v4  }
0x482: {  	v50 =	vadd.s32 $0x27, v5;
	[tilespmem:v47+s17+$0x0] =	vst.idx.msk vm0, v4  }
0x483: {  	v51 =	vadd.s32 $0x28, v5;
	[tilespmem:v48+s17+$0x0] =	vst.idx.msk vm0, v4  }
0x484: {  	[tilespmem:v6+s17+$0x0] =	vst.idx.msk vm0, v4;
	v6 =	vadd.s32 $0x29, v5  }
0x485: {  	[tilespmem:v7+s17+$0x0] =	vst.idx.msk vm0, v4;
	v7 =	vadd.s32 $0x2A, v5  }
0x486: {  	v52 =	vadd.s32 $0x2B, v5;
	[tilespmem:v49+s17+$0x0] =	vst.idx.msk vm0, v4  }
0x487: {  	v53 =	vadd.s32 $0x2C, v5;
	[tilespmem:v50+s17+$0x0] =	vst.idx.msk vm0, v4  }
0x488: {  	v54 =	vadd.s32 $0x2D, v5;
	[tilespmem:v51+s17+$0x0] =	vst.idx.msk vm0, v4  }
0x489: {  	[tilespmem:v6+s17+$0x0] =	vst.idx.msk vm0, v4;
	v6 =	vadd.s32 $0x2E, v5  }
0x48a: {  	[tilespmem:v7+s17+$0x0] =	vst.idx.msk vm0, v4;
	v7 =	vadd.s32 $0x2F, v5  }
0x48b: {  	v55 =	vadd.s32 $0x30, v5;
	[tilespmem:v52+s17+$0x0] =	vst.idx.msk vm0, v4  }
0x48c: {  	v56 =	vadd.s32 $0x31, v5;
	[tilespmem:v53+s17+$0x0] =	vst.idx.msk vm0, v4  }
0x48d: {  	v57 =	vadd.s32 $0x32, v5;
	[tilespmem:v54+s17+$0x0] =	vst.idx.msk vm0, v4  }
0x48e: {  	[tilespmem:v6+s17+$0x0] =	vst.idx.msk vm0, v4;
	v6 =	vadd.s32 $0x33, v5  }
0x48f: {  	[tilespmem:v7+s17+$0x0] =	vst.idx.msk vm0, v4;
	v7 =	vadd.s32 $0x34, v5  }
0x490: {  	v58 =	vadd.s32 $0x35, v5;
	[tilespmem:v55+s17+$0x0] =	vst.idx.msk vm0, v4  }
0x491: {  	v59 =	vadd.s32 $0x36, v5;
	[tilespmem:v56+s17+$0x0] =	vst.idx.msk vm0, v4  }
0x492: {  	v60 =	vadd.s32 $0x37, v5;
	[tilespmem:v57+s17+$0x0] =	vst.idx.msk vm0, v4  }
0x493: {  	[tilespmem:v6+s17+$0x0] =	vst.idx.msk vm0, v4;
	v6 =	vadd.s32 $0x38, v5  }
0x494: {  	[tilespmem:v7+s17+$0x0] =	vst.idx.msk vm0, v4;
	v7 =	vadd.s32 $0x39, v5  }
0x495: {  	v61 =	vadd.s32 $0x3A, v5;
	[tilespmem:v58+s17+$0x0] =	vst.idx.msk vm0, v4  }
0x496: {  	v62 =	vadd.s32 $0x3B, v5;
	[tilespmem:v59+s17+$0x0] =	vst.idx.msk vm0, v4  }
0x497: {  	v63 =	vadd.s32 $0x3C, v5;
	[tilespmem:v60+s17+$0x0] =	vst.idx.msk vm0, v4  }
0x498: {  	[tilespmem:v6+s17+$0x0] =	vst.idx.msk vm0, v4;
	v6 =	vadd.s32 $0x3D, v5  }
0x499: {  	p0 =	sne.s32 s0, $0x1;
	[tilespmem:v7+s17+$0x0] =	vst.idx.msk vm0, v4;
	v7 =	vadd.s32 $0x3E, v5  }
.Ltmp12:
0x49a: {  	v5 =	vadd.s32 $0x3F, v5;
	[tilespmem:v61+s17+$0x0] =	vst.idx.msk vm0, v4;
	(pc) =	sbr.rel @!p0 .LBB2_17-.Ltmp12, $4  }
0x49b: {  	[tilespmem:v62+s17+$0x0] =	vst.idx.msk vm0, v4  }
0x49c: {  	[tilespmem:v63+s17+$0x0] =	vst.idx.msk vm0, v4  }
0x49d: {  	[tilespmem:v6+s17+$0x0] =	vst.idx.msk vm0, v4  }
0x49e: {  	s0 =	sadd.s32 $0xFFFFFFFF, s0;
	[tilespmem:v7+s17+$0x0] =	vst.idx.msk vm0, v4  }
.LBB2_16:
0x49f: {  	p0 =	sne.s32 s0, $0x1;
	[tilespmem:v5+s17+$0x0] =	vst.idx.msk vm0, v4;
	s29 =	sadd.s32 $0x10, s29;
	s28 =	sadd.s32 $0xFFFFFFF0, s28  }
0x4a0: {  	s0 =	sadd.s32 $0xFFFFFFFF, s0;
	v5 =	vld [tilespmem:s29+$0x0];
	p3 =	slt.s32 s28, $0x10;
	s1 =	smov.u32 s28  }
0x4a1: {  	s1 =	simm.s32 @!p3 $0x10  }
0x4a2: {  	v6 =	vmov s1  }
0x4a3: {  	vm0 =	vgt.s32 v6, v3;
	_ =	sdelay $0x1  }
0x4a4: {  	v6 =	vadd.s32 $0x1, v5  }
0x4a5: {  	v7 =	vadd.s32 $0x2, v5  }
0x4a6: {  	v8 =	vadd.s32 $0x3, v5  }
0x4a7: {  	v9 =	vadd.s32 $0x4, v5  }
0x4a8: {  	v10 =	vadd.s32 $0x5, v5;
	[tilespmem:v5+s17+$0x0] =	vst.idx.msk vm0, v4  }
0x4a9: {  	[tilespmem:v6+s17+$0x0] =	vst.idx.msk vm0, v4;
	v6 =	vadd.s32 $0x6, v5  }
0x4aa: {  	[tilespmem:v7+s17+$0x0] =	vst.idx.msk vm0, v4;
	v7 =	vadd.s32 $0x7, v5  }
0x4ab: {  	[tilespmem:v8+s17+$0x0] =	vst.idx.msk vm0, v4;
	v8 =	vadd.s32 $0x8, v5  }
0x4ac: {  	[tilespmem:v9+s17+$0x0] =	vst.idx.msk vm0, v4;
	v9 =	vadd.s32 $0x9, v5  }
0x4ad: {  	[tilespmem:v10+s17+$0x0] =	vst.idx.msk vm0, v4;
	v10 =	vadd.s32 $0xA, v5  }
0x4ae: {  	[tilespmem:v6+s17+$0x0] =	vst.idx.msk vm0, v4;
	v6 =	vadd.s32 $0xB, v5  }
0x4af: {  	[tilespmem:v7+s17+$0x0] =	vst.idx.msk vm0, v4;
	v7 =	vadd.s32 $0xC, v5  }
0x4b0: {  	[tilespmem:v8+s17+$0x0] =	vst.idx.msk vm0, v4;
	v8 =	vadd.s32 $0xD, v5  }
0x4b1: {  	[tilespmem:v9+s17+$0x0] =	vst.idx.msk vm0, v4;
	v9 =	vadd.s32 $0xE, v5  }
0x4b2: {  	[tilespmem:v10+s17+$0x0] =	vst.idx.msk vm0, v4;
	v10 =	vadd.s32 $0xF, v5  }
0x4b3: {  	[tilespmem:v6+s17+$0x0] =	vst.idx.msk vm0, v4;
	v6 =	vadd.s32 $0x10, v5  }
0x4b4: {  	[tilespmem:v7+s17+$0x0] =	vst.idx.msk vm0, v4;
	v7 =	vadd.s32 $0x11, v5  }
0x4b5: {  	[tilespmem:v8+s17+$0x0] =	vst.idx.msk vm0, v4;
	v8 =	vadd.s32 $0x12, v5  }
0x4b6: {  	[tilespmem:v9+s17+$0x0] =	vst.idx.msk vm0, v4;
	v9 =	vadd.s32 $0x13, v5  }
0x4b7: {  	[tilespmem:v10+s17+$0x0] =	vst.idx.msk vm0, v4;
	v10 =	vadd.s32 $0x14, v5  }
0x4b8: {  	[tilespmem:v6+s17+$0x0] =	vst.idx.msk vm0, v4;
	v6 =	vadd.s32 $0x15, v5  }
0x4b9: {  	[tilespmem:v7+s17+$0x0] =	vst.idx.msk vm0, v4;
	v7 =	vadd.s32 $0x16, v5  }
0x4ba: {  	[tilespmem:v8+s17+$0x0] =	vst.idx.msk vm0, v4;
	v8 =	vadd.s32 $0x17, v5  }
0x4bb: {  	[tilespmem:v9+s17+$0x0] =	vst.idx.msk vm0, v4;
	v9 =	vadd.s32 $0x18, v5  }
0x4bc: {  	[tilespmem:v10+s17+$0x0] =	vst.idx.msk vm0, v4;
	v10 =	vadd.s32 $0x19, v5  }
0x4bd: {  	[tilespmem:v6+s17+$0x0] =	vst.idx.msk vm0, v4;
	v6 =	vadd.s32 $0x1A, v5  }
0x4be: {  	[tilespmem:v7+s17+$0x0] =	vst.idx.msk vm0, v4;
	v7 =	vadd.s32 $0x1B, v5  }
0x4bf: {  	[tilespmem:v8+s17+$0x0] =	vst.idx.msk vm0, v4;
	v8 =	vadd.s32 $0x1C, v5  }
0x4c0: {  	[tilespmem:v9+s17+$0x0] =	vst.idx.msk vm0, v4;
	v9 =	vadd.s32 $0x1D, v5  }
0x4c1: {  	[tilespmem:v10+s17+$0x0] =	vst.idx.msk vm0, v4;
	v10 =	vadd.s32 $0x1E, v5  }
0x4c2: {  	[tilespmem:v6+s17+$0x0] =	vst.idx.msk vm0, v4;
	v6 =	vadd.s32 $0x1F, v5  }
0x4c3: {  	[tilespmem:v7+s17+$0x0] =	vst.idx.msk vm0, v4;
	v7 =	vadd.s32 $0x20, v5  }
0x4c4: {  	[tilespmem:v8+s17+$0x0] =	vst.idx.msk vm0, v4;
	v8 =	vadd.s32 $0x21, v5  }
0x4c5: {  	[tilespmem:v9+s17+$0x0] =	vst.idx.msk vm0, v4;
	v9 =	vadd.s32 $0x22, v5  }
0x4c6: {  	[tilespmem:v10+s17+$0x0] =	vst.idx.msk vm0, v4;
	v10 =	vadd.s32 $0x23, v5  }
0x4c7: {  	[tilespmem:v6+s17+$0x0] =	vst.idx.msk vm0, v4;
	v6 =	vadd.s32 $0x24, v5  }
0x4c8: {  	[tilespmem:v7+s17+$0x0] =	vst.idx.msk vm0, v4;
	v7 =	vadd.s32 $0x25, v5  }
0x4c9: {  	[tilespmem:v8+s17+$0x0] =	vst.idx.msk vm0, v4;
	v8 =	vadd.s32 $0x26, v5  }
0x4ca: {  	[tilespmem:v9+s17+$0x0] =	vst.idx.msk vm0, v4;
	v9 =	vadd.s32 $0x27, v5  }
0x4cb: {  	[tilespmem:v10+s17+$0x0] =	vst.idx.msk vm0, v4;
	v10 =	vadd.s32 $0x28, v5  }
0x4cc: {  	[tilespmem:v6+s17+$0x0] =	vst.idx.msk vm0, v4;
	v6 =	vadd.s32 $0x29, v5  }
0x4cd: {  	[tilespmem:v7+s17+$0x0] =	vst.idx.msk vm0, v4;
	v7 =	vadd.s32 $0x2A, v5  }
0x4ce: {  	[tilespmem:v8+s17+$0x0] =	vst.idx.msk vm0, v4;
	v8 =	vadd.s32 $0x2B, v5  }
0x4cf: {  	[tilespmem:v9+s17+$0x0] =	vst.idx.msk vm0, v4;
	v9 =	vadd.s32 $0x2C, v5  }
0x4d0: {  	[tilespmem:v10+s17+$0x0] =	vst.idx.msk vm0, v4;
	v10 =	vadd.s32 $0x2D, v5  }
0x4d1: {  	[tilespmem:v6+s17+$0x0] =	vst.idx.msk vm0, v4;
	v6 =	vadd.s32 $0x2E, v5  }
0x4d2: {  	[tilespmem:v7+s17+$0x0] =	vst.idx.msk vm0, v4;
	v7 =	vadd.s32 $0x2F, v5  }
0x4d3: {  	[tilespmem:v8+s17+$0x0] =	vst.idx.msk vm0, v4;
	v8 =	vadd.s32 $0x30, v5  }
0x4d4: {  	[tilespmem:v9+s17+$0x0] =	vst.idx.msk vm0, v4;
	v9 =	vadd.s32 $0x31, v5  }
0x4d5: {  	[tilespmem:v10+s17+$0x0] =	vst.idx.msk vm0, v4;
	v10 =	vadd.s32 $0x32, v5  }
0x4d6: {  	[tilespmem:v6+s17+$0x0] =	vst.idx.msk vm0, v4;
	v6 =	vadd.s32 $0x33, v5  }
0x4d7: {  	[tilespmem:v7+s17+$0x0] =	vst.idx.msk vm0, v4;
	v7 =	vadd.s32 $0x34, v5  }
0x4d8: {  	[tilespmem:v8+s17+$0x0] =	vst.idx.msk vm0, v4;
	v8 =	vadd.s32 $0x35, v5  }
0x4d9: {  	[tilespmem:v9+s17+$0x0] =	vst.idx.msk vm0, v4;
	v9 =	vadd.s32 $0x36, v5  }
0x4da: {  	[tilespmem:v10+s17+$0x0] =	vst.idx.msk vm0, v4;
	v10 =	vadd.s32 $0x37, v5  }
0x4db: {  	[tilespmem:v6+s17+$0x0] =	vst.idx.msk vm0, v4;
	v6 =	vadd.s32 $0x38, v5  }
0x4dc: {  	[tilespmem:v7+s17+$0x0] =	vst.idx.msk vm0, v4;
	v7 =	vadd.s32 $0x39, v5  }
0x4dd: {  	[tilespmem:v8+s17+$0x0] =	vst.idx.msk vm0, v4;
	v8 =	vadd.s32 $0x3A, v5  }
0x4de: {  	[tilespmem:v9+s17+$0x0] =	vst.idx.msk vm0, v4;
	v9 =	vadd.s32 $0x3B, v5  }
0x4df: {  	[tilespmem:v10+s17+$0x0] =	vst.idx.msk vm0, v4;
	v10 =	vadd.s32 $0x3C, v5  }
0x4e0: {  	[tilespmem:v6+s17+$0x0] =	vst.idx.msk vm0, v4;
	v6 =	vadd.s32 $0x3D, v5  }
0x4e1: {  	[tilespmem:v7+s17+$0x0] =	vst.idx.msk vm0, v4;
	v7 =	vadd.s32 $0x3E, v5  }
.Ltmp13:
0x4e2: {  	v5 =	vadd.s32 $0x3F, v5;
	[tilespmem:v8+s17+$0x0] =	vst.idx.msk vm0, v4;
	(pc) =	sbr.rel @p0 .LBB2_16-.Ltmp13, $4  }
0x4e3: {  	[tilespmem:v9+s17+$0x0] =	vst.idx.msk vm0, v4  }
0x4e4: {  	[tilespmem:v10+s17+$0x0] =	vst.idx.msk vm0, v4  }
0x4e5: {  	[tilespmem:v6+s17+$0x0] =	vst.idx.msk vm0, v4  }
0x4e6: {  	[tilespmem:v7+s17+$0x0] =	vst.idx.msk vm0, v4  }
.LBB2_17:
0x4e7: {  	_ =	sdelay $0x4  }
0x4e8: {  	[tilespmem:v5+s17+$0x0] =	vst.idx.msk vm0, v4  }
.LBB2_18:
0x4e9: {  	s0 =	sshrl.u32 s26, $0x3  }
0x4ea: {  	s0 =	sadd.s32 s11, s0  }
0x4eb: {  	[hbm4b:s0+s13] =	stream.linear.scatter [tilespmem:s17], [sflag:$0x1], $0x8000, $0x38;
	[tilespmem:$0x1E900] =	vst v63  }
.Ltmp14:
0x4ec: {  	s0 =	simm.s32 @!p2 $0x1;
	(pc) =	sbr.rel @p1 .LBB2_19-.Ltmp14, $4  }
0x4ed: {  	_ =	swait.ge @!p2 [sflag:s0], $0x8000  }
0x4ee: {  	[sflag:s0] =	ssyncset.done @!p2 $0x0  }
0x4ef: {  	s26 =	sor.u32 $0x8000, s26;
	[sflag:s0] =	ssyncadd.s32 @!p2 $0xFFFF8000  }
0x4f0: {  	[tilespmem:s19], [sflag:$0x3] =	stream.linear.gather [spmem:s12], $0x8000, $0x38;
	[tilespmem:$0x1E900] =	vst v63  }
0x4f1: {  	s0 =	simm.s32 $0x7000  }
0x4f2: {  	v6 =	vld [tilespmem:s0+$0x0];
	_ =	sdelay $0x3  }
0x4f3: {  	v5 =	vmov s26  }
0x4f4: {  	v6 =	vsub.s32 v6, v5  }
0x4f5: {  	vm0 =	vlt.u32 v6, $0x8000  }
0x4f6: {  	v7 =	vmpcnt.ones.xlane vm0;
	_ =	sdelay $0x1  }
0x4f7: {  	(v2sf) =	vpush v7, $0x0;
	_ =	sdelay $0xb  }
0x4f8: {  	p0 =	sne.s32 s25, $0x0  }
.Ltmp15:
0x4f9: {  	_ = 	snop;
	(pc) =	sbr.rel @!p0 .LBB2_22-.Ltmp15, $4  }
0x4fa: {  	_ = 	snop  }
0x4fb: {  	s2 =	spop (v2sf)  }
0x4fc: {  	p2 =	slt.s32 s2, $0x1  }
0x4fd: {  	s1 =	simm.s32 $0x0;
	s28 =	sadd.s32 $0x0, s2;
	vm0 =	vlt.u32 @!p2 v6, $0x8000  }
.LBB2_21:
0x4fe: {  	s25 =	sadd.s32 $0xFFFFFFFF, s25;
	[tilespmem:s1+$0xA080] =	vst.msk @!p2 vm0, v6;
	s0 =	sadd.s32 $0x10, s0;
	s1 =	smov.u32 s28  }
0x4ff: {  	v6 =	vld [tilespmem:s0+$0x0];
	p0 =	sne.s32 s25, $0x0;
	_ =	sdelay $0x4  }
0x500: {  	v6 =	vsub.s32 v6, v5  }
0x501: {  	vm0 =	vlt.u32 v6, $0x8000  }
0x502: {  	v7 =	vmpcnt.ones.xlane vm0;
	_ =	sdelay $0x1  }
0x503: {  	(v2sf) =	vpush v7, $0x0;
	_ =	sdelay $0xc  }
.Ltmp16:
0x504: {  	(pc) =	sbr.rel @p0 .LBB2_21-.Ltmp16, $4  }
0x505: {  	_ = 	snop  }
0x506: {  	s2 =	spop (v2sf)  }
0x507: {  	p2 =	slt.s32 s2, $0x1;
	s28 =	sadd.s32 s28, s2  }
0x508: {  	vm0 =	vlt.u32 @!p2 v6, $0x8000  }
.LBB2_22:
.Ltmp17:
0x509: {  	(pc) =	sbr.rel .LBB2_23-.Ltmp17, $2  }
0x50a: {  	_ =	sdelay $0x2  }
0x50b: {  	[tilespmem:s1+$0xA080] =	vst.msk @!p2 vm0, v6  }
.LBB2_19:
0x50c: {  	s28 =	simm.s32 $0x0  }
.LBB2_23:
0x50d: {  	s0 =	sadd.s32 $0xF, s28  }
0x50e: {  	s1 =	sand.u32 $0xF, s0  }
0x50f: {  	s31 =	sshra.s32 s0, $0x1F;
	p2 =	slt.s32 s0, $0x1;
	p0 =	sne.s32 s1, $0x0  }
0x510: {  	s1 =	sshrl.u32 s31, $0x1C;
	p0 =	por !p2, !p0  }
0x511: {  	s0 =	sadd.s32 s1, s0;
	s1 =	simm.s32 $0x1;
	p0 =	por !p0, !p0  }
0x512: {  	s0 =	sshra.s32 s0, $0x4;
	s1 =	simm.s32 @!p0 $0x0  }
0x513: {  	s0 =	ssub.s32 s0, s1  }
0x514: {  	p0 =	slt.s32 s0, $0x1  }
.Ltmp18:
0x515: {  	_ = 	snop;
	(pc) =	sbr.rel @p0 .LBB2_27-.Ltmp18, $4  }
0x516: {  	_ = 	snop  }
0x517: {  	_ =	swait.ge [sflag:s4], $0x8000  }
0x518: {  	[sflag:s4] =	ssyncset.done $0x0  }
0x519: {  	s25 =	simm.s32 $0xA080;
	[sflag:s4] =	ssyncadd.s32 $0xFFFF8000  }
0x51a: {  	v5 =	vld [tilespmem:s25+$0x0];
	p0 =	slt.s32 s28, $0x10;
	s1 =	smov.u32 s28  }
0x51b: {  	s1 =	simm.s32 @!p0 $0x10  }
0x51c: {  	v6 =	vmov s1  }
0x51d: {  	vm0 =	vgt.s32 v6, v3;
	_ =	sdelay $0x1  }
0x51e: {  	v6 =	vadd.s32 $0x1, v5  }
0x51f: {  	v7 =	vadd.s32 $0x2, v5  }
0x520: {  	v8 =	vadd.s32 $0x3, v5  }
0x521: {  	v9 =	vadd.s32 $0x4, v5  }
0x522: {  	v10 =	vadd.s32 $0x5, v5;
	[tilespmem:v5+s19+$0x0] =	vst.idx.msk vm0, v4  }
0x523: {  	[tilespmem:v6+s19+$0x0] =	vst.idx.msk vm0, v4;
	v6 =	vadd.s32 $0x6, v5  }
0x524: {  	[tilespmem:v7+s19+$0x0] =	vst.idx.msk vm0, v4;
	v7 =	vadd.s32 $0x7, v5  }
0x525: {  	v31 =	vadd.s32 $0x8, v5;
	[tilespmem:v8+s19+$0x0] =	vst.idx.msk vm0, v4  }
0x526: {  	v32 =	vadd.s32 $0x9, v5;
	[tilespmem:v9+s19+$0x0] =	vst.idx.msk vm0, v4  }
0x527: {  	v33 =	vadd.s32 $0xA, v5;
	[tilespmem:v10+s19+$0x0] =	vst.idx.msk vm0, v4  }
0x528: {  	[tilespmem:v6+s19+$0x0] =	vst.idx.msk vm0, v4;
	v6 =	vadd.s32 $0xB, v5  }
0x529: {  	[tilespmem:v7+s19+$0x0] =	vst.idx.msk vm0, v4;
	v7 =	vadd.s32 $0xC, v5  }
0x52a: {  	v34 =	vadd.s32 $0xD, v5;
	[tilespmem:v31+s19+$0x0] =	vst.idx.msk vm0, v4  }
0x52b: {  	v35 =	vadd.s32 $0xE, v5;
	[tilespmem:v32+s19+$0x0] =	vst.idx.msk vm0, v4  }
0x52c: {  	v36 =	vadd.s32 $0xF, v5;
	[tilespmem:v33+s19+$0x0] =	vst.idx.msk vm0, v4  }
0x52d: {  	[tilespmem:v6+s19+$0x0] =	vst.idx.msk vm0, v4;
	v6 =	vadd.s32 $0x10, v5  }
0x52e: {  	[tilespmem:v7+s19+$0x0] =	vst.idx.msk vm0, v4;
	v7 =	vadd.s32 $0x11, v5  }
0x52f: {  	v37 =	vadd.s32 $0x12, v5;
	[tilespmem:v34+s19+$0x0] =	vst.idx.msk vm0, v4  }
0x530: {  	v38 =	vadd.s32 $0x13, v5;
	[tilespmem:v35+s19+$0x0] =	vst.idx.msk vm0, v4  }
0x531: {  	v39 =	vadd.s32 $0x14, v5;
	[tilespmem:v36+s19+$0x0] =	vst.idx.msk vm0, v4  }
0x532: {  	[tilespmem:v6+s19+$0x0] =	vst.idx.msk vm0, v4;
	v6 =	vadd.s32 $0x15, v5  }
0x533: {  	[tilespmem:v7+s19+$0x0] =	vst.idx.msk vm0, v4;
	v7 =	vadd.s32 $0x16, v5  }
0x534: {  	v40 =	vadd.s32 $0x17, v5;
	[tilespmem:v37+s19+$0x0] =	vst.idx.msk vm0, v4  }
0x535: {  	v41 =	vadd.s32 $0x18, v5;
	[tilespmem:v38+s19+$0x0] =	vst.idx.msk vm0, v4  }
0x536: {  	v42 =	vadd.s32 $0x19, v5;
	[tilespmem:v39+s19+$0x0] =	vst.idx.msk vm0, v4  }
0x537: {  	[tilespmem:v6+s19+$0x0] =	vst.idx.msk vm0, v4;
	v6 =	vadd.s32 $0x1A, v5  }
0x538: {  	[tilespmem:v7+s19+$0x0] =	vst.idx.msk vm0, v4;
	v7 =	vadd.s32 $0x1B, v5  }
0x539: {  	v43 =	vadd.s32 $0x1C, v5;
	[tilespmem:v40+s19+$0x0] =	vst.idx.msk vm0, v4  }
0x53a: {  	v44 =	vadd.s32 $0x1D, v5;
	[tilespmem:v41+s19+$0x0] =	vst.idx.msk vm0, v4  }
0x53b: {  	v45 =	vadd.s32 $0x1E, v5;
	[tilespmem:v42+s19+$0x0] =	vst.idx.msk vm0, v4  }
0x53c: {  	[tilespmem:v6+s19+$0x0] =	vst.idx.msk vm0, v4;
	v6 =	vadd.s32 $0x1F, v5  }
0x53d: {  	[tilespmem:v7+s19+$0x0] =	vst.idx.msk vm0, v4;
	v7 =	vadd.s32 $0x20, v5  }
0x53e: {  	v46 =	vadd.s32 $0x21, v5;
	[tilespmem:v43+s19+$0x0] =	vst.idx.msk vm0, v4  }
0x53f: {  	v47 =	vadd.s32 $0x22, v5;
	[tilespmem:v44+s19+$0x0] =	vst.idx.msk vm0, v4  }
0x540: {  	v48 =	vadd.s32 $0x23, v5;
	[tilespmem:v45+s19+$0x0] =	vst.idx.msk vm0, v4  }
0x541: {  	[tilespmem:v6+s19+$0x0] =	vst.idx.msk vm0, v4;
	v6 =	vadd.s32 $0x24, v5  }
0x542: {  	[tilespmem:v7+s19+$0x0] =	vst.idx.msk vm0, v4;
	v7 =	vadd.s32 $0x25, v5  }
0x543: {  	v49 =	vadd.s32 $0x26, v5;
	[tilespmem:v46+s19+$0x0] =	vst.idx.msk vm0, v4  }
0x544: {  	v50 =	vadd.s32 $0x27, v5;
	[tilespmem:v47+s19+$0x0] =	vst.idx.msk vm0, v4  }
0x545: {  	v51 =	vadd.s32 $0x28, v5;
	[tilespmem:v48+s19+$0x0] =	vst.idx.msk vm0, v4  }
0x546: {  	[tilespmem:v6+s19+$0x0] =	vst.idx.msk vm0, v4;
	v6 =	vadd.s32 $0x29, v5  }
0x547: {  	[tilespmem:v7+s19+$0x0] =	vst.idx.msk vm0, v4;
	v7 =	vadd.s32 $0x2A, v5  }
0x548: {  	v52 =	vadd.s32 $0x2B, v5;
	[tilespmem:v49+s19+$0x0] =	vst.idx.msk vm0, v4  }
0x549: {  	v53 =	vadd.s32 $0x2C, v5;
	[tilespmem:v50+s19+$0x0] =	vst.idx.msk vm0, v4  }
0x54a: {  	v54 =	vadd.s32 $0x2D, v5;
	[tilespmem:v51+s19+$0x0] =	vst.idx.msk vm0, v4  }
0x54b: {  	[tilespmem:v6+s19+$0x0] =	vst.idx.msk vm0, v4;
	v6 =	vadd.s32 $0x2E, v5  }
0x54c: {  	[tilespmem:v7+s19+$0x0] =	vst.idx.msk vm0, v4;
	v7 =	vadd.s32 $0x2F, v5  }
0x54d: {  	v55 =	vadd.s32 $0x30, v5;
	[tilespmem:v52+s19+$0x0] =	vst.idx.msk vm0, v4  }
0x54e: {  	v56 =	vadd.s32 $0x31, v5;
	[tilespmem:v53+s19+$0x0] =	vst.idx.msk vm0, v4  }
0x54f: {  	v57 =	vadd.s32 $0x32, v5;
	[tilespmem:v54+s19+$0x0] =	vst.idx.msk vm0, v4  }
0x550: {  	[tilespmem:v6+s19+$0x0] =	vst.idx.msk vm0, v4;
	v6 =	vadd.s32 $0x33, v5  }
0x551: {  	[tilespmem:v7+s19+$0x0] =	vst.idx.msk vm0, v4;
	v7 =	vadd.s32 $0x34, v5  }
0x552: {  	v58 =	vadd.s32 $0x35, v5;
	[tilespmem:v55+s19+$0x0] =	vst.idx.msk vm0, v4  }
0x553: {  	v59 =	vadd.s32 $0x36, v5;
	[tilespmem:v56+s19+$0x0] =	vst.idx.msk vm0, v4  }
0x554: {  	v60 =	vadd.s32 $0x37, v5;
	[tilespmem:v57+s19+$0x0] =	vst.idx.msk vm0, v4  }
0x555: {  	[tilespmem:v6+s19+$0x0] =	vst.idx.msk vm0, v4;
	v6 =	vadd.s32 $0x38, v5  }
0x556: {  	[tilespmem:v7+s19+$0x0] =	vst.idx.msk vm0, v4;
	v7 =	vadd.s32 $0x39, v5  }
0x557: {  	v61 =	vadd.s32 $0x3A, v5;
	[tilespmem:v58+s19+$0x0] =	vst.idx.msk vm0, v4  }
0x558: {  	v62 =	vadd.s32 $0x3B, v5;
	[tilespmem:v59+s19+$0x0] =	vst.idx.msk vm0, v4  }
0x559: {  	v63 =	vadd.s32 $0x3C, v5;
	[tilespmem:v60+s19+$0x0] =	vst.idx.msk vm0, v4  }
0x55a: {  	[tilespmem:v6+s19+$0x0] =	vst.idx.msk vm0, v4;
	v6 =	vadd.s32 $0x3D, v5  }
0x55b: {  	p0 =	sne.s32 s0, $0x1;
	[tilespmem:v7+s19+$0x0] =	vst.idx.msk vm0, v4;
	v7 =	vadd.s32 $0x3E, v5  }
.Ltmp19:
0x55c: {  	v5 =	vadd.s32 $0x3F, v5;
	[tilespmem:v61+s19+$0x0] =	vst.idx.msk vm0, v4;
	(pc) =	sbr.rel @!p0 .LBB2_26-.Ltmp19, $4  }
0x55d: {  	[tilespmem:v62+s19+$0x0] =	vst.idx.msk vm0, v4  }
0x55e: {  	[tilespmem:v63+s19+$0x0] =	vst.idx.msk vm0, v4  }
0x55f: {  	[tilespmem:v6+s19+$0x0] =	vst.idx.msk vm0, v4  }
0x560: {  	s0 =	sadd.s32 $0xFFFFFFFF, s0;
	[tilespmem:v7+s19+$0x0] =	vst.idx.msk vm0, v4  }
.LBB2_25:
0x561: {  	p0 =	sne.s32 s0, $0x1;
	[tilespmem:v5+s19+$0x0] =	vst.idx.msk vm0, v4;
	s25 =	sadd.s32 $0x10, s25;
	s28 =	sadd.s32 $0xFFFFFFF0, s28  }
0x562: {  	s0 =	sadd.s32 $0xFFFFFFFF, s0;
	v5 =	vld [tilespmem:s25+$0x0];
	p2 =	slt.s32 s28, $0x10;
	s1 =	smov.u32 s28  }
0x563: {  	s1 =	simm.s32 @!p2 $0x10  }
0x564: {  	v6 =	vmov s1  }
0x565: {  	vm0 =	vgt.s32 v6, v3;
	_ =	sdelay $0x1  }
0x566: {  	v6 =	vadd.s32 $0x1, v5  }
0x567: {  	v7 =	vadd.s32 $0x2, v5  }
0x568: {  	v8 =	vadd.s32 $0x3, v5  }
0x569: {  	v9 =	vadd.s32 $0x4, v5  }
0x56a: {  	v10 =	vadd.s32 $0x5, v5;
	[tilespmem:v5+s19+$0x0] =	vst.idx.msk vm0, v4  }
0x56b: {  	[tilespmem:v6+s19+$0x0] =	vst.idx.msk vm0, v4;
	v6 =	vadd.s32 $0x6, v5  }
0x56c: {  	[tilespmem:v7+s19+$0x0] =	vst.idx.msk vm0, v4;
	v7 =	vadd.s32 $0x7, v5  }
0x56d: {  	[tilespmem:v8+s19+$0x0] =	vst.idx.msk vm0, v4;
	v8 =	vadd.s32 $0x8, v5  }
0x56e: {  	[tilespmem:v9+s19+$0x0] =	vst.idx.msk vm0, v4;
	v9 =	vadd.s32 $0x9, v5  }
0x56f: {  	[tilespmem:v10+s19+$0x0] =	vst.idx.msk vm0, v4;
	v10 =	vadd.s32 $0xA, v5  }
0x570: {  	[tilespmem:v6+s19+$0x0] =	vst.idx.msk vm0, v4;
	v6 =	vadd.s32 $0xB, v5  }
0x571: {  	[tilespmem:v7+s19+$0x0] =	vst.idx.msk vm0, v4;
	v7 =	vadd.s32 $0xC, v5  }
0x572: {  	[tilespmem:v8+s19+$0x0] =	vst.idx.msk vm0, v4;
	v8 =	vadd.s32 $0xD, v5  }
0x573: {  	[tilespmem:v9+s19+$0x0] =	vst.idx.msk vm0, v4;
	v9 =	vadd.s32 $0xE, v5  }
0x574: {  	[tilespmem:v10+s19+$0x0] =	vst.idx.msk vm0, v4;
	v10 =	vadd.s32 $0xF, v5  }
0x575: {  	[tilespmem:v6+s19+$0x0] =	vst.idx.msk vm0, v4;
	v6 =	vadd.s32 $0x10, v5  }
0x576: {  	[tilespmem:v7+s19+$0x0] =	vst.idx.msk vm0, v4;
	v7 =	vadd.s32 $0x11, v5  }
0x577: {  	[tilespmem:v8+s19+$0x0] =	vst.idx.msk vm0, v4;
	v8 =	vadd.s32 $0x12, v5  }
0x578: {  	[tilespmem:v9+s19+$0x0] =	vst.idx.msk vm0, v4;
	v9 =	vadd.s32 $0x13, v5  }
0x579: {  	[tilespmem:v10+s19+$0x0] =	vst.idx.msk vm0, v4;
	v10 =	vadd.s32 $0x14, v5  }
0x57a: {  	[tilespmem:v6+s19+$0x0] =	vst.idx.msk vm0, v4;
	v6 =	vadd.s32 $0x15, v5  }
0x57b: {  	[tilespmem:v7+s19+$0x0] =	vst.idx.msk vm0, v4;
	v7 =	vadd.s32 $0x16, v5  }
0x57c: {  	[tilespmem:v8+s19+$0x0] =	vst.idx.msk vm0, v4;
	v8 =	vadd.s32 $0x17, v5  }
0x57d: {  	[tilespmem:v9+s19+$0x0] =	vst.idx.msk vm0, v4;
	v9 =	vadd.s32 $0x18, v5  }
0x57e: {  	[tilespmem:v10+s19+$0x0] =	vst.idx.msk vm0, v4;
	v10 =	vadd.s32 $0x19, v5  }
0x57f: {  	[tilespmem:v6+s19+$0x0] =	vst.idx.msk vm0, v4;
	v6 =	vadd.s32 $0x1A, v5  }
0x580: {  	[tilespmem:v7+s19+$0x0] =	vst.idx.msk vm0, v4;
	v7 =	vadd.s32 $0x1B, v5  }
0x581: {  	[tilespmem:v8+s19+$0x0] =	vst.idx.msk vm0, v4;
	v8 =	vadd.s32 $0x1C, v5  }
0x582: {  	[tilespmem:v9+s19+$0x0] =	vst.idx.msk vm0, v4;
	v9 =	vadd.s32 $0x1D, v5  }
0x583: {  	[tilespmem:v10+s19+$0x0] =	vst.idx.msk vm0, v4;
	v10 =	vadd.s32 $0x1E, v5  }
0x584: {  	[tilespmem:v6+s19+$0x0] =	vst.idx.msk vm0, v4;
	v6 =	vadd.s32 $0x1F, v5  }
0x585: {  	[tilespmem:v7+s19+$0x0] =	vst.idx.msk vm0, v4;
	v7 =	vadd.s32 $0x20, v5  }
0x586: {  	[tilespmem:v8+s19+$0x0] =	vst.idx.msk vm0, v4;
	v8 =	vadd.s32 $0x21, v5  }
0x587: {  	[tilespmem:v9+s19+$0x0] =	vst.idx.msk vm0, v4;
	v9 =	vadd.s32 $0x22, v5  }
0x588: {  	[tilespmem:v10+s19+$0x0] =	vst.idx.msk vm0, v4;
	v10 =	vadd.s32 $0x23, v5  }
0x589: {  	[tilespmem:v6+s19+$0x0] =	vst.idx.msk vm0, v4;
	v6 =	vadd.s32 $0x24, v5  }
0x58a: {  	[tilespmem:v7+s19+$0x0] =	vst.idx.msk vm0, v4;
	v7 =	vadd.s32 $0x25, v5  }
0x58b: {  	[tilespmem:v8+s19+$0x0] =	vst.idx.msk vm0, v4;
	v8 =	vadd.s32 $0x26, v5  }
0x58c: {  	[tilespmem:v9+s19+$0x0] =	vst.idx.msk vm0, v4;
	v9 =	vadd.s32 $0x27, v5  }
0x58d: {  	[tilespmem:v10+s19+$0x0] =	vst.idx.msk vm0, v4;
	v10 =	vadd.s32 $0x28, v5  }
0x58e: {  	[tilespmem:v6+s19+$0x0] =	vst.idx.msk vm0, v4;
	v6 =	vadd.s32 $0x29, v5  }
0x58f: {  	[tilespmem:v7+s19+$0x0] =	vst.idx.msk vm0, v4;
	v7 =	vadd.s32 $0x2A, v5  }
0x590: {  	[tilespmem:v8+s19+$0x0] =	vst.idx.msk vm0, v4;
	v8 =	vadd.s32 $0x2B, v5  }
0x591: {  	[tilespmem:v9+s19+$0x0] =	vst.idx.msk vm0, v4;
	v9 =	vadd.s32 $0x2C, v5  }
0x592: {  	[tilespmem:v10+s19+$0x0] =	vst.idx.msk vm0, v4;
	v10 =	vadd.s32 $0x2D, v5  }
0x593: {  	[tilespmem:v6+s19+$0x0] =	vst.idx.msk vm0, v4;
	v6 =	vadd.s32 $0x2E, v5  }
0x594: {  	[tilespmem:v7+s19+$0x0] =	vst.idx.msk vm0, v4;
	v7 =	vadd.s32 $0x2F, v5  }
0x595: {  	[tilespmem:v8+s19+$0x0] =	vst.idx.msk vm0, v4;
	v8 =	vadd.s32 $0x30, v5  }
0x596: {  	[tilespmem:v9+s19+$0x0] =	vst.idx.msk vm0, v4;
	v9 =	vadd.s32 $0x31, v5  }
0x597: {  	[tilespmem:v10+s19+$0x0] =	vst.idx.msk vm0, v4;
	v10 =	vadd.s32 $0x32, v5  }
0x598: {  	[tilespmem:v6+s19+$0x0] =	vst.idx.msk vm0, v4;
	v6 =	vadd.s32 $0x33, v5  }
0x599: {  	[tilespmem:v7+s19+$0x0] =	vst.idx.msk vm0, v4;
	v7 =	vadd.s32 $0x34, v5  }
0x59a: {  	[tilespmem:v8+s19+$0x0] =	vst.idx.msk vm0, v4;
	v8 =	vadd.s32 $0x35, v5  }
0x59b: {  	[tilespmem:v9+s19+$0x0] =	vst.idx.msk vm0, v4;
	v9 =	vadd.s32 $0x36, v5  }
0x59c: {  	[tilespmem:v10+s19+$0x0] =	vst.idx.msk vm0, v4;
	v10 =	vadd.s32 $0x37, v5  }
0x59d: {  	[tilespmem:v6+s19+$0x0] =	vst.idx.msk vm0, v4;
	v6 =	vadd.s32 $0x38, v5  }
0x59e: {  	[tilespmem:v7+s19+$0x0] =	vst.idx.msk vm0, v4;
	v7 =	vadd.s32 $0x39, v5  }
0x59f: {  	[tilespmem:v8+s19+$0x0] =	vst.idx.msk vm0, v4;
	v8 =	vadd.s32 $0x3A, v5  }
0x5a0: {  	[tilespmem:v9+s19+$0x0] =	vst.idx.msk vm0, v4;
	v9 =	vadd.s32 $0x3B, v5  }
0x5a1: {  	[tilespmem:v10+s19+$0x0] =	vst.idx.msk vm0, v4;
	v10 =	vadd.s32 $0x3C, v5  }
0x5a2: {  	[tilespmem:v6+s19+$0x0] =	vst.idx.msk vm0, v4;
	v6 =	vadd.s32 $0x3D, v5  }
0x5a3: {  	[tilespmem:v7+s19+$0x0] =	vst.idx.msk vm0, v4;
	v7 =	vadd.s32 $0x3E, v5  }
.Ltmp20:
0x5a4: {  	v5 =	vadd.s32 $0x3F, v5;
	[tilespmem:v8+s19+$0x0] =	vst.idx.msk vm0, v4;
	(pc) =	sbr.rel @p0 .LBB2_25-.Ltmp20, $4  }
0x5a5: {  	[tilespmem:v9+s19+$0x0] =	vst.idx.msk vm0, v4  }
0x5a6: {  	[tilespmem:v10+s19+$0x0] =	vst.idx.msk vm0, v4  }
0x5a7: {  	[tilespmem:v6+s19+$0x0] =	vst.idx.msk vm0, v4  }
0x5a8: {  	[tilespmem:v7+s19+$0x0] =	vst.idx.msk vm0, v4  }
.Ltmp21:
0x5a9: {  	_ = 	snop;
	(pc) =	sbr.rel .LBB2_26-.Ltmp21, $1  }
0x5aa: {  	_ =	sdelay $0x3  }
.LBB2_28:
0x5ab: {  	_ =	swait.ge [sflag:s18], $0x8000  }
.Ltmp22:
0x5ac: {  	[sflag:s18] =	ssyncset.done $0x0;
	(pc) =	sbr.rel .LBB2_29-.Ltmp22, $4  }
0x5ad: {  	[sflag:s18] =	ssyncadd.s32 $0xFFFF8000  }
0x5ae: {  	_ =	swait.ge [sflag:s18], $0x8000  }
0x5af: {  	[sflag:s18] =	ssyncset.done $0x0  }
0x5b0: {  	s23 =	simm.s32 $0x0;
	[sflag:s18] =	ssyncadd.s32 $0xFFFF8000  }
.LBB2_49:
0x5b1: {  	s23 =	sadd.s32 $0x1, s23  }
0x5b2: {  	p0 =	sne.s32 s23, $0xE  }
.Ltmp23:
0x5b3: {  	_ = 	snop;
	(pc) =	sbr.rel @!p0 .LBB2_50-.Ltmp23, $1  }
0x5b4: {  	_ =	sdelay $0x3  }
.LBB2_29:
.Ltmp24:
0x5b5: {  	(pc) =	sbr.rel .LBB2_30-.Ltmp24, $3  }
0x5b6: {  	_ =	sdelay $0x1  }
0x5b7: {  	s1 =	smov.u32 s22;
	s22 =	simm.s32 $0x1880  }
0x5b8: {  	s0 =	simm.s32 $0x0;
	s3 =	simm.s32 $0x0;
	s2 =	smov.u32 s1  }
.LBB2_32:
0x5b9: {  	s7 =	smov.u32 s5;
	s6 =	smov.u32 s0;
	p2 =	por p0, p0  }
.LBB2_36:
0x5ba: {  	v5 =	vld [tilespmem:s10+$0x1C00];
	_ =	sdelay $0x4  }
0x5bb: {  	v6 =	vsub.s32 v5, v0  }
0x5bc: {  	vm0 =	vlt.u32 v6, $0x80  }
0x5bd: {  	v6 =	vmpcnt.ones.xlane vm0;
	_ =	sdelay $0x1  }
0x5be: {  	(v2sf) =	vpush v6, $0x0;
	_ =	sdelay $0x8  }
0x5bf: {  	s7 =	sadd.s32 @p1 $0x10, s7  }
0x5c0: {  	s5 =	smov.u32 @p1 s7;
	s8 =	spop @p1 (v2sf)  }
0x5c1: {  	v6 =	vld [tilespmem:s5+$0x0];
	s5 =	sadd.s32 @p1 s6, s8  }
0x5c2: {  	p3 =	slt.s32 @p1 s5, $0x3001  }
0x5c3: {  	p3 =	por !p3, !p1  }
0x5c4: {  	p4 =	sgt.s32 @p1 s5, $0x3000;
	s5 =	smov.u32 @p3 s6  }
0x5c5: {  	s0 =	smov.u32 @p1 s5;
	s31 =	spop (v2sf)  }
0x5c6: {  	v5 =	vshll.u32 v5, $0xC;
	p2 =	por @p1 p2, p4;
	s5 =	sadd.s32 s0, s31  }
0x5c7: {  	p2 =	por @!p1 p0, p0;
	v5 =	vadd.s32 v6, v5;
	p0 =	slt.s32 s5, $0x3001;
	p6 =	sgt.s32 s5, $0x3000  }
0x5c8: {  	[tilespmem:s0+$0x7000] =	vst.msk vm0, v5;
	s0 =	smov.u32 @p0 s5;
	p0 =	por p2, p6  }
.LBB2_37:
0x5c9: {  	s5 =	smov.u32 s22  }
0x5ca: {  	s5 =	smov.u32 @p0 s4;
	p0 =	sne.s32 s3, $0xE  }
.Ltmp25:
0x5cb: {  	_ = 	snop;
	(pc) =	sbr.rel @!p0 .LBB2_38-.Ltmp25, $3  }
0x5cc: {  	_ =	sdelay $0x1  }
0x5cd: {  	p1 =	seq.s32 s22, $0x1880  }
0x5ce: {  	s2 =	sadd.s32 $0xFFFFFE40, s2;
	s22 =	smov.u32 @p1 s5  }
.LBB2_30:
0x5cf: {  	s4 =	smov.u32 s3;
	s3 =	sadd.s32 $0x1, s3  }
0x5d0: {  	s5 =	smul.u32 $0x1C0, s3;
	_ =	sdelay $0x1  }
0x5d1: {  	p0 =	sle.s32 s5, s1  }
0x5d2: {  	s5 =	smul.u32 @!p0 $0x700, s4  }
0x5d3: {  	s4 =	smul.u32 $0x1C0, s4;
	_ =	sdelay $0x1  }
0x5d4: {  	s6 =	simm.s32 @!p0 $0x0;
	s5 =	sadd.s32 @!p0 s15, s5;
	s31 =	ssub.s32 s1, s4  }
0x5d5: {  	[tilespmem:s6], [sflag:$0x2] =	stream.linear.gather @!p0 [hbm4b:s5+s6], $0x3800, $0x38;
	[tilespmem:$0x1E900] =	vst v63  }
0x5d6: {  	p1 =	sgt.s32 s31, $0x1BF  }
.Ltmp26:
0x5d7: {  	_ = 	snop;
	(pc) =	sbr.rel @p1 .LBB2_37-.Ltmp26, $4  }
0x5d8: {  	s5 =	simm.s32 @!p0 $0x2  }
0x5d9: {  	_ =	swait.ge @!p0 [sflag:s5], $0x3800  }
0x5da: {  	[sflag:s5] =	ssyncset.done @!p0 $0x0  }
0x5db: {  	[sflag:s5] =	ssyncadd.s32 @!p0 $0xFFFFC800;
	p0 =	slt.s32 s0, $0x0  }
0x5dc: {  	p1 =	sgt.s32 s2, $0x0;
	s5 =	smov.u32 s2  }
0x5dd: {  	s5 =	simm.s32 @!p1 $0x0  }
0x5de: {  	s5 =	smin.u32 s5, $0x1C0  }
0x5df: {  	s6 =	ssub.s32 $0x1C0, s5  }
0x5e0: {  	s6 =	smax.u32 s6, $0x1  }
0x5e1: {  	s6 =	sshll.u32 s6, $0x6  }
0x5e2: {  	p2 =	sne.s32 s6, $0x40  }
.Ltmp27:
0x5e3: {  	_ = 	snop;
	(pc) =	sbr.rel @!p2 .LBB2_32-.Ltmp27, $3  }
0x5e4: {  	_ =	sdelay $0x1  }
0x5e5: {  	s5 =	sshll.u32 s5, $0x4  }
0x5e6: {  	p1 =	por $0x0, $0x0;
	s10 =	sand.u32 $0xFFFFFFF0, s5;
	s6 =	sadd.s32 $0xFFFFFFC0, s6  }
0x5e7: {  	v5 =	vld [tilespmem:s10+$0x1C00];
	_ =	sdelay $0x4  }
0x5e8: {  	v7 =	vsub.s32 v5, v0  }
0x5e9: {  	vm0 =	vlt.u32 v7, $0x80  }
0x5ea: {  	v7 =	vmpcnt.ones.xlane vm0;
	_ =	sdelay $0x1  }
0x5eb: {  	v6 =	vld [tilespmem:s5+$0x0];
	(v2sf) =	vpush v7, $0x0  }
0x5ec: {  	p3 =	sne.s32 s6, $0x40  }
.Ltmp28:
0x5ed: {  	_ = 	snop;
	(pc) =	sbr.rel @!p3 .LBB2_34-.Ltmp28, $4  }
0x5ee: {  	_ = 	snop  }
0x5ef: {  	s8 =	sadd.s32 $0x10, s5;
	v5 =	vshll.u32 v5, $0xC  }
0x5f0: {  	s9 =	sadd.s32 $0xFFFFFFC0, s6;
	p1 =	por $0x1, $0x1;
	s7 =	smov.u32 s5;
	v5 =	vadd.s32 v6, v5  }
0x5f1: {  	s6 =	smov.u32 s0;
	p2 =	por p0, p0;
	s10 =	sand.u32 $0xFFFFFFF0, s8;
	[tilespmem:s0+$0x7000] =	vst.msk vm0, v5  }
.LBB2_35:
0x5f2: {  	p3 =	sne.s32 s9, $0x40;
	v5 =	vld [tilespmem:s10+$0x1C00];
	_ =	sdelay $0x4  }
0x5f3: {  	s7 =	sadd.s32 $0x10, s7;
	v6 =	vsub.s32 v5, v0;
	v5 =	vshll.u32 v5, $0xC  }
0x5f4: {  	v7 =	vld [tilespmem:s7+$0x0];
	vm0 =	vlt.u32 v6, $0x80  }
0x5f5: {  	v6 =	vmpcnt.ones.xlane vm0  }
0x5f6: {  	s10 =	spop (v2sf)  }
0x5f7: {  	(v2sf) =	vpush v6, $0x0;
	s10 =	sadd.s32 s6, s10  }
0x5f8: {  	p4 =	slt.s32 s10, $0x3001;
	p5 =	sgt.s32 s10, $0x3000  }
.Ltmp29:
0x5f9: {  	v5 =	vadd.s32 v7, v5;
	s6 =	smov.u32 @p4 s10;
	p2 =	por p2, p5;
	(pc) =	sbr.rel @p3 .LBB2_35-.Ltmp29, $3  }
0x5fa: {  	[tilespmem:s6+$0x7000] =	vst.msk vm0, v5;
	_ =	sdelay $0x1  }
0x5fb: {  	s8 =	sadd.s32 $0x10, s8  }
0x5fc: {  	s9 =	sadd.s32 $0xFFFFFFC0, s9;
	s10 =	sand.u32 $0xFFFFFFF0, s8  }
.Ltmp30:
0x5fd: {  	_ = 	snop;
	(pc) =	sbr.rel .LBB2_36-.Ltmp30, $1  }
0x5fe: {  	_ =	sdelay $0x3  }
.LBB2_34:
.Ltmp31:
0x5ff: {  	(pc) =	sbr.rel .LBB2_36-.Ltmp31, $2  }
0x600: {  	_ =	sdelay $0x2  }
0x601: {  	s7 =	smov.u32 s5;
	s6 =	smov.u32 s0;
	p2 =	por p0, p0  }
.LBB2_38:
0x602: {  	p0 =	slt.s32 s0, $0x1  }
.Ltmp32:
0x603: {  	_ = 	snop;
	(pc) =	sbr.rel @p0 .LBB2_49-.Ltmp32, $2  }
0x604: {  	_ =	sdelay $0x2  }
0x605: {  	[tilespmem:s0+$0x7000] =	vst v2  }
0x606: {  	s0 =	sadd.s32 $0xF, s0  }
0x607: {  	s1 =	sand.u32 $0xF, s0  }
0x608: {  	s2 =	sshra.s32 s0, $0x1F;
	p0 =	slt.s32 s0, $0x1;
	p1 =	sne.s32 s1, $0x0  }
.Ltmp33:
0x609: {  	s31 =	sshrl.u32 s2, $0x1C;
	p0 =	por !p0, !p1;
	(pc) =	sbr.rel .LBB2_40-.Ltmp33, $4  }
0x60a: {  	s1 =	simm.s32 $0x1;
	s0 =	sadd.s32 s31, s0;
	p0 =	por !p0, !p0  }
0x60b: {  	s0 =	sshra.s32 s0, $0x4;
	s1 =	simm.s32 @!p0 $0x0  }
0x60c: {  	s24 =	ssub.s32 s0, s1  }
0x60d: {  	s25 =	simm.s32 $0x0;
	s26 =	simm.s32 $0x0;
	p1 =	slt.s32 s24, $0x1  }
.LBB2_47:
0x60e: {  	_ =	sdelay $0x4  }
0x60f: {  	[tilespmem:v5+s17+$0x0] =	vst.idx.msk vm0, v4  }
.LBB2_48:
0x610: {  	s26 =	sadd.s32 $0x1, s26  }
0x611: {  	p0 =	sne.s32 s26, $0x10  }
.Ltmp34:
0x612: {  	_ = 	snop;
	(pc) =	sbr.rel @!p0 .LBB2_49-.Ltmp34, $4  }
0x613: {  	[hbm4b:s28+s13] =	stream.linear.scatter [tilespmem:s17], [sflag:$0x1], $0x8000, $0x38;
	[tilespmem:$0x1E900] =	vst v63  }
0x614: {  	_ =	swait.ge [sflag:s18], $0x8000  }
0x615: {  	[sflag:s18] =	ssyncset.done $0x0  }
0x616: {  	[sflag:s18] =	ssyncadd.s32 $0xFFFF8000  }
.LBB2_40:
0x617: {  	s0 =	sshll.u32 s26, $0xF  }
0x618: {  	s1 =	sadd.s32 s14, s0  }
0x619: {  	s0 =	sshrl.u32 s1, $0x3  }
.Ltmp35:
0x61a: {  	s28 =	sadd.s32 s11, s0;
	(pc) =	sbr.rel @p1 .LBB2_44-.Ltmp35, $4  }
0x61b: {  	[tilespmem:s17], [sflag:$0x4] =	stream.linear.gather [hbm4b:s28+s25], $0x8000, $0x38;
	[tilespmem:$0x1E900] =	vst v63  }
0x61c: {  	_ =	swait.ge [sflag:s20], $0x8000  }
0x61d: {  	[sflag:s20] =	ssyncset.done $0x0  }
0x61e: {  	s29 =	simm.s32 $0x0;
	[sflag:s20] =	ssyncadd.s32 $0xFFFF8000  }
0x61f: {  	s0 =	simm.s32 $0x7000  }
0x620: {  	v6 =	vld [tilespmem:s0+$0x0];
	_ =	sdelay $0x3  }
0x621: {  	v5 =	vmov s1  }
0x622: {  	v6 =	vsub.s32 v6, v5  }
0x623: {  	vm0 =	vlt.u32 v6, $0x8000  }
0x624: {  	v7 =	vmpcnt.ones.xlane vm0;
	_ =	sdelay $0x1  }
0x625: {  	(v2sf) =	vpush v7, $0x0;
	_ =	sdelay $0xa  }
0x626: {  	s1 =	sadd.s32 $0xFFFFFFFF, s24  }
0x627: {  	p0 =	sne.s32 s1, $0x0  }
.Ltmp36:
0x628: {  	_ = 	snop;
	(pc) =	sbr.rel @!p0 .LBB2_43-.Ltmp36, $4  }
0x629: {  	_ = 	snop  }
0x62a: {  	s3 =	spop (v2sf)  }
0x62b: {  	p2 =	slt.s32 s3, $0x1  }
0x62c: {  	s2 =	simm.s32 $0x0;
	s29 =	sadd.s32 $0x0, s3;
	vm0 =	vlt.u32 @!p2 v6, $0x8000  }
.LBB2_42:
0x62d: {  	s1 =	sadd.s32 $0xFFFFFFFF, s1;
	[tilespmem:s2+$0xA080] =	vst.msk @!p2 vm0, v6;
	s0 =	sadd.s32 $0x10, s0;
	s2 =	smov.u32 s29  }
0x62e: {  	v6 =	vld [tilespmem:s0+$0x0];
	p0 =	sne.s32 s1, $0x0;
	_ =	sdelay $0x4  }
0x62f: {  	v6 =	vsub.s32 v6, v5  }
0x630: {  	vm0 =	vlt.u32 v6, $0x8000  }
0x631: {  	v7 =	vmpcnt.ones.xlane vm0;
	_ =	sdelay $0x1  }
0x632: {  	(v2sf) =	vpush v7, $0x0;
	_ =	sdelay $0xc  }
.Ltmp37:
0x633: {  	(pc) =	sbr.rel @p0 .LBB2_42-.Ltmp37, $4  }
0x634: {  	_ = 	snop  }
0x635: {  	s3 =	spop (v2sf)  }
0x636: {  	p2 =	slt.s32 s3, $0x1;
	s29 =	sadd.s32 s29, s3  }
0x637: {  	vm0 =	vlt.u32 @!p2 v6, $0x8000  }
.LBB2_43:
0x638: {  	[tilespmem:s2+$0xA080] =	vst.msk @!p2 vm0, v6  }
.LBB2_44:
0x639: {  	s0 =	sadd.s32 $0xF, s29  }
0x63a: {  	s1 =	sand.u32 $0xF, s0  }
0x63b: {  	s2 =	sshra.s32 s0, $0x1F;
	p0 =	slt.s32 s0, $0x1;
	p2 =	sne.s32 s1, $0x0  }
0x63c: {  	s31 =	sshrl.u32 s2, $0x1C;
	p0 =	por !p0, !p2  }
0x63d: {  	s1 =	simm.s32 $0x1;
	s0 =	sadd.s32 s31, s0;
	p0 =	por !p0, !p0  }
0x63e: {  	s0 =	sshra.s32 s0, $0x4;
	s1 =	simm.s32 @!p0 $0x0  }
0x63f: {  	s0 =	ssub.s32 s0, s1  }
0x640: {  	p0 =	slt.s32 s0, $0x1  }
.Ltmp38:
0x641: {  	_ = 	snop;
	(pc) =	sbr.rel @p0 .LBB2_48-.Ltmp38, $2  }
0x642: {  	_ =	sdelay $0x2  }
0x643: {  	s30 =	simm.s32 $0xA080  }
0x644: {  	v5 =	vld [tilespmem:s30+$0x0];
	p0 =	slt.s32 s29, $0x10;
	s1 =	smov.u32 s29  }
0x645: {  	s1 =	simm.s32 @!p0 $0x10  }
0x646: {  	v6 =	vmov s1  }
0x647: {  	vm0 =	vgt.s32 v6, v3;
	_ =	sdelay $0x1  }
0x648: {  	v6 =	vadd.s32 $0x1, v5  }
0x649: {  	v7 =	vadd.s32 $0x2, v5  }
0x64a: {  	v8 =	vadd.s32 $0x3, v5  }
0x64b: {  	v9 =	vadd.s32 $0x4, v5  }
0x64c: {  	v10 =	vadd.s32 $0x5, v5;
	[tilespmem:v5+s17+$0x0] =	vst.idx.msk vm0, v4  }
0x64d: {  	[tilespmem:v6+s17+$0x0] =	vst.idx.msk vm0, v4;
	v6 =	vadd.s32 $0x6, v5  }
0x64e: {  	[tilespmem:v7+s17+$0x0] =	vst.idx.msk vm0, v4;
	v7 =	vadd.s32 $0x7, v5  }
0x64f: {  	v31 =	vadd.s32 $0x8, v5;
	[tilespmem:v8+s17+$0x0] =	vst.idx.msk vm0, v4  }
0x650: {  	v32 =	vadd.s32 $0x9, v5;
	[tilespmem:v9+s17+$0x0] =	vst.idx.msk vm0, v4  }
0x651: {  	v33 =	vadd.s32 $0xA, v5;
	[tilespmem:v10+s17+$0x0] =	vst.idx.msk vm0, v4  }
0x652: {  	[tilespmem:v6+s17+$0x0] =	vst.idx.msk vm0, v4;
	v6 =	vadd.s32 $0xB, v5  }
0x653: {  	[tilespmem:v7+s17+$0x0] =	vst.idx.msk vm0, v4;
	v7 =	vadd.s32 $0xC, v5  }
0x654: {  	v34 =	vadd.s32 $0xD, v5;
	[tilespmem:v31+s17+$0x0] =	vst.idx.msk vm0, v4  }
0x655: {  	v35 =	vadd.s32 $0xE, v5;
	[tilespmem:v32+s17+$0x0] =	vst.idx.msk vm0, v4  }
0x656: {  	v36 =	vadd.s32 $0xF, v5;
	[tilespmem:v33+s17+$0x0] =	vst.idx.msk vm0, v4  }
0x657: {  	[tilespmem:v6+s17+$0x0] =	vst.idx.msk vm0, v4;
	v6 =	vadd.s32 $0x10, v5  }
0x658: {  	[tilespmem:v7+s17+$0x0] =	vst.idx.msk vm0, v4;
	v7 =	vadd.s32 $0x11, v5  }
0x659: {  	v37 =	vadd.s32 $0x12, v5;
	[tilespmem:v34+s17+$0x0] =	vst.idx.msk vm0, v4  }
0x65a: {  	v38 =	vadd.s32 $0x13, v5;
	[tilespmem:v35+s17+$0x0] =	vst.idx.msk vm0, v4  }
0x65b: {  	v39 =	vadd.s32 $0x14, v5;
	[tilespmem:v36+s17+$0x0] =	vst.idx.msk vm0, v4  }
0x65c: {  	[tilespmem:v6+s17+$0x0] =	vst.idx.msk vm0, v4;
	v6 =	vadd.s32 $0x15, v5  }
0x65d: {  	[tilespmem:v7+s17+$0x0] =	vst.idx.msk vm0, v4;
	v7 =	vadd.s32 $0x16, v5  }
0x65e: {  	v40 =	vadd.s32 $0x17, v5;
	[tilespmem:v37+s17+$0x0] =	vst.idx.msk vm0, v4  }
0x65f: {  	v41 =	vadd.s32 $0x18, v5;
	[tilespmem:v38+s17+$0x0] =	vst.idx.msk vm0, v4  }
0x660: {  	v42 =	vadd.s32 $0x19, v5;
	[tilespmem:v39+s17+$0x0] =	vst.idx.msk vm0, v4  }
0x661: {  	[tilespmem:v6+s17+$0x0] =	vst.idx.msk vm0, v4;
	v6 =	vadd.s32 $0x1A, v5  }
0x662: {  	[tilespmem:v7+s17+$0x0] =	vst.idx.msk vm0, v4;
	v7 =	vadd.s32 $0x1B, v5  }
0x663: {  	v43 =	vadd.s32 $0x1C, v5;
	[tilespmem:v40+s17+$0x0] =	vst.idx.msk vm0, v4  }
0x664: {  	v44 =	vadd.s32 $0x1D, v5;
	[tilespmem:v41+s17+$0x0] =	vst.idx.msk vm0, v4  }
0x665: {  	v45 =	vadd.s32 $0x1E, v5;
	[tilespmem:v42+s17+$0x0] =	vst.idx.msk vm0, v4  }
0x666: {  	[tilespmem:v6+s17+$0x0] =	vst.idx.msk vm0, v4;
	v6 =	vadd.s32 $0x1F, v5  }
0x667: {  	[tilespmem:v7+s17+$0x0] =	vst.idx.msk vm0, v4;
	v7 =	vadd.s32 $0x20, v5  }
0x668: {  	v46 =	vadd.s32 $0x21, v5;
	[tilespmem:v43+s17+$0x0] =	vst.idx.msk vm0, v4  }
0x669: {  	v47 =	vadd.s32 $0x22, v5;
	[tilespmem:v44+s17+$0x0] =	vst.idx.msk vm0, v4  }
0x66a: {  	v48 =	vadd.s32 $0x23, v5;
	[tilespmem:v45+s17+$0x0] =	vst.idx.msk vm0, v4  }
0x66b: {  	[tilespmem:v6+s17+$0x0] =	vst.idx.msk vm0, v4;
	v6 =	vadd.s32 $0x24, v5  }
0x66c: {  	[tilespmem:v7+s17+$0x0] =	vst.idx.msk vm0, v4;
	v7 =	vadd.s32 $0x25, v5  }
0x66d: {  	v49 =	vadd.s32 $0x26, v5;
	[tilespmem:v46+s17+$0x0] =	vst.idx.msk vm0, v4  }
0x66e: {  	v50 =	vadd.s32 $0x27, v5;
	[tilespmem:v47+s17+$0x0] =	vst.idx.msk vm0, v4  }
0x66f: {  	v51 =	vadd.s32 $0x28, v5;
	[tilespmem:v48+s17+$0x0] =	vst.idx.msk vm0, v4  }
0x670: {  	[tilespmem:v6+s17+$0x0] =	vst.idx.msk vm0, v4;
	v6 =	vadd.s32 $0x29, v5  }
0x671: {  	[tilespmem:v7+s17+$0x0] =	vst.idx.msk vm0, v4;
	v7 =	vadd.s32 $0x2A, v5  }
0x672: {  	v52 =	vadd.s32 $0x2B, v5;
	[tilespmem:v49+s17+$0x0] =	vst.idx.msk vm0, v4  }
0x673: {  	v53 =	vadd.s32 $0x2C, v5;
	[tilespmem:v50+s17+$0x0] =	vst.idx.msk vm0, v4  }
0x674: {  	v54 =	vadd.s32 $0x2D, v5;
	[tilespmem:v51+s17+$0x0] =	vst.idx.msk vm0, v4  }
0x675: {  	[tilespmem:v6+s17+$0x0] =	vst.idx.msk vm0, v4;
	v6 =	vadd.s32 $0x2E, v5  }
0x676: {  	[tilespmem:v7+s17+$0x0] =	vst.idx.msk vm0, v4;
	v7 =	vadd.s32 $0x2F, v5  }
0x677: {  	v55 =	vadd.s32 $0x30, v5;
	[tilespmem:v52+s17+$0x0] =	vst.idx.msk vm0, v4  }
0x678: {  	v56 =	vadd.s32 $0x31, v5;
	[tilespmem:v53+s17+$0x0] =	vst.idx.msk vm0, v4  }
0x679: {  	v57 =	vadd.s32 $0x32, v5;
	[tilespmem:v54+s17+$0x0] =	vst.idx.msk vm0, v4  }
0x67a: {  	[tilespmem:v6+s17+$0x0] =	vst.idx.msk vm0, v4;
	v6 =	vadd.s32 $0x33, v5  }
0x67b: {  	[tilespmem:v7+s17+$0x0] =	vst.idx.msk vm0, v4;
	v7 =	vadd.s32 $0x34, v5  }
0x67c: {  	v58 =	vadd.s32 $0x35, v5;
	[tilespmem:v55+s17+$0x0] =	vst.idx.msk vm0, v4  }
0x67d: {  	v59 =	vadd.s32 $0x36, v5;
	[tilespmem:v56+s17+$0x0] =	vst.idx.msk vm0, v4  }
0x67e: {  	v60 =	vadd.s32 $0x37, v5;
	[tilespmem:v57+s17+$0x0] =	vst.idx.msk vm0, v4  }
0x67f: {  	[tilespmem:v6+s17+$0x0] =	vst.idx.msk vm0, v4;
	v6 =	vadd.s32 $0x38, v5  }
0x680: {  	[tilespmem:v7+s17+$0x0] =	vst.idx.msk vm0, v4;
	v7 =	vadd.s32 $0x39, v5  }
0x681: {  	v61 =	vadd.s32 $0x3A, v5;
	[tilespmem:v58+s17+$0x0] =	vst.idx.msk vm0, v4  }
0x682: {  	v62 =	vadd.s32 $0x3B, v5;
	[tilespmem:v59+s17+$0x0] =	vst.idx.msk vm0, v4  }
0x683: {  	v63 =	vadd.s32 $0x3C, v5;
	[tilespmem:v60+s17+$0x0] =	vst.idx.msk vm0, v4  }
0x684: {  	[tilespmem:v6+s17+$0x0] =	vst.idx.msk vm0, v4;
	v6 =	vadd.s32 $0x3D, v5  }
0x685: {  	p0 =	sne.s32 s0, $0x1;
	[tilespmem:v7+s17+$0x0] =	vst.idx.msk vm0, v4;
	v7 =	vadd.s32 $0x3E, v5  }
.Ltmp39:
0x686: {  	v5 =	vadd.s32 $0x3F, v5;
	[tilespmem:v61+s17+$0x0] =	vst.idx.msk vm0, v4;
	(pc) =	sbr.rel @!p0 .LBB2_47-.Ltmp39, $4  }
0x687: {  	[tilespmem:v62+s17+$0x0] =	vst.idx.msk vm0, v4  }
0x688: {  	[tilespmem:v63+s17+$0x0] =	vst.idx.msk vm0, v4  }
0x689: {  	[tilespmem:v6+s17+$0x0] =	vst.idx.msk vm0, v4  }
0x68a: {  	s0 =	sadd.s32 $0xFFFFFFFF, s0;
	[tilespmem:v7+s17+$0x0] =	vst.idx.msk vm0, v4  }
.LBB2_46:
0x68b: {  	p0 =	sne.s32 s0, $0x1;
	[tilespmem:v5+s17+$0x0] =	vst.idx.msk vm0, v4;
	s30 =	sadd.s32 $0x10, s30;
	s29 =	sadd.s32 $0xFFFFFFF0, s29  }
0x68c: {  	s0 =	sadd.s32 $0xFFFFFFFF, s0;
	v5 =	vld [tilespmem:s30+$0x0];
	p2 =	slt.s32 s29, $0x10;
	s1 =	smov.u32 s29  }
0x68d: {  	s1 =	simm.s32 @!p2 $0x10  }
0x68e: {  	v6 =	vmov s1  }
0x68f: {  	vm0 =	vgt.s32 v6, v3;
	_ =	sdelay $0x1  }
0x690: {  	v6 =	vadd.s32 $0x1, v5  }
0x691: {  	v7 =	vadd.s32 $0x2, v5  }
0x692: {  	v8 =	vadd.s32 $0x3, v5  }
0x693: {  	v9 =	vadd.s32 $0x4, v5  }
0x694: {  	v10 =	vadd.s32 $0x5, v5;
	[tilespmem:v5+s17+$0x0] =	vst.idx.msk vm0, v4  }
0x695: {  	[tilespmem:v6+s17+$0x0] =	vst.idx.msk vm0, v4;
	v6 =	vadd.s32 $0x6, v5  }
0x696: {  	[tilespmem:v7+s17+$0x0] =	vst.idx.msk vm0, v4;
	v7 =	vadd.s32 $0x7, v5  }
0x697: {  	[tilespmem:v8+s17+$0x0] =	vst.idx.msk vm0, v4;
	v8 =	vadd.s32 $0x8, v5  }
0x698: {  	[tilespmem:v9+s17+$0x0] =	vst.idx.msk vm0, v4;
	v9 =	vadd.s32 $0x9, v5  }
0x699: {  	[tilespmem:v10+s17+$0x0] =	vst.idx.msk vm0, v4;
	v10 =	vadd.s32 $0xA, v5  }
0x69a: {  	[tilespmem:v6+s17+$0x0] =	vst.idx.msk vm0, v4;
	v6 =	vadd.s32 $0xB, v5  }
0x69b: {  	[tilespmem:v7+s17+$0x0] =	vst.idx.msk vm0, v4;
	v7 =	vadd.s32 $0xC, v5  }
0x69c: {  	[tilespmem:v8+s17+$0x0] =	vst.idx.msk vm0, v4;
	v8 =	vadd.s32 $0xD, v5  }
0x69d: {  	[tilespmem:v9+s17+$0x0] =	vst.idx.msk vm0, v4;
	v9 =	vadd.s32 $0xE, v5  }
0x69e: {  	[tilespmem:v10+s17+$0x0] =	vst.idx.msk vm0, v4;
	v10 =	vadd.s32 $0xF, v5  }
0x69f: {  	[tilespmem:v6+s17+$0x0] =	vst.idx.msk vm0, v4;
	v6 =	vadd.s32 $0x10, v5  }
0x6a0: {  	[tilespmem:v7+s17+$0x0] =	vst.idx.msk vm0, v4;
	v7 =	vadd.s32 $0x11, v5  }
0x6a1: {  	[tilespmem:v8+s17+$0x0] =	vst.idx.msk vm0, v4;
	v8 =	vadd.s32 $0x12, v5  }
0x6a2: {  	[tilespmem:v9+s17+$0x0] =	vst.idx.msk vm0, v4;
	v9 =	vadd.s32 $0x13, v5  }
0x6a3: {  	[tilespmem:v10+s17+$0x0] =	vst.idx.msk vm0, v4;
	v10 =	vadd.s32 $0x14, v5  }
0x6a4: {  	[tilespmem:v6+s17+$0x0] =	vst.idx.msk vm0, v4;
	v6 =	vadd.s32 $0x15, v5  }
0x6a5: {  	[tilespmem:v7+s17+$0x0] =	vst.idx.msk vm0, v4;
	v7 =	vadd.s32 $0x16, v5  }
0x6a6: {  	[tilespmem:v8+s17+$0x0] =	vst.idx.msk vm0, v4;
	v8 =	vadd.s32 $0x17, v5  }
0x6a7: {  	[tilespmem:v9+s17+$0x0] =	vst.idx.msk vm0, v4;
	v9 =	vadd.s32 $0x18, v5  }
0x6a8: {  	[tilespmem:v10+s17+$0x0] =	vst.idx.msk vm0, v4;
	v10 =	vadd.s32 $0x19, v5  }
0x6a9: {  	[tilespmem:v6+s17+$0x0] =	vst.idx.msk vm0, v4;
	v6 =	vadd.s32 $0x1A, v5  }
0x6aa: {  	[tilespmem:v7+s17+$0x0] =	vst.idx.msk vm0, v4;
	v7 =	vadd.s32 $0x1B, v5  }
0x6ab: {  	[tilespmem:v8+s17+$0x0] =	vst.idx.msk vm0, v4;
	v8 =	vadd.s32 $0x1C, v5  }
0x6ac: {  	[tilespmem:v9+s17+$0x0] =	vst.idx.msk vm0, v4;
	v9 =	vadd.s32 $0x1D, v5  }
0x6ad: {  	[tilespmem:v10+s17+$0x0] =	vst.idx.msk vm0, v4;
	v10 =	vadd.s32 $0x1E, v5  }
0x6ae: {  	[tilespmem:v6+s17+$0x0] =	vst.idx.msk vm0, v4;
	v6 =	vadd.s32 $0x1F, v5  }
0x6af: {  	[tilespmem:v7+s17+$0x0] =	vst.idx.msk vm0, v4;
	v7 =	vadd.s32 $0x20, v5  }
0x6b0: {  	[tilespmem:v8+s17+$0x0] =	vst.idx.msk vm0, v4;
	v8 =	vadd.s32 $0x21, v5  }
0x6b1: {  	[tilespmem:v9+s17+$0x0] =	vst.idx.msk vm0, v4;
	v9 =	vadd.s32 $0x22, v5  }
0x6b2: {  	[tilespmem:v10+s17+$0x0] =	vst.idx.msk vm0, v4;
	v10 =	vadd.s32 $0x23, v5  }
0x6b3: {  	[tilespmem:v6+s17+$0x0] =	vst.idx.msk vm0, v4;
	v6 =	vadd.s32 $0x24, v5  }
0x6b4: {  	[tilespmem:v7+s17+$0x0] =	vst.idx.msk vm0, v4;
	v7 =	vadd.s32 $0x25, v5  }
0x6b5: {  	[tilespmem:v8+s17+$0x0] =	vst.idx.msk vm0, v4;
	v8 =	vadd.s32 $0x26, v5  }
0x6b6: {  	[tilespmem:v9+s17+$0x0] =	vst.idx.msk vm0, v4;
	v9 =	vadd.s32 $0x27, v5  }
0x6b7: {  	[tilespmem:v10+s17+$0x0] =	vst.idx.msk vm0, v4;
	v10 =	vadd.s32 $0x28, v5  }
0x6b8: {  	[tilespmem:v6+s17+$0x0] =	vst.idx.msk vm0, v4;
	v6 =	vadd.s32 $0x29, v5  }
0x6b9: {  	[tilespmem:v7+s17+$0x0] =	vst.idx.msk vm0, v4;
	v7 =	vadd.s32 $0x2A, v5  }
0x6ba: {  	[tilespmem:v8+s17+$0x0] =	vst.idx.msk vm0, v4;
	v8 =	vadd.s32 $0x2B, v5  }
0x6bb: {  	[tilespmem:v9+s17+$0x0] =	vst.idx.msk vm0, v4;
	v9 =	vadd.s32 $0x2C, v5  }
0x6bc: {  	[tilespmem:v10+s17+$0x0] =	vst.idx.msk vm0, v4;
	v10 =	vadd.s32 $0x2D, v5  }
0x6bd: {  	[tilespmem:v6+s17+$0x0] =	vst.idx.msk vm0, v4;
	v6 =	vadd.s32 $0x2E, v5  }
0x6be: {  	[tilespmem:v7+s17+$0x0] =	vst.idx.msk vm0, v4;
	v7 =	vadd.s32 $0x2F, v5  }
0x6bf: {  	[tilespmem:v8+s17+$0x0] =	vst.idx.msk vm0, v4;
	v8 =	vadd.s32 $0x30, v5  }
0x6c0: {  	[tilespmem:v9+s17+$0x0] =	vst.idx.msk vm0, v4;
	v9 =	vadd.s32 $0x31, v5  }
0x6c1: {  	[tilespmem:v10+s17+$0x0] =	vst.idx.msk vm0, v4;
	v10 =	vadd.s32 $0x32, v5  }
0x6c2: {  	[tilespmem:v6+s17+$0x0] =	vst.idx.msk vm0, v4;
	v6 =	vadd.s32 $0x33, v5  }
0x6c3: {  	[tilespmem:v7+s17+$0x0] =	vst.idx.msk vm0, v4;
	v7 =	vadd.s32 $0x34, v5  }
0x6c4: {  	[tilespmem:v8+s17+$0x0] =	vst.idx.msk vm0, v4;
	v8 =	vadd.s32 $0x35, v5  }
0x6c5: {  	[tilespmem:v9+s17+$0x0] =	vst.idx.msk vm0, v4;
	v9 =	vadd.s32 $0x36, v5  }
0x6c6: {  	[tilespmem:v10+s17+$0x0] =	vst.idx.msk vm0, v4;
	v10 =	vadd.s32 $0x37, v5  }
0x6c7: {  	[tilespmem:v6+s17+$0x0] =	vst.idx.msk vm0, v4;
	v6 =	vadd.s32 $0x38, v5  }
0x6c8: {  	[tilespmem:v7+s17+$0x0] =	vst.idx.msk vm0, v4;
	v7 =	vadd.s32 $0x39, v5  }
0x6c9: {  	[tilespmem:v8+s17+$0x0] =	vst.idx.msk vm0, v4;
	v8 =	vadd.s32 $0x3A, v5  }
0x6ca: {  	[tilespmem:v9+s17+$0x0] =	vst.idx.msk vm0, v4;
	v9 =	vadd.s32 $0x3B, v5  }
0x6cb: {  	[tilespmem:v10+s17+$0x0] =	vst.idx.msk vm0, v4;
	v10 =	vadd.s32 $0x3C, v5  }
0x6cc: {  	[tilespmem:v6+s17+$0x0] =	vst.idx.msk vm0, v4;
	v6 =	vadd.s32 $0x3D, v5  }
0x6cd: {  	[tilespmem:v7+s17+$0x0] =	vst.idx.msk vm0, v4;
	v7 =	vadd.s32 $0x3E, v5  }
.Ltmp40:
0x6ce: {  	v5 =	vadd.s32 $0x3F, v5;
	[tilespmem:v8+s17+$0x0] =	vst.idx.msk vm0, v4;
	(pc) =	sbr.rel @p0 .LBB2_46-.Ltmp40, $4  }
0x6cf: {  	[tilespmem:v9+s17+$0x0] =	vst.idx.msk vm0, v4  }
0x6d0: {  	[tilespmem:v10+s17+$0x0] =	vst.idx.msk vm0, v4  }
0x6d1: {  	[tilespmem:v6+s17+$0x0] =	vst.idx.msk vm0, v4  }
0x6d2: {  	[tilespmem:v7+s17+$0x0] =	vst.idx.msk vm0, v4  }
.Ltmp41:
0x6d3: {  	_ = 	snop;
	(pc) =	sbr.rel .LBB2_47-.Ltmp41, $1  }
0x6d4: {  	_ =	sdelay $0x3  }
.LBB2_51:
0x6d5: {  	_ =	sfence.sel $0x180000  }
0x6d6: {  	[bflag:$0x0] =	sbarrier.arrive $0xFFFF  }
0x6d7: {  	_ =	strace $0x90000047  }
0x6d8: {  	[bflag:$0x2] =	sbarrier.arrive $0xFFFF  }
0x6d9: {  	s1 =	sld [smem:$0x7FD];
	_ =	sdelay $0x2  }
0x6da: {  	s0 =	rddreg [dreg:$0x3];
	p0 =	seq.s32 s1, $0x1  }
0x6db: {  	s0 =	sadd.s32 @!p0 $0x100000, s0  }
0x6dc: {  	[sflag:s0] =	ssyncadd.tile.s32 @!p0 $0x1;
	_ =	shalt  }
.Lfunc_end2:
_tile_overlayer_lowered:
.L_overlay_start_2:
0x6dd: {  	(tag) =	ssettag $0x2  }
0x6de: {  	s0 =	rddreg [dreg:$0x0];
	s2 =	stileid.u32  }
0x6df: {  	s1 =	rddreg [dreg:$0x1];
	p0 =	sne.s32 s2, $0x0  }
0x6e0: {  	s3 =	rddreg [dreg:$0x2];
	[bflag:$0x3] =	sbarrier.arrive $0xFFFF;
	s2 =	simm.s32 @!p0 $0x1C04  }
0x6e1: {  	[timem:s3], [sflag:s2] =	dma.local @!p0 [hbm:s0], s1  }
0x6e2: {  	s0 =	simm.s32 @!p0 $0x4  }
0x6e3: {  	_ =	swait.ge @!p0 [sflag:s0], s1  }
0x6e4: {  	s1 =	ssub.s32 @!p0 $0x0, s1;
	[sflag:s0] =	ssyncset.done @!p0 $0x0  }
0x6e5: {  	[sflag:s0] =	ssyncadd.s32 @!p0 s1  }
0x6e6: {  	[bflag:$0x3] =	sbarrier.arrive $0xFFFF  }
0x6e7: {  	_ =	shalt  }

</sc_bundles>
